<compile_context>
chip_gen: v7x
topology: tpu7x:2x2x1
jax: 0.10.2.dev20260603
libtpu: 0.0.44.dev20260713+nightly
codegen_flags: <defaults>
</compile_context>

<pallas_src>
import jax
import jax.numpy as jnp
from jax import lax
from jax.experimental import pallas as pl
from jax.experimental.pallas import tpu as pltpu
from jax.experimental.pallas import tpu_sc as plsc

N = 10000
E = 160000
C = 32
RC = 5.0
PCUT = 6
AVG_NEI = 16.0

NP = 10240
EP = 160768
EPR = EP // 128
NCORE = 2
NSUB = 16
NW = NCORE * NSUB
ROW = 128
GR = 72
B = 128
NBTOT = E // B
NROWS_T = NP // NSUB


TE1 = E // NW


def _k1_body(pos_hbm, src_hbm, dst_hbm, ev_hbm, pos_v, src_v, dst_v,
             ex_v, ey_v, ez_v):
    c = lax.axis_index("c")
    s = lax.axis_index("s")
    w = c * NSUB + s
    base = w * TE1
    pltpu.sync_copy(pos_hbm, pos_v)
    pltpu.sync_copy(src_hbm.at[pl.ds(base, TE1)], src_v)
    pltpu.sync_copy(dst_hbm.at[pl.ds(base, TE1)], dst_v)

    ngroups = (TE1 + 15) // 16

    def body(g, _):
        off = jnp.minimum(g * 16, TE1 - 16)
        si = src_v[pl.ds(off, 16)] * 3
        di = dst_v[pl.ds(off, 16)] * 3
        sx = plsc.load_gather(pos_v, [si])
        sy = plsc.load_gather(pos_v, [si + 1])
        sz = plsc.load_gather(pos_v, [si + 2])
        dx = plsc.load_gather(pos_v, [di])
        dy = plsc.load_gather(pos_v, [di + 1])
        dz = plsc.load_gather(pos_v, [di + 2])
        ex_v[pl.ds(off, 16)] = dx - sx
        ey_v[pl.ds(off, 16)] = dy - sy
        ez_v[pl.ds(off, 16)] = dz - sz
        return _

    lax.fori_loop(0, ngroups, body, None)
    pltpu.sync_copy(ex_v, ev_hbm.at[pl.ds(0 * EP + base, TE1)])
    pltpu.sync_copy(ey_v, ev_hbm.at[pl.ds(1 * EP + base, TE1)])
    pltpu.sync_copy(ez_v, ev_hbm.at[pl.ds(2 * EP + base, TE1)])


def _k1(positions, src, dst):
    mesh = plsc.VectorSubcoreMesh(core_axis_name="c", subcore_axis_name="s")
    f = pl.kernel(
        _k1_body,
        out_type=jax.ShapeDtypeStruct((3 * EP,), jnp.float32),
        mesh=mesh,
        compiler_params=pltpu.CompilerParams(needs_layout_passes=False),
        scratch_types=[
            pltpu.VMEM((N * 3,), jnp.float32),
            pltpu.VMEM((TE1,), jnp.int32),
            pltpu.VMEM((TE1,), jnp.int32),
            pltpu.VMEM((TE1,), jnp.float32),
            pltpu.VMEM((TE1,), jnp.float32),
            pltpu.VMEM((TE1,), jnp.float32),
        ],
    )
    return f(positions, src, dst)


def _ka_body(ev_ref, fr_ref, w1_ref, w2_ref, g_ref):
    ev = ev_ref[...]
    ex, ey, ez = ev[0], ev[1], ev[2]
    rr = ex * ex + ey * ey + ez * ez
    r = jnp.sqrt(rr)
    rs = jnp.maximum(r, 1e-9)
    rinv = 1.0 / rs
    u = jnp.clip(r * (1.0 / RC), 0.0, 1.0)
    p = float(PCUT)
    u2 = u * u
    u3 = u2 * u
    u6 = u3 * u3
    u7 = u6 * u
    u8 = u7 * u
    cut = (1.0 - ((p + 1.0) * (p + 2.0) / 2.0) * u6
           + p * (p + 2.0) * u7
           - (p * (p + 1.0) / 2.0) * u8)
    scale = jnp.sqrt(2.0 / RC) * rinv * cut
    embs = []
    for j in range(8):
        fj = fr_ref[0, j]
        embs.append(jnp.sin(fj * rs) * scale)
    emb = jnp.stack(embs).reshape(8, 1024)

    s3 = jnp.sqrt(3.0)
    ye = jnp.stack([s3 * ex * rinv, s3 * ey * rinv, s3 * ez * rinv]
                   ).reshape(3, 1024)
    pad = jnp.zeros((5, 1024), jnp.float32)

    for l in range(2):
        w1 = w1_ref[l]
        h1 = lax.dot_general(w1, emb, (((0,), (0,)), ((), ())),
                             precision=lax.Precision.HIGHEST)
        sact = h1 * jax.nn.sigmoid(h1)
        w2 = w2_ref[l]
        h2 = lax.dot_general(w2, sact, (((0,), (0,)), ((), ())),
                             precision=lax.Precision.HIGHEST)
        g_ref[l] = jnp.concatenate([h2, ye, pad], axis=0)


def _ka(evec3, freqs, W_r1, W_r2):
    grid = (EP // 1024,)
    return pl.pallas_call(
        _ka_body,
        grid=grid,
        in_specs=[
            pl.BlockSpec((3, 8, 128), lambda i: (0, i, 0)),
            pl.BlockSpec((1, 8), lambda i: (0, 0)),
            pl.BlockSpec((2, 8, 16), lambda i: (0, 0, 0)),
            pl.BlockSpec((2, 16, 64), lambda i: (0, 0, 0)),
        ],
        out_specs=pl.BlockSpec((2, GR, 1024), lambda i: (0, 0, i)),
        out_shape=jax.ShapeDtypeStruct((2, GR, EP), jnp.float32),
    )(evec3, freqs, W_r1, W_r2)


def _kb_body(v_ref, m_ref, f_ref):
    v = v_ref[...]
    vn = jnp.sqrt(jnp.sum(v * v, axis=1, keepdims=True))
    u = v * (jnp.sqrt(3.0) / jnp.maximum(vn, 1e-9))
    f_ref[...] = jnp.dot(u, m_ref[...], precision=lax.Precision.HIGHEST)


def _kb(velp, m3):
    grid = (NP // 1024,)
    return pl.pallas_call(
        _kb_body,
        grid=grid,
        in_specs=[
            pl.BlockSpec((1024, 3), lambda i: (i, 0)),
            pl.BlockSpec((3, 128), lambda i: (0, 0)),
        ],
        out_specs=pl.BlockSpec((1024, 128), lambda i: (i, 0)),
        out_shape=jax.ShapeDtypeStruct((NP, 128), jnp.float32),
    )(velp, m3)


NBM = NBTOT // NW
NTAIL = NBTOT - NBM * NW


def _ksc_body(feat_hbm, src_hbm, dst_hbm, g_hbm, agg_hbm,
              sidx0_v, sidx1_v, didx0_v, didx1_v, g_v, rows0_v, rows1_v,
              zbuf_v, agg_sh, rsem0, rsem1, ssem0, ssem1):
    c = lax.axis_index("c")
    t = lax.axis_index("s")
    w = c * NSUB + t

    zv = jnp.zeros((16,), jnp.float32)
    for i in range(16):
        for j in range(8):
            zbuf_v[i, pl.ds(j * 16, 16)] = zv

    def zbody(j, _):
        pltpu.sync_copy(zbuf_v, agg_sh.at[pl.ds(t * NROWS_T + j * 16, 16)])
        return _

    lax.fori_loop(0, NROWS_T // 16, zbody, None)
    plsc.subcore_barrier()

    ib = lax.iota(jnp.int32, 16)
    sx = (sidx0_v, sidx1_v)
    dx = (didx0_v, didx1_v)
    rw = (rows0_v, rows1_v)
    rs = (rsem0, rsem1)
    ss = (ssem0, ssem1)

    def ebase(k):
        return (w * NBM + k) * B

    def issue_gather(k, p):
        pltpu.sync_copy(src_hbm.at[pl.ds(ebase(k), B)], sx[p])
        pltpu.async_copy(feat_hbm.at[sx[p]], rw[p], rs[p])

    def wait_gather(p):
        pltpu.make_async_copy(feat_hbm.at[sx[p]], rw[p], rs[p]).wait()

    def issue_scatter(p):
        pltpu.async_copy(rw[p], agg_sh.at[dx[p]], ss[p], add=True)

    def wait_scatter(p):
        pltpu.make_async_copy(rw[p], agg_sh.at[dx[p]], ss[p]).wait()

    def compute(p):
        rows_v = rw[p]

        def edge(e, _):
            ev16 = jnp.full((16,), e, jnp.int32)
            g1a = plsc.load_gather(g_v, [ib, ev16])
            g1b = plsc.load_gather(g_v, [ib + 16, ev16])
            g2a = plsc.load_gather(g_v, [ib + 32, ev16])
            g2b = plsc.load_gather(g_v, [ib + 48, ev16])
            yev = plsc.load_gather(g_v, [ib + 64, ev16])
            for m in range(3):
                fa = rows_v[e, pl.ds(m * 32, 16)]
                fb = rows_v[e, pl.ds(m * 32 + 16, 16)]
                rows_v[e, pl.ds(m * 32, 16)] = fa * g1a + yev[m] * g2a
                rows_v[e, pl.ds(m * 32 + 16, 16)] = fb * g1b + yev[m] * g2b
            return _

        lax.fori_loop(0, B, edge, None)

    def body(k, p):
        k = jnp.int32(k)
        q = 1 - p
        pltpu.sync_copy(dst_hbm.at[pl.ds(ebase(k), B)], dx[p])
        pltpu.sync_copy(g_hbm.at[:, pl.ds(ebase(k), B)], g_v)
        wait_gather(p)

        @pl.when(k >= 1)
        def _drain():
            wait_scatter(q)

        @pl.when(k + 1 < NBM)
        def _pre():
            issue_gather(k + 1, q)

        compute(p)
        issue_scatter(p)

    issue_gather(0, 0)

    def pairs(i, _):
        body(2 * i, 0)
        body(2 * i + 1, 1)
        return _

    lax.fori_loop(0, NBM // 2, pairs, None)
    body(NBM - 1, (NBM - 1) % 2)
    wait_scatter((NBM - 1) % 2)

    @pl.when(w < NTAIL)
    def _tail():
        bt = (NBM * NW + w) * B
        pltpu.sync_copy(src_hbm.at[pl.ds(bt, B)], sidx0_v)
        pltpu.sync_copy(dst_hbm.at[pl.ds(bt, B)], didx0_v)
        pltpu.sync_copy(g_hbm.at[:, pl.ds(bt, B)], g_v)
        pltpu.async_copy(feat_hbm.at[sidx0_v], rows0_v, rsem0).wait()
        compute(0)
        pltpu.sync_copy(rows0_v, agg_sh.at[didx0_v], add=True)

    plsc.subcore_barrier()
    pltpu.sync_copy(agg_sh.at[pl.ds(t * NROWS_T, NROWS_T)],
                    agg_hbm.at[pl.ds(c * NP + t * NROWS_T, NROWS_T)])


def _ksc(feat, src, dst, gates):
    mesh = plsc.VectorSubcoreMesh(core_axis_name="c", subcore_axis_name="s")
    f = pl.kernel(
        _ksc_body,
        out_type=jax.ShapeDtypeStruct((2 * NP, ROW), jnp.float32),
        mesh=mesh,
        compiler_params=pltpu.CompilerParams(needs_layout_passes=False),
        scratch_types=[
            pltpu.VMEM((B,), jnp.int32),
            pltpu.VMEM((B,), jnp.int32),
            pltpu.VMEM((B,), jnp.int32),
            pltpu.VMEM((B,), jnp.int32),
            pltpu.VMEM((GR, B), jnp.float32),
            pltpu.VMEM((B, ROW), jnp.float32),
            pltpu.VMEM((B, ROW), jnp.float32),
            pltpu.VMEM((16, ROW), jnp.float32),
            pltpu.VMEM_SHARED((NP, ROW), jnp.float32),
            pltpu.SemaphoreType.DMA,
            pltpu.SemaphoreType.DMA,
            pltpu.SemaphoreType.DMA,
            pltpu.SemaphoreType.DMA,
        ],
    )
    return f(feat, src, dst, gates)


def _kc_body(f_ref, a_ref, w_ref, o_ref):
    a = a_ref[...]
    f = f_ref[...] + (a[0] + a[1]) * (1.0 / AVG_NEI)
    w = w_ref[...]
    ys = [jnp.dot(f[:, m * 32:(m + 1) * 32], w,
                  precision=lax.Precision.HIGHEST) for m in range(3)]
    ys.append(jnp.zeros((1024, 32), jnp.float32))
    o_ref[...] = jnp.concatenate(ys, axis=1)


def _kc(feat, agg, wmix):
    grid = (NP // 1024,)
    return pl.pallas_call(
        _kc_body,
        grid=grid,
        in_specs=[
            pl.BlockSpec((1024, 128), lambda i: (i, 0)),
            pl.BlockSpec((2, 1024, 128), lambda i: (0, i, 0)),
            pl.BlockSpec((32, 32), lambda i: (0, 0)),
        ],
        out_specs=pl.BlockSpec((1024, 128), lambda i: (i, 0)),
        out_shape=jax.ShapeDtypeStruct((NP, 128), jnp.float32),
    )(feat, agg, wmix)


def _kd_body(f_ref, a_ref, w_ref, wo_ref, o_ref):
    a = a_ref[...]
    f = f_ref[...] + (a[0] + a[1]) * (1.0 / AVG_NEI)
    w = w_ref[...]
    wo = wo_ref[...]
    os = [jnp.dot(jnp.dot(f[:, m * 32:(m + 1) * 32], w,
                          precision=lax.Precision.HIGHEST),
                  wo, precision=lax.Precision.HIGHEST) for m in range(3)]
    cols = [os[0][:, 0:1], os[1][:, 0:1], os[2][:, 0:1],
            os[0][:, 1:2], os[1][:, 1:2], os[2][:, 1:2],
            jnp.zeros((1024, 2), jnp.float32)]
    o_ref[...] = jnp.concatenate(cols, axis=1)


def _kd(feat, agg, wmix, wout):
    grid = (NP // 1024,)
    return pl.pallas_call(
        _kd_body,
        grid=grid,
        in_specs=[
            pl.BlockSpec((1024, 128), lambda i: (i, 0)),
            pl.BlockSpec((2, 1024, 128), lambda i: (0, i, 0)),
            pl.BlockSpec((32, 32), lambda i: (0, 0)),
            pl.BlockSpec((32, 2), lambda i: (0, 0)),
        ],
        out_specs=pl.BlockSpec((1024, 8), lambda i: (i, 0)),
        out_shape=jax.ShapeDtypeStruct((NP, 8), jnp.float32),
    )(feat, agg, wmix, wout)


def kernel(positions, velocities, edge_index, atom_types, bessel_freqs,
           W_elem, W_init, w_l1, w_l2, W_r1, W_r2, W_mix, W_out):
    src = edge_index[0].astype(jnp.int32)
    dst = edge_index[1].astype(jnp.int32)

    evec_flat = _k1(positions.reshape(-1), src, dst)
    evec3 = evec_flat.reshape(3, EPR, 128)

    freqs = bessel_freqs.reshape(1, 8)
    gates = _ka(evec3, freqs, W_r1, W_r2)

    velp = jnp.pad(velocities, ((0, NP - N), (0, 0)))
    m3 = jnp.zeros((3, 128), jnp.float32)
    for m in range(3):
        m3 = m3.at[m, m * 32:(m + 1) * 32].set(w_l1)
    feat0 = _kb(velp, m3)

    agg1 = _ksc(feat0, src, dst, gates[0])
    feat1 = _kc(feat0, agg1.reshape(2, NP, ROW), W_mix[0, 1])
    agg2 = _ksc(feat1, src, dst, gates[1])
    out = _kd(feat1, agg2.reshape(2, NP, ROW), W_mix[1, 1], W_out)
    return out[:N, :6]

# --- scband reference (transcript-rebuilt; emitter-appended) ---
"""Pipeline reference for scband-efficient-traj-cast-model-34299608825878 (READ-ONLY COPY).

The authoritative reference and input builder live on the scoring server;
editing this copy changes nothing except your own understanding.
"""

import jax, jax.numpy as jnp
import numpy as np

N = 10000
E = 160000
C = 32
NRBF = 8
NVRBF = 8
NSPEC = 10
RC = 5.0
VMAX = 4.0
PCUT = 6
NLAYERS = 2
AVG_NEI = 16.0


def sph(v):
    n = jnp.linalg.norm(v, axis=-1, keepdims=True)
    u = v / jnp.maximum(n, 1e-9)
    x, y, z = u[..., 0], u[..., 1], u[..., 2]
    y0 = jnp.ones_like(x)
    s3 = jnp.sqrt(3.0)
    s15 = jnp.sqrt(15.0)
    s5 = jnp.sqrt(5.0)
    return jnp.stack([
        y0,
        s3 * x, s3 * y, s3 * z,
        s15 * x * y, s15 * y * z, (s5 / 2.0) * (3.0 * z * z - 1.0),
        s15 * x * z, (s15 / 2.0) * (x * x - y * y)
    ], axis=-1)


def poly_cutoff(u, p=PCUT):
    u = jnp.clip(u, 0.0, 1.0)
    return (1.0 - ((p + 1.0) * (p + 2.0) / 2.0) * u ** p
            + p * (p + 2.0) * u ** (p + 1)
            - (p * (p + 1.0) / 2.0) * u ** (p + 2))


def setup_inputs(seed: int = 0) -> dict:
    key = jax.random.key(seed)
    ks = [jax.random.fold_in(key, i) for i in range(16)]
    positions = jax.random.normal(ks[0], (N, 3), dtype=jnp.float32)
    velocities = jax.random.normal(ks[1], (N, 3), dtype=jnp.float32)
    edge_index = jax.random.randint(ks[2], (2, E), 0, N, dtype=jnp.int64 if jax.config.jax_enable_x64 else jnp.int32)
    atom_types = jax.random.randint(ks[3], (N,), 0, NSPEC, dtype=jnp.int64 if jax.config.jax_enable_x64 else jnp.int32)
    bessel_freqs = (jnp.arange(1, NRBF + 1, dtype=jnp.float32) * jnp.pi / RC)
    W_elem = jax.random.normal(ks[4], (NSPEC, NVRBF), dtype=jnp.float32) * 0.1
    W_init = jax.random.normal(ks[5], (NSPEC + NVRBF, C), dtype=jnp.float32) * 0.1
    w_l1 = jax.random.normal(ks[6], (C,), dtype=jnp.float32) * 0.1
    w_l2 = jax.random.normal(ks[7], (C,), dtype=jnp.float32) * 0.1
    W_r1 = jax.random.normal(ks[8], (NLAYERS, NRBF, 16), dtype=jnp.float32) * 0.1
    W_r2 = jax.random.normal(ks[9], (NLAYERS, 16, 2 * C), dtype=jnp.float32) * 0.1
    W_mix = jax.random.normal(ks[10], (NLAYERS, 3, C, C), dtype=jnp.float32) * (0.1 / np.sqrt(C))
    W_out = jax.random.normal(ks[11], (C, 2), dtype=jnp.float32) * 0.1
    return {
        'positions': positions, 'velocities': velocities,
        'edge_index': edge_index, 'atom_types': atom_types,
        'bessel_freqs': bessel_freqs, 'W_elem': W_elem, 'W_init': W_init,
        'w_l1': w_l1, 'w_l2': w_l2, 'W_r1': W_r1, 'W_r2': W_r2,
        'W_mix': W_mix, 'W_out': W_out
    }


def reference(positions, velocities, edge_index, atom_types, bessel_freqs,
              W_elem, W_init, w_l1, w_l2, W_r1, W_r2, W_mix, W_out):
    src = edge_index[0]
    dst = edge_index[1]
    # compute_edge_vectors
    evec = positions[dst] - positions[src]
    r = jnp.linalg.norm(evec, axis=-1)
    rs = jnp.maximum(r, 1e-9)
    # EdgeLengthEncoding: trainable Bessel basis * polynomial cutoff
    bessel = jnp.sqrt(2.0 / RC) * jnp.sin(bessel_freqs[None, :] * rs[:, None]) / rs[:, None]
    edge_emb = bessel * poly_cutoff(r / RC)[:, None]
    # OneHotAtomTypeEncoding
    onehot = jax.nn.one_hot(atom_types, NSPEC, dtype=jnp.float32)
    # ElementBasedNormEncoding of velocities (fixed gaussian basis)
    vnorm = jnp.linalg.norm(velocities, axis=-1)
    centers = jnp.linspace(0.0, VMAX, NVRBF)
    width = VMAX / NVRBF
    gauss = jnp.exp(-0.5 * ((vnorm[:, None] - centers[None, :]) / width) ** 2)
    vel_emb = gauss * (onehot @ W_elem)
    # SphericalHarmonicProjection lmax=2, unit sphere, component normalization
    Yv = sph(velocities)
    Ye = sph(evec)
    # node features = concat(atom embedding, vel norm embedding, SH(vel)[:,1:]) -> linear mixer into hidden irreps
    inv = jnp.concatenate([onehot, vel_emb], axis=1)
    feat = jnp.zeros((positions.shape[0], C, 9), dtype=jnp.float32)
    feat = feat.at[:, :, 0].set(inv @ W_init)
    feat = feat.at[:, :, 1:4].set(Yv[:, None, 1:4] * w_l1[None, :, None])
    feat = feat.at[:, :, 4:9].set(Yv[:, None, 4:9] * w_l2[None, :, None])
    # residual conditioned message passing layers
    for l in range(NLAYERS):
        h = jax.nn.silu(edge_emb @ W_r1[l]) @ W_r2[l]
        R1 = h[:, :C]
        R2 = h[:, C:]
        msg = R1[:, :, None] * feat[src] + R2[:, :, None] * Ye[:, None, :]
        agg = jax.ops.segment_sum(msg, dst, num_segments=positions.shape[0]) / AVG_NEI
        feat = feat + agg
        feat = jnp.concatenate([
            jnp.einsum('ncm,cd->ndm', feat[:, :, 0:1], W_mix[l, 0]),
            jnp.einsum('ncm,cd->ndm', feat[:, :, 1:4], W_mix[l, 1]),
            jnp.einsum('ncm,cd->ndm', feat[:, :, 4:9], W_mix[l, 2])
        ], axis=2)
    # readout: two 1o vectors (displacements, velocity updates), denormalize with rms=1, mean=0
    out_vec = jnp.einsum('ncm,ck->nkm', feat[:, :, 1:4], W_out)
    disp = out_vec[:, 0, :] * 1.0 + 0.0
    dvel = out_vec[:, 1, :] * 1.0 + 0.0
    return jnp.concatenate([disp, dvel], axis=1)

if __name__ == "__main__":
    import jax
    _d = setup_inputs()
    print(jax.jit(kernel)(*tuple(_d.values())))

</pallas_src>

<mosaic_0001>
#map = affine_map<(d0, d1) -> (0)>
module attributes {stable_mosaic.version = 14 : i64} {
  func.func @_k1_body(%arg0: i32, %arg1: i32, %arg2: memref<30000xf32, #tpu.memory_space<hbm>>, %arg3: memref<160000xi32, #tpu.memory_space<hbm>>, %arg4: memref<160000xi32, #tpu.memory_space<hbm>>, %arg5: memref<482304xf32, #tpu.memory_space<hbm>>, %arg6: memref<30000xf32, #tpu.memory_space<vmem>>, %arg7: memref<5000xi32, #tpu.memory_space<vmem>>, %arg8: memref<5000xi32, #tpu.memory_space<vmem>>, %arg9: memref<5000xf32, #tpu.memory_space<vmem>>, %arg10: memref<5000xf32, #tpu.memory_space<vmem>>, %arg11: memref<5000xf32, #tpu.memory_space<vmem>>) attributes {dimension_semantics = [#tpu.dimension_semantics<core_parallel>, #tpu.dimension_semantics<subcore_parallel>], iteration_bounds = array<i64: 2, 16>, scalar_prefetch = 0 : i64, scratch_operands = 6 : i64, tpu.core_type = #tpu.core_type<sc_vector_subcore>, window_params = [{transform_indices = #map}, {transform_indices = #map}, {transform_indices = #map}, {transform_indices = #map}]} {
    %mul3A = arith.constant 16 : i32
    %mul3A_0 = arith.muli %arg0, %mul3A : i32
    %add3A = arith.addi %mul3A_0, %arg1 : i32
    %mul3A_1 = arith.constant 5000 : i32
    %mul3A_2 = arith.muli %add3A, %mul3A_1 : i32
    "tpu.region"() ({
      %run_scoped3A = tpu.sem_alloc : memref<!tpu.dma_semaphore, #tpu.memory_space<semaphore_mem>>
      tpu.enqueue_dma source(%arg2 : memref<30000xf32, #tpu.memory_space<hbm>>) target(%arg6 : memref<30000xf32, #tpu.memory_space<vmem>>) target_semaphore(%run_scoped3A : memref<!tpu.dma_semaphore, #tpu.memory_space<semaphore_mem>>)
      tpu.wait_dma2 semaphore(%run_scoped3A : memref<!tpu.dma_semaphore, #tpu.memory_space<semaphore_mem>>) src(%arg2 : memref<30000xf32, #tpu.memory_space<hbm>>) dst(%arg6 : memref<30000xf32, #tpu.memory_space<vmem>>)
      tpu.yield
    }) : () -> ()
    "tpu.region"() ({
      %run_scoped3A = tpu.sem_alloc : memref<!tpu.dma_semaphore, #tpu.memory_space<semaphore_mem>>
      %dma_start3A = tpu.memref_slice %arg3[%mul3A_2] : memref<160000xi32, #tpu.memory_space<hbm>> -> memref<5000xi32, #tpu.memory_space<hbm>>
      %dma_start3A_13 = tpu.memref_slice %arg3[%mul3A_2] : memref<160000xi32, #tpu.memory_space<hbm>> -> memref<5000xi32, #tpu.memory_space<hbm>>
      tpu.enqueue_dma source(%dma_start3A_13 : memref<5000xi32, #tpu.memory_space<hbm>>) target(%arg7 : memref<5000xi32, #tpu.memory_space<vmem>>) target_semaphore(%run_scoped3A : memref<!tpu.dma_semaphore, #tpu.memory_space<semaphore_mem>>)
      %dma_wait3A = tpu.memref_slice %arg3[%mul3A_2] : memref<160000xi32, #tpu.memory_space<hbm>> -> memref<5000xi32, #tpu.memory_space<hbm>>
      %dma_wait3A_14 = tpu.memref_slice %arg3[%mul3A_2] : memref<160000xi32, #tpu.memory_space<hbm>> -> memref<5000xi32, #tpu.memory_space<hbm>>
      tpu.wait_dma2 semaphore(%run_scoped3A : memref<!tpu.dma_semaphore, #tpu.memory_space<semaphore_mem>>) src(%dma_wait3A_14 : memref<5000xi32, #tpu.memory_space<hbm>>) dst(%arg7 : memref<5000xi32, #tpu.memory_space<vmem>>)
      tpu.yield
    }) : () -> ()
    "tpu.region"() ({
      %run_scoped3A = tpu.sem_alloc : memref<!tpu.dma_semaphore, #tpu.memory_space<semaphore_mem>>
      %dma_start3A = tpu.memref_slice %arg4[%mul3A_2] : memref<160000xi32, #tpu.memory_space<hbm>> -> memref<5000xi32, #tpu.memory_space<hbm>>
      %dma_start3A_13 = tpu.memref_slice %arg4[%mul3A_2] : memref<160000xi32, #tpu.memory_space<hbm>> -> memref<5000xi32, #tpu.memory_space<hbm>>
      tpu.enqueue_dma source(%dma_start3A_13 : memref<5000xi32, #tpu.memory_space<hbm>>) target(%arg8 : memref<5000xi32, #tpu.memory_space<vmem>>) target_semaphore(%run_scoped3A : memref<!tpu.dma_semaphore, #tpu.memory_space<semaphore_mem>>)
      %dma_wait3A = tpu.memref_slice %arg4[%mul3A_2] : memref<160000xi32, #tpu.memory_space<hbm>> -> memref<5000xi32, #tpu.memory_space<hbm>>
      %dma_wait3A_14 = tpu.memref_slice %arg4[%mul3A_2] : memref<160000xi32, #tpu.memory_space<hbm>> -> memref<5000xi32, #tpu.memory_space<hbm>>
      tpu.wait_dma2 semaphore(%run_scoped3A : memref<!tpu.dma_semaphore, #tpu.memory_space<semaphore_mem>>) src(%dma_wait3A_14 : memref<5000xi32, #tpu.memory_space<hbm>>) dst(%arg8 : memref<5000xi32, #tpu.memory_space<vmem>>)
      tpu.yield
    }) : () -> ()
    %scan3A = arith.constant 0 : i32
    %scan3A_3 = arith.constant 313 : i32
    %scan3A_4 = arith.addi %scan3A, %scan3A_3 : i32
    %scan3A_5 = arith.constant 1 : i32
    scf.for %scan3A_13 = %scan3A to %scan3A_4 step %scan3A_5  : i32 {
      %mul3A_14 = arith.constant 16 : i32
      %mul3A_15 = arith.muli %scan3A_13, %mul3A_14 : i32
      %min3A = arith.constant 4984 : i32
      %min3A_16 = arith.minsi %mul3A_15, %min3A : i32
      %get3A = arith.index_cast %min3A_16 : i32 to index
      %get3A_17 = tpu.vector_load %arg7[%get3A] {strides = array<i32>} : memref<5000xi32, #tpu.memory_space<vmem>>, vector<16xi32>,
      %mul3A_18 = arith.constant 3 : i32
      %mul3A_19 = vector.broadcast %mul3A_18 : i32 to vector<16xi32>
      %mul3A_20 = arith.muli %get3A_17, %mul3A_19 : vector<16xi32>
      %get3A_21 = arith.index_cast %min3A_16 : i32 to index
      %get3A_22 = tpu.vector_load %arg8[%get3A_21] {strides = array<i32>} : memref<5000xi32, #tpu.memory_space<vmem>>, vector<16xi32>,
      %mul3A_23 = arith.constant 3 : i32
      %mul3A_24 = vector.broadcast %mul3A_23 : i32 to vector<16xi32>
      %mul3A_25 = arith.muli %get3A_22, %mul3A_24 : vector<16xi32>
      %gather3A = tpu.vector_load_idx %arg6[%mul3A_20] : memref<30000xf32, #tpu.memory_space<vmem>>[vector<16xi32>], vector<16xf32>,
      %add3A_26 = arith.constant 1 : i32
      %add3A_27 = vector.broadcast %add3A_26 : i32 to vector<16xi32>
      %add3A_28 = arith.addi %mul3A_20, %add3A_27 : vector<16xi32>
      %gather3A_29 = tpu.vector_load_idx %arg6[%add3A_28] : memref<30000xf32, #tpu.memory_space<vmem>>[vector<16xi32>], vector<16xf32>,
      %add3A_30 = arith.constant 2 : i32
      %add3A_31 = vector.broadcast %add3A_30 : i32 to vector<16xi32>
      %add3A_32 = arith.addi %mul3A_20, %add3A_31 : vector<16xi32>
      %gather3A_33 = tpu.vector_load_idx %arg6[%add3A_32] : memref<30000xf32, #tpu.memory_space<vmem>>[vector<16xi32>], vector<16xf32>,
      %gather3A_34 = tpu.vector_load_idx %arg6[%mul3A_25] : memref<30000xf32, #tpu.memory_space<vmem>>[vector<16xi32>], vector<16xf32>,
      %add3A_35 = arith.constant 1 : i32
      %add3A_36 = vector.broadcast %add3A_35 : i32 to vector<16xi32>
      %add3A_37 = arith.addi %mul3A_25, %add3A_36 : vector<16xi32>
      %gather3A_38 = tpu.vector_load_idx %arg6[%add3A_37] : memref<30000xf32, #tpu.memory_space<vmem>>[vector<16xi32>], vector<16xf32>,
      %add3A_39 = arith.constant 2 : i32
      %add3A_40 = vector.broadcast %add3A_39 : i32 to vector<16xi32>
      %add3A_41 = arith.addi %mul3A_25, %add3A_40 : vector<16xi32>
      %gather3A_42 = tpu.vector_load_idx %arg6[%add3A_41] : memref<30000xf32, #tpu.memory_space<vmem>>[vector<16xi32>], vector<16xf32>,
      %sub3A = arith.subf %gather3A_34, %gather3A : vector<16xf32>
      %swap3A = arith.index_cast %min3A_16 : i32 to index
      %swap3A_43 = tpu.vector_load %arg9[%swap3A] {strides = array<i32>} : memref<5000xf32, #tpu.memory_space<vmem>>, vector<16xf32>,
      tpu.vector_store %arg9[%swap3A], %sub3A {strides = array<i32>} : memref<5000xf32, #tpu.memory_space<vmem>>, vector<16xf32>,
      %sub3A_44 = arith.subf %gather3A_38, %gather3A_29 : vector<16xf32>
      %swap3A_45 = arith.index_cast %min3A_16 : i32 to index
      %swap3A_46 = tpu.vector_load %arg10[%swap3A_45] {strides = array<i32>} : memref<5000xf32, #tpu.memory_space<vmem>>, vector<16xf32>,
      tpu.vector_store %arg10[%swap3A_45], %sub3A_44 {strides = array<i32>} : memref<5000xf32, #tpu.memory_space<vmem>>, vector<16xf32>,
      %sub3A_47 = arith.subf %gather3A_42, %gather3A_33 : vector<16xf32>
      %swap3A_48 = arith.index_cast %min3A_16 : i32 to index
      %swap3A_49 = tpu.vector_load %arg11[%swap3A_48] {strides = array<i32>} : memref<5000xf32, #tpu.memory_space<vmem>>, vector<16xf32>,
      tpu.vector_store %arg11[%swap3A_48], %sub3A_47 {strides = array<i32>} : memref<5000xf32, #tpu.memory_space<vmem>>, vector<16xf32>,
    }
    %scan3A_6 = arith.constant 313 : i32
    %add3A_7 = arith.constant 0 : i32
    %add3A_8 = arith.addi %add3A_7, %mul3A_2 : i32
    "tpu.region"() ({
      %run_scoped3A = tpu.sem_alloc : memref<!tpu.dma_semaphore, #tpu.memory_space<semaphore_mem>>
      %dma_start3A = tpu.memref_slice %arg5[%add3A_8] : memref<482304xf32, #tpu.memory_space<hbm>> -> memref<5000xf32, #tpu.memory_space<hbm>>
      %dma_start3A_13 = tpu.memref_slice %arg5[%add3A_8] : memref<482304xf32, #tpu.memory_space<hbm>> -> memref<5000xf32, #tpu.memory_space<hbm>>
      tpu.enqueue_dma source(%arg9 : memref<5000xf32, #tpu.memory_space<vmem>>) target(%dma_start3A_13 : memref<5000xf32, #tpu.memory_space<hbm>>) target_semaphore(%run_scoped3A : memref<!tpu.dma_semaphore, #tpu.memory_space<semaphore_mem>>)
      %dma_wait3A = tpu.memref_slice %arg5[%add3A_8] : memref<482304xf32, #tpu.memory_space<hbm>> -> memref<5000xf32, #tpu.memory_space<hbm>>
      %dma_wait3A_14 = tpu.memref_slice %arg5[%add3A_8] : memref<482304xf32, #tpu.memory_space<hbm>> -> memref<5000xf32, #tpu.memory_space<hbm>>
      tpu.wait_dma2 semaphore(%run_scoped3A : memref<!tpu.dma_semaphore, #tpu.memory_space<semaphore_mem>>) src(%arg9 : memref<5000xf32, #tpu.memory_space<vmem>>) dst(%dma_wait3A_14 : memref<5000xf32, #tpu.memory_space<hbm>>)
      tpu.yield
    }) : () -> ()
    %add3A_9 = arith.constant 160768 : i32
    %add3A_10 = arith.addi %add3A_9, %mul3A_2 : i32
    "tpu.region"() ({
      %run_scoped3A = tpu.sem_alloc : memref<!tpu.dma_semaphore, #tpu.memory_space<semaphore_mem>>
      %dma_start3A = tpu.memref_slice %arg5[%add3A_10] : memref<482304xf32, #tpu.memory_space<hbm>> -> memref<5000xf32, #tpu.memory_space<hbm>>
      %dma_start3A_13 = tpu.memref_slice %arg5[%add3A_10] : memref<482304xf32, #tpu.memory_space<hbm>> -> memref<5000xf32, #tpu.memory_space<hbm>>
      tpu.enqueue_dma source(%arg10 : memref<5000xf32, #tpu.memory_space<vmem>>) target(%dma_start3A_13 : memref<5000xf32, #tpu.memory_space<hbm>>) target_semaphore(%run_scoped3A : memref<!tpu.dma_semaphore, #tpu.memory_space<semaphore_mem>>)
      %dma_wait3A = tpu.memref_slice %arg5[%add3A_10] : memref<482304xf32, #tpu.memory_space<hbm>> -> memref<5000xf32, #tpu.memory_space<hbm>>
      %dma_wait3A_14 = tpu.memref_slice %arg5[%add3A_10] : memref<482304xf32, #tpu.memory_space<hbm>> -> memref<5000xf32, #tpu.memory_space<hbm>>
      tpu.wait_dma2 semaphore(%run_scoped3A : memref<!tpu.dma_semaphore, #tpu.memory_space<semaphore_mem>>) src(%arg10 : memref<5000xf32, #tpu.memory_space<vmem>>) dst(%dma_wait3A_14 : memref<5000xf32, #tpu.memory_space<hbm>>)
      tpu.yield
    }) : () -> ()
    %add3A_11 = arith.constant 321536 : i32
    %add3A_12 = arith.addi %add3A_11, %mul3A_2 : i32
    "tpu.region"() ({
      %run_scoped3A = tpu.sem_alloc : memref<!tpu.dma_semaphore, #tpu.memory_space<semaphore_mem>>
      %dma_start3A = tpu.memref_slice %arg5[%add3A_12] : memref<482304xf32, #tpu.memory_space<hbm>> -> memref<5000xf32, #tpu.memory_space<hbm>>
      %dma_start3A_13 = tpu.memref_slice %arg5[%add3A_12] : memref<482304xf32, #tpu.memory_space<hbm>> -> memref<5000xf32, #tpu.memory_space<hbm>>
      tpu.enqueue_dma source(%arg11 : memref<5000xf32, #tpu.memory_space<vmem>>) target(%dma_start3A_13 : memref<5000xf32, #tpu.memory_space<hbm>>) target_semaphore(%run_scoped3A : memref<!tpu.dma_semaphore, #tpu.memory_space<semaphore_mem>>)
      %dma_wait3A = tpu.memref_slice %arg5[%add3A_12] : memref<482304xf32, #tpu.memory_space<hbm>> -> memref<5000xf32, #tpu.memory_space<hbm>>
      %dma_wait3A_14 = tpu.memref_slice %arg5[%add3A_12] : memref<482304xf32, #tpu.memory_space<hbm>> -> memref<5000xf32, #tpu.memory_space<hbm>>
      tpu.wait_dma2 semaphore(%run_scoped3A : memref<!tpu.dma_semaphore, #tpu.memory_space<semaphore_mem>>) src(%arg11 : memref<5000xf32, #tpu.memory_space<vmem>>) dst(%dma_wait3A_14 : memref<5000xf32, #tpu.memory_space<hbm>>)
      tpu.yield
    }) : () -> ()
    return
  }
}

#map = affine_map<(d0, d1) -> (0, 0)>
#map1 = affine_map<(d0, d1) -> (0)>
module attributes {stable_mosaic.version = 14 : i64} {
  func.func @_ksc_body(%arg0: i32, %arg1: i32, %arg2: memref<10240x128xf32, #tpu.memory_space<hbm>>, %arg3: memref<160000xi32, #tpu.memory_space<hbm>>, %arg4: memref<160000xi32, #tpu.memory_space<hbm>>, %arg5: memref<72x160768xf32, #tpu.memory_space<hbm>>, %arg6: memref<20480x128xf32, #tpu.memory_space<hbm>>, %arg7: memref<128xi32, #tpu.memory_space<vmem>>, %arg8: memref<128xi32, #tpu.memory_space<vmem>>, %arg9: memref<128xi32, #tpu.memory_space<vmem>>, %arg10: memref<128xi32, #tpu.memory_space<vmem>>, %arg11: memref<72x128xf32, #tpu.memory_space<vmem>>, %arg12: memref<128x128xf32, #tpu.memory_space<vmem>>, %arg13: memref<128x128xf32, #tpu.memory_space<vmem>>, %arg14: memref<16x128xf32, #tpu.memory_space<vmem>>, %arg15: memref<10240x128xf32, #tpu.memory_space<vmem_shared>>, %arg16: memref<!tpu.dma_semaphore, #tpu.memory_space<semaphore_mem>>, %arg17: memref<!tpu.dma_semaphore, #tpu.memory_space<semaphore_mem>>, %arg18: memref<!tpu.dma_semaphore, #tpu.memory_space<semaphore_mem>>, %arg19: memref<!tpu.dma_semaphore, #tpu.memory_space<semaphore_mem>>) attributes {dimension_semantics = [#tpu.dimension_semantics<core_parallel>, #tpu.dimension_semantics<subcore_parallel>], iteration_bounds = array<i64: 2, 16>, scalar_prefetch = 0 : i64, scratch_operands = 13 : i64, tpu.core_type = #tpu.core_type<sc_vector_subcore>, window_params = [{transform_indices = #map}, {transform_indices = #map1}, {transform_indices = #map1}, {transform_indices = #map}, {transform_indices = #map}]} {
    %mul3A = arith.constant 16 : i32
    %mul3A_0 = arith.muli %arg0, %mul3A : i32
    %add3A = arith.addi %mul3A_0, %arg1 : i32
    %broadcast_in_dim3A = arith.constant 0.000000e+00 : f32
    %broadcast_in_dim3A_1 = vector.broadcast %broadcast_in_dim3A : f32 to vector<16xf32>
    %swap3A = arith.constant 0 : i32
    %swap3A_2 = arith.index_cast %swap3A : i32 to index
    %swap3A_3 = arith.constant 0 : index
    %swap3A_4 = tpu.vector_load %arg14[%swap3A_2, %swap3A_3] {strides = array<i32>} : memref<16x128xf32, #tpu.memory_space<vmem>>, vector<16xf32>,
    tpu.vector_store %arg14[%swap3A_2, %swap3A_3], %broadcast_in_dim3A_1 {strides = array<i32>} : memref<16x128xf32, #tpu.memory_space<vmem>>, vector<16xf32>,
    %swap3A_5 = arith.constant 0 : i32
    %swap3A_6 = arith.index_cast %swap3A_5 : i32 to index
    %swap3A_7 = arith.constant 16 : index
    %swap3A_8 = tpu.vector_load %arg14[%swap3A_6, %swap3A_7] {strides = array<i32>} : memref<16x128xf32, #tpu.memory_space<vmem>>, vector<16xf32>,
    tpu.vector_store %arg14[%swap3A_6, %swap3A_7], %broadcast_in_dim3A_1 {strides = array<i32>} : memref<16x128xf32, #tpu.memory_space<vmem>>, vector<16xf32>,
    %swap3A_9 = arith.constant 0 : i32
    %swap3A_10 = arith.index_cast %swap3A_9 : i32 to index
    %swap3A_11 = arith.constant 32 : index
    %swap3A_12 = tpu.vector_load %arg14[%swap3A_10, %swap3A_11] {strides = array<i32>} : memref<16x128xf32, #tpu.memory_space<vmem>>, vector<16xf32>,
    tpu.vector_store %arg14[%swap3A_10, %swap3A_11], %broadcast_in_dim3A_1 {strides = array<i32>} : memref<16x128xf32, #tpu.memory_space<vmem>>, vector<16xf32>,
    %swap3A_13 = arith.constant 0 : i32
    %swap3A_14 = arith.index_cast %swap3A_13 : i32 to index
    %swap3A_15 = arith.constant 48 : index
    %swap3A_16 = tpu.vector_load %arg14[%swap3A_14, %swap3A_15] {strides = array<i32>} : memref<16x128xf32, #tpu.memory_space<vmem>>, vector<16xf32>,
    tpu.vector_store %arg14[%swap3A_14, %swap3A_15], %broadcast_in_dim3A_1 {strides = array<i32>} : memref<16x128xf32, #tpu.memory_space<vmem>>, vector<16xf32>,
    %swap3A_17 = arith.constant 0 : i32
    %swap3A_18 = arith.index_cast %swap3A_17 : i32 to index
    %swap3A_19 = arith.constant 64 : index
    %swap3A_20 = tpu.vector_load %arg14[%swap3A_18, %swap3A_19] {strides = array<i32>} : memref<16x128xf32, #tpu.memory_space<vmem>>, vector<16xf32>,
    tpu.vector_store %arg14[%swap3A_18, %swap3A_19], %broadcast_in_dim3A_1 {strides = array<i32>} : memref<16x128xf32, #tpu.memory_space<vmem>>, vector<16xf32>,
    %swap3A_21 = arith.constant 0 : i32
    %swap3A_22 = arith.index_cast %swap3A_21 : i32 to index
    %swap3A_23 = arith.constant 80 : index
    %swap3A_24 = tpu.vector_load %arg14[%swap3A_22, %swap3A_23] {strides = array<i32>} : memref<16x128xf32, #tpu.memory_space<vmem>>, vector<16xf32>,
    tpu.vector_store %arg14[%swap3A_22, %swap3A_23], %broadcast_in_dim3A_1 {strides = array<i32>} : memref<16x128xf32, #tpu.memory_space<vmem>>, vector<16xf32>,
    %swap3A_25 = arith.constant 0 : i32
    %swap3A_26 = arith.index_cast %swap3A_25 : i32 to index
    %swap3A_27 = arith.constant 96 : index
    %swap3A_28 = tpu.vector_load %arg14[%swap3A_26, %swap3A_27] {strides = array<i32>} : memref<16x128xf32, #tpu.memory_space<vmem>>, vector<16xf32>,
    tpu.vector_store %arg14[%swap3A_26, %swap3A_27], %broadcast_in_dim3A_1 {strides = array<i32>} : memref<16x128xf32, #tpu.memory_space<vmem>>, vector<16xf32>,
    %swap3A_29 = arith.constant 0 : i32
    %swap3A_30 = arith.index_cast %swap3A_29 : i32 to index
    %swap3A_31 = arith.constant 112 : index
    %swap3A_32 = tpu.vector_load %arg14[%swap3A_30, %swap3A_31] {strides = array<i32>} : memref<16x128xf32, #tpu.memory_space<vmem>>, vector<16xf32>,
    tpu.vector_store %arg14[%swap3A_30, %swap3A_31], %broadcast_in_dim3A_1 {strides = array<i32>} : memref<16x128xf32, #tpu.memory_space<vmem>>, vector<16xf32>,
    %swap3A_33 = arith.constant 1 : i32
    %swap3A_34 = arith.index_cast %swap3A_33 : i32 to index
    %swap3A_35 = arith.constant 0 : index
    %swap3A_36 = tpu.vector_load %arg14[%swap3A_34, %swap3A_35] {strides = array<i32>} : memref<16x128xf32, #tpu.memory_space<vmem>>, vector<16xf32>,
    tpu.vector_store %arg14[%swap3A_34, %swap3A_35], %broadcast_in_dim3A_1 {strides = array<i32>} : memref<16x128xf32, #tpu.memory_space<vmem>>, vector<16xf32>,
    %swap3A_37 = arith.constant 1 : i32
    %swap3A_38 = arith.index_cast %swap3A_37 : i32 to index
    %swap3A_39 = arith.constant 16 : index
    %swap3A_40 = tpu.vector_load %arg14[%swap3A_38, %swap3A_39] {strides = array<i32>} : memref<16x128xf32, #tpu.memory_space<vmem>>, vector<16xf32>,
    tpu.vector_store %arg14[%swap3A_38, %swap3A_39], %broadcast_in_dim3A_1 {strides = array<i32>} : memref<16x128xf32, #tpu.memory_space<vmem>>, vector<16xf32>,
    %swap3A_41 = arith.constant 1 : i32
    %swap3A_42 = arith.index_cast %swap3A_41 : i32 to index
    %swap3A_43 = arith.constant 32 : index
    %swap3A_44 = tpu.vector_load %arg14[%swap3A_42, %swap3A_43] {strides = array<i32>} : memref<16x128xf32, #tpu.memory_space<vmem>>, vector<16xf32>,
    tpu.vector_store %arg14[%swap3A_42, %swap3A_43], %broadcast_in_dim3A_1 {strides = array<i32>} : memref<16x128xf32, #tpu.memory_space<vmem>>, vector<16xf32>,
    %swap3A_45 = arith.constant 1 : i32
    %swap3A_46 = arith.index_cast %swap3A_45 : i32 to index
    %swap3A_47 = arith.constant 48 : index
    %swap3A_48 = tpu.vector_load %arg14[%swap3A_46, %swap3A_47] {strides = array<i32>} : memref<16x128xf32, #tpu.memory_space<vmem>>, vector<16xf32>,
    tpu.vector_store %arg14[%swap3A_46, %swap3A_47], %broadcast_in_dim3A_1 {strides = array<i32>} : memref<16x128xf32, #tpu.memory_space<vmem>>, vector<16xf32>,
    %swap3A_49 = arith.constant 1 : i32
    %swap3A_50 = arith.index_cast %swap3A_49 : i32 to index
    %swap3A_51 = arith.constant 64 : index
    %swap3A_52 = tpu.vector_load %arg14[%swap3A_50, %swap3A_51] {strides = array<i32>} : memref<16x128xf32, #tpu.memory_space<vmem>>, vector<16xf32>,
    tpu.vector_store %arg14[%swap3A_50, %swap3A_51], %broadcast_in_dim3A_1 {strides = array<i32>} : memref<16x128xf32, #tpu.memory_space<vmem>>, vector<16xf32>,
    %swap3A_53 = arith.constant 1 : i32
    %swap3A_54 = arith.index_cast %swap3A_53 : i32 to index
    %swap3A_55 = arith.constant 80 : index
    %swap3A_56 = tpu.vector_load %arg14[%swap3A_54, %swap3A_55] {strides = array<i32>} : memref<16x128xf32, #tpu.memory_space<vmem>>, vector<16xf32>,
    tpu.vector_store %arg14[%swap3A_54, %swap3A_55], %broadcast_in_dim3A_1 {strides = array<i32>} : memref<16x128xf32, #tpu.memory_space<vmem>>, vector<16xf32>,
    %swap3A_57 = arith.constant 1 : i32
    %swap3A_58 = arith.index_cast %swap3A_57 : i32 to index
    %swap3A_59 = arith.constant 96 : index
    %swap3A_60 = tpu.vector_load %arg14[%swap3A_58, %swap3A_59] {strides = array<i32>} : memref<16x128xf32, #tpu.memory_space<vmem>>, vector<16xf32>,
    tpu.vector_store %arg14[%swap3A_58, %swap3A_59], %broadcast_in_dim3A_1 {strides = array<i32>} : memref<16x128xf32, #tpu.memory_space<vmem>>, vector<16xf32>,
    %swap3A_61 = arith.constant 1 : i32
    %swap3A_62 = arith.index_cast %swap3A_61 : i32 to index
    %swap3A_63 = arith.constant 112 : index
    %swap3A_64 = tpu.vector_load %arg14[%swap3A_62, %swap3A_63] {strides = array<i32>} : memref<16x128xf32, #tpu.memory_space<vmem>>, vector<16xf32>,
    tpu.vector_store %arg14[%swap3A_62, %swap3A_63], %broadcast_in_dim3A_1 {strides = array<i32>} : memref<16x128xf32, #tpu.memory_space<vmem>>, vector<16xf32>,
    %swap3A_65 = arith.constant 2 : i32
    %swap3A_66 = arith.index_cast %swap3A_65 : i32 to index
    %swap3A_67 = arith.constant 0 : index
    %swap3A_68 = tpu.vector_load %arg14[%swap3A_66, %swap3A_67] {strides = array<i32>} : memref<16x128xf32, #tpu.memory_space<vmem>>, vector<16xf32>,
    tpu.vector_store %arg14[%swap3A_66, %swap3A_67], %broadcast_in_dim3A_1 {strides = array<i32>} : memref<16x128xf32, #tpu.memory_space<vmem>>, vector<16xf32>,
    %swap3A_69 = arith.constant 2 : i32
    %swap3A_70 = arith.index_cast %swap3A_69 : i32 to index
    %swap3A_71 = arith.constant 16 : index
    %swap3A_72 = tpu.vector_load %arg14[%swap3A_70, %swap3A_71] {strides = array<i32>} : memref<16x128xf32, #tpu.memory_space<vmem>>, vector<16xf32>,
    tpu.vector_store %arg14[%swap3A_70, %swap3A_71], %broadcast_in_dim3A_1 {strides = array<i32>} : memref<16x128xf32, #tpu.memory_space<vmem>>, vector<16xf32>,
    %swap3A_73 = arith.constant 2 : i32
    %swap3A_74 = arith.index_cast %swap3A_73 : i32 to index
    %swap3A_75 = arith.constant 32 : index
    %swap3A_76 = tpu.vector_load %arg14[%swap3A_74, %swap3A_75] {strides = array<i32>} : memref<16x128xf32, #tpu.memory_space<vmem>>, vector<16xf32>,
    tpu.vector_store %arg14[%swap3A_74, %swap3A_75], %broadcast_in_dim3A_1 {strides = array<i32>} : memref<16x128xf32, #tpu.memory_space<vmem>>, vector<16xf32>,
    %swap3A_77 = arith.constant 2 : i32
    %swap3A_78 = arith.index_cast %swap3A_77 : i32 to index
    %swap3A_79 = arith.constant 48 : index
    %swap3A_80 = tpu.vector_load %arg14[%swap3A_78, %swap3A_79] {strides = array<i32>} : memref<16x128xf32, #tpu.memory_space<vmem>>, vector<16xf32>,
    tpu.vector_store %arg14[%swap3A_78, %swap3A_79], %broadcast_in_dim3A_1 {strides = array<i32>} : memref<16x128xf32, #tpu.memory_space<vmem>>, vector<16xf32>,
    %swap3A_81 = arith.constant 2 : i32
    %swap3A_82 = arith.index_cast %swap3A_81 : i32 to index
    %swap3A_83 = arith.constant 64 : index
    %swap3A_84 = tpu.vector_load %arg14[%swap3A_82, %swap3A_83] {strides = array<i32>} : memref<16x128xf32, #tpu.memory_space<vmem>>, vector<16xf32>,
    tpu.vector_store %arg14[%swap3A_82, %swap3A_83], %broadcast_in_dim3A_1 {strides = array<i32>} : memref<16x128xf32, #tpu.memory_space<vmem>>, vector<16xf32>,
    %swap3A_85 = arith.constant 2 : i32
    %swap3A_86 = arith.index_cast %swap3A_85 : i32 to index
    %swap3A_87 = arith.constant 80 : index
    %swap3A_88 = tpu.vector_load %arg14[%swap3A_86, %swap3A_87] {strides = array<i32>} : memref<16x128xf32, #tpu.memory_space<vmem>>, vector<16xf32>,
    tpu.vector_store %arg14[%swap3A_86, %swap3A_87], %broadcast_in_dim3A_1 {strides = array<i32>} : memref<16x128xf32, #tpu.memory_space<vmem>>, vector<16xf32>,
    %swap3A_89 = arith.constant 2 : i32
    %swap3A_90 = arith.index_cast %swap3A_89 : i32 to index
    %swap3A_91 = arith.constant 96 : index
    %swap3A_92 = tpu.vector_load %arg14[%swap3A_90, %swap3A_91] {strides = array<i32>} : memref<16x128xf32, #tpu.memory_space<vmem>>, vector<16xf32>,
    tpu.vector_store %arg14[%swap3A_90, %swap3A_91], %broadcast_in_dim3A_1 {strides = array<i32>} : memref<16x128xf32, #tpu.memory_space<vmem>>, vector<16xf32>,
    %swap3A_93 = arith.constant 2 : i32
    %swap3A_94 = arith.index_cast %swap3A_93 : i32 to index
    %swap3A_95 = arith.constant 112 : index
    %swap3A_96 = tpu.vector_load %arg14[%swap3A_94, %swap3A_95] {strides = array<i32>} : memref<16x128xf32, #tpu.memory_space<vmem>>, vector<16xf32>,
    tpu.vector_store %arg14[%swap3A_94, %swap3A_95], %broadcast_in_dim3A_1 {strides = array<i32>} : memref<16x128xf32, #tpu.memory_space<vmem>>, vector<16xf32>,
    %swap3A_97 = arith.constant 3 : i32
    %swap3A_98 = arith.index_cast %swap3A_97 : i32 to index
    %swap3A_99 = arith.constant 0 : index
    %swap3A_100 = tpu.vector_load %arg14[%swap3A_98, %swap3A_99] {strides = array<i32>} : memref<16x128xf32, #tpu.memory_space<vmem>>, vector<16xf32>,
    tpu.vector_store %arg14[%swap3A_98, %swap3A_99], %broadcast_in_dim3A_1 {strides = array<i32>} : memref<16x128xf32, #tpu.memory_space<vmem>>, vector<16xf32>,
    %swap3A_101 = arith.constant 3 : i32
    %swap3A_102 = arith.index_cast %swap3A_101 : i32 to index
    %swap3A_103 = arith.constant 16 : index
    %swap3A_104 = tpu.vector_load %arg14[%swap3A_102, %swap3A_103] {strides = array<i32>} : memref<16x128xf32, #tpu.memory_space<vmem>>, vector<16xf32>,
    tpu.vector_store %arg14[%swap3A_102, %swap3A_103], %broadcast_in_dim3A_1 {strides = array<i32>} : memref<16x128xf32, #tpu.memory_space<vmem>>, vector<16xf32>,
    %swap3A_105 = arith.constant 3 : i32
    %swap3A_106 = arith.index_cast %swap3A_105 : i32 to index
    %swap3A_107 = arith.constant 32 : index
    %swap3A_108 = tpu.vector_load %arg14[%swap3A_106, %swap3A_107] {strides = array<i32>} : memref<16x128xf32, #tpu.memory_space<vmem>>, vector<16xf32>,
    tpu.vector_store %arg14[%swap3A_106, %swap3A_107], %broadcast_in_dim3A_1 {strides = array<i32>} : memref<16x128xf32, #tpu.memory_space<vmem>>, vector<16xf32>,
    %swap3A_109 = arith.constant 3 : i32
    %swap3A_110 = arith.index_cast %swap3A_109 : i32 to index
    %swap3A_111 = arith.constant 48 : index
    %swap3A_112 = tpu.vector_load %arg14[%swap3A_110, %swap3A_111] {strides = array<i32>} : memref<16x128xf32, #tpu.memory_space<vmem>>, vector<16xf32>,
    tpu.vector_store %arg14[%swap3A_110, %swap3A_111], %broadcast_in_dim3A_1 {strides = array<i32>} : memref<16x128xf32, #tpu.memory_space<vmem>>, vector<16xf32>,
    %swap3A_113 = arith.constant 3 : i32
    %swap3A_114 = arith.index_cast %swap3A_113 : i32 to index
    %swap3A_115 = arith.constant 64 : index
    %swap3A_116 = tpu.vector_load %arg14[%swap3A_114, %swap3A_115] {strides = array<i32>} : memref<16x128xf32, #tpu.memory_space<vmem>>, vector<16xf32>,
    tpu.vector_store %arg14[%swap3A_114, %swap3A_115], %broadcast_in_dim3A_1 {strides = array<i32>} : memref<16x128xf32, #tpu.memory_space<vmem>>, vector<16xf32>,
    %swap3A_117 = arith.constant 3 : i32
    %swap3A_118 = arith.index_cast %swap3A_117 : i32 to index
    %swap3A_119 = arith.constant 80 : index
    %swap3A_120 = tpu.vector_load %arg14[%swap3A_118, %swap3A_119] {strides = array<i32>} : memref<16x128xf32, #tpu.memory_space<vmem>>, vector<16xf32>,
    tpu.vector_store %arg14[%swap3A_118, %swap3A_119], %broadcast_in_dim3A_1 {strides = array<i32>} : memref<16x128xf32, #tpu.memory_space<vmem>>, vector<16xf32>,
    %swap3A_121 = arith.constant 3 : i32
    %swap3A_122 = arith.index_cast %swap3A_121 : i32 to index
    %swap3A_123 = arith.constant 96 : index
    %swap3A_124 = tpu.vector_load %arg14[%swap3A_122, %swap3A_123] {strides = array<i32>} : memref<16x128xf32, #tpu.memory_space<vmem>>, vector<16xf32>,
    tpu.vector_store %arg14[%swap3A_122, %swap3A_123], %broadcast_in_dim3A_1 {strides = array<i32>} : memref<16x128xf32, #tpu.memory_space<vmem>>, vector<16xf32>,
    %swap3A_125 = arith.constant 3 : i32
    %swap3A_126 = arith.index_cast %swap3A_125 : i32 to index
    %swap3A_127 = arith.constant 112 : index
    %swap3A_128 = tpu.vector_load %arg14[%swap3A_126, %swap3A_127] {strides = array<i32>} : memref<16x128xf32, #tpu.memory_space<vmem>>, vector<16xf32>,
    tpu.vector_store %arg14[%swap3A_126, %swap3A_127], %broadcast_in_dim3A_1 {strides = array<i32>} : memref<16x128xf32, #tpu.memory_space<vmem>>, vector<16xf32>,
    %swap3A_129 = arith.constant 4 : i32
    %swap3A_130 = arith.index_cast %swap3A_129 : i32 to index
    %swap3A_131 = arith.constant 0 : index
    %swap3A_132 = tpu.vector_load %arg14[%swap3A_130, %swap3A_131] {strides = array<i32>} : memref<16x128xf32, #tpu.memory_space<vmem>>, vector<16xf32>,
    tpu.vector_store %arg14[%swap3A_130, %swap3A_131], %broadcast_in_dim3A_1 {strides = array<i32>} : memref<16x128xf32, #tpu.memory_space<vmem>>, vector<16xf32>,
    %swap3A_133 = arith.constant 4 : i32
    %swap3A_134 = arith.index_cast %swap3A_133 : i32 to index
    %swap3A_135 = arith.constant 16 : index
    %swap3A_136 = tpu.vector_load %arg14[%swap3A_134, %swap3A_135] {strides = array<i32>} : memref<16x128xf32, #tpu.memory_space<vmem>>, vector<16xf32>,
    tpu.vector_store %arg14[%swap3A_134, %swap3A_135], %broadcast_in_dim3A_1 {strides = array<i32>} : memref<16x128xf32, #tpu.memory_space<vmem>>, vector<16xf32>,
    %swap3A_137 = arith.constant 4 : i32
    %swap3A_138 = arith.index_cast %swap3A_137 : i32 to index
    %swap3A_139 = arith.constant 32 : index
    %swap3A_140 = tpu.vector_load %arg14[%swap3A_138, %swap3A_139] {strides = array<i32>} : memref<16x128xf32, #tpu.memory_space<vmem>>, vector<16xf32>,
    tpu.vector_store %arg14[%swap3A_138, %swap3A_139], %broadcast_in_dim3A_1 {strides = array<i32>} : memref<16x128xf32, #tpu.memory_space<vmem>>, vector<16xf32>,
    %swap3A_141 = arith.constant 4 : i32
    %swap3A_142 = arith.index_cast %swap3A_141 : i32 to index
    %swap3A_143 = arith.constant 48 : index
    %swap3A_144 = tpu.vector_load %arg14[%swap3A_142, %swap3A_143] {strides = array<i32>} : memref<16x128xf32, #tpu.memory_space<vmem>>, vector<16xf32>,
    tpu.vector_store %arg14[%swap3A_142, %swap3A_143], %broadcast_in_dim3A_1 {strides = array<i32>} : memref<16x128xf32, #tpu.memory_space<vmem>>, vector<16xf32>,
    %swap3A_145 = arith.constant 4 : i32
    %swap3A_146 = arith.index_cast %swap3A_145 : i32 to index
    %swap3A_147 = arith.constant 64 : index
    %swap3A_148 = tpu.vector_load %arg14[%swap3A_146, %swap3A_147] {strides = array<i32>} : memref<16x128xf32, #tpu.memory_space<vmem>>, vector<16xf32>,
    tpu.vector_store %arg14[%swap3A_146, %swap3A_147], %broadcast_in_dim3A_1 {strides = array<i32>} : memref<16x128xf32, #tpu.memory_space<vmem>>, vector<16xf32>,
    %swap3A_149 = arith.constant 4 : i32
    %swap3A_150 = arith.index_cast %swap3A_149 : i32 to index
    %swap3A_151 = arith.constant 80 : index
    %swap3A_152 = tpu.vector_load %arg14[%swap3A_150, %swap3A_151] {strides = array<i32>} : memref<16x128xf32, #tpu.memory_space<vmem>>, vector<16xf32>,
    tpu.vector_store %arg14[%swap3A_150, %swap3A_151], %broadcast_in_dim3A_1 {strides = array<i32>} : memref<16x128xf32, #tpu.memory_space<vmem>>, vector<16xf32>,
    %swap3A_153 = arith.constant 4 : i32
    %swap3A_154 = arith.index_cast %swap3A_153 : i32 to index
    %swap3A_155 = arith.constant 96 : index
    %swap3A_156 = tpu.vector_load %arg14[%swap3A_154, %swap3A_155] {strides = array<i32>} : memref<16x128xf32, #tpu.memory_space<vmem>>, vector<16xf32>,
    tpu.vector_store %arg14[%swap3A_154, %swap3A_155], %broadcast_in_dim3A_1 {strides = array<i32>} : memref<16x128xf32, #tpu.memory_space<vmem>>, vector<16xf32>,
    %swap3A_157 = arith.constant 4 : i32
    %swap3A_158 = arith.index_cast %swap3A_157 : i32 to index
    %swap3A_159 = arith.constant 112 : index
    %swap3A_160 = tpu.vector_load %arg14[%swap3A_158, %swap3A_159] {strides = array<i32>} : memref<16x128xf32, #tpu.memory_space<vmem>>, vector<16xf32>,
    tpu.vector_store %arg14[%swap3A_158, %swap3A_159], %broadcast_in_dim3A_1 {strides = array<i32>} : memref<16x128xf32, #tpu.memory_space<vmem>>, vector<16xf32>,
    %swap3A_161 = arith.constant 5 : i32
    %swap3A_162 = arith.index_cast %swap3A_161 : i32 to index
    %swap3A_163 = arith.constant 0 : index
    %swap3A_164 = tpu.vector_load %arg14[%swap3A_162, %swap3A_163] {strides = array<i32>} : memref<16x128xf32, #tpu.memory_space<vmem>>, vector<16xf32>,
    tpu.vector_store %arg14[%swap3A_162, %swap3A_163], %broadcast_in_dim3A_1 {strides = array<i32>} : memref<16x128xf32, #tpu.memory_space<vmem>>, vector<16xf32>,
    %swap3A_165 = arith.constant 5 : i32
    %swap3A_166 = arith.index_cast %swap3A_165 : i32 to index
    %swap3A_167 = arith.constant 16 : index
    %swap3A_168 = tpu.vector_load %arg14[%swap3A_166, %swap3A_167] {strides = array<i32>} : memref<16x128xf32, #tpu.memory_space<vmem>>, vector<16xf32>,
    tpu.vector_store %arg14[%swap3A_166, %swap3A_167], %broadcast_in_dim3A_1 {strides = array<i32>} : memref<16x128xf32, #tpu.memory_space<vmem>>, vector<16xf32>,
    %swap3A_169 = arith.constant 5 : i32
    %swap3A_170 = arith.index_cast %swap3A_169 : i32 to index
    %swap3A_171 = arith.constant 32 : index
    %swap3A_172 = tpu.vector_load %arg14[%swap3A_170, %swap3A_171] {strides = array<i32>} : memref<16x128xf32, #tpu.memory_space<vmem>>, vector<16xf32>,
    tpu.vector_store %arg14[%swap3A_170, %swap3A_171], %broadcast_in_dim3A_1 {strides = array<i32>} : memref<16x128xf32, #tpu.memory_space<vmem>>, vector<16xf32>,
    %swap3A_173 = arith.constant 5 : i32
    %swap3A_174 = arith.index_cast %swap3A_173 : i32 to index
    %swap3A_175 = arith.constant 48 : index
    %swap3A_176 = tpu.vector_load %arg14[%swap3A_174, %swap3A_175] {strides = array<i32>} : memref<16x128xf32, #tpu.memory_space<vmem>>, vector<16xf32>,
    tpu.vector_store %arg14[%swap3A_174, %swap3A_175], %broadcast_in_dim3A_1 {strides = array<i32>} : memref<16x128xf32, #tpu.memory_space<vmem>>, vector<16xf32>,
    %swap3A_177 = arith.constant 5 : i32
    %swap3A_178 = arith.index_cast %swap3A_177 : i32 to index
    %swap3A_179 = arith.constant 64 : index
    %swap3A_180 = tpu.vector_load %arg14[%swap3A_178, %swap3A_179] {strides = array<i32>} : memref<16x128xf32, #tpu.memory_space<vmem>>, vector<16xf32>,
    tpu.vector_store %arg14[%swap3A_178, %swap3A_179], %broadcast_in_dim3A_1 {strides = array<i32>} : memref<16x128xf32, #tpu.memory_space<vmem>>, vector<16xf32>,
    %swap3A_181 = arith.constant 5 : i32
    %swap3A_182 = arith.index_cast %swap3A_181 : i32 to index
    %swap3A_183 = arith.constant 80 : index
    %swap3A_184 = tpu.vector_load %arg14[%swap3A_182, %swap3A_183] {strides = array<i32>} : memref<16x128xf32, #tpu.memory_space<vmem>>, vector<16xf32>,
    tpu.vector_store %arg14[%swap3A_182, %swap3A_183], %broadcast_in_dim3A_1 {strides = array<i32>} : memref<16x128xf32, #tpu.memory_space<vmem>>, vector<16xf32>,
    %swap3A_185 = arith.constant 5 : i32
    %swap3A_186 = arith.index_cast %swap3A_185 : i32 to index
    %swap3A_187 = arith.constant 96 : index
    %swap3A_188 = tpu.vector_load %arg14[%swap3A_186, %swap3A_187] {strides = array<i32>} : memref<16x128xf32, #tpu.memory_space<vmem>>, vector<16xf32>,
    tpu.vector_store %arg14[%swap3A_186, %swap3A_187], %broadcast_in_dim3A_1 {strides = array<i32>} : memref<16x128xf32, #tpu.memory_space<vmem>>, vector<16xf32>,
    %swap3A_189 = arith.constant 5 : i32
    %swap3A_190 = arith.index_cast %swap3A_189 : i32 to index
    %swap3A_191 = arith.constant 112 : index
    %swap3A_192 = tpu.vector_load %arg14[%swap3A_190, %swap3A_191] {strides = array<i32>} : memref<16x128xf32, #tpu.memory_space<vmem>>, vector<16xf32>,
    tpu.vector_store %arg14[%swap3A_190, %swap3A_191], %broadcast_in_dim3A_1 {strides = array<i32>} : memref<16x128xf32, #tpu.memory_space<vmem>>, vector<16xf32>,
    %swap3A_193 = arith.constant 6 : i32
    %swap3A_194 = arith.index_cast %swap3A_193 : i32 to index
    %swap3A_195 = arith.constant 0 : index
    %swap3A_196 = tpu.vector_load %arg14[%swap3A_194, %swap3A_195] {strides = array<i32>} : memref<16x128xf32, #tpu.memory_space<vmem>>, vector<16xf32>,
    tpu.vector_store %arg14[%swap3A_194, %swap3A_195], %broadcast_in_dim3A_1 {strides = array<i32>} : memref<16x128xf32, #tpu.memory_space<vmem>>, vector<16xf32>,
    %swap3A_197 = arith.constant 6 : i32
    %swap3A_198 = arith.index_cast %swap3A_197 : i32 to index
    %swap3A_199 = arith.constant 16 : index
    %swap3A_200 = tpu.vector_load %arg14[%swap3A_198, %swap3A_199] {strides = array<i32>} : memref<16x128xf32, #tpu.memory_space<vmem>>, vector<16xf32>,
    tpu.vector_store %arg14[%swap3A_198, %swap3A_199], %broadcast_in_dim3A_1 {strides = array<i32>} : memref<16x128xf32, #tpu.memory_space<vmem>>, vector<16xf32>,
    %swap3A_201 = arith.constant 6 : i32
    %swap3A_202 = arith.index_cast %swap3A_201 : i32 to index
    %swap3A_203 = arith.constant 32 : index
    %swap3A_204 = tpu.vector_load %arg14[%swap3A_202, %swap3A_203] {strides = array<i32>} : memref<16x128xf32, #tpu.memory_space<vmem>>, vector<16xf32>,
    tpu.vector_store %arg14[%swap3A_202, %swap3A_203], %broadcast_in_dim3A_1 {strides = array<i32>} : memref<16x128xf32, #tpu.memory_space<vmem>>, vector<16xf32>,
    %swap3A_205 = arith.constant 6 : i32
    %swap3A_206 = arith.index_cast %swap3A_205 : i32 to index
    %swap3A_207 = arith.constant 48 : index
    %swap3A_208 = tpu.vector_load %arg14[%swap3A_206, %swap3A_207] {strides = array<i32>} : memref<16x128xf32, #tpu.memory_space<vmem>>, vector<16xf32>,
    tpu.vector_store %arg14[%swap3A_206, %swap3A_207], %broadcast_in_dim3A_1 {strides = array<i32>} : memref<16x128xf32, #tpu.memory_space<vmem>>, vector<16xf32>,
    %swap3A_209 = arith.constant 6 : i32
    %swap3A_210 = arith.index_cast %swap3A_209 : i32 to index
    %swap3A_211 = arith.constant 64 : index
    %swap3A_212 = tpu.vector_load %arg14[%swap3A_210, %swap3A_211] {strides = array<i32>} : memref<16x128xf32, #tpu.memory_space<vmem>>, vector<16xf32>,
    tpu.vector_store %arg14[%swap3A_210, %swap3A_211], %broadcast_in_dim3A_1 {strides = array<i32>} : memref<16x128xf32, #tpu.memory_space<vmem>>, vector<16xf32>,
    %swap3A_213 = arith.constant 6 : i32
    %swap3A_214 = arith.index_cast %swap3A_213 : i32 to index
    %swap3A_215 = arith.constant 80 : index
    %swap3A_216 = tpu.vector_load %arg14[%swap3A_214, %swap3A_215] {strides = array<i32>} : memref<16x128xf32, #tpu.memory_space<vmem>>, vector<16xf32>,
    tpu.vector_store %arg14[%swap3A_214, %swap3A_215], %broadcast_in_dim3A_1 {strides = array<i32>} : memref<16x128xf32, #tpu.memory_space<vmem>>, vector<16xf32>,
    %swap3A_217 = arith.constant 6 : i32
    %swap3A_218 = arith.index_cast %swap3A_217 : i32 to index
    %swap3A_219 = arith.constant 96 : index
    %swap3A_220 = tpu.vector_load %arg14[%swap3A_218, %swap3A_219] {strides = array<i32>} : memref<16x128xf32, #tpu.memory_space<vmem>>, vector<16xf32>,
    tpu.vector_store %arg14[%swap3A_218, %swap3A_219], %broadcast_in_dim3A_1 {strides = array<i32>} : memref<16x128xf32, #tpu.memory_space<vmem>>, vector<16xf32>,
    %swap3A_221 = arith.constant 6 : i32
    %swap3A_222 = arith.index_cast %swap3A_221 : i32 to index
    %swap3A_223 = arith.constant 112 : index
    %swap3A_224 = tpu.vector_load %arg14[%swap3A_222, %swap3A_223] {strides = array<i32>} : memref<16x128xf32, #tpu.memory_space<vmem>>, vector<16xf32>,
    tpu.vector_store %arg14[%swap3A_222, %swap3A_223], %broadcast_in_dim3A_1 {strides = array<i32>} : memref<16x128xf32, #tpu.memory_space<vmem>>, vector<16xf32>,
    %swap3A_225 = arith.constant 7 : i32
    %swap3A_226 = arith.index_cast %swap3A_225 : i32 to index
    %swap3A_227 = arith.constant 0 : index
    %swap3A_228 = tpu.vector_load %arg14[%swap3A_226, %swap3A_227] {strides = array<i32>} : memref<16x128xf32, #tpu.memory_space<vmem>>, vector<16xf32>,
    tpu.vector_store %arg14[%swap3A_226, %swap3A_227], %broadcast_in_dim3A_1 {strides = array<i32>} : memref<16x128xf32, #tpu.memory_space<vmem>>, vector<16xf32>,
    %swap3A_229 = arith.constant 7 : i32
    %swap3A_230 = arith.index_cast %swap3A_229 : i32 to index
    %swap3A_231 = arith.constant 16 : index
    %swap3A_232 = tpu.vector_load %arg14[%swap3A_230, %swap3A_231] {strides = array<i32>} : memref<16x128xf32, #tpu.memory_space<vmem>>, vector<16xf32>,
    tpu.vector_store %arg14[%swap3A_230, %swap3A_231], %broadcast_in_dim3A_1 {strides = array<i32>} : memref<16x128xf32, #tpu.memory_space<vmem>>, vector<16xf32>,
    %swap3A_233 = arith.constant 7 : i32
    %swap3A_234 = arith.index_cast %swap3A_233 : i32 to index
    %swap3A_235 = arith.constant 32 : index
    %swap3A_236 = tpu.vector_load %arg14[%swap3A_234, %swap3A_235] {strides = array<i32>} : memref<16x128xf32, #tpu.memory_space<vmem>>, vector<16xf32>,
    tpu.vector_store %arg14[%swap3A_234, %swap3A_235], %broadcast_in_dim3A_1 {strides = array<i32>} : memref<16x128xf32, #tpu.memory_space<vmem>>, vector<16xf32>,
    %swap3A_237 = arith.constant 7 : i32
    %swap3A_238 = arith.index_cast %swap3A_237 : i32 to index
    %swap3A_239 = arith.constant 48 : index
    %swap3A_240 = tpu.vector_load %arg14[%swap3A_238, %swap3A_239] {strides = array<i32>} : memref<16x128xf32, #tpu.memory_space<vmem>>, vector<16xf32>,
    tpu.vector_store %arg14[%swap3A_238, %swap3A_239], %broadcast_in_dim3A_1 {strides = array<i32>} : memref<16x128xf32, #tpu.memory_space<vmem>>, vector<16xf32>,
    %swap3A_241 = arith.constant 7 : i32
    %swap3A_242 = arith.index_cast %swap3A_241 : i32 to index
    %swap3A_243 = arith.constant 64 : index
    %swap3A_244 = tpu.vector_load %arg14[%swap3A_242, %swap3A_243] {strides = array<i32>} : memref<16x128xf32, #tpu.memory_space<vmem>>, vector<16xf32>,
    tpu.vector_store %arg14[%swap3A_242, %swap3A_243], %broadcast_in_dim3A_1 {strides = array<i32>} : memref<16x128xf32, #tpu.memory_space<vmem>>, vector<16xf32>,
    %swap3A_245 = arith.constant 7 : i32
    %swap3A_246 = arith.index_cast %swap3A_245 : i32 to index
    %swap3A_247 = arith.constant 80 : index
    %swap3A_248 = tpu.vector_load %arg14[%swap3A_246, %swap3A_247] {strides = array<i32>} : memref<16x128xf32, #tpu.memory_space<vmem>>, vector<16xf32>,
    tpu.vector_store %arg14[%swap3A_246, %swap3A_247], %broadcast_in_dim3A_1 {strides = array<i32>} : memref<16x128xf32, #tpu.memory_space<vmem>>, vector<16xf32>,
    %swap3A_249 = arith.constant 7 : i32
    %swap3A_250 = arith.index_cast %swap3A_249 : i32 to index
    %swap3A_251 = arith.constant 96 : index
    %swap3A_252 = tpu.vector_load %arg14[%swap3A_250, %swap3A_251] {strides = array<i32>} : memref<16x128xf32, #tpu.memory_space<vmem>>, vector<16xf32>,
    tpu.vector_store %arg14[%swap3A_250, %swap3A_251], %broadcast_in_dim3A_1 {strides = array<i32>} : memref<16x128xf32, #tpu.memory_space<vmem>>, vector<16xf32>,
    %swap3A_253 = arith.constant 7 : i32
    %swap3A_254 = arith.index_cast %swap3A_253 : i32 to index
    %swap3A_255 = arith.constant 112 : index
    %swap3A_256 = tpu.vector_load %arg14[%swap3A_254, %swap3A_255] {strides = array<i32>} : memref<16x128xf32, #tpu.memory_space<vmem>>, vector<16xf32>,
    tpu.vector_store %arg14[%swap3A_254, %swap3A_255], %broadcast_in_dim3A_1 {strides = array<i32>} : memref<16x128xf32, #tpu.memory_space<vmem>>, vector<16xf32>,
    %swap3A_257 = arith.constant 8 : i32
    %swap3A_258 = arith.index_cast %swap3A_257 : i32 to index
    %swap3A_259 = arith.constant 0 : index
    %swap3A_260 = tpu.vector_load %arg14[%swap3A_258, %swap3A_259] {strides = array<i32>} : memref<16x128xf32, #tpu.memory_space<vmem>>, vector<16xf32>,
    tpu.vector_store %arg14[%swap3A_258, %swap3A_259], %broadcast_in_dim3A_1 {strides = array<i32>} : memref<16x128xf32, #tpu.memory_space<vmem>>, vector<16xf32>,
    %swap3A_261 = arith.constant 8 : i32
    %swap3A_262 = arith.index_cast %swap3A_261 : i32 to index
    %swap3A_263 = arith.constant 16 : index
    %swap3A_264 = tpu.vector_load %arg14[%swap3A_262, %swap3A_263] {strides = array<i32>} : memref<16x128xf32, #tpu.memory_space<vmem>>, vector<16xf32>,
    tpu.vector_store %arg14[%swap3A_262, %swap3A_263], %broadcast_in_dim3A_1 {strides = array<i32>} : memref<16x128xf32, #tpu.memory_space<vmem>>, vector<16xf32>,
    %swap3A_265 = arith.constant 8 : i32
    %swap3A_266 = arith.index_cast %swap3A_265 : i32 to index
    %swap3A_267 = arith.constant 32 : index
    %swap3A_268 = tpu.vector_load %arg14[%swap3A_266, %swap3A_267] {strides = array<i32>} : memref<16x128xf32, #tpu.memory_space<vmem>>, vector<16xf32>,
    tpu.vector_store %arg14[%swap3A_266, %swap3A_267], %broadcast_in_dim3A_1 {strides = array<i32>} : memref<16x128xf32, #tpu.memory_space<vmem>>, vector<16xf32>,
    %swap3A_269 = arith.constant 8 : i32
    %swap3A_270 = arith.index_cast %swap3A_269 : i32 to index
    %swap3A_271 = arith.constant 48 : index
    %swap3A_272 = tpu.vector_load %arg14[%swap3A_270, %swap3A_271] {strides = array<i32>} : memref<16x128xf32, #tpu.memory_space<vmem>>, vector<16xf32>,
    tpu.vector_store %arg14[%swap3A_270, %swap3A_271], %broadcast_in_dim3A_1 {strides = array<i32>} : memref<16x128xf32, #tpu.memory_space<vmem>>, vector<16xf32>,
    %swap3A_273 = arith.constant 8 : i32
    %swap3A_274 = arith.index_cast %swap3A_273 : i32 to index
    %swap3A_275 = arith.constant 64 : index
    %swap3A_276 = tpu.vector_load %arg14[%swap3A_274, %swap3A_275] {strides = array<i32>} : memref<16x128xf32, #tpu.memory_space<vmem>>, vector<16xf32>,
    tpu.vector_store %arg14[%swap3A_274, %swap3A_275], %broadcast_in_dim3A_1 {strides = array<i32>} : memref<16x128xf32, #tpu.memory_space<vmem>>, vector<16xf32>,
    %swap3A_277 = arith.constant 8 : i32
    %swap3A_278 = arith.index_cast %swap3A_277 : i32 to index
    %swap3A_279 = arith.constant 80 : index
    %swap3A_280 = tpu.vector_load %arg14[%swap3A_278, %swap3A_279] {strides = array<i32>} : memref<16x128xf32, #tpu.memory_space<vmem>>, vector<16xf32>,
    tpu.vector_store %arg14[%swap3A_278, %swap3A_279], %broadcast_in_dim3A_1 {strides = array<i32>} : memref<16x128xf32, #tpu.memory_space<vmem>>, vector<16xf32>,
    %swap3A_281 = arith.constant 8 : i32
    %swap3A_282 = arith.index_cast %swap3A_281 : i32 to index
    %swap3A_283 = arith.constant 96 : index
    %swap3A_284 = tpu.vector_load %arg14[%swap3A_282, %swap3A_283] {strides = array<i32>} : memref<16x128xf32, #tpu.memory_space<vmem>>, vector<16xf32>,
    tpu.vector_store %arg14[%swap3A_282, %swap3A_283], %broadcast_in_dim3A_1 {strides = array<i32>} : memref<16x128xf32, #tpu.memory_space<vmem>>, vector<16xf32>,
    %swap3A_285 = arith.constant 8 : i32
    %swap3A_286 = arith.index_cast %swap3A_285 : i32 to index
    %swap3A_287 = arith.constant 112 : index
    %swap3A_288 = tpu.vector_load %arg14[%swap3A_286, %swap3A_287] {strides = array<i32>} : memref<16x128xf32, #tpu.memory_space<vmem>>, vector<16xf32>,
    tpu.vector_store %arg14[%swap3A_286, %swap3A_287], %broadcast_in_dim3A_1 {strides = array<i32>} : memref<16x128xf32, #tpu.memory_space<vmem>>, vector<16xf32>,
    %swap3A_289 = arith.constant 9 : i32
    %swap3A_290 = arith.index_cast %swap3A_289 : i32 to index
    %swap3A_291 = arith.constant 0 : index
    %swap3A_292 = tpu.vector_load %arg14[%swap3A_290, %swap3A_291] {strides = array<i32>} : memref<16x128xf32, #tpu.memory_space<vmem>>, vector<16xf32>,
    tpu.vector_store %arg14[%swap3A_290, %swap3A_291], %broadcast_in_dim3A_1 {strides = array<i32>} : memref<16x128xf32, #tpu.memory_space<vmem>>, vector<16xf32>,
    %swap3A_293 = arith.constant 9 : i32
    %swap3A_294 = arith.index_cast %swap3A_293 : i32 to index
    %swap3A_295 = arith.constant 16 : index
    %swap3A_296 = tpu.vector_load %arg14[%swap3A_294, %swap3A_295] {strides = array<i32>} : memref<16x128xf32, #tpu.memory_space<vmem>>, vector<16xf32>,
    tpu.vector_store %arg14[%swap3A_294, %swap3A_295], %broadcast_in_dim3A_1 {strides = array<i32>} : memref<16x128xf32, #tpu.memory_space<vmem>>, vector<16xf32>,
    %swap3A_297 = arith.constant 9 : i32
    %swap3A_298 = arith.index_cast %swap3A_297 : i32 to index
    %swap3A_299 = arith.constant 32 : index
    %swap3A_300 = tpu.vector_load %arg14[%swap3A_298, %swap3A_299] {strides = array<i32>} : memref<16x128xf32, #tpu.memory_space<vmem>>, vector<16xf32>,
    tpu.vector_store %arg14[%swap3A_298, %swap3A_299], %broadcast_in_dim3A_1 {strides = array<i32>} : memref<16x128xf32, #tpu.memory_space<vmem>>, vector<16xf32>,
    %swap3A_301 = arith.constant 9 : i32
    %swap3A_302 = arith.index_cast %swap3A_301 : i32 to index
    %swap3A_303 = arith.constant 48 : index
    %swap3A_304 = tpu.vector_load %arg14[%swap3A_302, %swap3A_303] {strides = array<i32>} : memref<16x128xf32, #tpu.memory_space<vmem>>, vector<16xf32>,
    tpu.vector_store %arg14[%swap3A_302, %swap3A_303], %broadcast_in_dim3A_1 {strides = array<i32>} : memref<16x128xf32, #tpu.memory_space<vmem>>, vector<16xf32>,
    %swap3A_305 = arith.constant 9 : i32
    %swap3A_306 = arith.index_cast %swap3A_305 : i32 to index
    %swap3A_307 = arith.constant 64 : index
    %swap3A_308 = tpu.vector_load %arg14[%swap3A_306, %swap3A_307] {strides = array<i32>} : memref<16x128xf32, #tpu.memory_space<vmem>>, vector<16xf32>,
    tpu.vector_store %arg14[%swap3A_306, %swap3A_307], %broadcast_in_dim3A_1 {strides = array<i32>} : memref<16x128xf32, #tpu.memory_space<vmem>>, vector<16xf32>,
    %swap3A_309 = arith.constant 9 : i32
    %swap3A_310 = arith.index_cast %swap3A_309 : i32 to index
    %swap3A_311 = arith.constant 80 : index
    %swap3A_312 = tpu.vector_load %arg14[%swap3A_310, %swap3A_311] {strides = array<i32>} : memref<16x128xf32, #tpu.memory_space<vmem>>, vector<16xf32>,
    tpu.vector_store %arg14[%swap3A_310, %swap3A_311], %broadcast_in_dim3A_1 {strides = array<i32>} : memref<16x128xf32, #tpu.memory_space<vmem>>, vector<16xf32>,
    %swap3A_313 = arith.constant 9 : i32
    %swap3A_314 = arith.index_cast %swap3A_313 : i32 to index
    %swap3A_315 = arith.constant 96 : index
    %swap3A_316 = tpu.vector_load %arg14[%swap3A_314, %swap3A_315] {strides = array<i32>} : memref<16x128xf32, #tpu.memory_space<vmem>>, vector<16xf32>,
    tpu.vector_store %arg14[%swap3A_314, %swap3A_315], %broadcast_in_dim3A_1 {strides = array<i32>} : memref<16x128xf32, #tpu.memory_space<vmem>>, vector<16xf32>,
    %swap3A_317 = arith.constant 9 : i32
    %swap3A_318 = arith.index_cast %swap3A_317 : i32 to index
    %swap3A_319 = arith.constant 112 : index
    %swap3A_320 = tpu.vector_load %arg14[%swap3A_318, %swap3A_319] {strides = array<i32>} : memref<16x128xf32, #tpu.memory_space<vmem>>, vector<16xf32>,
    tpu.vector_store %arg14[%swap3A_318, %swap3A_319], %broadcast_in_dim3A_1 {strides = array<i32>} : memref<16x128xf32, #tpu.memory_space<vmem>>, vector<16xf32>,
    %swap3A_321 = arith.constant 10 : i32
    %swap3A_322 = arith.index_cast %swap3A_321 : i32 to index
    %swap3A_323 = arith.constant 0 : index
    %swap3A_324 = tpu.vector_load %arg14[%swap3A_322, %swap3A_323] {strides = array<i32>} : memref<16x128xf32, #tpu.memory_space<vmem>>, vector<16xf32>,
    tpu.vector_store %arg14[%swap3A_322, %swap3A_323], %broadcast_in_dim3A_1 {strides = array<i32>} : memref<16x128xf32, #tpu.memory_space<vmem>>, vector<16xf32>,
    %swap3A_325 = arith.constant 10 : i32
    %swap3A_326 = arith.index_cast %swap3A_325 : i32 to index
    %swap3A_327 = arith.constant 16 : index
    %swap3A_328 = tpu.vector_load %arg14[%swap3A_326, %swap3A_327] {strides = array<i32>} : memref<16x128xf32, #tpu.memory_space<vmem>>, vector<16xf32>,
    tpu.vector_store %arg14[%swap3A_326, %swap3A_327], %broadcast_in_dim3A_1 {strides = array<i32>} : memref<16x128xf32, #tpu.memory_space<vmem>>, vector<16xf32>,
    %swap3A_329 = arith.constant 10 : i32
    %swap3A_330 = arith.index_cast %swap3A_329 : i32 to index
    %swap3A_331 = arith.constant 32 : index
    %swap3A_332 = tpu.vector_load %arg14[%swap3A_330, %swap3A_331] {strides = array<i32>} : memref<16x128xf32, #tpu.memory_space<vmem>>, vector<16xf32>,
    tpu.vector_store %arg14[%swap3A_330, %swap3A_331], %broadcast_in_dim3A_1 {strides = array<i32>} : memref<16x128xf32, #tpu.memory_space<vmem>>, vector<16xf32>,
    %swap3A_333 = arith.constant 10 : i32
    %swap3A_334 = arith.index_cast %swap3A_333 : i32 to index
    %swap3A_335 = arith.constant 48 : index
    %swap3A_336 = tpu.vector_load %arg14[%swap3A_334, %swap3A_335] {strides = array<i32>} : memref<16x128xf32, #tpu.memory_space<vmem>>, vector<16xf32>,
    tpu.vector_store %arg14[%swap3A_334, %swap3A_335], %broadcast_in_dim3A_1 {strides = array<i32>} : memref<16x128xf32, #tpu.memory_space<vmem>>, vector<16xf32>,
    %swap3A_337 = arith.constant 10 : i32
    %swap3A_338 = arith.index_cast %swap3A_337 : i32 to index
    %swap3A_339 = arith.constant 64 : index
    %swap3A_340 = tpu.vector_load %arg14[%swap3A_338, %swap3A_339] {strides = array<i32>} : memref<16x128xf32, #tpu.memory_space<vmem>>, vector<16xf32>,
    tpu.vector_store %arg14[%swap3A_338, %swap3A_339], %broadcast_in_dim3A_1 {strides = array<i32>} : memref<16x128xf32, #tpu.memory_space<vmem>>, vector<16xf32>,
    %swap3A_341 = arith.constant 10 : i32
    %swap3A_342 = arith.index_cast %swap3A_341 : i32 to index
    %swap3A_343 = arith.constant 80 : index
    %swap3A_344 = tpu.vector_load %arg14[%swap3A_342, %swap3A_343] {strides = array<i32>} : memref<16x128xf32, #tpu.memory_space<vmem>>, vector<16xf32>,
    tpu.vector_store %arg14[%swap3A_342, %swap3A_343], %broadcast_in_dim3A_1 {strides = array<i32>} : memref<16x128xf32, #tpu.memory_space<vmem>>, vector<16xf32>,
    %swap3A_345 = arith.constant 10 : i32
    %swap3A_346 = arith.index_cast %swap3A_345 : i32 to index
    %swap3A_347 = arith.constant 96 : index
    %swap3A_348 = tpu.vector_load %arg14[%swap3A_346, %swap3A_347] {strides = array<i32>} : memref<16x128xf32, #tpu.memory_space<vmem>>, vector<16xf32>,
    tpu.vector_store %arg14[%swap3A_346, %swap3A_347], %broadcast_in_dim3A_1 {strides = array<i32>} : memref<16x128xf32, #tpu.memory_space<vmem>>, vector<16xf32>,
    %swap3A_349 = arith.constant 10 : i32
    %swap3A_350 = arith.index_cast %swap3A_349 : i32 to index
    %swap3A_351 = arith.constant 112 : index
    %swap3A_352 = tpu.vector_load %arg14[%swap3A_350, %swap3A_351] {strides = array<i32>} : memref<16x128xf32, #tpu.memory_space<vmem>>, vector<16xf32>,
    tpu.vector_store %arg14[%swap3A_350, %swap3A_351], %broadcast_in_dim3A_1 {strides = array<i32>} : memref<16x128xf32, #tpu.memory_space<vmem>>, vector<16xf32>,
    %swap3A_353 = arith.constant 11 : i32
    %swap3A_354 = arith.index_cast %swap3A_353 : i32 to index
    %swap3A_355 = arith.constant 0 : index
    %swap3A_356 = tpu.vector_load %arg14[%swap3A_354, %swap3A_355] {strides = array<i32>} : memref<16x128xf32, #tpu.memory_space<vmem>>, vector<16xf32>,
    tpu.vector_store %arg14[%swap3A_354, %swap3A_355], %broadcast_in_dim3A_1 {strides = array<i32>} : memref<16x128xf32, #tpu.memory_space<vmem>>, vector<16xf32>,
    %swap3A_357 = arith.constant 11 : i32
    %swap3A_358 = arith.index_cast %swap3A_357 : i32 to index
    %swap3A_359 = arith.constant 16 : index
    %swap3A_360 = tpu.vector_load %arg14[%swap3A_358, %swap3A_359] {strides = array<i32>} : memref<16x128xf32, #tpu.memory_space<vmem>>, vector<16xf32>,
    tpu.vector_store %arg14[%swap3A_358, %swap3A_359], %broadcast_in_dim3A_1 {strides = array<i32>} : memref<16x128xf32, #tpu.memory_space<vmem>>, vector<16xf32>,
    %swap3A_361 = arith.constant 11 : i32
    %swap3A_362 = arith.index_cast %swap3A_361 : i32 to index
    %swap3A_363 = arith.constant 32 : index
    %swap3A_364 = tpu.vector_load %arg14[%swap3A_362, %swap3A_363] {strides = array<i32>} : memref<16x128xf32, #tpu.memory_space<vmem>>, vector<16xf32>,
    tpu.vector_store %arg14[%swap3A_362, %swap3A_363], %broadcast_in_dim3A_1 {strides = array<i32>} : memref<16x128xf32, #tpu.memory_space<vmem>>, vector<16xf32>,
    %swap3A_365 = arith.constant 11 : i32
    %swap3A_366 = arith.index_cast %swap3A_365 : i32 to index
    %swap3A_367 = arith.constant 48 : index
    %swap3A_368 = tpu.vector_load %arg14[%swap3A_366, %swap3A_367] {strides = array<i32>} : memref<16x128xf32, #tpu.memory_space<vmem>>, vector<16xf32>,
    tpu.vector_store %arg14[%swap3A_366, %swap3A_367], %broadcast_in_dim3A_1 {strides = array<i32>} : memref<16x128xf32, #tpu.memory_space<vmem>>, vector<16xf32>,
    %swap3A_369 = arith.constant 11 : i32
    %swap3A_370 = arith.index_cast %swap3A_369 : i32 to index
    %swap3A_371 = arith.constant 64 : index
    %swap3A_372 = tpu.vector_load %arg14[%swap3A_370, %swap3A_371] {strides = array<i32>} : memref<16x128xf32, #tpu.memory_space<vmem>>, vector<16xf32>,
    tpu.vector_store %arg14[%swap3A_370, %swap3A_371], %broadcast_in_dim3A_1 {strides = array<i32>} : memref<16x128xf32, #tpu.memory_space<vmem>>, vector<16xf32>,
    %swap3A_373 = arith.constant 11 : i32
    %swap3A_374 = arith.index_cast %swap3A_373 : i32 to index
    %swap3A_375 = arith.constant 80 : index
    %swap3A_376 = tpu.vector_load %arg14[%swap3A_374, %swap3A_375] {strides = array<i32>} : memref<16x128xf32, #tpu.memory_space<vmem>>, vector<16xf32>,
    tpu.vector_store %arg14[%swap3A_374, %swap3A_375], %broadcast_in_dim3A_1 {strides = array<i32>} : memref<16x128xf32, #tpu.memory_space<vmem>>, vector<16xf32>,
    %swap3A_377 = arith.constant 11 : i32
    %swap3A_378 = arith.index_cast %swap3A_377 : i32 to index
    %swap3A_379 = arith.constant 96 : index
    %swap3A_380 = tpu.vector_load %arg14[%swap3A_378, %swap3A_379] {strides = array<i32>} : memref<16x128xf32, #tpu.memory_space<vmem>>, vector<16xf32>,
    tpu.vector_store %arg14[%swap3A_378, %swap3A_379], %broadcast_in_dim3A_1 {strides = array<i32>} : memref<16x128xf32, #tpu.memory_space<vmem>>, vector<16xf32>,
    %swap3A_381 = arith.constant 11 : i32
    %swap3A_382 = arith.index_cast %swap3A_381 : i32 to index
    %swap3A_383 = arith.constant 112 : index
    %swap3A_384 = tpu.vector_load %arg14[%swap3A_382, %swap3A_383] {strides = array<i32>} : memref<16x128xf32, #tpu.memory_space<vmem>>, vector<16xf32>,
    tpu.vector_store %arg14[%swap3A_382, %swap3A_383], %broadcast_in_dim3A_1 {strides = array<i32>} : memref<16x128xf32, #tpu.memory_space<vmem>>, vector<16xf32>,
    %swap3A_385 = arith.constant 12 : i32
    %swap3A_386 = arith.index_cast %swap3A_385 : i32 to index
    %swap3A_387 = arith.constant 0 : index
    %swap3A_388 = tpu.vector_load %arg14[%swap3A_386, %swap3A_387] {strides = array<i32>} : memref<16x128xf32, #tpu.memory_space<vmem>>, vector<16xf32>,
    tpu.vector_store %arg14[%swap3A_386, %swap3A_387], %broadcast_in_dim3A_1 {strides = array<i32>} : memref<16x128xf32, #tpu.memory_space<vmem>>, vector<16xf32>,
    %swap3A_389 = arith.constant 12 : i32
    %swap3A_390 = arith.index_cast %swap3A_389 : i32 to index
    %swap3A_391 = arith.constant 16 : index
    %swap3A_392 = tpu.vector_load %arg14[%swap3A_390, %swap3A_391] {strides = array<i32>} : memref<16x128xf32, #tpu.memory_space<vmem>>, vector<16xf32>,
    tpu.vector_store %arg14[%swap3A_390, %swap3A_391], %broadcast_in_dim3A_1 {strides = array<i32>} : memref<16x128xf32, #tpu.memory_space<vmem>>, vector<16xf32>,
    %swap3A_393 = arith.constant 12 : i32
    %swap3A_394 = arith.index_cast %swap3A_393 : i32 to index
    %swap3A_395 = arith.constant 32 : index
    %swap3A_396 = tpu.vector_load %arg14[%swap3A_394, %swap3A_395] {strides = array<i32>} : memref<16x128xf32, #tpu.memory_space<vmem>>, vector<16xf32>,
    tpu.vector_store %arg14[%swap3A_394, %swap3A_395], %broadcast_in_dim3A_1 {strides = array<i32>} : memref<16x128xf32, #tpu.memory_space<vmem>>, vector<16xf32>,
    %swap3A_397 = arith.constant 12 : i32
    %swap3A_398 = arith.index_cast %swap3A_397 : i32 to index
    %swap3A_399 = arith.constant 48 : index
    %swap3A_400 = tpu.vector_load %arg14[%swap3A_398, %swap3A_399] {strides = array<i32>} : memref<16x128xf32, #tpu.memory_space<vmem>>, vector<16xf32>,
    tpu.vector_store %arg14[%swap3A_398, %swap3A_399], %broadcast_in_dim3A_1 {strides = array<i32>} : memref<16x128xf32, #tpu.memory_space<vmem>>, vector<16xf32>,
    %swap3A_401 = arith.constant 12 : i32
    %swap3A_402 = arith.index_cast %swap3A_401 : i32 to index
    %swap3A_403 = arith.constant 64 : index
    %swap3A_404 = tpu.vector_load %arg14[%swap3A_402, %swap3A_403] {strides = array<i32>} : memref<16x128xf32, #tpu.memory_space<vmem>>, vector<16xf32>,
    tpu.vector_store %arg14[%swap3A_402, %swap3A_403], %broadcast_in_dim3A_1 {strides = array<i32>} : memref<16x128xf32, #tpu.memory_space<vmem>>, vector<16xf32>,
    %swap3A_405 = arith.constant 12 : i32
    %swap3A_406 = arith.index_cast %swap3A_405 : i32 to index
    %swap3A_407 = arith.constant 80 : index
    %swap3A_408 = tpu.vector_load %arg14[%swap3A_406, %swap3A_407] {strides = array<i32>} : memref<16x128xf32, #tpu.memory_space<vmem>>, vector<16xf32>,
    tpu.vector_store %arg14[%swap3A_406, %swap3A_407], %broadcast_in_dim3A_1 {strides = array<i32>} : memref<16x128xf32, #tpu.memory_space<vmem>>, vector<16xf32>,
    %swap3A_409 = arith.constant 12 : i32
    %swap3A_410 = arith.index_cast %swap3A_409 : i32 to index
    %swap3A_411 = arith.constant 96 : index
    %swap3A_412 = tpu.vector_load %arg14[%swap3A_410, %swap3A_411] {strides = array<i32>} : memref<16x128xf32, #tpu.memory_space<vmem>>, vector<16xf32>,
    tpu.vector_store %arg14[%swap3A_410, %swap3A_411], %broadcast_in_dim3A_1 {strides = array<i32>} : memref<16x128xf32, #tpu.memory_space<vmem>>, vector<16xf32>,
    %swap3A_413 = arith.constant 12 : i32
    %swap3A_414 = arith.index_cast %swap3A_413 : i32 to index
    %swap3A_415 = arith.constant 112 : index
    %swap3A_416 = tpu.vector_load %arg14[%swap3A_414, %swap3A_415] {strides = array<i32>} : memref<16x128xf32, #tpu.memory_space<vmem>>, vector<16xf32>,
    tpu.vector_store %arg14[%swap3A_414, %swap3A_415], %broadcast_in_dim3A_1 {strides = array<i32>} : memref<16x128xf32, #tpu.memory_space<vmem>>, vector<16xf32>,
    %swap3A_417 = arith.constant 13 : i32
    %swap3A_418 = arith.index_cast %swap3A_417 : i32 to index
    %swap3A_419 = arith.constant 0 : index
    %swap3A_420 = tpu.vector_load %arg14[%swap3A_418, %swap3A_419] {strides = array<i32>} : memref<16x128xf32, #tpu.memory_space<vmem>>, vector<16xf32>,
    tpu.vector_store %arg14[%swap3A_418, %swap3A_419], %broadcast_in_dim3A_1 {strides = array<i32>} : memref<16x128xf32, #tpu.memory_space<vmem>>, vector<16xf32>,
    %swap3A_421 = arith.constant 13 : i32
    %swap3A_422 = arith.index_cast %swap3A_421 : i32 to index
    %swap3A_423 = arith.constant 16 : index
    %swap3A_424 = tpu.vector_load %arg14[%swap3A_422, %swap3A_423] {strides = array<i32>} : memref<16x128xf32, #tpu.memory_space<vmem>>, vector<16xf32>,
    tpu.vector_store %arg14[%swap3A_422, %swap3A_423], %broadcast_in_dim3A_1 {strides = array<i32>} : memref<16x128xf32, #tpu.memory_space<vmem>>, vector<16xf32>,
    %swap3A_425 = arith.constant 13 : i32
    %swap3A_426 = arith.index_cast %swap3A_425 : i32 to index
    %swap3A_427 = arith.constant 32 : index
    %swap3A_428 = tpu.vector_load %arg14[%swap3A_426, %swap3A_427] {strides = array<i32>} : memref<16x128xf32, #tpu.memory_space<vmem>>, vector<16xf32>,
    tpu.vector_store %arg14[%swap3A_426, %swap3A_427], %broadcast_in_dim3A_1 {strides = array<i32>} : memref<16x128xf32, #tpu.memory_space<vmem>>, vector<16xf32>,
    %swap3A_429 = arith.constant 13 : i32
    %swap3A_430 = arith.index_cast %swap3A_429 : i32 to index
    %swap3A_431 = arith.constant 48 : index
    %swap3A_432 = tpu.vector_load %arg14[%swap3A_430, %swap3A_431] {strides = array<i32>} : memref<16x128xf32, #tpu.memory_space<vmem>>, vector<16xf32>,
    tpu.vector_store %arg14[%swap3A_430, %swap3A_431], %broadcast_in_dim3A_1 {strides = array<i32>} : memref<16x128xf32, #tpu.memory_space<vmem>>, vector<16xf32>,
    %swap3A_433 = arith.constant 13 : i32
    %swap3A_434 = arith.index_cast %swap3A_433 : i32 to index
    %swap3A_435 = arith.constant 64 : index
    %swap3A_436 = tpu.vector_load %arg14[%swap3A_434, %swap3A_435] {strides = array<i32>} : memref<16x128xf32, #tpu.memory_space<vmem>>, vector<16xf32>,
    tpu.vector_store %arg14[%swap3A_434, %swap3A_435], %broadcast_in_dim3A_1 {strides = array<i32>} : memref<16x128xf32, #tpu.memory_space<vmem>>, vector<16xf32>,
    %swap3A_437 = arith.constant 13 : i32
    %swap3A_438 = arith.index_cast %swap3A_437 : i32 to index
    %swap3A_439 = arith.constant 80 : index
    %swap3A_440 = tpu.vector_load %arg14[%swap3A_438, %swap3A_439] {strides = array<i32>} : memref<16x128xf32, #tpu.memory_space<vmem>>, vector<16xf32>,
    tpu.vector_store %arg14[%swap3A_438, %swap3A_439], %broadcast_in_dim3A_1 {strides = array<i32>} : memref<16x128xf32, #tpu.memory_space<vmem>>, vector<16xf32>,
    %swap3A_441 = arith.constant 13 : i32
    %swap3A_442 = arith.index_cast %swap3A_441 : i32 to index
    %swap3A_443 = arith.constant 96 : index
    %swap3A_444 = tpu.vector_load %arg14[%swap3A_442, %swap3A_443] {strides = array<i32>} : memref<16x128xf32, #tpu.memory_space<vmem>>, vector<16xf32>,
    tpu.vector_store %arg14[%swap3A_442, %swap3A_443], %broadcast_in_dim3A_1 {strides = array<i32>} : memref<16x128xf32, #tpu.memory_space<vmem>>, vector<16xf32>,
    %swap3A_445 = arith.constant 13 : i32
    %swap3A_446 = arith.index_cast %swap3A_445 : i32 to index
    %swap3A_447 = arith.constant 112 : index
    %swap3A_448 = tpu.vector_load %arg14[%swap3A_446, %swap3A_447] {strides = array<i32>} : memref<16x128xf32, #tpu.memory_space<vmem>>, vector<16xf32>,
    tpu.vector_store %arg14[%swap3A_446, %swap3A_447], %broadcast_in_dim3A_1 {strides = array<i32>} : memref<16x128xf32, #tpu.memory_space<vmem>>, vector<16xf32>,
    %swap3A_449 = arith.constant 14 : i32
    %swap3A_450 = arith.index_cast %swap3A_449 : i32 to index
    %swap3A_451 = arith.constant 0 : index
    %swap3A_452 = tpu.vector_load %arg14[%swap3A_450, %swap3A_451] {strides = array<i32>} : memref<16x128xf32, #tpu.memory_space<vmem>>, vector<16xf32>,
    tpu.vector_store %arg14[%swap3A_450, %swap3A_451], %broadcast_in_dim3A_1 {strides = array<i32>} : memref<16x128xf32, #tpu.memory_space<vmem>>, vector<16xf32>,
    %swap3A_453 = arith.constant 14 : i32
    %swap3A_454 = arith.index_cast %swap3A_453 : i32 to index
    %swap3A_455 = arith.constant 16 : index
    %swap3A_456 = tpu.vector_load %arg14[%swap3A_454, %swap3A_455] {strides = array<i32>} : memref<16x128xf32, #tpu.memory_space<vmem>>, vector<16xf32>,
    tpu.vector_store %arg14[%swap3A_454, %swap3A_455], %broadcast_in_dim3A_1 {strides = array<i32>} : memref<16x128xf32, #tpu.memory_space<vmem>>, vector<16xf32>,
    %swap3A_457 = arith.constant 14 : i32
    %swap3A_458 = arith.index_cast %swap3A_457 : i32 to index
    %swap3A_459 = arith.constant 32 : index
    %swap3A_460 = tpu.vector_load %arg14[%swap3A_458, %swap3A_459] {strides = array<i32>} : memref<16x128xf32, #tpu.memory_space<vmem>>, vector<16xf32>,
    tpu.vector_store %arg14[%swap3A_458, %swap3A_459], %broadcast_in_dim3A_1 {strides = array<i32>} : memref<16x128xf32, #tpu.memory_space<vmem>>, vector<16xf32>,
    %swap3A_461 = arith.constant 14 : i32
    %swap3A_462 = arith.index_cast %swap3A_461 : i32 to index
    %swap3A_463 = arith.constant 48 : index
    %swap3A_464 = tpu.vector_load %arg14[%swap3A_462, %swap3A_463] {strides = array<i32>} : memref<16x128xf32, #tpu.memory_space<vmem>>, vector<16xf32>,
    tpu.vector_store %arg14[%swap3A_462, %swap3A_463], %broadcast_in_dim3A_1 {strides = array<i32>} : memref<16x128xf32, #tpu.memory_space<vmem>>, vector<16xf32>,
    %swap3A_465 = arith.constant 14 : i32
    %swap3A_466 = arith.index_cast %swap3A_465 : i32 to index
    %swap3A_467 = arith.constant 64 : index
    %swap3A_468 = tpu.vector_load %arg14[%swap3A_466, %swap3A_467] {strides = array<i32>} : memref<16x128xf32, #tpu.memory_space<vmem>>, vector<16xf32>,
    tpu.vector_store %arg14[%swap3A_466, %swap3A_467], %broadcast_in_dim3A_1 {strides = array<i32>} : memref<16x128xf32, #tpu.memory_space<vmem>>, vector<16xf32>,
    %swap3A_469 = arith.constant 14 : i32
    %swap3A_470 = arith.index_cast %swap3A_469 : i32 to index
    %swap3A_471 = arith.constant 80 : index
    %swap3A_472 = tpu.vector_load %arg14[%swap3A_470, %swap3A_471] {strides = array<i32>} : memref<16x128xf32, #tpu.memory_space<vmem>>, vector<16xf32>,
    tpu.vector_store %arg14[%swap3A_470, %swap3A_471], %broadcast_in_dim3A_1 {strides = array<i32>} : memref<16x128xf32, #tpu.memory_space<vmem>>, vector<16xf32>,
    %swap3A_473 = arith.constant 14 : i32
    %swap3A_474 = arith.index_cast %swap3A_473 : i32 to index
    %swap3A_475 = arith.constant 96 : index
    %swap3A_476 = tpu.vector_load %arg14[%swap3A_474, %swap3A_475] {strides = array<i32>} : memref<16x128xf32, #tpu.memory_space<vmem>>, vector<16xf32>,
    tpu.vector_store %arg14[%swap3A_474, %swap3A_475], %broadcast_in_dim3A_1 {strides = array<i32>} : memref<16x128xf32, #tpu.memory_space<vmem>>, vector<16xf32>,
    %swap3A_477 = arith.constant 14 : i32
    %swap3A_478 = arith.index_cast %swap3A_477 : i32 to index
    %swap3A_479 = arith.constant 112 : index
    %swap3A_480 = tpu.vector_load %arg14[%swap3A_478, %swap3A_479] {strides = array<i32>} : memref<16x128xf32, #tpu.memory_space<vmem>>, vector<16xf32>,
    tpu.vector_store %arg14[%swap3A_478, %swap3A_479], %broadcast_in_dim3A_1 {strides = array<i32>} : memref<16x128xf32, #tpu.memory_space<vmem>>, vector<16xf32>,
    %swap3A_481 = arith.constant 15 : i32
    %swap3A_482 = arith.index_cast %swap3A_481 : i32 to index
    %swap3A_483 = arith.constant 0 : index
    %swap3A_484 = tpu.vector_load %arg14[%swap3A_482, %swap3A_483] {strides = array<i32>} : memref<16x128xf32, #tpu.memory_space<vmem>>, vector<16xf32>,
    tpu.vector_store %arg14[%swap3A_482, %swap3A_483], %broadcast_in_dim3A_1 {strides = array<i32>} : memref<16x128xf32, #tpu.memory_space<vmem>>, vector<16xf32>,
    %swap3A_485 = arith.constant 15 : i32
    %swap3A_486 = arith.index_cast %swap3A_485 : i32 to index
    %swap3A_487 = arith.constant 16 : index
    %swap3A_488 = tpu.vector_load %arg14[%swap3A_486, %swap3A_487] {strides = array<i32>} : memref<16x128xf32, #tpu.memory_space<vmem>>, vector<16xf32>,
    tpu.vector_store %arg14[%swap3A_486, %swap3A_487], %broadcast_in_dim3A_1 {strides = array<i32>} : memref<16x128xf32, #tpu.memory_space<vmem>>, vector<16xf32>,
    %swap3A_489 = arith.constant 15 : i32
    %swap3A_490 = arith.index_cast %swap3A_489 : i32 to index
    %swap3A_491 = arith.constant 32 : index
    %swap3A_492 = tpu.vector_load %arg14[%swap3A_490, %swap3A_491] {strides = array<i32>} : memref<16x128xf32, #tpu.memory_space<vmem>>, vector<16xf32>,
    tpu.vector_store %arg14[%swap3A_490, %swap3A_491], %broadcast_in_dim3A_1 {strides = array<i32>} : memref<16x128xf32, #tpu.memory_space<vmem>>, vector<16xf32>,
    %swap3A_493 = arith.constant 15 : i32
    %swap3A_494 = arith.index_cast %swap3A_493 : i32 to index
    %swap3A_495 = arith.constant 48 : index
    %swap3A_496 = tpu.vector_load %arg14[%swap3A_494, %swap3A_495] {strides = array<i32>} : memref<16x128xf32, #tpu.memory_space<vmem>>, vector<16xf32>,
    tpu.vector_store %arg14[%swap3A_494, %swap3A_495], %broadcast_in_dim3A_1 {strides = array<i32>} : memref<16x128xf32, #tpu.memory_space<vmem>>, vector<16xf32>,
    %swap3A_497 = arith.constant 15 : i32
    %swap3A_498 = arith.index_cast %swap3A_497 : i32 to index
    %swap3A_499 = arith.constant 64 : index
    %swap3A_500 = tpu.vector_load %arg14[%swap3A_498, %swap3A_499] {strides = array<i32>} : memref<16x128xf32, #tpu.memory_space<vmem>>, vector<16xf32>,
    tpu.vector_store %arg14[%swap3A_498, %swap3A_499], %broadcast_in_dim3A_1 {strides = array<i32>} : memref<16x128xf32, #tpu.memory_space<vmem>>, vector<16xf32>,
    %swap3A_501 = arith.constant 15 : i32
    %swap3A_502 = arith.index_cast %swap3A_501 : i32 to index
    %swap3A_503 = arith.constant 80 : index
    %swap3A_504 = tpu.vector_load %arg14[%swap3A_502, %swap3A_503] {strides = array<i32>} : memref<16x128xf32, #tpu.memory_space<vmem>>, vector<16xf32>,
    tpu.vector_store %arg14[%swap3A_502, %swap3A_503], %broadcast_in_dim3A_1 {strides = array<i32>} : memref<16x128xf32, #tpu.memory_space<vmem>>, vector<16xf32>,
    %swap3A_505 = arith.constant 15 : i32
    %swap3A_506 = arith.index_cast %swap3A_505 : i32 to index
    %swap3A_507 = arith.constant 96 : index
    %swap3A_508 = tpu.vector_load %arg14[%swap3A_506, %swap3A_507] {strides = array<i32>} : memref<16x128xf32, #tpu.memory_space<vmem>>, vector<16xf32>,
    tpu.vector_store %arg14[%swap3A_506, %swap3A_507], %broadcast_in_dim3A_1 {strides = array<i32>} : memref<16x128xf32, #tpu.memory_space<vmem>>, vector<16xf32>,
    %swap3A_509 = arith.constant 15 : i32
    %swap3A_510 = arith.index_cast %swap3A_509 : i32 to index
    %swap3A_511 = arith.constant 112 : index
    %swap3A_512 = tpu.vector_load %arg14[%swap3A_510, %swap3A_511] {strides = array<i32>} : memref<16x128xf32, #tpu.memory_space<vmem>>, vector<16xf32>,
    tpu.vector_store %arg14[%swap3A_510, %swap3A_511], %broadcast_in_dim3A_1 {strides = array<i32>} : memref<16x128xf32, #tpu.memory_space<vmem>>, vector<16xf32>,
    %scan3A = arith.constant 0 : i32
    %scan3A_513 = arith.constant 40 : i32
    %scan3A_514 = arith.addi %scan3A, %scan3A_513 : i32
    %scan3A_515 = arith.constant 1 : i32
    scf.for %scan3A_579 = %scan3A to %scan3A_514 step %scan3A_515  : i32 {
      %mul3A_580 = arith.constant 640 : i32
      %mul3A_581 = arith.muli %arg1, %mul3A_580 : i32
      %mul3A_582 = arith.constant 16 : i32
      %mul3A_583 = arith.muli %scan3A_579, %mul3A_582 : i32
      %add3A_584 = arith.addi %mul3A_581, %mul3A_583 : i32
      "tpu.region"() ({
        %run_scoped3A = tpu.sem_alloc : memref<!tpu.dma_semaphore, #tpu.memory_space<semaphore_mem>>
        %dma_start3A_585 = arith.constant 0 : i32
        %dma_start3A_586 = tpu.memref_slice %arg15[%add3A_584, %dma_start3A_585] : memref<10240x128xf32, #tpu.memory_space<vmem_shared>> -> memref<16x128xf32, #tpu.memory_space<vmem_shared>>
        %dma_start3A_587 = arith.constant 0 : i32
        %dma_start3A_588 = tpu.memref_slice %arg15[%add3A_584, %dma_start3A_587] : memref<10240x128xf32, #tpu.memory_space<vmem_shared>> -> memref<16x128xf32, #tpu.memory_space<vmem_shared>>
        tpu.enqueue_dma source(%arg14 : memref<16x128xf32, #tpu.memory_space<vmem>>) target(%dma_start3A_588 : memref<16x128xf32, #tpu.memory_space<vmem_shared>>) target_semaphore(%run_scoped3A : memref<!tpu.dma_semaphore, #tpu.memory_space<semaphore_mem>>)
        %dma_wait3A_589 = arith.constant 0 : i32
        %dma_wait3A_590 = tpu.memref_slice %arg15[%add3A_584, %dma_wait3A_589] : memref<10240x128xf32, #tpu.memory_space<vmem_shared>> -> memref<16x128xf32, #tpu.memory_space<vmem_shared>>
        %dma_wait3A_591 = arith.constant 0 : i32
        %dma_wait3A_592 = tpu.memref_slice %arg15[%add3A_584, %dma_wait3A_591] : memref<10240x128xf32, #tpu.memory_space<vmem_shared>> -> memref<16x128xf32, #tpu.memory_space<vmem_shared>>
        tpu.wait_dma2 semaphore(%run_scoped3A : memref<!tpu.dma_semaphore, #tpu.memory_space<semaphore_mem>>) src(%arg14 : memref<16x128xf32, #tpu.memory_space<vmem>>) dst(%dma_wait3A_592 : memref<16x128xf32, #tpu.memory_space<vmem_shared>>)
        tpu.yield
      }) : () -> ()
    }
    %scan3A_516 = arith.constant 40 : i32
    %barrier3A = arith.constant 0 : index
    tpu.barrier barrier_id(%barrier3A)
    %iota3A = tpu.iota {dimensions = array<i32: 0>} : vector<16xi32>
    %mul3A_517 = arith.constant 39 : i32
    %mul3A_518 = arith.muli %add3A, %mul3A_517 : i32
    %add3A_519 = arith.constant 0 : i32
    %add3A_520 = arith.addi %mul3A_518, %add3A_519 : i32
    %mul3A_521 = arith.constant 128 : i32
    %mul3A_522 = arith.muli %add3A_520, %mul3A_521 : i32
    "tpu.region"() ({
      %run_scoped3A = tpu.sem_alloc : memref<!tpu.dma_semaphore, #tpu.memory_space<semaphore_mem>>
      %dma_start3A_579 = tpu.memref_slice %arg3[%mul3A_522] : memref<160000xi32, #tpu.memory_space<hbm>> -> memref<128xi32, #tpu.memory_space<hbm>>
      %dma_start3A_580 = tpu.memref_slice %arg3[%mul3A_522] : memref<160000xi32, #tpu.memory_space<hbm>> -> memref<128xi32, #tpu.memory_space<hbm>>
      tpu.enqueue_dma source(%dma_start3A_580 : memref<128xi32, #tpu.memory_space<hbm>>) target(%arg7 : memref<128xi32, #tpu.memory_space<vmem>>) target_semaphore(%run_scoped3A : memref<!tpu.dma_semaphore, #tpu.memory_space<semaphore_mem>>)
      %dma_wait3A_581 = tpu.memref_slice %arg3[%mul3A_522] : memref<160000xi32, #tpu.memory_space<hbm>> -> memref<128xi32, #tpu.memory_space<hbm>>
      %dma_wait3A_582 = tpu.memref_slice %arg3[%mul3A_522] : memref<160000xi32, #tpu.memory_space<hbm>> -> memref<128xi32, #tpu.memory_space<hbm>>
      tpu.wait_dma2 semaphore(%run_scoped3A : memref<!tpu.dma_semaphore, #tpu.memory_space<semaphore_mem>>) src(%dma_wait3A_582 : memref<128xi32, #tpu.memory_space<hbm>>) dst(%arg7 : memref<128xi32, #tpu.memory_space<vmem>>)
      tpu.yield
    }) : () -> ()
    %dma_start3A = arith.constant 0 : i32
    %dma_start3A_523 = arith.constant 0 : i32
    %dma_start3A_524 = tpu.memref_slice %arg2[%dma_start3A, %dma_start3A_523] : memref<10240x128xf32, #tpu.memory_space<hbm>> -> memref<10240x128xf32, #tpu.memory_space<hbm>>
    tpu.enqueue_indirect_dma source(%dma_start3A_524 : memref<10240x128xf32, #tpu.memory_space<hbm>>) target(%arg12 : memref<128x128xf32, #tpu.memory_space<vmem>>) offsets(%arg7 : memref<128xi32, #tpu.memory_space<vmem>>) semaphore(%arg16 : memref<!tpu.dma_semaphore, #tpu.memory_space<semaphore_mem>>)
    %scan3A_525 = arith.constant 0 : i32
    %scan3A_526 = arith.constant 19 : i32
    %scan3A_527 = arith.addi %scan3A_525, %scan3A_526 : i32
    %scan3A_528 = arith.constant 1 : i32
    scf.for %scan3A_579 = %scan3A_525 to %scan3A_527 step %scan3A_528  : i32 {
      %mul3A_580 = arith.constant 2 : i32
      %mul3A_581 = arith.muli %mul3A_580, %scan3A_579 : i32
      %mul3A_582 = arith.constant 39 : i32
      %mul3A_583 = arith.muli %add3A, %mul3A_582 : i32
      %add3A_584 = arith.addi %mul3A_583, %mul3A_581 : i32
      %mul3A_585 = arith.constant 128 : i32
      %mul3A_586 = arith.muli %add3A_584, %mul3A_585 : i32
      "tpu.region"() ({
        %run_scoped3A = tpu.sem_alloc : memref<!tpu.dma_semaphore, #tpu.memory_space<semaphore_mem>>
        %dma_start3A_652 = tpu.memref_slice %arg4[%mul3A_586] : memref<160000xi32, #tpu.memory_space<hbm>> -> memref<128xi32, #tpu.memory_space<hbm>>
        %dma_start3A_653 = tpu.memref_slice %arg4[%mul3A_586] : memref<160000xi32, #tpu.memory_space<hbm>> -> memref<128xi32, #tpu.memory_space<hbm>>
        tpu.enqueue_dma source(%dma_start3A_653 : memref<128xi32, #tpu.memory_space<hbm>>) target(%arg9 : memref<128xi32, #tpu.memory_space<vmem>>) target_semaphore(%run_scoped3A : memref<!tpu.dma_semaphore, #tpu.memory_space<semaphore_mem>>)
        %dma_wait3A_654 = tpu.memref_slice %arg4[%mul3A_586] : memref<160000xi32, #tpu.memory_space<hbm>> -> memref<128xi32, #tpu.memory_space<hbm>>
        %dma_wait3A_655 = tpu.memref_slice %arg4[%mul3A_586] : memref<160000xi32, #tpu.memory_space<hbm>> -> memref<128xi32, #tpu.memory_space<hbm>>
        tpu.wait_dma2 semaphore(%run_scoped3A : memref<!tpu.dma_semaphore, #tpu.memory_space<semaphore_mem>>) src(%dma_wait3A_655 : memref<128xi32, #tpu.memory_space<hbm>>) dst(%arg9 : memref<128xi32, #tpu.memory_space<vmem>>)
        tpu.yield
      }) : () -> ()
      %mul3A_587 = arith.constant 39 : i32
      %mul3A_588 = arith.muli %add3A, %mul3A_587 : i32
      %add3A_589 = arith.addi %mul3A_588, %mul3A_581 : i32
      %mul3A_590 = arith.constant 128 : i32
      %mul3A_591 = arith.muli %add3A_589, %mul3A_590 : i32
      "tpu.region"() ({
        %run_scoped3A = tpu.sem_alloc : memref<!tpu.dma_semaphore, #tpu.memory_space<semaphore_mem>>
        %dma_start3A_652 = arith.constant 0 : i32
        %dma_start3A_653 = tpu.memref_slice %arg5[%dma_start3A_652, %mul3A_591] : memref<72x160768xf32, #tpu.memory_space<hbm>> -> memref<72x128xf32, #tpu.memory_space<hbm>>
        %dma_start3A_654 = arith.constant 0 : i32
        %dma_start3A_655 = tpu.memref_slice %arg5[%dma_start3A_654, %mul3A_591] : memref<72x160768xf32, #tpu.memory_space<hbm>> -> memref<72x128xf32, #tpu.memory_space<hbm>>
        tpu.enqueue_dma source(%dma_start3A_655 : memref<72x128xf32, #tpu.memory_space<hbm>>) target(%arg11 : memref<72x128xf32, #tpu.memory_space<vmem>>) target_semaphore(%run_scoped3A : memref<!tpu.dma_semaphore, #tpu.memory_space<semaphore_mem>>)
        %dma_wait3A_656 = arith.constant 0 : i32
        %dma_wait3A_657 = tpu.memref_slice %arg5[%dma_wait3A_656, %mul3A_591] : memref<72x160768xf32, #tpu.memory_space<hbm>> -> memref<72x128xf32, #tpu.memory_space<hbm>>
        %dma_wait3A_658 = arith.constant 0 : i32
        %dma_wait3A_659 = tpu.memref_slice %arg5[%dma_wait3A_658, %mul3A_591] : memref<72x160768xf32, #tpu.memory_space<hbm>> -> memref<72x128xf32, #tpu.memory_space<hbm>>
        tpu.wait_dma2 semaphore(%run_scoped3A : memref<!tpu.dma_semaphore, #tpu.memory_space<semaphore_mem>>) src(%dma_wait3A_659 : memref<72x128xf32, #tpu.memory_space<hbm>>) dst(%arg11 : memref<72x128xf32, #tpu.memory_space<vmem>>)
        tpu.yield
      }) : () -> ()
      %dma_wait3A_592 = arith.constant 0 : i32
      %dma_wait3A_593 = arith.constant 0 : i32
      %dma_wait3A_594 = tpu.memref_slice %arg2[%dma_wait3A_592, %dma_wait3A_593] : memref<10240x128xf32, #tpu.memory_space<hbm>> -> memref<10240x128xf32, #tpu.memory_space<hbm>>
      tpu.wait_indirect_dma semaphore(%arg16 : memref<!tpu.dma_semaphore, #tpu.memory_space<semaphore_mem>>) src(%dma_wait3A_594 : memref<10240x128xf32, #tpu.memory_space<hbm>>) dst(%arg12 : memref<128x128xf32, #tpu.memory_space<vmem>>)
      %ge3A_595 = arith.constant 1 : i32
      %ge3A_596 = arith.cmpi sge, %mul3A_581, %ge3A_595 : i32
      %convert_element_type3A_597 = arith.extui %ge3A_596 : i1 to i32
      %cond3A_598 = arith.constant 0 : i32
      %cond3A_599 = arith.cmpi ne, %convert_element_type3A_597, %cond3A_598 : i32
      scf.if %cond3A_599 {
        %dma_wait3A_652 = arith.constant 0 : i32
        %dma_wait3A_653 = arith.constant 0 : i32
        %dma_wait3A_654 = tpu.memref_slice %arg15[%dma_wait3A_652, %dma_wait3A_653] : memref<10240x128xf32, #tpu.memory_space<vmem_shared>> -> memref<10240x128xf32, #tpu.memory_space<vmem_shared>>
        tpu.wait_indirect_dma semaphore(%arg19 : memref<!tpu.dma_semaphore, #tpu.memory_space<semaphore_mem>>) src(%arg13 : memref<128x128xf32, #tpu.memory_space<vmem>>) dst(%dma_wait3A_654 : memref<10240x128xf32, #tpu.memory_space<vmem_shared>>)
      } else {
      }
      %add3A_600 = arith.constant 1 : i32
      %add3A_601 = arith.addi %mul3A_581, %add3A_600 : i32
      %lt3A_602 = arith.constant 39 : i32
      %lt3A_603 = arith.cmpi slt, %add3A_601, %lt3A_602 : i32
      %convert_element_type3A_604 = arith.extui %lt3A_603 : i1 to i32
      %cond3A_605 = arith.constant 0 : i32
      %cond3A_606 = arith.cmpi ne, %convert_element_type3A_604, %cond3A_605 : i32
      scf.if %cond3A_606 {
        %add3A_652 = arith.constant 1 : i32
        %add3A_653 = arith.addi %mul3A_581, %add3A_652 : i32
        %mul3A_654 = arith.constant 39 : i32
        %mul3A_655 = arith.muli %add3A, %mul3A_654 : i32
        %add3A_656 = arith.addi %mul3A_655, %add3A_653 : i32
        %mul3A_657 = arith.constant 128 : i32
        %mul3A_658 = arith.muli %add3A_656, %mul3A_657 : i32
        "tpu.region"() ({
          %run_scoped3A = tpu.sem_alloc : memref<!tpu.dma_semaphore, #tpu.memory_space<semaphore_mem>>
          %dma_start3A_662 = tpu.memref_slice %arg3[%mul3A_658] : memref<160000xi32, #tpu.memory_space<hbm>> -> memref<128xi32, #tpu.memory_space<hbm>>
          %dma_start3A_663 = tpu.memref_slice %arg3[%mul3A_658] : memref<160000xi32, #tpu.memory_space<hbm>> -> memref<128xi32, #tpu.memory_space<hbm>>
          tpu.enqueue_dma source(%dma_start3A_663 : memref<128xi32, #tpu.memory_space<hbm>>) target(%arg8 : memref<128xi32, #tpu.memory_space<vmem>>) target_semaphore(%run_scoped3A : memref<!tpu.dma_semaphore, #tpu.memory_space<semaphore_mem>>)
          %dma_wait3A_664 = tpu.memref_slice %arg3[%mul3A_658] : memref<160000xi32, #tpu.memory_space<hbm>> -> memref<128xi32, #tpu.memory_space<hbm>>
          %dma_wait3A_665 = tpu.memref_slice %arg3[%mul3A_658] : memref<160000xi32, #tpu.memory_space<hbm>> -> memref<128xi32, #tpu.memory_space<hbm>>
          tpu.wait_dma2 semaphore(%run_scoped3A : memref<!tpu.dma_semaphore, #tpu.memory_space<semaphore_mem>>) src(%dma_wait3A_665 : memref<128xi32, #tpu.memory_space<hbm>>) dst(%arg8 : memref<128xi32, #tpu.memory_space<vmem>>)
          tpu.yield
        }) : () -> ()
        %dma_start3A_659 = arith.constant 0 : i32
        %dma_start3A_660 = arith.constant 0 : i32
        %dma_start3A_661 = tpu.memref_slice %arg2[%dma_start3A_659, %dma_start3A_660] : memref<10240x128xf32, #tpu.memory_space<hbm>> -> memref<10240x128xf32, #tpu.memory_space<hbm>>
        tpu.enqueue_indirect_dma source(%dma_start3A_661 : memref<10240x128xf32, #tpu.memory_space<hbm>>) target(%arg13 : memref<128x128xf32, #tpu.memory_space<vmem>>) offsets(%arg8 : memref<128xi32, #tpu.memory_space<vmem>>) semaphore(%arg17 : memref<!tpu.dma_semaphore, #tpu.memory_space<semaphore_mem>>)
      } else {
      }
      %scan3A_607 = arith.constant 0 : i32
      %scan3A_608 = arith.constant 128 : i32
      %scan3A_609 = arith.addi %scan3A_607, %scan3A_608 : i32
      %scan3A_610 = arith.constant 1 : i32
      scf.for %scan3A_652 = %scan3A_607 to %scan3A_609 step %scan3A_610  : i32 {
        %broadcast_in_dim3A_653 = vector.broadcast %scan3A_652 : i32 to vector<16xi32>
        %gather3A = tpu.vector_load_idx %arg11[%iota3A, %broadcast_in_dim3A_653] : memref<72x128xf32, #tpu.memory_space<vmem>>[vector<16xi32>, vector<16xi32>], vector<16xf32>,
        %add3A_654 = arith.constant 16 : i32
        %add3A_655 = vector.broadcast %add3A_654 : i32 to vector<16xi32>
        %add3A_656 = arith.addi %iota3A, %add3A_655 : vector<16xi32>
        %gather3A_657 = tpu.vector_load_idx %arg11[%add3A_656, %broadcast_in_dim3A_653] : memref<72x128xf32, #tpu.memory_space<vmem>>[vector<16xi32>, vector<16xi32>], vector<16xf32>,
        %add3A_658 = arith.constant 32 : i32
        %add3A_659 = vector.broadcast %add3A_658 : i32 to vector<16xi32>
        %add3A_660 = arith.addi %iota3A, %add3A_659 : vector<16xi32>
        %gather3A_661 = tpu.vector_load_idx %arg11[%add3A_660, %broadcast_in_dim3A_653] : memref<72x128xf32, #tpu.memory_space<vmem>>[vector<16xi32>, vector<16xi32>], vector<16xf32>,
        %add3A_662 = arith.constant 48 : i32
        %add3A_663 = vector.broadcast %add3A_662 : i32 to vector<16xi32>
        %add3A_664 = arith.addi %iota3A, %add3A_663 : vector<16xi32>
        %gather3A_665 = tpu.vector_load_idx %arg11[%add3A_664, %broadcast_in_dim3A_653] : memref<72x128xf32, #tpu.memory_space<vmem>>[vector<16xi32>, vector<16xi32>], vector<16xf32>,
        %add3A_666 = arith.constant 64 : i32
        %add3A_667 = vector.broadcast %add3A_666 : i32 to vector<16xi32>
        %add3A_668 = arith.addi %iota3A, %add3A_667 : vector<16xi32>
        %gather3A_669 = tpu.vector_load_idx %arg11[%add3A_668, %broadcast_in_dim3A_653] : memref<72x128xf32, #tpu.memory_space<vmem>>[vector<16xi32>, vector<16xi32>], vector<16xf32>,
        %get3A = arith.index_cast %scan3A_652 : i32 to index
        %get3A_670 = arith.constant 0 : index
        %get3A_671 = tpu.vector_load %arg12[%get3A, %get3A_670] {strides = array<i32>} : memref<128x128xf32, #tpu.memory_space<vmem>>, vector<16xf32>,
        %get3A_672 = arith.index_cast %scan3A_652 : i32 to index
        %get3A_673 = arith.constant 16 : index
        %get3A_674 = tpu.vector_load %arg12[%get3A_672, %get3A_673] {strides = array<i32>} : memref<128x128xf32, #tpu.memory_space<vmem>>, vector<16xf32>,
        %mul3A_675 = arith.mulf %get3A_671, %gather3A : vector<16xf32>
        %slice3A = vector.extract_strided_slice %gather3A_669 {offsets = [0], sizes = [1], strides = [1]} : vector<16xf32> to vector<1xf32>
        %squeeze3A = vector.extract %slice3A[0] : f32 from vector<1xf32>
        %mul3A_676 = vector.broadcast %squeeze3A : f32 to vector<16xf32>
        %mul3A_677 = arith.mulf %mul3A_676, %gather3A_661 : vector<16xf32>
        %add3A_678 = arith.addf %mul3A_675, %mul3A_677 : vector<16xf32>
        %swap3A_679 = arith.index_cast %scan3A_652 : i32 to index
        %swap3A_680 = arith.constant 0 : index
        %swap3A_681 = tpu.vector_load %arg12[%swap3A_679, %swap3A_680] {strides = array<i32>} : memref<128x128xf32, #tpu.memory_space<vmem>>, vector<16xf32>,
        tpu.vector_store %arg12[%swap3A_679, %swap3A_680], %add3A_678 {strides = array<i32>} : memref<128x128xf32, #tpu.memory_space<vmem>>, vector<16xf32>,
        %mul3A_682 = arith.mulf %get3A_674, %gather3A_657 : vector<16xf32>
        %slice3A_683 = vector.extract_strided_slice %gather3A_669 {offsets = [0], sizes = [1], strides = [1]} : vector<16xf32> to vector<1xf32>
        %squeeze3A_684 = vector.extract %slice3A_683[0] : f32 from vector<1xf32>
        %mul3A_685 = vector.broadcast %squeeze3A_684 : f32 to vector<16xf32>
        %mul3A_686 = arith.mulf %mul3A_685, %gather3A_665 : vector<16xf32>
        %add3A_687 = arith.addf %mul3A_682, %mul3A_686 : vector<16xf32>
        %swap3A_688 = arith.index_cast %scan3A_652 : i32 to index
        %swap3A_689 = arith.constant 16 : index
        %swap3A_690 = tpu.vector_load %arg12[%swap3A_688, %swap3A_689] {strides = array<i32>} : memref<128x128xf32, #tpu.memory_space<vmem>>, vector<16xf32>,
        tpu.vector_store %arg12[%swap3A_688, %swap3A_689], %add3A_687 {strides = array<i32>} : memref<128x128xf32, #tpu.memory_space<vmem>>, vector<16xf32>,
        %get3A_691 = arith.index_cast %scan3A_652 : i32 to index
        %get3A_692 = arith.constant 32 : index
        %get3A_693 = tpu.vector_load %arg12[%get3A_691, %get3A_692] {strides = array<i32>} : memref<128x128xf32, #tpu.memory_space<vmem>>, vector<16xf32>,
        %get3A_694 = arith.index_cast %scan3A_652 : i32 to index
        %get3A_695 = arith.constant 48 : index
        %get3A_696 = tpu.vector_load %arg12[%get3A_694, %get3A_695] {strides = array<i32>} : memref<128x128xf32, #tpu.memory_space<vmem>>, vector<16xf32>,
        %mul3A_697 = arith.mulf %get3A_693, %gather3A : vector<16xf32>
        %slice3A_698 = vector.extract_strided_slice %gather3A_669 {offsets = [1], sizes = [1], strides = [1]} : vector<16xf32> to vector<1xf32>
        %squeeze3A_699 = vector.extract %slice3A_698[0] : f32 from vector<1xf32>
        %mul3A_700 = vector.broadcast %squeeze3A_699 : f32 to vector<16xf32>
        %mul3A_701 = arith.mulf %mul3A_700, %gather3A_661 : vector<16xf32>
        %add3A_702 = arith.addf %mul3A_697, %mul3A_701 : vector<16xf32>
        %swap3A_703 = arith.index_cast %scan3A_652 : i32 to index
        %swap3A_704 = arith.constant 32 : index
        %swap3A_705 = tpu.vector_load %arg12[%swap3A_703, %swap3A_704] {strides = array<i32>} : memref<128x128xf32, #tpu.memory_space<vmem>>, vector<16xf32>,
        tpu.vector_store %arg12[%swap3A_703, %swap3A_704], %add3A_702 {strides = array<i32>} : memref<128x128xf32, #tpu.memory_space<vmem>>, vector<16xf32>,
        %mul3A_706 = arith.mulf %get3A_696, %gather3A_657 : vector<16xf32>
        %slice3A_707 = vector.extract_strided_slice %gather3A_669 {offsets = [1], sizes = [1], strides = [1]} : vector<16xf32> to vector<1xf32>
        %squeeze3A_708 = vector.extract %slice3A_707[0] : f32 from vector<1xf32>
        %mul3A_709 = vector.broadcast %squeeze3A_708 : f32 to vector<16xf32>
        %mul3A_710 = arith.mulf %mul3A_709, %gather3A_665 : vector<16xf32>
        %add3A_711 = arith.addf %mul3A_706, %mul3A_710 : vector<16xf32>
        %swap3A_712 = arith.index_cast %scan3A_652 : i32 to index
        %swap3A_713 = arith.constant 48 : index
        %swap3A_714 = tpu.vector_load %arg12[%swap3A_712, %swap3A_713] {strides = array<i32>} : memref<128x128xf32, #tpu.memory_space<vmem>>, vector<16xf32>,
        tpu.vector_store %arg12[%swap3A_712, %swap3A_713], %add3A_711 {strides = array<i32>} : memref<128x128xf32, #tpu.memory_space<vmem>>, vector<16xf32>,
        %get3A_715 = arith.index_cast %scan3A_652 : i32 to index
        %get3A_716 = arith.constant 64 : index
        %get3A_717 = tpu.vector_load %arg12[%get3A_715, %get3A_716] {strides = array<i32>} : memref<128x128xf32, #tpu.memory_space<vmem>>, vector<16xf32>,
        %get3A_718 = arith.index_cast %scan3A_652 : i32 to index
        %get3A_719 = arith.constant 80 : index
        %get3A_720 = tpu.vector_load %arg12[%get3A_718, %get3A_719] {strides = array<i32>} : memref<128x128xf32, #tpu.memory_space<vmem>>, vector<16xf32>,
        %mul3A_721 = arith.mulf %get3A_717, %gather3A : vector<16xf32>
        %slice3A_722 = vector.extract_strided_slice %gather3A_669 {offsets = [2], sizes = [1], strides = [1]} : vector<16xf32> to vector<1xf32>
        %squeeze3A_723 = vector.extract %slice3A_722[0] : f32 from vector<1xf32>
        %mul3A_724 = vector.broadcast %squeeze3A_723 : f32 to vector<16xf32>
        %mul3A_725 = arith.mulf %mul3A_724, %gather3A_661 : vector<16xf32>
        %add3A_726 = arith.addf %mul3A_721, %mul3A_725 : vector<16xf32>
        %swap3A_727 = arith.index_cast %scan3A_652 : i32 to index
        %swap3A_728 = arith.constant 64 : index
        %swap3A_729 = tpu.vector_load %arg12[%swap3A_727, %swap3A_728] {strides = array<i32>} : memref<128x128xf32, #tpu.memory_space<vmem>>, vector<16xf32>,
        tpu.vector_store %arg12[%swap3A_727, %swap3A_728], %add3A_726 {strides = array<i32>} : memref<128x128xf32, #tpu.memory_space<vmem>>, vector<16xf32>,
        %mul3A_730 = arith.mulf %get3A_720, %gather3A_657 : vector<16xf32>
        %slice3A_731 = vector.extract_strided_slice %gather3A_669 {offsets = [2], sizes = [1], strides = [1]} : vector<16xf32> to vector<1xf32>
        %squeeze3A_732 = vector.extract %slice3A_731[0] : f32 from vector<1xf32>
        %mul3A_733 = vector.broadcast %squeeze3A_732 : f32 to vector<16xf32>
        %mul3A_734 = arith.mulf %mul3A_733, %gather3A_665 : vector<16xf32>
        %add3A_735 = arith.addf %mul3A_730, %mul3A_734 : vector<16xf32>
        %swap3A_736 = arith.index_cast %scan3A_652 : i32 to index
        %swap3A_737 = arith.constant 80 : index
        %swap3A_738 = tpu.vector_load %arg12[%swap3A_736, %swap3A_737] {strides = array<i32>} : memref<128x128xf32, #tpu.memory_space<vmem>>, vector<16xf32>,
        tpu.vector_store %arg12[%swap3A_736, %swap3A_737], %add3A_735 {strides = array<i32>} : memref<128x128xf32, #tpu.memory_space<vmem>>, vector<16xf32>,
      }
      %scan3A_611 = arith.constant 128 : i32
      %dma_start3A_612 = arith.constant 0 : i32
      %dma_start3A_613 = arith.constant 0 : i32
      %dma_start3A_614 = tpu.memref_slice %arg15[%dma_start3A_612, %dma_start3A_613] : memref<10240x128xf32, #tpu.memory_space<vmem_shared>> -> memref<10240x128xf32, #tpu.memory_space<vmem_shared>>
      tpu.enqueue_indirect_dma source(%arg12 : memref<128x128xf32, #tpu.memory_space<vmem>>) target(%dma_start3A_614 : memref<10240x128xf32, #tpu.memory_space<vmem_shared>>) offsets(%arg9 : memref<128xi32, #tpu.memory_space<vmem>>) semaphore(%arg18 : memref<!tpu.dma_semaphore, #tpu.memory_space<semaphore_mem>>) {add = true}
      %mul3A_615 = arith.constant 2 : i32
      %mul3A_616 = arith.muli %mul3A_615, %scan3A_579 : i32
      %add3A_617 = arith.constant 1 : i32
      %add3A_618 = arith.addi %mul3A_616, %add3A_617 : i32
      %mul3A_619 = arith.constant 39 : i32
      %mul3A_620 = arith.muli %add3A, %mul3A_619 : i32
      %add3A_621 = arith.addi %mul3A_620, %add3A_618 : i32
      %mul3A_622 = arith.constant 128 : i32
      %mul3A_623 = arith.muli %add3A_621, %mul3A_622 : i32
      "tpu.region"() ({
        %run_scoped3A = tpu.sem_alloc : memref<!tpu.dma_semaphore, #tpu.memory_space<semaphore_mem>>
        %dma_start3A_652 = tpu.memref_slice %arg4[%mul3A_623] : memref<160000xi32, #tpu.memory_space<hbm>> -> memref<128xi32, #tpu.memory_space<hbm>>
        %dma_start3A_653 = tpu.memref_slice %arg4[%mul3A_623] : memref<160000xi32, #tpu.memory_space<hbm>> -> memref<128xi32, #tpu.memory_space<hbm>>
        tpu.enqueue_dma source(%dma_start3A_653 : memref<128xi32, #tpu.memory_space<hbm>>) target(%arg10 : memref<128xi32, #tpu.memory_space<vmem>>) target_semaphore(%run_scoped3A : memref<!tpu.dma_semaphore, #tpu.memory_space<semaphore_mem>>)
        %dma_wait3A_654 = tpu.memref_slice %arg4[%mul3A_623] : memref<160000xi32, #tpu.memory_space<hbm>> -> memref<128xi32, #tpu.memory_space<hbm>>
        %dma_wait3A_655 = tpu.memref_slice %arg4[%mul3A_623] : memref<160000xi32, #tpu.memory_space<hbm>> -> memref<128xi32, #tpu.memory_space<hbm>>
        tpu.wait_dma2 semaphore(%run_scoped3A : memref<!tpu.dma_semaphore, #tpu.memory_space<semaphore_mem>>) src(%dma_wait3A_655 : memref<128xi32, #tpu.memory_space<hbm>>) dst(%arg10 : memref<128xi32, #tpu.memory_space<vmem>>)
        tpu.yield
      }) : () -> ()
      %mul3A_624 = arith.constant 39 : i32
      %mul3A_625 = arith.muli %add3A, %mul3A_624 : i32
      %add3A_626 = arith.addi %mul3A_625, %add3A_618 : i32
      %mul3A_627 = arith.constant 128 : i32
      %mul3A_628 = arith.muli %add3A_626, %mul3A_627 : i32
      "tpu.region"() ({
        %run_scoped3A = tpu.sem_alloc : memref<!tpu.dma_semaphore, #tpu.memory_space<semaphore_mem>>
        %dma_start3A_652 = arith.constant 0 : i32
        %dma_start3A_653 = tpu.memref_slice %arg5[%dma_start3A_652, %mul3A_628] : memref<72x160768xf32, #tpu.memory_space<hbm>> -> memref<72x128xf32, #tpu.memory_space<hbm>>
        %dma_start3A_654 = arith.constant 0 : i32
        %dma_start3A_655 = tpu.memref_slice %arg5[%dma_start3A_654, %mul3A_628] : memref<72x160768xf32, #tpu.memory_space<hbm>> -> memref<72x128xf32, #tpu.memory_space<hbm>>
        tpu.enqueue_dma source(%dma_start3A_655 : memref<72x128xf32, #tpu.memory_space<hbm>>) target(%arg11 : memref<72x128xf32, #tpu.memory_space<vmem>>) target_semaphore(%run_scoped3A : memref<!tpu.dma_semaphore, #tpu.memory_space<semaphore_mem>>)
        %dma_wait3A_656 = arith.constant 0 : i32
        %dma_wait3A_657 = tpu.memref_slice %arg5[%dma_wait3A_656, %mul3A_628] : memref<72x160768xf32, #tpu.memory_space<hbm>> -> memref<72x128xf32, #tpu.memory_space<hbm>>
        %dma_wait3A_658 = arith.constant 0 : i32
        %dma_wait3A_659 = tpu.memref_slice %arg5[%dma_wait3A_658, %mul3A_628] : memref<72x160768xf32, #tpu.memory_space<hbm>> -> memref<72x128xf32, #tpu.memory_space<hbm>>
        tpu.wait_dma2 semaphore(%run_scoped3A : memref<!tpu.dma_semaphore, #tpu.memory_space<semaphore_mem>>) src(%dma_wait3A_659 : memref<72x128xf32, #tpu.memory_space<hbm>>) dst(%arg11 : memref<72x128xf32, #tpu.memory_space<vmem>>)
        tpu.yield
      }) : () -> ()
      %dma_wait3A_629 = arith.constant 0 : i32
      %dma_wait3A_630 = arith.constant 0 : i32
      %dma_wait3A_631 = tpu.memref_slice %arg2[%dma_wait3A_629, %dma_wait3A_630] : memref<10240x128xf32, #tpu.memory_space<hbm>> -> memref<10240x128xf32, #tpu.memory_space<hbm>>
      tpu.wait_indirect_dma semaphore(%arg17 : memref<!tpu.dma_semaphore, #tpu.memory_space<semaphore_mem>>) src(%dma_wait3A_631 : memref<10240x128xf32, #tpu.memory_space<hbm>>) dst(%arg13 : memref<128x128xf32, #tpu.memory_space<vmem>>)
      %ge3A_632 = arith.constant 1 : i32
      %ge3A_633 = arith.cmpi sge, %add3A_618, %ge3A_632 : i32
      %convert_element_type3A_634 = arith.extui %ge3A_633 : i1 to i32
      %cond3A_635 = arith.constant 0 : i32
      %cond3A_636 = arith.cmpi ne, %convert_element_type3A_634, %cond3A_635 : i32
      scf.if %cond3A_636 {
        %dma_wait3A_652 = arith.constant 0 : i32
        %dma_wait3A_653 = arith.constant 0 : i32
        %dma_wait3A_654 = tpu.memref_slice %arg15[%dma_wait3A_652, %dma_wait3A_653] : memref<10240x128xf32, #tpu.memory_space<vmem_shared>> -> memref<10240x128xf32, #tpu.memory_space<vmem_shared>>
        tpu.wait_indirect_dma semaphore(%arg18 : memref<!tpu.dma_semaphore, #tpu.memory_space<semaphore_mem>>) src(%arg12 : memref<128x128xf32, #tpu.memory_space<vmem>>) dst(%dma_wait3A_654 : memref<10240x128xf32, #tpu.memory_space<vmem_shared>>)
      } else {
      }
      %add3A_637 = arith.constant 1 : i32
      %add3A_638 = arith.addi %add3A_618, %add3A_637 : i32
      %lt3A_639 = arith.constant 39 : i32
      %lt3A_640 = arith.cmpi slt, %add3A_638, %lt3A_639 : i32
      %convert_element_type3A_641 = arith.extui %lt3A_640 : i1 to i32
      %cond3A_642 = arith.constant 0 : i32
      %cond3A_643 = arith.cmpi ne, %convert_element_type3A_641, %cond3A_642 : i32
      scf.if %cond3A_643 {
        %add3A_652 = arith.constant 1 : i32
        %add3A_653 = arith.addi %add3A_618, %add3A_652 : i32
        %mul3A_654 = arith.constant 39 : i32
        %mul3A_655 = arith.muli %add3A, %mul3A_654 : i32
        %add3A_656 = arith.addi %mul3A_655, %add3A_653 : i32
        %mul3A_657 = arith.constant 128 : i32
        %mul3A_658 = arith.muli %add3A_656, %mul3A_657 : i32
        "tpu.region"() ({
          %run_scoped3A = tpu.sem_alloc : memref<!tpu.dma_semaphore, #tpu.memory_space<semaphore_mem>>
          %dma_start3A_662 = tpu.memref_slice %arg3[%mul3A_658] : memref<160000xi32, #tpu.memory_space<hbm>> -> memref<128xi32, #tpu.memory_space<hbm>>
          %dma_start3A_663 = tpu.memref_slice %arg3[%mul3A_658] : memref<160000xi32, #tpu.memory_space<hbm>> -> memref<128xi32, #tpu.memory_space<hbm>>
          tpu.enqueue_dma source(%dma_start3A_663 : memref<128xi32, #tpu.memory_space<hbm>>) target(%arg7 : memref<128xi32, #tpu.memory_space<vmem>>) target_semaphore(%run_scoped3A : memref<!tpu.dma_semaphore, #tpu.memory_space<semaphore_mem>>)
          %dma_wait3A_664 = tpu.memref_slice %arg3[%mul3A_658] : memref<160000xi32, #tpu.memory_space<hbm>> -> memref<128xi32, #tpu.memory_space<hbm>>
          %dma_wait3A_665 = tpu.memref_slice %arg3[%mul3A_658] : memref<160000xi32, #tpu.memory_space<hbm>> -> memref<128xi32, #tpu.memory_space<hbm>>
          tpu.wait_dma2 semaphore(%run_scoped3A : memref<!tpu.dma_semaphore, #tpu.memory_space<semaphore_mem>>) src(%dma_wait3A_665 : memref<128xi32, #tpu.memory_space<hbm>>) dst(%arg7 : memref<128xi32, #tpu.memory_space<vmem>>)
          tpu.yield
        }) : () -> ()
        %dma_start3A_659 = arith.constant 0 : i32
        %dma_start3A_660 = arith.constant 0 : i32
        %dma_start3A_661 = tpu.memref_slice %arg2[%dma_start3A_659, %dma_start3A_660] : memref<10240x128xf32, #tpu.memory_space<hbm>> -> memref<10240x128xf32, #tpu.memory_space<hbm>>
        tpu.enqueue_indirect_dma source(%dma_start3A_661 : memref<10240x128xf32, #tpu.memory_space<hbm>>) target(%arg12 : memref<128x128xf32, #tpu.memory_space<vmem>>) offsets(%arg7 : memref<128xi32, #tpu.memory_space<vmem>>) semaphore(%arg16 : memref<!tpu.dma_semaphore, #tpu.memory_space<semaphore_mem>>)
      } else {
      }
      %scan3A_644 = arith.constant 0 : i32
      %scan3A_645 = arith.constant 128 : i32
      %scan3A_646 = arith.addi %scan3A_644, %scan3A_645 : i32
      %scan3A_647 = arith.constant 1 : i32
      scf.for %scan3A_652 = %scan3A_644 to %scan3A_646 step %scan3A_647  : i32 {
        %broadcast_in_dim3A_653 = vector.broadcast %scan3A_652 : i32 to vector<16xi32>
        %gather3A = tpu.vector_load_idx %arg11[%iota3A, %broadcast_in_dim3A_653] : memref<72x128xf32, #tpu.memory_space<vmem>>[vector<16xi32>, vector<16xi32>], vector<16xf32>,
        %add3A_654 = arith.constant 16 : i32
        %add3A_655 = vector.broadcast %add3A_654 : i32 to vector<16xi32>
        %add3A_656 = arith.addi %iota3A, %add3A_655 : vector<16xi32>
        %gather3A_657 = tpu.vector_load_idx %arg11[%add3A_656, %broadcast_in_dim3A_653] : memref<72x128xf32, #tpu.memory_space<vmem>>[vector<16xi32>, vector<16xi32>], vector<16xf32>,
        %add3A_658 = arith.constant 32 : i32
        %add3A_659 = vector.broadcast %add3A_658 : i32 to vector<16xi32>
        %add3A_660 = arith.addi %iota3A, %add3A_659 : vector<16xi32>
        %gather3A_661 = tpu.vector_load_idx %arg11[%add3A_660, %broadcast_in_dim3A_653] : memref<72x128xf32, #tpu.memory_space<vmem>>[vector<16xi32>, vector<16xi32>], vector<16xf32>,
        %add3A_662 = arith.constant 48 : i32
        %add3A_663 = vector.broadcast %add3A_662 : i32 to vector<16xi32>
        %add3A_664 = arith.addi %iota3A, %add3A_663 : vector<16xi32>
        %gather3A_665 = tpu.vector_load_idx %arg11[%add3A_664, %broadcast_in_dim3A_653] : memref<72x128xf32, #tpu.memory_space<vmem>>[vector<16xi32>, vector<16xi32>], vector<16xf32>,
        %add3A_666 = arith.constant 64 : i32
        %add3A_667 = vector.broadcast %add3A_666 : i32 to vector<16xi32>
        %add3A_668 = arith.addi %iota3A, %add3A_667 : vector<16xi32>
        %gather3A_669 = tpu.vector_load_idx %arg11[%add3A_668, %broadcast_in_dim3A_653] : memref<72x128xf32, #tpu.memory_space<vmem>>[vector<16xi32>, vector<16xi32>], vector<16xf32>,
        %get3A = arith.index_cast %scan3A_652 : i32 to index
        %get3A_670 = arith.constant 0 : index
        %get3A_671 = tpu.vector_load %arg13[%get3A, %get3A_670] {strides = array<i32>} : memref<128x128xf32, #tpu.memory_space<vmem>>, vector<16xf32>,
        %get3A_672 = arith.index_cast %scan3A_652 : i32 to index
        %get3A_673 = arith.constant 16 : index
        %get3A_674 = tpu.vector_load %arg13[%get3A_672, %get3A_673] {strides = array<i32>} : memref<128x128xf32, #tpu.memory_space<vmem>>, vector<16xf32>,
        %mul3A_675 = arith.mulf %get3A_671, %gather3A : vector<16xf32>
        %slice3A = vector.extract_strided_slice %gather3A_669 {offsets = [0], sizes = [1], strides = [1]} : vector<16xf32> to vector<1xf32>
        %squeeze3A = vector.extract %slice3A[0] : f32 from vector<1xf32>
        %mul3A_676 = vector.broadcast %squeeze3A : f32 to vector<16xf32>
        %mul3A_677 = arith.mulf %mul3A_676, %gather3A_661 : vector<16xf32>
        %add3A_678 = arith.addf %mul3A_675, %mul3A_677 : vector<16xf32>
        %swap3A_679 = arith.index_cast %scan3A_652 : i32 to index
        %swap3A_680 = arith.constant 0 : index
        %swap3A_681 = tpu.vector_load %arg13[%swap3A_679, %swap3A_680] {strides = array<i32>} : memref<128x128xf32, #tpu.memory_space<vmem>>, vector<16xf32>,
        tpu.vector_store %arg13[%swap3A_679, %swap3A_680], %add3A_678 {strides = array<i32>} : memref<128x128xf32, #tpu.memory_space<vmem>>, vector<16xf32>,
        %mul3A_682 = arith.mulf %get3A_674, %gather3A_657 : vector<16xf32>
        %slice3A_683 = vector.extract_strided_slice %gather3A_669 {offsets = [0], sizes = [1], strides = [1]} : vector<16xf32> to vector<1xf32>
        %squeeze3A_684 = vector.extract %slice3A_683[0] : f32 from vector<1xf32>
        %mul3A_685 = vector.broadcast %squeeze3A_684 : f32 to vector<16xf32>
        %mul3A_686 = arith.mulf %mul3A_685, %gather3A_665 : vector<16xf32>
        %add3A_687 = arith.addf %mul3A_682, %mul3A_686 : vector<16xf32>
        %swap3A_688 = arith.index_cast %scan3A_652 : i32 to index
        %swap3A_689 = arith.constant 16 : index
        %swap3A_690 = tpu.vector_load %arg13[%swap3A_688, %swap3A_689] {strides = array<i32>} : memref<128x128xf32, #tpu.memory_space<vmem>>, vector<16xf32>,
        tpu.vector_store %arg13[%swap3A_688, %swap3A_689], %add3A_687 {strides = array<i32>} : memref<128x128xf32, #tpu.memory_space<vmem>>, vector<16xf32>,
        %get3A_691 = arith.index_cast %scan3A_652 : i32 to index
        %get3A_692 = arith.constant 32 : index
        %get3A_693 = tpu.vector_load %arg13[%get3A_691, %get3A_692] {strides = array<i32>} : memref<128x128xf32, #tpu.memory_space<vmem>>, vector<16xf32>,
        %get3A_694 = arith.index_cast %scan3A_652 : i32 to index
        %get3A_695 = arith.constant 48 : index
        %get3A_696 = tpu.vector_load %arg13[%get3A_694, %get3A_695] {strides = array<i32>} : memref<128x128xf32, #tpu.memory_space<vmem>>, vector<16xf32>,
        %mul3A_697 = arith.mulf %get3A_693, %gather3A : vector<16xf32>
        %slice3A_698 = vector.extract_strided_slice %gather3A_669 {offsets = [1], sizes = [1], strides = [1]} : vector<16xf32> to vector<1xf32>
        %squeeze3A_699 = vector.extract %slice3A_698[0] : f32 from vector<1xf32>
        %mul3A_700 = vector.broadcast %squeeze3A_699 : f32 to vector<16xf32>
        %mul3A_701 = arith.mulf %mul3A_700, %gather3A_661 : vector<16xf32>
        %add3A_702 = arith.addf %mul3A_697, %mul3A_701 : vector<16xf32>
        %swap3A_703 = arith.index_cast %scan3A_652 : i32 to index
        %swap3A_704 = arith.constant 32 : index
        %swap3A_705 = tpu.vector_load %arg13[%swap3A_703, %swap3A_704] {strides = array<i32>} : memref<128x128xf32, #tpu.memory_space<vmem>>, vector<16xf32>,
        tpu.vector_store %arg13[%swap3A_703, %swap3A_704], %add3A_702 {strides = array<i32>} : memref<128x128xf32, #tpu.memory_space<vmem>>, vector<16xf32>,
        %mul3A_706 = arith.mulf %get3A_696, %gather3A_657 : vector<16xf32>
        %slice3A_707 = vector.extract_strided_slice %gather3A_669 {offsets = [1], sizes = [1], strides = [1]} : vector<16xf32> to vector<1xf32>
        %squeeze3A_708 = vector.extract %slice3A_707[0] : f32 from vector<1xf32>
        %mul3A_709 = vector.broadcast %squeeze3A_708 : f32 to vector<16xf32>
        %mul3A_710 = arith.mulf %mul3A_709, %gather3A_665 : vector<16xf32>
        %add3A_711 = arith.addf %mul3A_706, %mul3A_710 : vector<16xf32>
        %swap3A_712 = arith.index_cast %scan3A_652 : i32 to index
        %swap3A_713 = arith.constant 48 : index
        %swap3A_714 = tpu.vector_load %arg13[%swap3A_712, %swap3A_713] {strides = array<i32>} : memref<128x128xf32, #tpu.memory_space<vmem>>, vector<16xf32>,
        tpu.vector_store %arg13[%swap3A_712, %swap3A_713], %add3A_711 {strides = array<i32>} : memref<128x128xf32, #tpu.memory_space<vmem>>, vector<16xf32>,
        %get3A_715 = arith.index_cast %scan3A_652 : i32 to index
        %get3A_716 = arith.constant 64 : index
        %get3A_717 = tpu.vector_load %arg13[%get3A_715, %get3A_716] {strides = array<i32>} : memref<128x128xf32, #tpu.memory_space<vmem>>, vector<16xf32>,
        %get3A_718 = arith.index_cast %scan3A_652 : i32 to index
        %get3A_719 = arith.constant 80 : index
        %get3A_720 = tpu.vector_load %arg13[%get3A_718, %get3A_719] {strides = array<i32>} : memref<128x128xf32, #tpu.memory_space<vmem>>, vector<16xf32>,
        %mul3A_721 = arith.mulf %get3A_717, %gather3A : vector<16xf32>
        %slice3A_722 = vector.extract_strided_slice %gather3A_669 {offsets = [2], sizes = [1], strides = [1]} : vector<16xf32> to vector<1xf32>
        %squeeze3A_723 = vector.extract %slice3A_722[0] : f32 from vector<1xf32>
        %mul3A_724 = vector.broadcast %squeeze3A_723 : f32 to vector<16xf32>
        %mul3A_725 = arith.mulf %mul3A_724, %gather3A_661 : vector<16xf32>
        %add3A_726 = arith.addf %mul3A_721, %mul3A_725 : vector<16xf32>
        %swap3A_727 = arith.index_cast %scan3A_652 : i32 to index
        %swap3A_728 = arith.constant 64 : index
        %swap3A_729 = tpu.vector_load %arg13[%swap3A_727, %swap3A_728] {strides = array<i32>} : memref<128x128xf32, #tpu.memory_space<vmem>>, vector<16xf32>,
        tpu.vector_store %arg13[%swap3A_727, %swap3A_728], %add3A_726 {strides = array<i32>} : memref<128x128xf32, #tpu.memory_space<vmem>>, vector<16xf32>,
        %mul3A_730 = arith.mulf %get3A_720, %gather3A_657 : vector<16xf32>
        %slice3A_731 = vector.extract_strided_slice %gather3A_669 {offsets = [2], sizes = [1], strides = [1]} : vector<16xf32> to vector<1xf32>
        %squeeze3A_732 = vector.extract %slice3A_731[0] : f32 from vector<1xf32>
        %mul3A_733 = vector.broadcast %squeeze3A_732 : f32 to vector<16xf32>
        %mul3A_734 = arith.mulf %mul3A_733, %gather3A_665 : vector<16xf32>
        %add3A_735 = arith.addf %mul3A_730, %mul3A_734 : vector<16xf32>
        %swap3A_736 = arith.index_cast %scan3A_652 : i32 to index
        %swap3A_737 = arith.constant 80 : index
        %swap3A_738 = tpu.vector_load %arg13[%swap3A_736, %swap3A_737] {strides = array<i32>} : memref<128x128xf32, #tpu.memory_space<vmem>>, vector<16xf32>,
        tpu.vector_store %arg13[%swap3A_736, %swap3A_737], %add3A_735 {strides = array<i32>} : memref<128x128xf32, #tpu.memory_space<vmem>>, vector<16xf32>,
      }
      %scan3A_648 = arith.constant 128 : i32
      %dma_start3A_649 = arith.constant 0 : i32
      %dma_start3A_650 = arith.constant 0 : i32
      %dma_start3A_651 = tpu.memref_slice %arg15[%dma_start3A_649, %dma_start3A_650] : memref<10240x128xf32, #tpu.memory_space<vmem_shared>> -> memref<10240x128xf32, #tpu.memory_space<vmem_shared>>
      tpu.enqueue_indirect_dma source(%arg13 : memref<128x128xf32, #tpu.memory_space<vmem>>) target(%dma_start3A_651 : memref<10240x128xf32, #tpu.memory_space<vmem_shared>>) offsets(%arg10 : memref<128xi32, #tpu.memory_space<vmem>>) semaphore(%arg19 : memref<!tpu.dma_semaphore, #tpu.memory_space<semaphore_mem>>) {add = true}
    }
    %scan3A_529 = arith.constant 19 : i32
    %mul3A_530 = arith.constant 39 : i32
    %mul3A_531 = arith.muli %add3A, %mul3A_530 : i32
    %add3A_532 = arith.constant 38 : i32
    %add3A_533 = arith.addi %mul3A_531, %add3A_532 : i32
    %mul3A_534 = arith.constant 128 : i32
    %mul3A_535 = arith.muli %add3A_533, %mul3A_534 : i32
    "tpu.region"() ({
      %run_scoped3A = tpu.sem_alloc : memref<!tpu.dma_semaphore, #tpu.memory_space<semaphore_mem>>
      %dma_start3A_579 = tpu.memref_slice %arg4[%mul3A_535] : memref<160000xi32, #tpu.memory_space<hbm>> -> memref<128xi32, #tpu.memory_space<hbm>>
      %dma_start3A_580 = tpu.memref_slice %arg4[%mul3A_535] : memref<160000xi32, #tpu.memory_space<hbm>> -> memref<128xi32, #tpu.memory_space<hbm>>
      tpu.enqueue_dma source(%dma_start3A_580 : memref<128xi32, #tpu.memory_space<hbm>>) target(%arg9 : memref<128xi32, #tpu.memory_space<vmem>>) target_semaphore(%run_scoped3A : memref<!tpu.dma_semaphore, #tpu.memory_space<semaphore_mem>>)
      %dma_wait3A_581 = tpu.memref_slice %arg4[%mul3A_535] : memref<160000xi32, #tpu.memory_space<hbm>> -> memref<128xi32, #tpu.memory_space<hbm>>
      %dma_wait3A_582 = tpu.memref_slice %arg4[%mul3A_535] : memref<160000xi32, #tpu.memory_space<hbm>> -> memref<128xi32, #tpu.memory_space<hbm>>
      tpu.wait_dma2 semaphore(%run_scoped3A : memref<!tpu.dma_semaphore, #tpu.memory_space<semaphore_mem>>) src(%dma_wait3A_582 : memref<128xi32, #tpu.memory_space<hbm>>) dst(%arg9 : memref<128xi32, #tpu.memory_space<vmem>>)
      tpu.yield
    }) : () -> ()
    %mul3A_536 = arith.constant 39 : i32
    %mul3A_537 = arith.muli %add3A, %mul3A_536 : i32
    %add3A_538 = arith.constant 38 : i32
    %add3A_539 = arith.addi %mul3A_537, %add3A_538 : i32
    %mul3A_540 = arith.constant 128 : i32
    %mul3A_541 = arith.muli %add3A_539, %mul3A_540 : i32
    "tpu.region"() ({
      %run_scoped3A = tpu.sem_alloc : memref<!tpu.dma_semaphore, #tpu.memory_space<semaphore_mem>>
      %dma_start3A_579 = arith.constant 0 : i32
      %dma_start3A_580 = tpu.memref_slice %arg5[%dma_start3A_579, %mul3A_541] : memref<72x160768xf32, #tpu.memory_space<hbm>> -> memref<72x128xf32, #tpu.memory_space<hbm>>
      %dma_start3A_581 = arith.constant 0 : i32
      %dma_start3A_582 = tpu.memref_slice %arg5[%dma_start3A_581, %mul3A_541] : memref<72x160768xf32, #tpu.memory_space<hbm>> -> memref<72x128xf32, #tpu.memory_space<hbm>>
      tpu.enqueue_dma source(%dma_start3A_582 : memref<72x128xf32, #tpu.memory_space<hbm>>) target(%arg11 : memref<72x128xf32, #tpu.memory_space<vmem>>) target_semaphore(%run_scoped3A : memref<!tpu.dma_semaphore, #tpu.memory_space<semaphore_mem>>)
      %dma_wait3A_583 = arith.constant 0 : i32
      %dma_wait3A_584 = tpu.memref_slice %arg5[%dma_wait3A_583, %mul3A_541] : memref<72x160768xf32, #tpu.memory_space<hbm>> -> memref<72x128xf32, #tpu.memory_space<hbm>>
      %dma_wait3A_585 = arith.constant 0 : i32
      %dma_wait3A_586 = tpu.memref_slice %arg5[%dma_wait3A_585, %mul3A_541] : memref<72x160768xf32, #tpu.memory_space<hbm>> -> memref<72x128xf32, #tpu.memory_space<hbm>>
      tpu.wait_dma2 semaphore(%run_scoped3A : memref<!tpu.dma_semaphore, #tpu.memory_space<semaphore_mem>>) src(%dma_wait3A_586 : memref<72x128xf32, #tpu.memory_space<hbm>>) dst(%arg11 : memref<72x128xf32, #tpu.memory_space<vmem>>)
      tpu.yield
    }) : () -> ()
    %dma_wait3A = arith.constant 0 : i32
    %dma_wait3A_542 = arith.constant 0 : i32
    %dma_wait3A_543 = tpu.memref_slice %arg2[%dma_wait3A, %dma_wait3A_542] : memref<10240x128xf32, #tpu.memory_space<hbm>> -> memref<10240x128xf32, #tpu.memory_space<hbm>>
    tpu.wait_indirect_dma semaphore(%arg16 : memref<!tpu.dma_semaphore, #tpu.memory_space<semaphore_mem>>) src(%dma_wait3A_543 : memref<10240x128xf32, #tpu.memory_space<hbm>>) dst(%arg12 : memref<128x128xf32, #tpu.memory_space<vmem>>)
    %ge3A = arith.constant 38 : i32
    %ge3A_544 = arith.constant 1 : i32
    %ge3A_545 = arith.cmpi sge, %ge3A, %ge3A_544 : i32
    %convert_element_type3A = arith.extui %ge3A_545 : i1 to i32
    %cond3A = arith.constant 0 : i32
    %cond3A_546 = arith.cmpi ne, %convert_element_type3A, %cond3A : i32
    scf.if %cond3A_546 {
      %dma_wait3A_579 = arith.constant 0 : i32
      %dma_wait3A_580 = arith.constant 0 : i32
      %dma_wait3A_581 = tpu.memref_slice %arg15[%dma_wait3A_579, %dma_wait3A_580] : memref<10240x128xf32, #tpu.memory_space<vmem_shared>> -> memref<10240x128xf32, #tpu.memory_space<vmem_shared>>
      tpu.wait_indirect_dma semaphore(%arg19 : memref<!tpu.dma_semaphore, #tpu.memory_space<semaphore_mem>>) src(%arg13 : memref<128x128xf32, #tpu.memory_space<vmem>>) dst(%dma_wait3A_581 : memref<10240x128xf32, #tpu.memory_space<vmem_shared>>)
    } else {
    }
    %add3A_547 = arith.constant 38 : i32
    %add3A_548 = arith.constant 1 : i32
    %add3A_549 = arith.addi %add3A_547, %add3A_548 : i32
    %lt3A = arith.constant 39 : i32
    %lt3A_550 = arith.cmpi slt, %add3A_549, %lt3A : i32
    %convert_element_type3A_551 = arith.extui %lt3A_550 : i1 to i32
    %cond3A_552 = arith.constant 38 : i32
    %cond3A_553 = arith.constant 0 : i32
    %cond3A_554 = arith.cmpi ne, %convert_element_type3A_551, %cond3A_553 : i32
    scf.if %cond3A_554 {
      %add3A_579 = arith.constant 1 : i32
      %add3A_580 = arith.addi %cond3A_552, %add3A_579 : i32
      %mul3A_581 = arith.constant 39 : i32
      %mul3A_582 = arith.muli %add3A, %mul3A_581 : i32
      %add3A_583 = arith.addi %mul3A_582, %add3A_580 : i32
      %mul3A_584 = arith.constant 128 : i32
      %mul3A_585 = arith.muli %add3A_583, %mul3A_584 : i32
      "tpu.region"() ({
        %run_scoped3A = tpu.sem_alloc : memref<!tpu.dma_semaphore, #tpu.memory_space<semaphore_mem>>
        %dma_start3A_589 = tpu.memref_slice %arg3[%mul3A_585] : memref<160000xi32, #tpu.memory_space<hbm>> -> memref<128xi32, #tpu.memory_space<hbm>>
        %dma_start3A_590 = tpu.memref_slice %arg3[%mul3A_585] : memref<160000xi32, #tpu.memory_space<hbm>> -> memref<128xi32, #tpu.memory_space<hbm>>
        tpu.enqueue_dma source(%dma_start3A_590 : memref<128xi32, #tpu.memory_space<hbm>>) target(%arg8 : memref<128xi32, #tpu.memory_space<vmem>>) target_semaphore(%run_scoped3A : memref<!tpu.dma_semaphore, #tpu.memory_space<semaphore_mem>>)
        %dma_wait3A_591 = tpu.memref_slice %arg3[%mul3A_585] : memref<160000xi32, #tpu.memory_space<hbm>> -> memref<128xi32, #tpu.memory_space<hbm>>
        %dma_wait3A_592 = tpu.memref_slice %arg3[%mul3A_585] : memref<160000xi32, #tpu.memory_space<hbm>> -> memref<128xi32, #tpu.memory_space<hbm>>
        tpu.wait_dma2 semaphore(%run_scoped3A : memref<!tpu.dma_semaphore, #tpu.memory_space<semaphore_mem>>) src(%dma_wait3A_592 : memref<128xi32, #tpu.memory_space<hbm>>) dst(%arg8 : memref<128xi32, #tpu.memory_space<vmem>>)
        tpu.yield
      }) : () -> ()
      %dma_start3A_586 = arith.constant 0 : i32
      %dma_start3A_587 = arith.constant 0 : i32
      %dma_start3A_588 = tpu.memref_slice %arg2[%dma_start3A_586, %dma_start3A_587] : memref<10240x128xf32, #tpu.memory_space<hbm>> -> memref<10240x128xf32, #tpu.memory_space<hbm>>
      tpu.enqueue_indirect_dma source(%dma_start3A_588 : memref<10240x128xf32, #tpu.memory_space<hbm>>) target(%arg13 : memref<128x128xf32, #tpu.memory_space<vmem>>) offsets(%arg8 : memref<128xi32, #tpu.memory_space<vmem>>) semaphore(%arg17 : memref<!tpu.dma_semaphore, #tpu.memory_space<semaphore_mem>>)
    } else {
    }
    %scan3A_555 = arith.constant 0 : i32
    %scan3A_556 = arith.constant 128 : i32
    %scan3A_557 = arith.addi %scan3A_555, %scan3A_556 : i32
    %scan3A_558 = arith.constant 1 : i32
    scf.for %scan3A_579 = %scan3A_555 to %scan3A_557 step %scan3A_558  : i32 {
      %broadcast_in_dim3A_580 = vector.broadcast %scan3A_579 : i32 to vector<16xi32>
      %gather3A = tpu.vector_load_idx %arg11[%iota3A, %broadcast_in_dim3A_580] : memref<72x128xf32, #tpu.memory_space<vmem>>[vector<16xi32>, vector<16xi32>], vector<16xf32>,
      %add3A_581 = arith.constant 16 : i32
      %add3A_582 = vector.broadcast %add3A_581 : i32 to vector<16xi32>
      %add3A_583 = arith.addi %iota3A, %add3A_582 : vector<16xi32>
      %gather3A_584 = tpu.vector_load_idx %arg11[%add3A_583, %broadcast_in_dim3A_580] : memref<72x128xf32, #tpu.memory_space<vmem>>[vector<16xi32>, vector<16xi32>], vector<16xf32>,
      %add3A_585 = arith.constant 32 : i32
      %add3A_586 = vector.broadcast %add3A_585 : i32 to vector<16xi32>
      %add3A_587 = arith.addi %iota3A, %add3A_586 : vector<16xi32>
      %gather3A_588 = tpu.vector_load_idx %arg11[%add3A_587, %broadcast_in_dim3A_580] : memref<72x128xf32, #tpu.memory_space<vmem>>[vector<16xi32>, vector<16xi32>], vector<16xf32>,
      %add3A_589 = arith.constant 48 : i32
      %add3A_590 = vector.broadcast %add3A_589 : i32 to vector<16xi32>
      %add3A_591 = arith.addi %iota3A, %add3A_590 : vector<16xi32>
      %gather3A_592 = tpu.vector_load_idx %arg11[%add3A_591, %broadcast_in_dim3A_580] : memref<72x128xf32, #tpu.memory_space<vmem>>[vector<16xi32>, vector<16xi32>], vector<16xf32>,
      %add3A_593 = arith.constant 64 : i32
      %add3A_594 = vector.broadcast %add3A_593 : i32 to vector<16xi32>
      %add3A_595 = arith.addi %iota3A, %add3A_594 : vector<16xi32>
      %gather3A_596 = tpu.vector_load_idx %arg11[%add3A_595, %broadcast_in_dim3A_580] : memref<72x128xf32, #tpu.memory_space<vmem>>[vector<16xi32>, vector<16xi32>], vector<16xf32>,
      %get3A = arith.index_cast %scan3A_579 : i32 to index
      %get3A_597 = arith.constant 0 : index
      %get3A_598 = tpu.vector_load %arg12[%get3A, %get3A_597] {strides = array<i32>} : memref<128x128xf32, #tpu.memory_space<vmem>>, vector<16xf32>,
      %get3A_599 = arith.index_cast %scan3A_579 : i32 to index
      %get3A_600 = arith.constant 16 : index
      %get3A_601 = tpu.vector_load %arg12[%get3A_599, %get3A_600] {strides = array<i32>} : memref<128x128xf32, #tpu.memory_space<vmem>>, vector<16xf32>,
      %mul3A_602 = arith.mulf %get3A_598, %gather3A : vector<16xf32>
      %slice3A = vector.extract_strided_slice %gather3A_596 {offsets = [0], sizes = [1], strides = [1]} : vector<16xf32> to vector<1xf32>
      %squeeze3A = vector.extract %slice3A[0] : f32 from vector<1xf32>
      %mul3A_603 = vector.broadcast %squeeze3A : f32 to vector<16xf32>
      %mul3A_604 = arith.mulf %mul3A_603, %gather3A_588 : vector<16xf32>
      %add3A_605 = arith.addf %mul3A_602, %mul3A_604 : vector<16xf32>
      %swap3A_606 = arith.index_cast %scan3A_579 : i32 to index
      %swap3A_607 = arith.constant 0 : index
      %swap3A_608 = tpu.vector_load %arg12[%swap3A_606, %swap3A_607] {strides = array<i32>} : memref<128x128xf32, #tpu.memory_space<vmem>>, vector<16xf32>,
      tpu.vector_store %arg12[%swap3A_606, %swap3A_607], %add3A_605 {strides = array<i32>} : memref<128x128xf32, #tpu.memory_space<vmem>>, vector<16xf32>,
      %mul3A_609 = arith.mulf %get3A_601, %gather3A_584 : vector<16xf32>
      %slice3A_610 = vector.extract_strided_slice %gather3A_596 {offsets = [0], sizes = [1], strides = [1]} : vector<16xf32> to vector<1xf32>
      %squeeze3A_611 = vector.extract %slice3A_610[0] : f32 from vector<1xf32>
      %mul3A_612 = vector.broadcast %squeeze3A_611 : f32 to vector<16xf32>
      %mul3A_613 = arith.mulf %mul3A_612, %gather3A_592 : vector<16xf32>
      %add3A_614 = arith.addf %mul3A_609, %mul3A_613 : vector<16xf32>
      %swap3A_615 = arith.index_cast %scan3A_579 : i32 to index
      %swap3A_616 = arith.constant 16 : index
      %swap3A_617 = tpu.vector_load %arg12[%swap3A_615, %swap3A_616] {strides = array<i32>} : memref<128x128xf32, #tpu.memory_space<vmem>>, vector<16xf32>,
      tpu.vector_store %arg12[%swap3A_615, %swap3A_616], %add3A_614 {strides = array<i32>} : memref<128x128xf32, #tpu.memory_space<vmem>>, vector<16xf32>,
      %get3A_618 = arith.index_cast %scan3A_579 : i32 to index
      %get3A_619 = arith.constant 32 : index
      %get3A_620 = tpu.vector_load %arg12[%get3A_618, %get3A_619] {strides = array<i32>} : memref<128x128xf32, #tpu.memory_space<vmem>>, vector<16xf32>,
      %get3A_621 = arith.index_cast %scan3A_579 : i32 to index
      %get3A_622 = arith.constant 48 : index
      %get3A_623 = tpu.vector_load %arg12[%get3A_621, %get3A_622] {strides = array<i32>} : memref<128x128xf32, #tpu.memory_space<vmem>>, vector<16xf32>,
      %mul3A_624 = arith.mulf %get3A_620, %gather3A : vector<16xf32>
      %slice3A_625 = vector.extract_strided_slice %gather3A_596 {offsets = [1], sizes = [1], strides = [1]} : vector<16xf32> to vector<1xf32>
      %squeeze3A_626 = vector.extract %slice3A_625[0] : f32 from vector<1xf32>
      %mul3A_627 = vector.broadcast %squeeze3A_626 : f32 to vector<16xf32>
      %mul3A_628 = arith.mulf %mul3A_627, %gather3A_588 : vector<16xf32>
      %add3A_629 = arith.addf %mul3A_624, %mul3A_628 : vector<16xf32>
      %swap3A_630 = arith.index_cast %scan3A_579 : i32 to index
      %swap3A_631 = arith.constant 32 : index
      %swap3A_632 = tpu.vector_load %arg12[%swap3A_630, %swap3A_631] {strides = array<i32>} : memref<128x128xf32, #tpu.memory_space<vmem>>, vector<16xf32>,
      tpu.vector_store %arg12[%swap3A_630, %swap3A_631], %add3A_629 {strides = array<i32>} : memref<128x128xf32, #tpu.memory_space<vmem>>, vector<16xf32>,
      %mul3A_633 = arith.mulf %get3A_623, %gather3A_584 : vector<16xf32>
      %slice3A_634 = vector.extract_strided_slice %gather3A_596 {offsets = [1], sizes = [1], strides = [1]} : vector<16xf32> to vector<1xf32>
      %squeeze3A_635 = vector.extract %slice3A_634[0] : f32 from vector<1xf32>
      %mul3A_636 = vector.broadcast %squeeze3A_635 : f32 to vector<16xf32>
      %mul3A_637 = arith.mulf %mul3A_636, %gather3A_592 : vector<16xf32>
      %add3A_638 = arith.addf %mul3A_633, %mul3A_637 : vector<16xf32>
      %swap3A_639 = arith.index_cast %scan3A_579 : i32 to index
      %swap3A_640 = arith.constant 48 : index
      %swap3A_641 = tpu.vector_load %arg12[%swap3A_639, %swap3A_640] {strides = array<i32>} : memref<128x128xf32, #tpu.memory_space<vmem>>, vector<16xf32>,
      tpu.vector_store %arg12[%swap3A_639, %swap3A_640], %add3A_638 {strides = array<i32>} : memref<128x128xf32, #tpu.memory_space<vmem>>, vector<16xf32>,
      %get3A_642 = arith.index_cast %scan3A_579 : i32 to index
      %get3A_643 = arith.constant 64 : index
      %get3A_644 = tpu.vector_load %arg12[%get3A_642, %get3A_643] {strides = array<i32>} : memref<128x128xf32, #tpu.memory_space<vmem>>, vector<16xf32>,
      %get3A_645 = arith.index_cast %scan3A_579 : i32 to index
      %get3A_646 = arith.constant 80 : index
      %get3A_647 = tpu.vector_load %arg12[%get3A_645, %get3A_646] {strides = array<i32>} : memref<128x128xf32, #tpu.memory_space<vmem>>, vector<16xf32>,
      %mul3A_648 = arith.mulf %get3A_644, %gather3A : vector<16xf32>
      %slice3A_649 = vector.extract_strided_slice %gather3A_596 {offsets = [2], sizes = [1], strides = [1]} : vector<16xf32> to vector<1xf32>
      %squeeze3A_650 = vector.extract %slice3A_649[0] : f32 from vector<1xf32>
      %mul3A_651 = vector.broadcast %squeeze3A_650 : f32 to vector<16xf32>
      %mul3A_652 = arith.mulf %mul3A_651, %gather3A_588 : vector<16xf32>
      %add3A_653 = arith.addf %mul3A_648, %mul3A_652 : vector<16xf32>
      %swap3A_654 = arith.index_cast %scan3A_579 : i32 to index
      %swap3A_655 = arith.constant 64 : index
      %swap3A_656 = tpu.vector_load %arg12[%swap3A_654, %swap3A_655] {strides = array<i32>} : memref<128x128xf32, #tpu.memory_space<vmem>>, vector<16xf32>,
      tpu.vector_store %arg12[%swap3A_654, %swap3A_655], %add3A_653 {strides = array<i32>} : memref<128x128xf32, #tpu.memory_space<vmem>>, vector<16xf32>,
      %mul3A_657 = arith.mulf %get3A_647, %gather3A_584 : vector<16xf32>
      %slice3A_658 = vector.extract_strided_slice %gather3A_596 {offsets = [2], sizes = [1], strides = [1]} : vector<16xf32> to vector<1xf32>
      %squeeze3A_659 = vector.extract %slice3A_658[0] : f32 from vector<1xf32>
      %mul3A_660 = vector.broadcast %squeeze3A_659 : f32 to vector<16xf32>
      %mul3A_661 = arith.mulf %mul3A_660, %gather3A_592 : vector<16xf32>
      %add3A_662 = arith.addf %mul3A_657, %mul3A_661 : vector<16xf32>
      %swap3A_663 = arith.index_cast %scan3A_579 : i32 to index
      %swap3A_664 = arith.constant 80 : index
      %swap3A_665 = tpu.vector_load %arg12[%swap3A_663, %swap3A_664] {strides = array<i32>} : memref<128x128xf32, #tpu.memory_space<vmem>>, vector<16xf32>,
      tpu.vector_store %arg12[%swap3A_663, %swap3A_664], %add3A_662 {strides = array<i32>} : memref<128x128xf32, #tpu.memory_space<vmem>>, vector<16xf32>,
    }
    %scan3A_559 = arith.constant 128 : i32
    %dma_start3A_560 = arith.constant 0 : i32
    %dma_start3A_561 = arith.constant 0 : i32
    %dma_start3A_562 = tpu.memref_slice %arg15[%dma_start3A_560, %dma_start3A_561] : memref<10240x128xf32, #tpu.memory_space<vmem_shared>> -> memref<10240x128xf32, #tpu.memory_space<vmem_shared>>
    tpu.enqueue_indirect_dma source(%arg12 : memref<128x128xf32, #tpu.memory_space<vmem>>) target(%dma_start3A_562 : memref<10240x128xf32, #tpu.memory_space<vmem_shared>>) offsets(%arg9 : memref<128xi32, #tpu.memory_space<vmem>>) semaphore(%arg18 : memref<!tpu.dma_semaphore, #tpu.memory_space<semaphore_mem>>) {add = true}
    %dma_wait3A_563 = arith.constant 0 : i32
    %dma_wait3A_564 = arith.constant 0 : i32
    %dma_wait3A_565 = tpu.memref_slice %arg15[%dma_wait3A_563, %dma_wait3A_564] : memref<10240x128xf32, #tpu.memory_space<vmem_shared>> -> memref<10240x128xf32, #tpu.memory_space<vmem_shared>>
    tpu.wait_indirect_dma semaphore(%arg18 : memref<!tpu.dma_semaphore, #tpu.memory_space<semaphore_mem>>) src(%arg12 : memref<128x128xf32, #tpu.memory_space<vmem>>) dst(%dma_wait3A_565 : memref<10240x128xf32, #tpu.memory_space<vmem_shared>>)
    %lt3A_566 = arith.constant 2 : i32
    %lt3A_567 = arith.cmpi slt, %add3A, %lt3A_566 : i32
    %convert_element_type3A_568 = arith.extui %lt3A_567 : i1 to i32
    %cond3A_569 = arith.constant 0 : i32
    %cond3A_570 = arith.cmpi ne, %convert_element_type3A_568, %cond3A_569 : i32
    scf.if %cond3A_570 {
      %add3A_579 = arith.constant 1248 : i32
      %add3A_580 = arith.addi %add3A_579, %add3A : i32
      %mul3A_581 = arith.constant 128 : i32
      %mul3A_582 = arith.muli %add3A_580, %mul3A_581 : i32
      "tpu.region"() ({
        %run_scoped3A = tpu.sem_alloc : memref<!tpu.dma_semaphore, #tpu.memory_space<semaphore_mem>>
        %dma_start3A_594 = tpu.memref_slice %arg3[%mul3A_582] : memref<160000xi32, #tpu.memory_space<hbm>> -> memref<128xi32, #tpu.memory_space<hbm>>
        %dma_start3A_595 = tpu.memref_slice %arg3[%mul3A_582] : memref<160000xi32, #tpu.memory_space<hbm>> -> memref<128xi32, #tpu.memory_space<hbm>>
        tpu.enqueue_dma source(%dma_start3A_595 : memref<128xi32, #tpu.memory_space<hbm>>) target(%arg7 : memref<128xi32, #tpu.memory_space<vmem>>) target_semaphore(%run_scoped3A : memref<!tpu.dma_semaphore, #tpu.memory_space<semaphore_mem>>)
        %dma_wait3A_596 = tpu.memref_slice %arg3[%mul3A_582] : memref<160000xi32, #tpu.memory_space<hbm>> -> memref<128xi32, #tpu.memory_space<hbm>>
        %dma_wait3A_597 = tpu.memref_slice %arg3[%mul3A_582] : memref<160000xi32, #tpu.memory_space<hbm>> -> memref<128xi32, #tpu.memory_space<hbm>>
        tpu.wait_dma2 semaphore(%run_scoped3A : memref<!tpu.dma_semaphore, #tpu.memory_space<semaphore_mem>>) src(%dma_wait3A_597 : memref<128xi32, #tpu.memory_space<hbm>>) dst(%arg7 : memref<128xi32, #tpu.memory_space<vmem>>)
        tpu.yield
      }) : () -> ()
      "tpu.region"() ({
        %run_scoped3A = tpu.sem_alloc : memref<!tpu.dma_semaphore, #tpu.memory_space<semaphore_mem>>
        %dma_start3A_594 = tpu.memref_slice %arg4[%mul3A_582] : memref<160000xi32, #tpu.memory_space<hbm>> -> memref<128xi32, #tpu.memory_space<hbm>>
        %dma_start3A_595 = tpu.memref_slice %arg4[%mul3A_582] : memref<160000xi32, #tpu.memory_space<hbm>> -> memref<128xi32, #tpu.memory_space<hbm>>
        tpu.enqueue_dma source(%dma_start3A_595 : memref<128xi32, #tpu.memory_space<hbm>>) target(%arg9 : memref<128xi32, #tpu.memory_space<vmem>>) target_semaphore(%run_scoped3A : memref<!tpu.dma_semaphore, #tpu.memory_space<semaphore_mem>>)
        %dma_wait3A_596 = tpu.memref_slice %arg4[%mul3A_582] : memref<160000xi32, #tpu.memory_space<hbm>> -> memref<128xi32, #tpu.memory_space<hbm>>
        %dma_wait3A_597 = tpu.memref_slice %arg4[%mul3A_582] : memref<160000xi32, #tpu.memory_space<hbm>> -> memref<128xi32, #tpu.memory_space<hbm>>
        tpu.wait_dma2 semaphore(%run_scoped3A : memref<!tpu.dma_semaphore, #tpu.memory_space<semaphore_mem>>) src(%dma_wait3A_597 : memref<128xi32, #tpu.memory_space<hbm>>) dst(%arg9 : memref<128xi32, #tpu.memory_space<vmem>>)
        tpu.yield
      }) : () -> ()
      "tpu.region"() ({
        %run_scoped3A = tpu.sem_alloc : memref<!tpu.dma_semaphore, #tpu.memory_space<semaphore_mem>>
        %dma_start3A_594 = arith.constant 0 : i32
        %dma_start3A_595 = tpu.memref_slice %arg5[%dma_start3A_594, %mul3A_582] : memref<72x160768xf32, #tpu.memory_space<hbm>> -> memref<72x128xf32, #tpu.memory_space<hbm>>
        %dma_start3A_596 = arith.constant 0 : i32
        %dma_start3A_597 = tpu.memref_slice %arg5[%dma_start3A_596, %mul3A_582] : memref<72x160768xf32, #tpu.memory_space<hbm>> -> memref<72x128xf32, #tpu.memory_space<hbm>>
        tpu.enqueue_dma source(%dma_start3A_597 : memref<72x128xf32, #tpu.memory_space<hbm>>) target(%arg11 : memref<72x128xf32, #tpu.memory_space<vmem>>) target_semaphore(%run_scoped3A : memref<!tpu.dma_semaphore, #tpu.memory_space<semaphore_mem>>)
        %dma_wait3A_598 = arith.constant 0 : i32
        %dma_wait3A_599 = tpu.memref_slice %arg5[%dma_wait3A_598, %mul3A_582] : memref<72x160768xf32, #tpu.memory_space<hbm>> -> memref<72x128xf32, #tpu.memory_space<hbm>>
        %dma_wait3A_600 = arith.constant 0 : i32
        %dma_wait3A_601 = tpu.memref_slice %arg5[%dma_wait3A_600, %mul3A_582] : memref<72x160768xf32, #tpu.memory_space<hbm>> -> memref<72x128xf32, #tpu.memory_space<hbm>>
        tpu.wait_dma2 semaphore(%run_scoped3A : memref<!tpu.dma_semaphore, #tpu.memory_space<semaphore_mem>>) src(%dma_wait3A_601 : memref<72x128xf32, #tpu.memory_space<hbm>>) dst(%arg11 : memref<72x128xf32, #tpu.memory_space<vmem>>)
        tpu.yield
      }) : () -> ()
      %dma_start3A_583 = arith.constant 0 : i32
      %dma_start3A_584 = arith.constant 0 : i32
      %dma_start3A_585 = tpu.memref_slice %arg2[%dma_start3A_583, %dma_start3A_584] : memref<10240x128xf32, #tpu.memory_space<hbm>> -> memref<10240x128xf32, #tpu.memory_space<hbm>>
      tpu.enqueue_indirect_dma source(%dma_start3A_585 : memref<10240x128xf32, #tpu.memory_space<hbm>>) target(%arg12 : memref<128x128xf32, #tpu.memory_space<vmem>>) offsets(%arg7 : memref<128xi32, #tpu.memory_space<vmem>>) semaphore(%arg16 : memref<!tpu.dma_semaphore, #tpu.memory_space<semaphore_mem>>)
      %dma_wait3A_586 = arith.constant 0 : i32
      %dma_wait3A_587 = arith.constant 0 : i32
      %dma_wait3A_588 = tpu.memref_slice %arg2[%dma_wait3A_586, %dma_wait3A_587] : memref<10240x128xf32, #tpu.memory_space<hbm>> -> memref<10240x128xf32, #tpu.memory_space<hbm>>
      tpu.wait_indirect_dma semaphore(%arg16 : memref<!tpu.dma_semaphore, #tpu.memory_space<semaphore_mem>>) src(%dma_wait3A_588 : memref<10240x128xf32, #tpu.memory_space<hbm>>) dst(%arg12 : memref<128x128xf32, #tpu.memory_space<vmem>>)
      %scan3A_589 = arith.constant 0 : i32
      %scan3A_590 = arith.constant 128 : i32
      %scan3A_591 = arith.addi %scan3A_589, %scan3A_590 : i32
      %scan3A_592 = arith.constant 1 : i32
      scf.for %scan3A_594 = %scan3A_589 to %scan3A_591 step %scan3A_592  : i32 {
        %broadcast_in_dim3A_595 = vector.broadcast %scan3A_594 : i32 to vector<16xi32>
        %gather3A = tpu.vector_load_idx %arg11[%iota3A, %broadcast_in_dim3A_595] : memref<72x128xf32, #tpu.memory_space<vmem>>[vector<16xi32>, vector<16xi32>], vector<16xf32>,
        %add3A_596 = arith.constant 16 : i32
        %add3A_597 = vector.broadcast %add3A_596 : i32 to vector<16xi32>
        %add3A_598 = arith.addi %iota3A, %add3A_597 : vector<16xi32>
        %gather3A_599 = tpu.vector_load_idx %arg11[%add3A_598, %broadcast_in_dim3A_595] : memref<72x128xf32, #tpu.memory_space<vmem>>[vector<16xi32>, vector<16xi32>], vector<16xf32>,
        %add3A_600 = arith.constant 32 : i32
        %add3A_601 = vector.broadcast %add3A_600 : i32 to vector<16xi32>
        %add3A_602 = arith.addi %iota3A, %add3A_601 : vector<16xi32>
        %gather3A_603 = tpu.vector_load_idx %arg11[%add3A_602, %broadcast_in_dim3A_595] : memref<72x128xf32, #tpu.memory_space<vmem>>[vector<16xi32>, vector<16xi32>], vector<16xf32>,
        %add3A_604 = arith.constant 48 : i32
        %add3A_605 = vector.broadcast %add3A_604 : i32 to vector<16xi32>
        %add3A_606 = arith.addi %iota3A, %add3A_605 : vector<16xi32>
        %gather3A_607 = tpu.vector_load_idx %arg11[%add3A_606, %broadcast_in_dim3A_595] : memref<72x128xf32, #tpu.memory_space<vmem>>[vector<16xi32>, vector<16xi32>], vector<16xf32>,
        %add3A_608 = arith.constant 64 : i32
        %add3A_609 = vector.broadcast %add3A_608 : i32 to vector<16xi32>
        %add3A_610 = arith.addi %iota3A, %add3A_609 : vector<16xi32>
        %gather3A_611 = tpu.vector_load_idx %arg11[%add3A_610, %broadcast_in_dim3A_595] : memref<72x128xf32, #tpu.memory_space<vmem>>[vector<16xi32>, vector<16xi32>], vector<16xf32>,
        %get3A = arith.index_cast %scan3A_594 : i32 to index
        %get3A_612 = arith.constant 0 : index
        %get3A_613 = tpu.vector_load %arg12[%get3A, %get3A_612] {strides = array<i32>} : memref<128x128xf32, #tpu.memory_space<vmem>>, vector<16xf32>,
        %get3A_614 = arith.index_cast %scan3A_594 : i32 to index
        %get3A_615 = arith.constant 16 : index
        %get3A_616 = tpu.vector_load %arg12[%get3A_614, %get3A_615] {strides = array<i32>} : memref<128x128xf32, #tpu.memory_space<vmem>>, vector<16xf32>,
        %mul3A_617 = arith.mulf %get3A_613, %gather3A : vector<16xf32>
        %slice3A = vector.extract_strided_slice %gather3A_611 {offsets = [0], sizes = [1], strides = [1]} : vector<16xf32> to vector<1xf32>
        %squeeze3A = vector.extract %slice3A[0] : f32 from vector<1xf32>
        %mul3A_618 = vector.broadcast %squeeze3A : f32 to vector<16xf32>
        %mul3A_619 = arith.mulf %mul3A_618, %gather3A_603 : vector<16xf32>
        %add3A_620 = arith.addf %mul3A_617, %mul3A_619 : vector<16xf32>
        %swap3A_621 = arith.index_cast %scan3A_594 : i32 to index
        %swap3A_622 = arith.constant 0 : index
        %swap3A_623 = tpu.vector_load %arg12[%swap3A_621, %swap3A_622] {strides = array<i32>} : memref<128x128xf32, #tpu.memory_space<vmem>>, vector<16xf32>,
        tpu.vector_store %arg12[%swap3A_621, %swap3A_622], %add3A_620 {strides = array<i32>} : memref<128x128xf32, #tpu.memory_space<vmem>>, vector<16xf32>,
        %mul3A_624 = arith.mulf %get3A_616, %gather3A_599 : vector<16xf32>
        %slice3A_625 = vector.extract_strided_slice %gather3A_611 {offsets = [0], sizes = [1], strides = [1]} : vector<16xf32> to vector<1xf32>
        %squeeze3A_626 = vector.extract %slice3A_625[0] : f32 from vector<1xf32>
        %mul3A_627 = vector.broadcast %squeeze3A_626 : f32 to vector<16xf32>
        %mul3A_628 = arith.mulf %mul3A_627, %gather3A_607 : vector<16xf32>
        %add3A_629 = arith.addf %mul3A_624, %mul3A_628 : vector<16xf32>
        %swap3A_630 = arith.index_cast %scan3A_594 : i32 to index
        %swap3A_631 = arith.constant 16 : index
        %swap3A_632 = tpu.vector_load %arg12[%swap3A_630, %swap3A_631] {strides = array<i32>} : memref<128x128xf32, #tpu.memory_space<vmem>>, vector<16xf32>,
        tpu.vector_store %arg12[%swap3A_630, %swap3A_631], %add3A_629 {strides = array<i32>} : memref<128x128xf32, #tpu.memory_space<vmem>>, vector<16xf32>,
        %get3A_633 = arith.index_cast %scan3A_594 : i32 to index
        %get3A_634 = arith.constant 32 : index
        %get3A_635 = tpu.vector_load %arg12[%get3A_633, %get3A_634] {strides = array<i32>} : memref<128x128xf32, #tpu.memory_space<vmem>>, vector<16xf32>,
        %get3A_636 = arith.index_cast %scan3A_594 : i32 to index
        %get3A_637 = arith.constant 48 : index
        %get3A_638 = tpu.vector_load %arg12[%get3A_636, %get3A_637] {strides = array<i32>} : memref<128x128xf32, #tpu.memory_space<vmem>>, vector<16xf32>,
        %mul3A_639 = arith.mulf %get3A_635, %gather3A : vector<16xf32>
        %slice3A_640 = vector.extract_strided_slice %gather3A_611 {offsets = [1], sizes = [1], strides = [1]} : vector<16xf32> to vector<1xf32>
        %squeeze3A_641 = vector.extract %slice3A_640[0] : f32 from vector<1xf32>
        %mul3A_642 = vector.broadcast %squeeze3A_641 : f32 to vector<16xf32>
        %mul3A_643 = arith.mulf %mul3A_642, %gather3A_603 : vector<16xf32>
        %add3A_644 = arith.addf %mul3A_639, %mul3A_643 : vector<16xf32>
        %swap3A_645 = arith.index_cast %scan3A_594 : i32 to index
        %swap3A_646 = arith.constant 32 : index
        %swap3A_647 = tpu.vector_load %arg12[%swap3A_645, %swap3A_646] {strides = array<i32>} : memref<128x128xf32, #tpu.memory_space<vmem>>, vector<16xf32>,
        tpu.vector_store %arg12[%swap3A_645, %swap3A_646], %add3A_644 {strides = array<i32>} : memref<128x128xf32, #tpu.memory_space<vmem>>, vector<16xf32>,
        %mul3A_648 = arith.mulf %get3A_638, %gather3A_599 : vector<16xf32>
        %slice3A_649 = vector.extract_strided_slice %gather3A_611 {offsets = [1], sizes = [1], strides = [1]} : vector<16xf32> to vector<1xf32>
        %squeeze3A_650 = vector.extract %slice3A_649[0] : f32 from vector<1xf32>
        %mul3A_651 = vector.broadcast %squeeze3A_650 : f32 to vector<16xf32>
        %mul3A_652 = arith.mulf %mul3A_651, %gather3A_607 : vector<16xf32>
        %add3A_653 = arith.addf %mul3A_648, %mul3A_652 : vector<16xf32>
        %swap3A_654 = arith.index_cast %scan3A_594 : i32 to index
        %swap3A_655 = arith.constant 48 : index
        %swap3A_656 = tpu.vector_load %arg12[%swap3A_654, %swap3A_655] {strides = array<i32>} : memref<128x128xf32, #tpu.memory_space<vmem>>, vector<16xf32>,
        tpu.vector_store %arg12[%swap3A_654, %swap3A_655], %add3A_653 {strides = array<i32>} : memref<128x128xf32, #tpu.memory_space<vmem>>, vector<16xf32>,
        %get3A_657 = arith.index_cast %scan3A_594 : i32 to index
        %get3A_658 = arith.constant 64 : index
        %get3A_659 = tpu.vector_load %arg12[%get3A_657, %get3A_658] {strides = array<i32>} : memref<128x128xf32, #tpu.memory_space<vmem>>, vector<16xf32>,
        %get3A_660 = arith.index_cast %scan3A_594 : i32 to index
        %get3A_661 = arith.constant 80 : index
        %get3A_662 = tpu.vector_load %arg12[%get3A_660, %get3A_661] {strides = array<i32>} : memref<128x128xf32, #tpu.memory_space<vmem>>, vector<16xf32>,
        %mul3A_663 = arith.mulf %get3A_659, %gather3A : vector<16xf32>
        %slice3A_664 = vector.extract_strided_slice %gather3A_611 {offsets = [2], sizes = [1], strides = [1]} : vector<16xf32> to vector<1xf32>
        %squeeze3A_665 = vector.extract %slice3A_664[0] : f32 from vector<1xf32>
        %mul3A_666 = vector.broadcast %squeeze3A_665 : f32 to vector<16xf32>
        %mul3A_667 = arith.mulf %mul3A_666, %gather3A_603 : vector<16xf32>
        %add3A_668 = arith.addf %mul3A_663, %mul3A_667 : vector<16xf32>
        %swap3A_669 = arith.index_cast %scan3A_594 : i32 to index
        %swap3A_670 = arith.constant 64 : index
        %swap3A_671 = tpu.vector_load %arg12[%swap3A_669, %swap3A_670] {strides = array<i32>} : memref<128x128xf32, #tpu.memory_space<vmem>>, vector<16xf32>,
        tpu.vector_store %arg12[%swap3A_669, %swap3A_670], %add3A_668 {strides = array<i32>} : memref<128x128xf32, #tpu.memory_space<vmem>>, vector<16xf32>,
        %mul3A_672 = arith.mulf %get3A_662, %gather3A_599 : vector<16xf32>
        %slice3A_673 = vector.extract_strided_slice %gather3A_611 {offsets = [2], sizes = [1], strides = [1]} : vector<16xf32> to vector<1xf32>
        %squeeze3A_674 = vector.extract %slice3A_673[0] : f32 from vector<1xf32>
        %mul3A_675 = vector.broadcast %squeeze3A_674 : f32 to vector<16xf32>
        %mul3A_676 = arith.mulf %mul3A_675, %gather3A_607 : vector<16xf32>
        %add3A_677 = arith.addf %mul3A_672, %mul3A_676 : vector<16xf32>
        %swap3A_678 = arith.index_cast %scan3A_594 : i32 to index
        %swap3A_679 = arith.constant 80 : index
        %swap3A_680 = tpu.vector_load %arg12[%swap3A_678, %swap3A_679] {strides = array<i32>} : memref<128x128xf32, #tpu.memory_space<vmem>>, vector<16xf32>,
        tpu.vector_store %arg12[%swap3A_678, %swap3A_679], %add3A_677 {strides = array<i32>} : memref<128x128xf32, #tpu.memory_space<vmem>>, vector<16xf32>,
      }
      %scan3A_593 = arith.constant 128 : i32
      "tpu.region"() ({
        %run_scoped3A = tpu.sem_alloc : memref<!tpu.dma_semaphore, #tpu.memory_space<semaphore_mem>>
        %dma_start3A_594 = arith.constant 0 : i32
        %dma_start3A_595 = arith.constant 0 : i32
        %dma_start3A_596 = tpu.memref_slice %arg15[%dma_start3A_594, %dma_start3A_595] : memref<10240x128xf32, #tpu.memory_space<vmem_shared>> -> memref<10240x128xf32, #tpu.memory_space<vmem_shared>>
        tpu.enqueue_indirect_dma source(%arg12 : memref<128x128xf32, #tpu.memory_space<vmem>>) target(%dma_start3A_596 : memref<10240x128xf32, #tpu.memory_space<vmem_shared>>) offsets(%arg9 : memref<128xi32, #tpu.memory_space<vmem>>) semaphore(%run_scoped3A : memref<!tpu.dma_semaphore, #tpu.memory_space<semaphore_mem>>) {add = true}
        %dma_wait3A_597 = arith.constant 0 : i32
        %dma_wait3A_598 = arith.constant 0 : i32
        %dma_wait3A_599 = tpu.memref_slice %arg15[%dma_wait3A_597, %dma_wait3A_598] : memref<10240x128xf32, #tpu.memory_space<vmem_shared>> -> memref<10240x128xf32, #tpu.memory_space<vmem_shared>>
        tpu.wait_indirect_dma semaphore(%run_scoped3A : memref<!tpu.dma_semaphore, #tpu.memory_space<semaphore_mem>>) src(%arg12 : memref<128x128xf32, #tpu.memory_space<vmem>>) dst(%dma_wait3A_599 : memref<10240x128xf32, #tpu.memory_space<vmem_shared>>)
        tpu.yield
      }) : () -> ()
    } else {
    }
    %barrier3A_571 = arith.constant 0 : index
    tpu.barrier barrier_id(%barrier3A_571)
    %mul3A_572 = arith.constant 640 : i32
    %mul3A_573 = arith.muli %arg1, %mul3A_572 : i32
    %mul3A_574 = arith.constant 10240 : i32
    %mul3A_575 = arith.muli %arg0, %mul3A_574 : i32
    %mul3A_576 = arith.constant 640 : i32
    %mul3A_577 = arith.muli %arg1, %mul3A_576 : i32
    %add3A_578 = arith.addi %mul3A_575, %mul3A_577 : i32
    "tpu.region"() ({
      %run_scoped3A = tpu.sem_alloc : memref<!tpu.dma_semaphore, #tpu.memory_space<semaphore_mem>>
      %dma_start3A_579 = arith.constant 0 : i32
      %dma_start3A_580 = tpu.memref_slice %arg6[%add3A_578, %dma_start3A_579] : memref<20480x128xf32, #tpu.memory_space<hbm>> -> memref<640x128xf32, #tpu.memory_space<hbm>>
      %dma_start3A_581 = arith.constant 0 : i32
      %dma_start3A_582 = tpu.memref_slice %arg15[%mul3A_573, %dma_start3A_581] : memref<10240x128xf32, #tpu.memory_space<vmem_shared>> -> memref<640x128xf32, #tpu.memory_space<vmem_shared>>
      tpu.enqueue_dma source(%dma_start3A_582 : memref<640x128xf32, #tpu.memory_space<vmem_shared>>) target(%dma_start3A_580 : memref<640x128xf32, #tpu.memory_space<hbm>>) target_semaphore(%run_scoped3A : memref<!tpu.dma_semaphore, #tpu.memory_space<semaphore_mem>>)
      %dma_wait3A_583 = arith.constant 0 : i32
      %dma_wait3A_584 = tpu.memref_slice %arg6[%add3A_578, %dma_wait3A_583] : memref<20480x128xf32, #tpu.memory_space<hbm>> -> memref<640x128xf32, #tpu.memory_space<hbm>>
      %dma_wait3A_585 = arith.constant 0 : i32
      %dma_wait3A_586 = tpu.memref_slice %arg15[%mul3A_573, %dma_wait3A_585] : memref<10240x128xf32, #tpu.memory_space<vmem_shared>> -> memref<640x128xf32, #tpu.memory_space<vmem_shared>>
      tpu.wait_dma2 semaphore(%run_scoped3A : memref<!tpu.dma_semaphore, #tpu.memory_space<semaphore_mem>>) src(%dma_wait3A_586 : memref<640x128xf32, #tpu.memory_space<vmem_shared>>) dst(%dma_wait3A_584 : memref<640x128xf32, #tpu.memory_space<hbm>>)
      tpu.yield
    }) : () -> ()
    return
  }
}

#map = affine_map<(d0, d1) -> (0, 0)>
#map1 = affine_map<(d0, d1) -> (0)>
module attributes {stable_mosaic.version = 14 : i64} {
  func.func @_ksc_body(%arg0: i32, %arg1: i32, %arg2: memref<10240x128xf32, #tpu.memory_space<hbm>>, %arg3: memref<160000xi32, #tpu.memory_space<hbm>>, %arg4: memref<160000xi32, #tpu.memory_space<hbm>>, %arg5: memref<72x160768xf32, #tpu.memory_space<hbm>>, %arg6: memref<20480x128xf32, #tpu.memory_space<hbm>>, %arg7: memref<128xi32, #tpu.memory_space<vmem>>, %arg8: memref<128xi32, #tpu.memory_space<vmem>>, %arg9: memref<128xi32, #tpu.memory_space<vmem>>, %arg10: memref<128xi32, #tpu.memory_space<vmem>>, %arg11: memref<72x128xf32, #tpu.memory_space<vmem>>, %arg12: memref<128x128xf32, #tpu.memory_space<vmem>>, %arg13: memref<128x128xf32, #tpu.memory_space<vmem>>, %arg14: memref<16x128xf32, #tpu.memory_space<vmem>>, %arg15: memref<10240x128xf32, #tpu.memory_space<vmem_shared>>, %arg16: memref<!tpu.dma_semaphore, #tpu.memory_space<semaphore_mem>>, %arg17: memref<!tpu.dma_semaphore, #tpu.memory_space<semaphore_mem>>, %arg18: memref<!tpu.dma_semaphore, #tpu.memory_space<semaphore_mem>>, %arg19: memref<!tpu.dma_semaphore, #tpu.memory_space<semaphore_mem>>) attributes {dimension_semantics = [#tpu.dimension_semantics<core_parallel>, #tpu.dimension_semantics<subcore_parallel>], iteration_bounds = array<i64: 2, 16>, scalar_prefetch = 0 : i64, scratch_operands = 13 : i64, tpu.core_type = #tpu.core_type<sc_vector_subcore>, window_params = [{transform_indices = #map}, {transform_indices = #map1}, {transform_indices = #map1}, {transform_indices = #map}, {transform_indices = #map}]} {
    %mul3A = arith.constant 16 : i32
    %mul3A_0 = arith.muli %arg0, %mul3A : i32
    %add3A = arith.addi %mul3A_0, %arg1 : i32
    %broadcast_in_dim3A = arith.constant 0.000000e+00 : f32
    %broadcast_in_dim3A_1 = vector.broadcast %broadcast_in_dim3A : f32 to vector<16xf32>
    %swap3A = arith.constant 0 : i32
    %swap3A_2 = arith.index_cast %swap3A : i32 to index
    %swap3A_3 = arith.constant 0 : index
    %swap3A_4 = tpu.vector_load %arg14[%swap3A_2, %swap3A_3] {strides = array<i32>} : memref<16x128xf32, #tpu.memory_space<vmem>>, vector<16xf32>,
    tpu.vector_store %arg14[%swap3A_2, %swap3A_3], %broadcast_in_dim3A_1 {strides = array<i32>} : memref<16x128xf32, #tpu.memory_space<vmem>>, vector<16xf32>,
    %swap3A_5 = arith.constant 0 : i32
    %swap3A_6 = arith.index_cast %swap3A_5 : i32 to index
    %swap3A_7 = arith.constant 16 : index
    %swap3A_8 = tpu.vector_load %arg14[%swap3A_6, %swap3A_7] {strides = array<i32>} : memref<16x128xf32, #tpu.memory_space<vmem>>, vector<16xf32>,
    tpu.vector_store %arg14[%swap3A_6, %swap3A_7], %broadcast_in_dim3A_1 {strides = array<i32>} : memref<16x128xf32, #tpu.memory_space<vmem>>, vector<16xf32>,
    %swap3A_9 = arith.constant 0 : i32
    %swap3A_10 = arith.index_cast %swap3A_9 : i32 to index
    %swap3A_11 = arith.constant 32 : index
    %swap3A_12 = tpu.vector_load %arg14[%swap3A_10, %swap3A_11] {strides = array<i32>} : memref<16x128xf32, #tpu.memory_space<vmem>>, vector<16xf32>,
    tpu.vector_store %arg14[%swap3A_10, %swap3A_11], %broadcast_in_dim3A_1 {strides = array<i32>} : memref<16x128xf32, #tpu.memory_space<vmem>>, vector<16xf32>,
    %swap3A_13 = arith.constant 0 : i32
    %swap3A_14 = arith.index_cast %swap3A_13 : i32 to index
    %swap3A_15 = arith.constant 48 : index
    %swap3A_16 = tpu.vector_load %arg14[%swap3A_14, %swap3A_15] {strides = array<i32>} : memref<16x128xf32, #tpu.memory_space<vmem>>, vector<16xf32>,
    tpu.vector_store %arg14[%swap3A_14, %swap3A_15], %broadcast_in_dim3A_1 {strides = array<i32>} : memref<16x128xf32, #tpu.memory_space<vmem>>, vector<16xf32>,
    %swap3A_17 = arith.constant 0 : i32
    %swap3A_18 = arith.index_cast %swap3A_17 : i32 to index
    %swap3A_19 = arith.constant 64 : index
    %swap3A_20 = tpu.vector_load %arg14[%swap3A_18, %swap3A_19] {strides = array<i32>} : memref<16x128xf32, #tpu.memory_space<vmem>>, vector<16xf32>,
    tpu.vector_store %arg14[%swap3A_18, %swap3A_19], %broadcast_in_dim3A_1 {strides = array<i32>} : memref<16x128xf32, #tpu.memory_space<vmem>>, vector<16xf32>,
    %swap3A_21 = arith.constant 0 : i32
    %swap3A_22 = arith.index_cast %swap3A_21 : i32 to index
    %swap3A_23 = arith.constant 80 : index
    %swap3A_24 = tpu.vector_load %arg14[%swap3A_22, %swap3A_23] {strides = array<i32>} : memref<16x128xf32, #tpu.memory_space<vmem>>, vector<16xf32>,
    tpu.vector_store %arg14[%swap3A_22, %swap3A_23], %broadcast_in_dim3A_1 {strides = array<i32>} : memref<16x128xf32, #tpu.memory_space<vmem>>, vector<16xf32>,
    %swap3A_25 = arith.constant 0 : i32
    %swap3A_26 = arith.index_cast %swap3A_25 : i32 to index
    %swap3A_27 = arith.constant 96 : index
    %swap3A_28 = tpu.vector_load %arg14[%swap3A_26, %swap3A_27] {strides = array<i32>} : memref<16x128xf32, #tpu.memory_space<vmem>>, vector<16xf32>,
    tpu.vector_store %arg14[%swap3A_26, %swap3A_27], %broadcast_in_dim3A_1 {strides = array<i32>} : memref<16x128xf32, #tpu.memory_space<vmem>>, vector<16xf32>,
    %swap3A_29 = arith.constant 0 : i32
    %swap3A_30 = arith.index_cast %swap3A_29 : i32 to index
    %swap3A_31 = arith.constant 112 : index
    %swap3A_32 = tpu.vector_load %arg14[%swap3A_30, %swap3A_31] {strides = array<i32>} : memref<16x128xf32, #tpu.memory_space<vmem>>, vector<16xf32>,
    tpu.vector_store %arg14[%swap3A_30, %swap3A_31], %broadcast_in_dim3A_1 {strides = array<i32>} : memref<16x128xf32, #tpu.memory_space<vmem>>, vector<16xf32>,
    %swap3A_33 = arith.constant 1 : i32
    %swap3A_34 = arith.index_cast %swap3A_33 : i32 to index
    %swap3A_35 = arith.constant 0 : index
    %swap3A_36 = tpu.vector_load %arg14[%swap3A_34, %swap3A_35] {strides = array<i32>} : memref<16x128xf32, #tpu.memory_space<vmem>>, vector<16xf32>,
    tpu.vector_store %arg14[%swap3A_34, %swap3A_35], %broadcast_in_dim3A_1 {strides = array<i32>} : memref<16x128xf32, #tpu.memory_space<vmem>>, vector<16xf32>,
    %swap3A_37 = arith.constant 1 : i32
    %swap3A_38 = arith.index_cast %swap3A_37 : i32 to index
    %swap3A_39 = arith.constant 16 : index
    %swap3A_40 = tpu.vector_load %arg14[%swap3A_38, %swap3A_39] {strides = array<i32>} : memref<16x128xf32, #tpu.memory_space<vmem>>, vector<16xf32>,
    tpu.vector_store %arg14[%swap3A_38, %swap3A_39], %broadcast_in_dim3A_1 {strides = array<i32>} : memref<16x128xf32, #tpu.memory_space<vmem>>, vector<16xf32>,
    %swap3A_41 = arith.constant 1 : i32
    %swap3A_42 = arith.index_cast %swap3A_41 : i32 to index
    %swap3A_43 = arith.constant 32 : index
    %swap3A_44 = tpu.vector_load %arg14[%swap3A_42, %swap3A_43] {strides = array<i32>} : memref<16x128xf32, #tpu.memory_space<vmem>>, vector<16xf32>,
    tpu.vector_store %arg14[%swap3A_42, %swap3A_43], %broadcast_in_dim3A_1 {strides = array<i32>} : memref<16x128xf32, #tpu.memory_space<vmem>>, vector<16xf32>,
    %swap3A_45 = arith.constant 1 : i32
    %swap3A_46 = arith.index_cast %swap3A_45 : i32 to index
    %swap3A_47 = arith.constant 48 : index
    %swap3A_48 = tpu.vector_load %arg14[%swap3A_46, %swap3A_47] {strides = array<i32>} : memref<16x128xf32, #tpu.memory_space<vmem>>, vector<16xf32>,
    tpu.vector_store %arg14[%swap3A_46, %swap3A_47], %broadcast_in_dim3A_1 {strides = array<i32>} : memref<16x128xf32, #tpu.memory_space<vmem>>, vector<16xf32>,
    %swap3A_49 = arith.constant 1 : i32
    %swap3A_50 = arith.index_cast %swap3A_49 : i32 to index
    %swap3A_51 = arith.constant 64 : index
    %swap3A_52 = tpu.vector_load %arg14[%swap3A_50, %swap3A_51] {strides = array<i32>} : memref<16x128xf32, #tpu.memory_space<vmem>>, vector<16xf32>,
    tpu.vector_store %arg14[%swap3A_50, %swap3A_51], %broadcast_in_dim3A_1 {strides = array<i32>} : memref<16x128xf32, #tpu.memory_space<vmem>>, vector<16xf32>,
    %swap3A_53 = arith.constant 1 : i32
    %swap3A_54 = arith.index_cast %swap3A_53 : i32 to index
    %swap3A_55 = arith.constant 80 : index
    %swap3A_56 = tpu.vector_load %arg14[%swap3A_54, %swap3A_55] {strides = array<i32>} : memref<16x128xf32, #tpu.memory_space<vmem>>, vector<16xf32>,
    tpu.vector_store %arg14[%swap3A_54, %swap3A_55], %broadcast_in_dim3A_1 {strides = array<i32>} : memref<16x128xf32, #tpu.memory_space<vmem>>, vector<16xf32>,
    %swap3A_57 = arith.constant 1 : i32
    %swap3A_58 = arith.index_cast %swap3A_57 : i32 to index
    %swap3A_59 = arith.constant 96 : index
    %swap3A_60 = tpu.vector_load %arg14[%swap3A_58, %swap3A_59] {strides = array<i32>} : memref<16x128xf32, #tpu.memory_space<vmem>>, vector<16xf32>,
    tpu.vector_store %arg14[%swap3A_58, %swap3A_59], %broadcast_in_dim3A_1 {strides = array<i32>} : memref<16x128xf32, #tpu.memory_space<vmem>>, vector<16xf32>,
    %swap3A_61 = arith.constant 1 : i32
    %swap3A_62 = arith.index_cast %swap3A_61 : i32 to index
    %swap3A_63 = arith.constant 112 : index
    %swap3A_64 = tpu.vector_load %arg14[%swap3A_62, %swap3A_63] {strides = array<i32>} : memref<16x128xf32, #tpu.memory_space<vmem>>, vector<16xf32>,
    tpu.vector_store %arg14[%swap3A_62, %swap3A_63], %broadcast_in_dim3A_1 {strides = array<i32>} : memref<16x128xf32, #tpu.memory_space<vmem>>, vector<16xf32>,
    %swap3A_65 = arith.constant 2 : i32
    %swap3A_66 = arith.index_cast %swap3A_65 : i32 to index
    %swap3A_67 = arith.constant 0 : index
    %swap3A_68 = tpu.vector_load %arg14[%swap3A_66, %swap3A_67] {strides = array<i32>} : memref<16x128xf32, #tpu.memory_space<vmem>>, vector<16xf32>,
    tpu.vector_store %arg14[%swap3A_66, %swap3A_67], %broadcast_in_dim3A_1 {strides = array<i32>} : memref<16x128xf32, #tpu.memory_space<vmem>>, vector<16xf32>,
    %swap3A_69 = arith.constant 2 : i32
    %swap3A_70 = arith.index_cast %swap3A_69 : i32 to index
    %swap3A_71 = arith.constant 16 : index
    %swap3A_72 = tpu.vector_load %arg14[%swap3A_70, %swap3A_71] {strides = array<i32>} : memref<16x128xf32, #tpu.memory_space<vmem>>, vector<16xf32>,
    tpu.vector_store %arg14[%swap3A_70, %swap3A_71], %broadcast_in_dim3A_1 {strides = array<i32>} : memref<16x128xf32, #tpu.memory_space<vmem>>, vector<16xf32>,
    %swap3A_73 = arith.constant 2 : i32
    %swap3A_74 = arith.index_cast %swap3A_73 : i32 to index
    %swap3A_75 = arith.constant 32 : index
    %swap3A_76 = tpu.vector_load %arg14[%swap3A_74, %swap3A_75] {strides = array<i32>} : memref<16x128xf32, #tpu.memory_space<vmem>>, vector<16xf32>,
    tpu.vector_store %arg14[%swap3A_74, %swap3A_75], %broadcast_in_dim3A_1 {strides = array<i32>} : memref<16x128xf32, #tpu.memory_space<vmem>>, vector<16xf32>,
    %swap3A_77 = arith.constant 2 : i32
    %swap3A_78 = arith.index_cast %swap3A_77 : i32 to index
    %swap3A_79 = arith.constant 48 : index
    %swap3A_80 = tpu.vector_load %arg14[%swap3A_78, %swap3A_79] {strides = array<i32>} : memref<16x128xf32, #tpu.memory_space<vmem>>, vector<16xf32>,
    tpu.vector_store %arg14[%swap3A_78, %swap3A_79], %broadcast_in_dim3A_1 {strides = array<i32>} : memref<16x128xf32, #tpu.memory_space<vmem>>, vector<16xf32>,
    %swap3A_81 = arith.constant 2 : i32
    %swap3A_82 = arith.index_cast %swap3A_81 : i32 to index
    %swap3A_83 = arith.constant 64 : index
    %swap3A_84 = tpu.vector_load %arg14[%swap3A_82, %swap3A_83] {strides = array<i32>} : memref<16x128xf32, #tpu.memory_space<vmem>>, vector<16xf32>,
    tpu.vector_store %arg14[%swap3A_82, %swap3A_83], %broadcast_in_dim3A_1 {strides = array<i32>} : memref<16x128xf32, #tpu.memory_space<vmem>>, vector<16xf32>,
    %swap3A_85 = arith.constant 2 : i32
    %swap3A_86 = arith.index_cast %swap3A_85 : i32 to index
    %swap3A_87 = arith.constant 80 : index
    %swap3A_88 = tpu.vector_load %arg14[%swap3A_86, %swap3A_87] {strides = array<i32>} : memref<16x128xf32, #tpu.memory_space<vmem>>, vector<16xf32>,
    tpu.vector_store %arg14[%swap3A_86, %swap3A_87], %broadcast_in_dim3A_1 {strides = array<i32>} : memref<16x128xf32, #tpu.memory_space<vmem>>, vector<16xf32>,
    %swap3A_89 = arith.constant 2 : i32
    %swap3A_90 = arith.index_cast %swap3A_89 : i32 to index
    %swap3A_91 = arith.constant 96 : index
    %swap3A_92 = tpu.vector_load %arg14[%swap3A_90, %swap3A_91] {strides = array<i32>} : memref<16x128xf32, #tpu.memory_space<vmem>>, vector<16xf32>,
    tpu.vector_store %arg14[%swap3A_90, %swap3A_91], %broadcast_in_dim3A_1 {strides = array<i32>} : memref<16x128xf32, #tpu.memory_space<vmem>>, vector<16xf32>,
    %swap3A_93 = arith.constant 2 : i32
    %swap3A_94 = arith.index_cast %swap3A_93 : i32 to index
    %swap3A_95 = arith.constant 112 : index
    %swap3A_96 = tpu.vector_load %arg14[%swap3A_94, %swap3A_95] {strides = array<i32>} : memref<16x128xf32, #tpu.memory_space<vmem>>, vector<16xf32>,
    tpu.vector_store %arg14[%swap3A_94, %swap3A_95], %broadcast_in_dim3A_1 {strides = array<i32>} : memref<16x128xf32, #tpu.memory_space<vmem>>, vector<16xf32>,
    %swap3A_97 = arith.constant 3 : i32
    %swap3A_98 = arith.index_cast %swap3A_97 : i32 to index
    %swap3A_99 = arith.constant 0 : index
    %swap3A_100 = tpu.vector_load %arg14[%swap3A_98, %swap3A_99] {strides = array<i32>} : memref<16x128xf32, #tpu.memory_space<vmem>>, vector<16xf32>,
    tpu.vector_store %arg14[%swap3A_98, %swap3A_99], %broadcast_in_dim3A_1 {strides = array<i32>} : memref<16x128xf32, #tpu.memory_space<vmem>>, vector<16xf32>,
    %swap3A_101 = arith.constant 3 : i32
    %swap3A_102 = arith.index_cast %swap3A_101 : i32 to index
    %swap3A_103 = arith.constant 16 : index
    %swap3A_104 = tpu.vector_load %arg14[%swap3A_102, %swap3A_103] {strides = array<i32>} : memref<16x128xf32, #tpu.memory_space<vmem>>, vector<16xf32>,
    tpu.vector_store %arg14[%swap3A_102, %swap3A_103], %broadcast_in_dim3A_1 {strides = array<i32>} : memref<16x128xf32, #tpu.memory_space<vmem>>, vector<16xf32>,
    %swap3A_105 = arith.constant 3 : i32
    %swap3A_106 = arith.index_cast %swap3A_105 : i32 to index
    %swap3A_107 = arith.constant 32 : index
    %swap3A_108 = tpu.vector_load %arg14[%swap3A_106, %swap3A_107] {strides = array<i32>} : memref<16x128xf32, #tpu.memory_space<vmem>>, vector<16xf32>,
    tpu.vector_store %arg14[%swap3A_106, %swap3A_107], %broadcast_in_dim3A_1 {strides = array<i32>} : memref<16x128xf32, #tpu.memory_space<vmem>>, vector<16xf32>,
    %swap3A_109 = arith.constant 3 : i32
    %swap3A_110 = arith.index_cast %swap3A_109 : i32 to index
    %swap3A_111 = arith.constant 48 : index
    %swap3A_112 = tpu.vector_load %arg14[%swap3A_110, %swap3A_111] {strides = array<i32>} : memref<16x128xf32, #tpu.memory_space<vmem>>, vector<16xf32>,
    tpu.vector_store %arg14[%swap3A_110, %swap3A_111], %broadcast_in_dim3A_1 {strides = array<i32>} : memref<16x128xf32, #tpu.memory_space<vmem>>, vector<16xf32>,
    %swap3A_113 = arith.constant 3 : i32
    %swap3A_114 = arith.index_cast %swap3A_113 : i32 to index
    %swap3A_115 = arith.constant 64 : index
    %swap3A_116 = tpu.vector_load %arg14[%swap3A_114, %swap3A_115] {strides = array<i32>} : memref<16x128xf32, #tpu.memory_space<vmem>>, vector<16xf32>,
    tpu.vector_store %arg14[%swap3A_114, %swap3A_115], %broadcast_in_dim3A_1 {strides = array<i32>} : memref<16x128xf32, #tpu.memory_space<vmem>>, vector<16xf32>,
    %swap3A_117 = arith.constant 3 : i32
    %swap3A_118 = arith.index_cast %swap3A_117 : i32 to index
    %swap3A_119 = arith.constant 80 : index
    %swap3A_120 = tpu.vector_load %arg14[%swap3A_118, %swap3A_119] {strides = array<i32>} : memref<16x128xf32, #tpu.memory_space<vmem>>, vector<16xf32>,
    tpu.vector_store %arg14[%swap3A_118, %swap3A_119], %broadcast_in_dim3A_1 {strides = array<i32>} : memref<16x128xf32, #tpu.memory_space<vmem>>, vector<16xf32>,
    %swap3A_121 = arith.constant 3 : i32
    %swap3A_122 = arith.index_cast %swap3A_121 : i32 to index
    %swap3A_123 = arith.constant 96 : index
    %swap3A_124 = tpu.vector_load %arg14[%swap3A_122, %swap3A_123] {strides = array<i32>} : memref<16x128xf32, #tpu.memory_space<vmem>>, vector<16xf32>,
    tpu.vector_store %arg14[%swap3A_122, %swap3A_123], %broadcast_in_dim3A_1 {strides = array<i32>} : memref<16x128xf32, #tpu.memory_space<vmem>>, vector<16xf32>,
    %swap3A_125 = arith.constant 3 : i32
    %swap3A_126 = arith.index_cast %swap3A_125 : i32 to index
    %swap3A_127 = arith.constant 112 : index
    %swap3A_128 = tpu.vector_load %arg14[%swap3A_126, %swap3A_127] {strides = array<i32>} : memref<16x128xf32, #tpu.memory_space<vmem>>, vector<16xf32>,
    tpu.vector_store %arg14[%swap3A_126, %swap3A_127], %broadcast_in_dim3A_1 {strides = array<i32>} : memref<16x128xf32, #tpu.memory_space<vmem>>, vector<16xf32>,
    %swap3A_129 = arith.constant 4 : i32
    %swap3A_130 = arith.index_cast %swap3A_129 : i32 to index
    %swap3A_131 = arith.constant 0 : index
    %swap3A_132 = tpu.vector_load %arg14[%swap3A_130, %swap3A_131] {strides = array<i32>} : memref<16x128xf32, #tpu.memory_space<vmem>>, vector<16xf32>,
    tpu.vector_store %arg14[%swap3A_130, %swap3A_131], %broadcast_in_dim3A_1 {strides = array<i32>} : memref<16x128xf32, #tpu.memory_space<vmem>>, vector<16xf32>,
    %swap3A_133 = arith.constant 4 : i32
    %swap3A_134 = arith.index_cast %swap3A_133 : i32 to index
    %swap3A_135 = arith.constant 16 : index
    %swap3A_136 = tpu.vector_load %arg14[%swap3A_134, %swap3A_135] {strides = array<i32>} : memref<16x128xf32, #tpu.memory_space<vmem>>, vector<16xf32>,
    tpu.vector_store %arg14[%swap3A_134, %swap3A_135], %broadcast_in_dim3A_1 {strides = array<i32>} : memref<16x128xf32, #tpu.memory_space<vmem>>, vector<16xf32>,
    %swap3A_137 = arith.constant 4 : i32
    %swap3A_138 = arith.index_cast %swap3A_137 : i32 to index
    %swap3A_139 = arith.constant 32 : index
    %swap3A_140 = tpu.vector_load %arg14[%swap3A_138, %swap3A_139] {strides = array<i32>} : memref<16x128xf32, #tpu.memory_space<vmem>>, vector<16xf32>,
    tpu.vector_store %arg14[%swap3A_138, %swap3A_139], %broadcast_in_dim3A_1 {strides = array<i32>} : memref<16x128xf32, #tpu.memory_space<vmem>>, vector<16xf32>,
    %swap3A_141 = arith.constant 4 : i32
    %swap3A_142 = arith.index_cast %swap3A_141 : i32 to index
    %swap3A_143 = arith.constant 48 : index
    %swap3A_144 = tpu.vector_load %arg14[%swap3A_142, %swap3A_143] {strides = array<i32>} : memref<16x128xf32, #tpu.memory_space<vmem>>, vector<16xf32>,
    tpu.vector_store %arg14[%swap3A_142, %swap3A_143], %broadcast_in_dim3A_1 {strides = array<i32>} : memref<16x128xf32, #tpu.memory_space<vmem>>, vector<16xf32>,
    %swap3A_145 = arith.constant 4 : i32
    %swap3A_146 = arith.index_cast %swap3A_145 : i32 to index
    %swap3A_147 = arith.constant 64 : index
    %swap3A_148 = tpu.vector_load %arg14[%swap3A_146, %swap3A_147] {strides = array<i32>} : memref<16x128xf32, #tpu.memory_space<vmem>>, vector<16xf32>,
    tpu.vector_store %arg14[%swap3A_146, %swap3A_147], %broadcast_in_dim3A_1 {strides = array<i32>} : memref<16x128xf32, #tpu.memory_space<vmem>>, vector<16xf32>,
    %swap3A_149 = arith.constant 4 : i32
    %swap3A_150 = arith.index_cast %swap3A_149 : i32 to index
    %swap3A_151 = arith.constant 80 : index
    %swap3A_152 = tpu.vector_load %arg14[%swap3A_150, %swap3A_151] {strides = array<i32>} : memref<16x128xf32, #tpu.memory_space<vmem>>, vector<16xf32>,
    tpu.vector_store %arg14[%swap3A_150, %swap3A_151], %broadcast_in_dim3A_1 {strides = array<i32>} : memref<16x128xf32, #tpu.memory_space<vmem>>, vector<16xf32>,
    %swap3A_153 = arith.constant 4 : i32
    %swap3A_154 = arith.index_cast %swap3A_153 : i32 to index
    %swap3A_155 = arith.constant 96 : index
    %swap3A_156 = tpu.vector_load %arg14[%swap3A_154, %swap3A_155] {strides = array<i32>} : memref<16x128xf32, #tpu.memory_space<vmem>>, vector<16xf32>,
    tpu.vector_store %arg14[%swap3A_154, %swap3A_155], %broadcast_in_dim3A_1 {strides = array<i32>} : memref<16x128xf32, #tpu.memory_space<vmem>>, vector<16xf32>,
    %swap3A_157 = arith.constant 4 : i32
    %swap3A_158 = arith.index_cast %swap3A_157 : i32 to index
    %swap3A_159 = arith.constant 112 : index
    %swap3A_160 = tpu.vector_load %arg14[%swap3A_158, %swap3A_159] {strides = array<i32>} : memref<16x128xf32, #tpu.memory_space<vmem>>, vector<16xf32>,
    tpu.vector_store %arg14[%swap3A_158, %swap3A_159], %broadcast_in_dim3A_1 {strides = array<i32>} : memref<16x128xf32, #tpu.memory_space<vmem>>, vector<16xf32>,
    %swap3A_161 = arith.constant 5 : i32
    %swap3A_162 = arith.index_cast %swap3A_161 : i32 to index
    %swap3A_163 = arith.constant 0 : index
    %swap3A_164 = tpu.vector_load %arg14[%swap3A_162, %swap3A_163] {strides = array<i32>} : memref<16x128xf32, #tpu.memory_space<vmem>>, vector<16xf32>,
    tpu.vector_store %arg14[%swap3A_162, %swap3A_163], %broadcast_in_dim3A_1 {strides = array<i32>} : memref<16x128xf32, #tpu.memory_space<vmem>>, vector<16xf32>,
    %swap3A_165 = arith.constant 5 : i32
    %swap3A_166 = arith.index_cast %swap3A_165 : i32 to index
    %swap3A_167 = arith.constant 16 : index
    %swap3A_168 = tpu.vector_load %arg14[%swap3A_166, %swap3A_167] {strides = array<i32>} : memref<16x128xf32, #tpu.memory_space<vmem>>, vector<16xf32>,
    tpu.vector_store %arg14[%swap3A_166, %swap3A_167], %broadcast_in_dim3A_1 {strides = array<i32>} : memref<16x128xf32, #tpu.memory_space<vmem>>, vector<16xf32>,
    %swap3A_169 = arith.constant 5 : i32
    %swap3A_170 = arith.index_cast %swap3A_169 : i32 to index
    %swap3A_171 = arith.constant 32 : index
    %swap3A_172 = tpu.vector_load %arg14[%swap3A_170, %swap3A_171] {strides = array<i32>} : memref<16x128xf32, #tpu.memory_space<vmem>>, vector<16xf32>,
    tpu.vector_store %arg14[%swap3A_170, %swap3A_171], %broadcast_in_dim3A_1 {strides = array<i32>} : memref<16x128xf32, #tpu.memory_space<vmem>>, vector<16xf32>,
    %swap3A_173 = arith.constant 5 : i32
    %swap3A_174 = arith.index_cast %swap3A_173 : i32 to index
    %swap3A_175 = arith.constant 48 : index
    %swap3A_176 = tpu.vector_load %arg14[%swap3A_174, %swap3A_175] {strides = array<i32>} : memref<16x128xf32, #tpu.memory_space<vmem>>, vector<16xf32>,
    tpu.vector_store %arg14[%swap3A_174, %swap3A_175], %broadcast_in_dim3A_1 {strides = array<i32>} : memref<16x128xf32, #tpu.memory_space<vmem>>, vector<16xf32>,
    %swap3A_177 = arith.constant 5 : i32
    %swap3A_178 = arith.index_cast %swap3A_177 : i32 to index
    %swap3A_179 = arith.constant 64 : index
    %swap3A_180 = tpu.vector_load %arg14[%swap3A_178, %swap3A_179] {strides = array<i32>} : memref<16x128xf32, #tpu.memory_space<vmem>>, vector<16xf32>,
    tpu.vector_store %arg14[%swap3A_178, %swap3A_179], %broadcast_in_dim3A_1 {strides = array<i32>} : memref<16x128xf32, #tpu.memory_space<vmem>>, vector<16xf32>,
    %swap3A_181 = arith.constant 5 : i32
    %swap3A_182 = arith.index_cast %swap3A_181 : i32 to index
    %swap3A_183 = arith.constant 80 : index
    %swap3A_184 = tpu.vector_load %arg14[%swap3A_182, %swap3A_183] {strides = array<i32>} : memref<16x128xf32, #tpu.memory_space<vmem>>, vector<16xf32>,
    tpu.vector_store %arg14[%swap3A_182, %swap3A_183], %broadcast_in_dim3A_1 {strides = array<i32>} : memref<16x128xf32, #tpu.memory_space<vmem>>, vector<16xf32>,
    %swap3A_185 = arith.constant 5 : i32
    %swap3A_186 = arith.index_cast %swap3A_185 : i32 to index
    %swap3A_187 = arith.constant 96 : index
    %swap3A_188 = tpu.vector_load %arg14[%swap3A_186, %swap3A_187] {strides = array<i32>} : memref<16x128xf32, #tpu.memory_space<vmem>>, vector<16xf32>,
    tpu.vector_store %arg14[%swap3A_186, %swap3A_187], %broadcast_in_dim3A_1 {strides = array<i32>} : memref<16x128xf32, #tpu.memory_space<vmem>>, vector<16xf32>,
    %swap3A_189 = arith.constant 5 : i32
    %swap3A_190 = arith.index_cast %swap3A_189 : i32 to index
    %swap3A_191 = arith.constant 112 : index
    %swap3A_192 = tpu.vector_load %arg14[%swap3A_190, %swap3A_191] {strides = array<i32>} : memref<16x128xf32, #tpu.memory_space<vmem>>, vector<16xf32>,
    tpu.vector_store %arg14[%swap3A_190, %swap3A_191], %broadcast_in_dim3A_1 {strides = array<i32>} : memref<16x128xf32, #tpu.memory_space<vmem>>, vector<16xf32>,
    %swap3A_193 = arith.constant 6 : i32
    %swap3A_194 = arith.index_cast %swap3A_193 : i32 to index
    %swap3A_195 = arith.constant 0 : index
    %swap3A_196 = tpu.vector_load %arg14[%swap3A_194, %swap3A_195] {strides = array<i32>} : memref<16x128xf32, #tpu.memory_space<vmem>>, vector<16xf32>,
    tpu.vector_store %arg14[%swap3A_194, %swap3A_195], %broadcast_in_dim3A_1 {strides = array<i32>} : memref<16x128xf32, #tpu.memory_space<vmem>>, vector<16xf32>,
    %swap3A_197 = arith.constant 6 : i32
    %swap3A_198 = arith.index_cast %swap3A_197 : i32 to index
    %swap3A_199 = arith.constant 16 : index
    %swap3A_200 = tpu.vector_load %arg14[%swap3A_198, %swap3A_199] {strides = array<i32>} : memref<16x128xf32, #tpu.memory_space<vmem>>, vector<16xf32>,
    tpu.vector_store %arg14[%swap3A_198, %swap3A_199], %broadcast_in_dim3A_1 {strides = array<i32>} : memref<16x128xf32, #tpu.memory_space<vmem>>, vector<16xf32>,
    %swap3A_201 = arith.constant 6 : i32
    %swap3A_202 = arith.index_cast %swap3A_201 : i32 to index
    %swap3A_203 = arith.constant 32 : index
    %swap3A_204 = tpu.vector_load %arg14[%swap3A_202, %swap3A_203] {strides = array<i32>} : memref<16x128xf32, #tpu.memory_space<vmem>>, vector<16xf32>,
    tpu.vector_store %arg14[%swap3A_202, %swap3A_203], %broadcast_in_dim3A_1 {strides = array<i32>} : memref<16x128xf32, #tpu.memory_space<vmem>>, vector<16xf32>,
    %swap3A_205 = arith.constant 6 : i32
    %swap3A_206 = arith.index_cast %swap3A_205 : i32 to index
    %swap3A_207 = arith.constant 48 : index
    %swap3A_208 = tpu.vector_load %arg14[%swap3A_206, %swap3A_207] {strides = array<i32>} : memref<16x128xf32, #tpu.memory_space<vmem>>, vector<16xf32>,
    tpu.vector_store %arg14[%swap3A_206, %swap3A_207], %broadcast_in_dim3A_1 {strides = array<i32>} : memref<16x128xf32, #tpu.memory_space<vmem>>, vector<16xf32>,
    %swap3A_209 = arith.constant 6 : i32
    %swap3A_210 = arith.index_cast %swap3A_209 : i32 to index
    %swap3A_211 = arith.constant 64 : index
    %swap3A_212 = tpu.vector_load %arg14[%swap3A_210, %swap3A_211] {strides = array<i32>} : memref<16x128xf32, #tpu.memory_space<vmem>>, vector<16xf32>,
    tpu.vector_store %arg14[%swap3A_210, %swap3A_211], %broadcast_in_dim3A_1 {strides = array<i32>} : memref<16x128xf32, #tpu.memory_space<vmem>>, vector<16xf32>,
    %swap3A_213 = arith.constant 6 : i32
    %swap3A_214 = arith.index_cast %swap3A_213 : i32 to index
    %swap3A_215 = arith.constant 80 : index
    %swap3A_216 = tpu.vector_load %arg14[%swap3A_214, %swap3A_215] {strides = array<i32>} : memref<16x128xf32, #tpu.memory_space<vmem>>, vector<16xf32>,
    tpu.vector_store %arg14[%swap3A_214, %swap3A_215], %broadcast_in_dim3A_1 {strides = array<i32>} : memref<16x128xf32, #tpu.memory_space<vmem>>, vector<16xf32>,
    %swap3A_217 = arith.constant 6 : i32
    %swap3A_218 = arith.index_cast %swap3A_217 : i32 to index
    %swap3A_219 = arith.constant 96 : index
    %swap3A_220 = tpu.vector_load %arg14[%swap3A_218, %swap3A_219] {strides = array<i32>} : memref<16x128xf32, #tpu.memory_space<vmem>>, vector<16xf32>,
    tpu.vector_store %arg14[%swap3A_218, %swap3A_219], %broadcast_in_dim3A_1 {strides = array<i32>} : memref<16x128xf32, #tpu.memory_space<vmem>>, vector<16xf32>,
    %swap3A_221 = arith.constant 6 : i32
    %swap3A_222 = arith.index_cast %swap3A_221 : i32 to index
    %swap3A_223 = arith.constant 112 : index
    %swap3A_224 = tpu.vector_load %arg14[%swap3A_222, %swap3A_223] {strides = array<i32>} : memref<16x128xf32, #tpu.memory_space<vmem>>, vector<16xf32>,
    tpu.vector_store %arg14[%swap3A_222, %swap3A_223], %broadcast_in_dim3A_1 {strides = array<i32>} : memref<16x128xf32, #tpu.memory_space<vmem>>, vector<16xf32>,
    %swap3A_225 = arith.constant 7 : i32
    %swap3A_226 = arith.index_cast %swap3A_225 : i32 to index
    %swap3A_227 = arith.constant 0 : index
    %swap3A_228 = tpu.vector_load %arg14[%swap3A_226, %swap3A_227] {strides = array<i32>} : memref<16x128xf32, #tpu.memory_space<vmem>>, vector<16xf32>,
    tpu.vector_store %arg14[%swap3A_226, %swap3A_227], %broadcast_in_dim3A_1 {strides = array<i32>} : memref<16x128xf32, #tpu.memory_space<vmem>>, vector<16xf32>,
    %swap3A_229 = arith.constant 7 : i32
    %swap3A_230 = arith.index_cast %swap3A_229 : i32 to index
    %swap3A_231 = arith.constant 16 : index
    %swap3A_232 = tpu.vector_load %arg14[%swap3A_230, %swap3A_231] {strides = array<i32>} : memref<16x128xf32, #tpu.memory_space<vmem>>, vector<16xf32>,
    tpu.vector_store %arg14[%swap3A_230, %swap3A_231], %broadcast_in_dim3A_1 {strides = array<i32>} : memref<16x128xf32, #tpu.memory_space<vmem>>, vector<16xf32>,
    %swap3A_233 = arith.constant 7 : i32
    %swap3A_234 = arith.index_cast %swap3A_233 : i32 to index
    %swap3A_235 = arith.constant 32 : index
    %swap3A_236 = tpu.vector_load %arg14[%swap3A_234, %swap3A_235] {strides = array<i32>} : memref<16x128xf32, #tpu.memory_space<vmem>>, vector<16xf32>,
    tpu.vector_store %arg14[%swap3A_234, %swap3A_235], %broadcast_in_dim3A_1 {strides = array<i32>} : memref<16x128xf32, #tpu.memory_space<vmem>>, vector<16xf32>,
    %swap3A_237 = arith.constant 7 : i32
    %swap3A_238 = arith.index_cast %swap3A_237 : i32 to index
    %swap3A_239 = arith.constant 48 : index
    %swap3A_240 = tpu.vector_load %arg14[%swap3A_238, %swap3A_239] {strides = array<i32>} : memref<16x128xf32, #tpu.memory_space<vmem>>, vector<16xf32>,
    tpu.vector_store %arg14[%swap3A_238, %swap3A_239], %broadcast_in_dim3A_1 {strides = array<i32>} : memref<16x128xf32, #tpu.memory_space<vmem>>, vector<16xf32>,
    %swap3A_241 = arith.constant 7 : i32
    %swap3A_242 = arith.index_cast %swap3A_241 : i32 to index
    %swap3A_243 = arith.constant 64 : index
    %swap3A_244 = tpu.vector_load %arg14[%swap3A_242, %swap3A_243] {strides = array<i32>} : memref<16x128xf32, #tpu.memory_space<vmem>>, vector<16xf32>,
    tpu.vector_store %arg14[%swap3A_242, %swap3A_243], %broadcast_in_dim3A_1 {strides = array<i32>} : memref<16x128xf32, #tpu.memory_space<vmem>>, vector<16xf32>,
    %swap3A_245 = arith.constant 7 : i32
    %swap3A_246 = arith.index_cast %swap3A_245 : i32 to index
    %swap3A_247 = arith.constant 80 : index
    %swap3A_248 = tpu.vector_load %arg14[%swap3A_246, %swap3A_247] {strides = array<i32>} : memref<16x128xf32, #tpu.memory_space<vmem>>, vector<16xf32>,
    tpu.vector_store %arg14[%swap3A_246, %swap3A_247], %broadcast_in_dim3A_1 {strides = array<i32>} : memref<16x128xf32, #tpu.memory_space<vmem>>, vector<16xf32>,
    %swap3A_249 = arith.constant 7 : i32
    %swap3A_250 = arith.index_cast %swap3A_249 : i32 to index
    %swap3A_251 = arith.constant 96 : index
    %swap3A_252 = tpu.vector_load %arg14[%swap3A_250, %swap3A_251] {strides = array<i32>} : memref<16x128xf32, #tpu.memory_space<vmem>>, vector<16xf32>,
    tpu.vector_store %arg14[%swap3A_250, %swap3A_251], %broadcast_in_dim3A_1 {strides = array<i32>} : memref<16x128xf32, #tpu.memory_space<vmem>>, vector<16xf32>,
    %swap3A_253 = arith.constant 7 : i32
    %swap3A_254 = arith.index_cast %swap3A_253 : i32 to index
    %swap3A_255 = arith.constant 112 : index
    %swap3A_256 = tpu.vector_load %arg14[%swap3A_254, %swap3A_255] {strides = array<i32>} : memref<16x128xf32, #tpu.memory_space<vmem>>, vector<16xf32>,
    tpu.vector_store %arg14[%swap3A_254, %swap3A_255], %broadcast_in_dim3A_1 {strides = array<i32>} : memref<16x128xf32, #tpu.memory_space<vmem>>, vector<16xf32>,
    %swap3A_257 = arith.constant 8 : i32
    %swap3A_258 = arith.index_cast %swap3A_257 : i32 to index
    %swap3A_259 = arith.constant 0 : index
    %swap3A_260 = tpu.vector_load %arg14[%swap3A_258, %swap3A_259] {strides = array<i32>} : memref<16x128xf32, #tpu.memory_space<vmem>>, vector<16xf32>,
    tpu.vector_store %arg14[%swap3A_258, %swap3A_259], %broadcast_in_dim3A_1 {strides = array<i32>} : memref<16x128xf32, #tpu.memory_space<vmem>>, vector<16xf32>,
    %swap3A_261 = arith.constant 8 : i32
    %swap3A_262 = arith.index_cast %swap3A_261 : i32 to index
    %swap3A_263 = arith.constant 16 : index
    %swap3A_264 = tpu.vector_load %arg14[%swap3A_262, %swap3A_263] {strides = array<i32>} : memref<16x128xf32, #tpu.memory_space<vmem>>, vector<16xf32>,
    tpu.vector_store %arg14[%swap3A_262, %swap3A_263], %broadcast_in_dim3A_1 {strides = array<i32>} : memref<16x128xf32, #tpu.memory_space<vmem>>, vector<16xf32>,
    %swap3A_265 = arith.constant 8 : i32
    %swap3A_266 = arith.index_cast %swap3A_265 : i32 to index
    %swap3A_267 = arith.constant 32 : index
    %swap3A_268 = tpu.vector_load %arg14[%swap3A_266, %swap3A_267] {strides = array<i32>} : memref<16x128xf32, #tpu.memory_space<vmem>>, vector<16xf32>,
    tpu.vector_store %arg14[%swap3A_266, %swap3A_267], %broadcast_in_dim3A_1 {strides = array<i32>} : memref<16x128xf32, #tpu.memory_space<vmem>>, vector<16xf32>,
    %swap3A_269 = arith.constant 8 : i32
    %swap3A_270 = arith.index_cast %swap3A_269 : i32 to index
    %swap3A_271 = arith.constant 48 : index
    %swap3A_272 = tpu.vector_load %arg14[%swap3A_270, %swap3A_271] {strides = array<i32>} : memref<16x128xf32, #tpu.memory_space<vmem>>, vector<16xf32>,
    tpu.vector_store %arg14[%swap3A_270, %swap3A_271], %broadcast_in_dim3A_1 {strides = array<i32>} : memref<16x128xf32, #tpu.memory_space<vmem>>, vector<16xf32>,
    %swap3A_273 = arith.constant 8 : i32
    %swap3A_274 = arith.index_cast %swap3A_273 : i32 to index
    %swap3A_275 = arith.constant 64 : index
    %swap3A_276 = tpu.vector_load %arg14[%swap3A_274, %swap3A_275] {strides = array<i32>} : memref<16x128xf32, #tpu.memory_space<vmem>>, vector<16xf32>,
    tpu.vector_store %arg14[%swap3A_274, %swap3A_275], %broadcast_in_dim3A_1 {strides = array<i32>} : memref<16x128xf32, #tpu.memory_space<vmem>>, vector<16xf32>,
    %swap3A_277 = arith.constant 8 : i32
    %swap3A_278 = arith.index_cast %swap3A_277 : i32 to index
    %swap3A_279 = arith.constant 80 : index
    %swap3A_280 = tpu.vector_load %arg14[%swap3A_278, %swap3A_279] {strides = array<i32>} : memref<16x128xf32, #tpu.memory_space<vmem>>, vector<16xf32>,
    tpu.vector_store %arg14[%swap3A_278, %swap3A_279], %broadcast_in_dim3A_1 {strides = array<i32>} : memref<16x128xf32, #tpu.memory_space<vmem>>, vector<16xf32>,
    %swap3A_281 = arith.constant 8 : i32
    %swap3A_282 = arith.index_cast %swap3A_281 : i32 to index
    %swap3A_283 = arith.constant 96 : index
    %swap3A_284 = tpu.vector_load %arg14[%swap3A_282, %swap3A_283] {strides = array<i32>} : memref<16x128xf32, #tpu.memory_space<vmem>>, vector<16xf32>,
    tpu.vector_store %arg14[%swap3A_282, %swap3A_283], %broadcast_in_dim3A_1 {strides = array<i32>} : memref<16x128xf32, #tpu.memory_space<vmem>>, vector<16xf32>,
    %swap3A_285 = arith.constant 8 : i32
    %swap3A_286 = arith.index_cast %swap3A_285 : i32 to index
    %swap3A_287 = arith.constant 112 : index
    %swap3A_288 = tpu.vector_load %arg14[%swap3A_286, %swap3A_287] {strides = array<i32>} : memref<16x128xf32, #tpu.memory_space<vmem>>, vector<16xf32>,
    tpu.vector_store %arg14[%swap3A_286, %swap3A_287], %broadcast_in_dim3A_1 {strides = array<i32>} : memref<16x128xf32, #tpu.memory_space<vmem>>, vector<16xf32>,
    %swap3A_289 = arith.constant 9 : i32
    %swap3A_290 = arith.index_cast %swap3A_289 : i32 to index
    %swap3A_291 = arith.constant 0 : index
    %swap3A_292 = tpu.vector_load %arg14[%swap3A_290, %swap3A_291] {strides = array<i32>} : memref<16x128xf32, #tpu.memory_space<vmem>>, vector<16xf32>,
    tpu.vector_store %arg14[%swap3A_290, %swap3A_291], %broadcast_in_dim3A_1 {strides = array<i32>} : memref<16x128xf32, #tpu.memory_space<vmem>>, vector<16xf32>,
    %swap3A_293 = arith.constant 9 : i32
    %swap3A_294 = arith.index_cast %swap3A_293 : i32 to index
    %swap3A_295 = arith.constant 16 : index
    %swap3A_296 = tpu.vector_load %arg14[%swap3A_294, %swap3A_295] {strides = array<i32>} : memref<16x128xf32, #tpu.memory_space<vmem>>, vector<16xf32>,
    tpu.vector_store %arg14[%swap3A_294, %swap3A_295], %broadcast_in_dim3A_1 {strides = array<i32>} : memref<16x128xf32, #tpu.memory_space<vmem>>, vector<16xf32>,
    %swap3A_297 = arith.constant 9 : i32
    %swap3A_298 = arith.index_cast %swap3A_297 : i32 to index
    %swap3A_299 = arith.constant 32 : index
    %swap3A_300 = tpu.vector_load %arg14[%swap3A_298, %swap3A_299] {strides = array<i32>} : memref<16x128xf32, #tpu.memory_space<vmem>>, vector<16xf32>,
    tpu.vector_store %arg14[%swap3A_298, %swap3A_299], %broadcast_in_dim3A_1 {strides = array<i32>} : memref<16x128xf32, #tpu.memory_space<vmem>>, vector<16xf32>,
    %swap3A_301 = arith.constant 9 : i32
    %swap3A_302 = arith.index_cast %swap3A_301 : i32 to index
    %swap3A_303 = arith.constant 48 : index
    %swap3A_304 = tpu.vector_load %arg14[%swap3A_302, %swap3A_303] {strides = array<i32>} : memref<16x128xf32, #tpu.memory_space<vmem>>, vector<16xf32>,
    tpu.vector_store %arg14[%swap3A_302, %swap3A_303], %broadcast_in_dim3A_1 {strides = array<i32>} : memref<16x128xf32, #tpu.memory_space<vmem>>, vector<16xf32>,
    %swap3A_305 = arith.constant 9 : i32
    %swap3A_306 = arith.index_cast %swap3A_305 : i32 to index
    %swap3A_307 = arith.constant 64 : index
    %swap3A_308 = tpu.vector_load %arg14[%swap3A_306, %swap3A_307] {strides = array<i32>} : memref<16x128xf32, #tpu.memory_space<vmem>>, vector<16xf32>,
    tpu.vector_store %arg14[%swap3A_306, %swap3A_307], %broadcast_in_dim3A_1 {strides = array<i32>} : memref<16x128xf32, #tpu.memory_space<vmem>>, vector<16xf32>,
    %swap3A_309 = arith.constant 9 : i32
    %swap3A_310 = arith.index_cast %swap3A_309 : i32 to index
    %swap3A_311 = arith.constant 80 : index
    %swap3A_312 = tpu.vector_load %arg14[%swap3A_310, %swap3A_311] {strides = array<i32>} : memref<16x128xf32, #tpu.memory_space<vmem>>, vector<16xf32>,
    tpu.vector_store %arg14[%swap3A_310, %swap3A_311], %broadcast_in_dim3A_1 {strides = array<i32>} : memref<16x128xf32, #tpu.memory_space<vmem>>, vector<16xf32>,
    %swap3A_313 = arith.constant 9 : i32
    %swap3A_314 = arith.index_cast %swap3A_313 : i32 to index
    %swap3A_315 = arith.constant 96 : index
    %swap3A_316 = tpu.vector_load %arg14[%swap3A_314, %swap3A_315] {strides = array<i32>} : memref<16x128xf32, #tpu.memory_space<vmem>>, vector<16xf32>,
    tpu.vector_store %arg14[%swap3A_314, %swap3A_315], %broadcast_in_dim3A_1 {strides = array<i32>} : memref<16x128xf32, #tpu.memory_space<vmem>>, vector<16xf32>,
    %swap3A_317 = arith.constant 9 : i32
    %swap3A_318 = arith.index_cast %swap3A_317 : i32 to index
    %swap3A_319 = arith.constant 112 : index
    %swap3A_320 = tpu.vector_load %arg14[%swap3A_318, %swap3A_319] {strides = array<i32>} : memref<16x128xf32, #tpu.memory_space<vmem>>, vector<16xf32>,
    tpu.vector_store %arg14[%swap3A_318, %swap3A_319], %broadcast_in_dim3A_1 {strides = array<i32>} : memref<16x128xf32, #tpu.memory_space<vmem>>, vector<16xf32>,
    %swap3A_321 = arith.constant 10 : i32
    %swap3A_322 = arith.index_cast %swap3A_321 : i32 to index
    %swap3A_323 = arith.constant 0 : index
    %swap3A_324 = tpu.vector_load %arg14[%swap3A_322, %swap3A_323] {strides = array<i32>} : memref<16x128xf32, #tpu.memory_space<vmem>>, vector<16xf32>,
    tpu.vector_store %arg14[%swap3A_322, %swap3A_323], %broadcast_in_dim3A_1 {strides = array<i32>} : memref<16x128xf32, #tpu.memory_space<vmem>>, vector<16xf32>,
    %swap3A_325 = arith.constant 10 : i32
    %swap3A_326 = arith.index_cast %swap3A_325 : i32 to index
    %swap3A_327 = arith.constant 16 : index
    %swap3A_328 = tpu.vector_load %arg14[%swap3A_326, %swap3A_327] {strides = array<i32>} : memref<16x128xf32, #tpu.memory_space<vmem>>, vector<16xf32>,
    tpu.vector_store %arg14[%swap3A_326, %swap3A_327], %broadcast_in_dim3A_1 {strides = array<i32>} : memref<16x128xf32, #tpu.memory_space<vmem>>, vector<16xf32>,
    %swap3A_329 = arith.constant 10 : i32
    %swap3A_330 = arith.index_cast %swap3A_329 : i32 to index
    %swap3A_331 = arith.constant 32 : index
    %swap3A_332 = tpu.vector_load %arg14[%swap3A_330, %swap3A_331] {strides = array<i32>} : memref<16x128xf32, #tpu.memory_space<vmem>>, vector<16xf32>,
    tpu.vector_store %arg14[%swap3A_330, %swap3A_331], %broadcast_in_dim3A_1 {strides = array<i32>} : memref<16x128xf32, #tpu.memory_space<vmem>>, vector<16xf32>,
    %swap3A_333 = arith.constant 10 : i32
    %swap3A_334 = arith.index_cast %swap3A_333 : i32 to index
    %swap3A_335 = arith.constant 48 : index
    %swap3A_336 = tpu.vector_load %arg14[%swap3A_334, %swap3A_335] {strides = array<i32>} : memref<16x128xf32, #tpu.memory_space<vmem>>, vector<16xf32>,
    tpu.vector_store %arg14[%swap3A_334, %swap3A_335], %broadcast_in_dim3A_1 {strides = array<i32>} : memref<16x128xf32, #tpu.memory_space<vmem>>, vector<16xf32>,
    %swap3A_337 = arith.constant 10 : i32
    %swap3A_338 = arith.index_cast %swap3A_337 : i32 to index
    %swap3A_339 = arith.constant 64 : index
    %swap3A_340 = tpu.vector_load %arg14[%swap3A_338, %swap3A_339] {strides = array<i32>} : memref<16x128xf32, #tpu.memory_space<vmem>>, vector<16xf32>,
    tpu.vector_store %arg14[%swap3A_338, %swap3A_339], %broadcast_in_dim3A_1 {strides = array<i32>} : memref<16x128xf32, #tpu.memory_space<vmem>>, vector<16xf32>,
    %swap3A_341 = arith.constant 10 : i32
    %swap3A_342 = arith.index_cast %swap3A_341 : i32 to index
    %swap3A_343 = arith.constant 80 : index
    %swap3A_344 = tpu.vector_load %arg14[%swap3A_342, %swap3A_343] {strides = array<i32>} : memref<16x128xf32, #tpu.memory_space<vmem>>, vector<16xf32>,
    tpu.vector_store %arg14[%swap3A_342, %swap3A_343], %broadcast_in_dim3A_1 {strides = array<i32>} : memref<16x128xf32, #tpu.memory_space<vmem>>, vector<16xf32>,
    %swap3A_345 = arith.constant 10 : i32
    %swap3A_346 = arith.index_cast %swap3A_345 : i32 to index
    %swap3A_347 = arith.constant 96 : index
    %swap3A_348 = tpu.vector_load %arg14[%swap3A_346, %swap3A_347] {strides = array<i32>} : memref<16x128xf32, #tpu.memory_space<vmem>>, vector<16xf32>,
    tpu.vector_store %arg14[%swap3A_346, %swap3A_347], %broadcast_in_dim3A_1 {strides = array<i32>} : memref<16x128xf32, #tpu.memory_space<vmem>>, vector<16xf32>,
    %swap3A_349 = arith.constant 10 : i32
    %swap3A_350 = arith.index_cast %swap3A_349 : i32 to index
    %swap3A_351 = arith.constant 112 : index
    %swap3A_352 = tpu.vector_load %arg14[%swap3A_350, %swap3A_351] {strides = array<i32>} : memref<16x128xf32, #tpu.memory_space<vmem>>, vector<16xf32>,
    tpu.vector_store %arg14[%swap3A_350, %swap3A_351], %broadcast_in_dim3A_1 {strides = array<i32>} : memref<16x128xf32, #tpu.memory_space<vmem>>, vector<16xf32>,
    %swap3A_353 = arith.constant 11 : i32
    %swap3A_354 = arith.index_cast %swap3A_353 : i32 to index
    %swap3A_355 = arith.constant 0 : index
    %swap3A_356 = tpu.vector_load %arg14[%swap3A_354, %swap3A_355] {strides = array<i32>} : memref<16x128xf32, #tpu.memory_space<vmem>>, vector<16xf32>,
    tpu.vector_store %arg14[%swap3A_354, %swap3A_355], %broadcast_in_dim3A_1 {strides = array<i32>} : memref<16x128xf32, #tpu.memory_space<vmem>>, vector<16xf32>,
    %swap3A_357 = arith.constant 11 : i32
    %swap3A_358 = arith.index_cast %swap3A_357 : i32 to index
    %swap3A_359 = arith.constant 16 : index
    %swap3A_360 = tpu.vector_load %arg14[%swap3A_358, %swap3A_359] {strides = array<i32>} : memref<16x128xf32, #tpu.memory_space<vmem>>, vector<16xf32>,
    tpu.vector_store %arg14[%swap3A_358, %swap3A_359], %broadcast_in_dim3A_1 {strides = array<i32>} : memref<16x128xf32, #tpu.memory_space<vmem>>, vector<16xf32>,
    %swap3A_361 = arith.constant 11 : i32
    %swap3A_362 = arith.index_cast %swap3A_361 : i32 to index
    %swap3A_363 = arith.constant 32 : index
    %swap3A_364 = tpu.vector_load %arg14[%swap3A_362, %swap3A_363] {strides = array<i32>} : memref<16x128xf32, #tpu.memory_space<vmem>>, vector<16xf32>,
    tpu.vector_store %arg14[%swap3A_362, %swap3A_363], %broadcast_in_dim3A_1 {strides = array<i32>} : memref<16x128xf32, #tpu.memory_space<vmem>>, vector<16xf32>,
    %swap3A_365 = arith.constant 11 : i32
    %swap3A_366 = arith.index_cast %swap3A_365 : i32 to index
    %swap3A_367 = arith.constant 48 : index
    %swap3A_368 = tpu.vector_load %arg14[%swap3A_366, %swap3A_367] {strides = array<i32>} : memref<16x128xf32, #tpu.memory_space<vmem>>, vector<16xf32>,
    tpu.vector_store %arg14[%swap3A_366, %swap3A_367], %broadcast_in_dim3A_1 {strides = array<i32>} : memref<16x128xf32, #tpu.memory_space<vmem>>, vector<16xf32>,
    %swap3A_369 = arith.constant 11 : i32
    %swap3A_370 = arith.index_cast %swap3A_369 : i32 to index
    %swap3A_371 = arith.constant 64 : index
    %swap3A_372 = tpu.vector_load %arg14[%swap3A_370, %swap3A_371] {strides = array<i32>} : memref<16x128xf32, #tpu.memory_space<vmem>>, vector<16xf32>,
    tpu.vector_store %arg14[%swap3A_370, %swap3A_371], %broadcast_in_dim3A_1 {strides = array<i32>} : memref<16x128xf32, #tpu.memory_space<vmem>>, vector<16xf32>,
    %swap3A_373 = arith.constant 11 : i32
    %swap3A_374 = arith.index_cast %swap3A_373 : i32 to index
    %swap3A_375 = arith.constant 80 : index
    %swap3A_376 = tpu.vector_load %arg14[%swap3A_374, %swap3A_375] {strides = array<i32>} : memref<16x128xf32, #tpu.memory_space<vmem>>, vector<16xf32>,
    tpu.vector_store %arg14[%swap3A_374, %swap3A_375], %broadcast_in_dim3A_1 {strides = array<i32>} : memref<16x128xf32, #tpu.memory_space<vmem>>, vector<16xf32>,
    %swap3A_377 = arith.constant 11 : i32
    %swap3A_378 = arith.index_cast %swap3A_377 : i32 to index
    %swap3A_379 = arith.constant 96 : index
    %swap3A_380 = tpu.vector_load %arg14[%swap3A_378, %swap3A_379] {strides = array<i32>} : memref<16x128xf32, #tpu.memory_space<vmem>>, vector<16xf32>,
    tpu.vector_store %arg14[%swap3A_378, %swap3A_379], %broadcast_in_dim3A_1 {strides = array<i32>} : memref<16x128xf32, #tpu.memory_space<vmem>>, vector<16xf32>,
    %swap3A_381 = arith.constant 11 : i32
    %swap3A_382 = arith.index_cast %swap3A_381 : i32 to index
    %swap3A_383 = arith.constant 112 : index
    %swap3A_384 = tpu.vector_load %arg14[%swap3A_382, %swap3A_383] {strides = array<i32>} : memref<16x128xf32, #tpu.memory_space<vmem>>, vector<16xf32>,
    tpu.vector_store %arg14[%swap3A_382, %swap3A_383], %broadcast_in_dim3A_1 {strides = array<i32>} : memref<16x128xf32, #tpu.memory_space<vmem>>, vector<16xf32>,
    %swap3A_385 = arith.constant 12 : i32
    %swap3A_386 = arith.index_cast %swap3A_385 : i32 to index
    %swap3A_387 = arith.constant 0 : index
    %swap3A_388 = tpu.vector_load %arg14[%swap3A_386, %swap3A_387] {strides = array<i32>} : memref<16x128xf32, #tpu.memory_space<vmem>>, vector<16xf32>,
    tpu.vector_store %arg14[%swap3A_386, %swap3A_387], %broadcast_in_dim3A_1 {strides = array<i32>} : memref<16x128xf32, #tpu.memory_space<vmem>>, vector<16xf32>,
    %swap3A_389 = arith.constant 12 : i32
    %swap3A_390 = arith.index_cast %swap3A_389 : i32 to index
    %swap3A_391 = arith.constant 16 : index
    %swap3A_392 = tpu.vector_load %arg14[%swap3A_390, %swap3A_391] {strides = array<i32>} : memref<16x128xf32, #tpu.memory_space<vmem>>, vector<16xf32>,
    tpu.vector_store %arg14[%swap3A_390, %swap3A_391], %broadcast_in_dim3A_1 {strides = array<i32>} : memref<16x128xf32, #tpu.memory_space<vmem>>, vector<16xf32>,
    %swap3A_393 = arith.constant 12 : i32
    %swap3A_394 = arith.index_cast %swap3A_393 : i32 to index
    %swap3A_395 = arith.constant 32 : index
    %swap3A_396 = tpu.vector_load %arg14[%swap3A_394, %swap3A_395] {strides = array<i32>} : memref<16x128xf32, #tpu.memory_space<vmem>>, vector<16xf32>,
    tpu.vector_store %arg14[%swap3A_394, %swap3A_395], %broadcast_in_dim3A_1 {strides = array<i32>} : memref<16x128xf32, #tpu.memory_space<vmem>>, vector<16xf32>,
    %swap3A_397 = arith.constant 12 : i32
    %swap3A_398 = arith.index_cast %swap3A_397 : i32 to index
    %swap3A_399 = arith.constant 48 : index
    %swap3A_400 = tpu.vector_load %arg14[%swap3A_398, %swap3A_399] {strides = array<i32>} : memref<16x128xf32, #tpu.memory_space<vmem>>, vector<16xf32>,
    tpu.vector_store %arg14[%swap3A_398, %swap3A_399], %broadcast_in_dim3A_1 {strides = array<i32>} : memref<16x128xf32, #tpu.memory_space<vmem>>, vector<16xf32>,
    %swap3A_401 = arith.constant 12 : i32
    %swap3A_402 = arith.index_cast %swap3A_401 : i32 to index
    %swap3A_403 = arith.constant 64 : index
    %swap3A_404 = tpu.vector_load %arg14[%swap3A_402, %swap3A_403] {strides = array<i32>} : memref<16x128xf32, #tpu.memory_space<vmem>>, vector<16xf32>,
    tpu.vector_store %arg14[%swap3A_402, %swap3A_403], %broadcast_in_dim3A_1 {strides = array<i32>} : memref<16x128xf32, #tpu.memory_space<vmem>>, vector<16xf32>,
    %swap3A_405 = arith.constant 12 : i32
    %swap3A_406 = arith.index_cast %swap3A_405 : i32 to index
    %swap3A_407 = arith.constant 80 : index
    %swap3A_408 = tpu.vector_load %arg14[%swap3A_406, %swap3A_407] {strides = array<i32>} : memref<16x128xf32, #tpu.memory_space<vmem>>, vector<16xf32>,
    tpu.vector_store %arg14[%swap3A_406, %swap3A_407], %broadcast_in_dim3A_1 {strides = array<i32>} : memref<16x128xf32, #tpu.memory_space<vmem>>, vector<16xf32>,
    %swap3A_409 = arith.constant 12 : i32
    %swap3A_410 = arith.index_cast %swap3A_409 : i32 to index
    %swap3A_411 = arith.constant 96 : index
    %swap3A_412 = tpu.vector_load %arg14[%swap3A_410, %swap3A_411] {strides = array<i32>} : memref<16x128xf32, #tpu.memory_space<vmem>>, vector<16xf32>,
    tpu.vector_store %arg14[%swap3A_410, %swap3A_411], %broadcast_in_dim3A_1 {strides = array<i32>} : memref<16x128xf32, #tpu.memory_space<vmem>>, vector<16xf32>,
    %swap3A_413 = arith.constant 12 : i32
    %swap3A_414 = arith.index_cast %swap3A_413 : i32 to index
    %swap3A_415 = arith.constant 112 : index
    %swap3A_416 = tpu.vector_load %arg14[%swap3A_414, %swap3A_415] {strides = array<i32>} : memref<16x128xf32, #tpu.memory_space<vmem>>, vector<16xf32>,
    tpu.vector_store %arg14[%swap3A_414, %swap3A_415], %broadcast_in_dim3A_1 {strides = array<i32>} : memref<16x128xf32, #tpu.memory_space<vmem>>, vector<16xf32>,
    %swap3A_417 = arith.constant 13 : i32
    %swap3A_418 = arith.index_cast %swap3A_417 : i32 to index
    %swap3A_419 = arith.constant 0 : index
    %swap3A_420 = tpu.vector_load %arg14[%swap3A_418, %swap3A_419] {strides = array<i32>} : memref<16x128xf32, #tpu.memory_space<vmem>>, vector<16xf32>,
    tpu.vector_store %arg14[%swap3A_418, %swap3A_419], %broadcast_in_dim3A_1 {strides = array<i32>} : memref<16x128xf32, #tpu.memory_space<vmem>>, vector<16xf32>,
    %swap3A_421 = arith.constant 13 : i32
    %swap3A_422 = arith.index_cast %swap3A_421 : i32 to index
    %swap3A_423 = arith.constant 16 : index
    %swap3A_424 = tpu.vector_load %arg14[%swap3A_422, %swap3A_423] {strides = array<i32>} : memref<16x128xf32, #tpu.memory_space<vmem>>, vector<16xf32>,
    tpu.vector_store %arg14[%swap3A_422, %swap3A_423], %broadcast_in_dim3A_1 {strides = array<i32>} : memref<16x128xf32, #tpu.memory_space<vmem>>, vector<16xf32>,
    %swap3A_425 = arith.constant 13 : i32
    %swap3A_426 = arith.index_cast %swap3A_425 : i32 to index
    %swap3A_427 = arith.constant 32 : index
    %swap3A_428 = tpu.vector_load %arg14[%swap3A_426, %swap3A_427] {strides = array<i32>} : memref<16x128xf32, #tpu.memory_space<vmem>>, vector<16xf32>,
    tpu.vector_store %arg14[%swap3A_426, %swap3A_427], %broadcast_in_dim3A_1 {strides = array<i32>} : memref<16x128xf32, #tpu.memory_space<vmem>>, vector<16xf32>,
    %swap3A_429 = arith.constant 13 : i32
    %swap3A_430 = arith.index_cast %swap3A_429 : i32 to index
    %swap3A_431 = arith.constant 48 : index
    %swap3A_432 = tpu.vector_load %arg14[%swap3A_430, %swap3A_431] {strides = array<i32>} : memref<16x128xf32, #tpu.memory_space<vmem>>, vector<16xf32>,
    tpu.vector_store %arg14[%swap3A_430, %swap3A_431], %broadcast_in_dim3A_1 {strides = array<i32>} : memref<16x128xf32, #tpu.memory_space<vmem>>, vector<16xf32>,
    %swap3A_433 = arith.constant 13 : i32
    %swap3A_434 = arith.index_cast %swap3A_433 : i32 to index
    %swap3A_435 = arith.constant 64 : index
    %swap3A_436 = tpu.vector_load %arg14[%swap3A_434, %swap3A_435] {strides = array<i32>} : memref<16x128xf32, #tpu.memory_space<vmem>>, vector<16xf32>,
    tpu.vector_store %arg14[%swap3A_434, %swap3A_435], %broadcast_in_dim3A_1 {strides = array<i32>} : memref<16x128xf32, #tpu.memory_space<vmem>>, vector<16xf32>,
    %swap3A_437 = arith.constant 13 : i32
    %swap3A_438 = arith.index_cast %swap3A_437 : i32 to index
    %swap3A_439 = arith.constant 80 : index
    %swap3A_440 = tpu.vector_load %arg14[%swap3A_438, %swap3A_439] {strides = array<i32>} : memref<16x128xf32, #tpu.memory_space<vmem>>, vector<16xf32>,
    tpu.vector_store %arg14[%swap3A_438, %swap3A_439], %broadcast_in_dim3A_1 {strides = array<i32>} : memref<16x128xf32, #tpu.memory_space<vmem>>, vector<16xf32>,
    %swap3A_441 = arith.constant 13 : i32
    %swap3A_442 = arith.index_cast %swap3A_441 : i32 to index
    %swap3A_443 = arith.constant 96 : index
    %swap3A_444 = tpu.vector_load %arg14[%swap3A_442, %swap3A_443] {strides = array<i32>} : memref<16x128xf32, #tpu.memory_space<vmem>>, vector<16xf32>,
    tpu.vector_store %arg14[%swap3A_442, %swap3A_443], %broadcast_in_dim3A_1 {strides = array<i32>} : memref<16x128xf32, #tpu.memory_space<vmem>>, vector<16xf32>,
    %swap3A_445 = arith.constant 13 : i32
    %swap3A_446 = arith.index_cast %swap3A_445 : i32 to index
    %swap3A_447 = arith.constant 112 : index
    %swap3A_448 = tpu.vector_load %arg14[%swap3A_446, %swap3A_447] {strides = array<i32>} : memref<16x128xf32, #tpu.memory_space<vmem>>, vector<16xf32>,
    tpu.vector_store %arg14[%swap3A_446, %swap3A_447], %broadcast_in_dim3A_1 {strides = array<i32>} : memref<16x128xf32, #tpu.memory_space<vmem>>, vector<16xf32>,
    %swap3A_449 = arith.constant 14 : i32
    %swap3A_450 = arith.index_cast %swap3A_449 : i32 to index
    %swap3A_451 = arith.constant 0 : index
    %swap3A_452 = tpu.vector_load %arg14[%swap3A_450, %swap3A_451] {strides = array<i32>} : memref<16x128xf32, #tpu.memory_space<vmem>>, vector<16xf32>,
    tpu.vector_store %arg14[%swap3A_450, %swap3A_451], %broadcast_in_dim3A_1 {strides = array<i32>} : memref<16x128xf32, #tpu.memory_space<vmem>>, vector<16xf32>,
    %swap3A_453 = arith.constant 14 : i32
    %swap3A_454 = arith.index_cast %swap3A_453 : i32 to index
    %swap3A_455 = arith.constant 16 : index
    %swap3A_456 = tpu.vector_load %arg14[%swap3A_454, %swap3A_455] {strides = array<i32>} : memref<16x128xf32, #tpu.memory_space<vmem>>, vector<16xf32>,
    tpu.vector_store %arg14[%swap3A_454, %swap3A_455], %broadcast_in_dim3A_1 {strides = array<i32>} : memref<16x128xf32, #tpu.memory_space<vmem>>, vector<16xf32>,
    %swap3A_457 = arith.constant 14 : i32
    %swap3A_458 = arith.index_cast %swap3A_457 : i32 to index
    %swap3A_459 = arith.constant 32 : index
    %swap3A_460 = tpu.vector_load %arg14[%swap3A_458, %swap3A_459] {strides = array<i32>} : memref<16x128xf32, #tpu.memory_space<vmem>>, vector<16xf32>,
    tpu.vector_store %arg14[%swap3A_458, %swap3A_459], %broadcast_in_dim3A_1 {strides = array<i32>} : memref<16x128xf32, #tpu.memory_space<vmem>>, vector<16xf32>,
    %swap3A_461 = arith.constant 14 : i32
    %swap3A_462 = arith.index_cast %swap3A_461 : i32 to index
    %swap3A_463 = arith.constant 48 : index
    %swap3A_464 = tpu.vector_load %arg14[%swap3A_462, %swap3A_463] {strides = array<i32>} : memref<16x128xf32, #tpu.memory_space<vmem>>, vector<16xf32>,
    tpu.vector_store %arg14[%swap3A_462, %swap3A_463], %broadcast_in_dim3A_1 {strides = array<i32>} : memref<16x128xf32, #tpu.memory_space<vmem>>, vector<16xf32>,
    %swap3A_465 = arith.constant 14 : i32
    %swap3A_466 = arith.index_cast %swap3A_465 : i32 to index
    %swap3A_467 = arith.constant 64 : index
    %swap3A_468 = tpu.vector_load %arg14[%swap3A_466, %swap3A_467] {strides = array<i32>} : memref<16x128xf32, #tpu.memory_space<vmem>>, vector<16xf32>,
    tpu.vector_store %arg14[%swap3A_466, %swap3A_467], %broadcast_in_dim3A_1 {strides = array<i32>} : memref<16x128xf32, #tpu.memory_space<vmem>>, vector<16xf32>,
    %swap3A_469 = arith.constant 14 : i32
    %swap3A_470 = arith.index_cast %swap3A_469 : i32 to index
    %swap3A_471 = arith.constant 80 : index
    %swap3A_472 = tpu.vector_load %arg14[%swap3A_470, %swap3A_471] {strides = array<i32>} : memref<16x128xf32, #tpu.memory_space<vmem>>, vector<16xf32>,
    tpu.vector_store %arg14[%swap3A_470, %swap3A_471], %broadcast_in_dim3A_1 {strides = array<i32>} : memref<16x128xf32, #tpu.memory_space<vmem>>, vector<16xf32>,
    %swap3A_473 = arith.constant 14 : i32
    %swap3A_474 = arith.index_cast %swap3A_473 : i32 to index
    %swap3A_475 = arith.constant 96 : index
    %swap3A_476 = tpu.vector_load %arg14[%swap3A_474, %swap3A_475] {strides = array<i32>} : memref<16x128xf32, #tpu.memory_space<vmem>>, vector<16xf32>,
    tpu.vector_store %arg14[%swap3A_474, %swap3A_475], %broadcast_in_dim3A_1 {strides = array<i32>} : memref<16x128xf32, #tpu.memory_space<vmem>>, vector<16xf32>,
    %swap3A_477 = arith.constant 14 : i32
    %swap3A_478 = arith.index_cast %swap3A_477 : i32 to index
    %swap3A_479 = arith.constant 112 : index
    %swap3A_480 = tpu.vector_load %arg14[%swap3A_478, %swap3A_479] {strides = array<i32>} : memref<16x128xf32, #tpu.memory_space<vmem>>, vector<16xf32>,
    tpu.vector_store %arg14[%swap3A_478, %swap3A_479], %broadcast_in_dim3A_1 {strides = array<i32>} : memref<16x128xf32, #tpu.memory_space<vmem>>, vector<16xf32>,
    %swap3A_481 = arith.constant 15 : i32
    %swap3A_482 = arith.index_cast %swap3A_481 : i32 to index
    %swap3A_483 = arith.constant 0 : index
    %swap3A_484 = tpu.vector_load %arg14[%swap3A_482, %swap3A_483] {strides = array<i32>} : memref<16x128xf32, #tpu.memory_space<vmem>>, vector<16xf32>,
    tpu.vector_store %arg14[%swap3A_482, %swap3A_483], %broadcast_in_dim3A_1 {strides = array<i32>} : memref<16x128xf32, #tpu.memory_space<vmem>>, vector<16xf32>,
    %swap3A_485 = arith.constant 15 : i32
    %swap3A_486 = arith.index_cast %swap3A_485 : i32 to index
    %swap3A_487 = arith.constant 16 : index
    %swap3A_488 = tpu.vector_load %arg14[%swap3A_486, %swap3A_487] {strides = array<i32>} : memref<16x128xf32, #tpu.memory_space<vmem>>, vector<16xf32>,
    tpu.vector_store %arg14[%swap3A_486, %swap3A_487], %broadcast_in_dim3A_1 {strides = array<i32>} : memref<16x128xf32, #tpu.memory_space<vmem>>, vector<16xf32>,
    %swap3A_489 = arith.constant 15 : i32
    %swap3A_490 = arith.index_cast %swap3A_489 : i32 to index
    %swap3A_491 = arith.constant 32 : index
    %swap3A_492 = tpu.vector_load %arg14[%swap3A_490, %swap3A_491] {strides = array<i32>} : memref<16x128xf32, #tpu.memory_space<vmem>>, vector<16xf32>,
    tpu.vector_store %arg14[%swap3A_490, %swap3A_491], %broadcast_in_dim3A_1 {strides = array<i32>} : memref<16x128xf32, #tpu.memory_space<vmem>>, vector<16xf32>,
    %swap3A_493 = arith.constant 15 : i32
    %swap3A_494 = arith.index_cast %swap3A_493 : i32 to index
    %swap3A_495 = arith.constant 48 : index
    %swap3A_496 = tpu.vector_load %arg14[%swap3A_494, %swap3A_495] {strides = array<i32>} : memref<16x128xf32, #tpu.memory_space<vmem>>, vector<16xf32>,
    tpu.vector_store %arg14[%swap3A_494, %swap3A_495], %broadcast_in_dim3A_1 {strides = array<i32>} : memref<16x128xf32, #tpu.memory_space<vmem>>, vector<16xf32>,
    %swap3A_497 = arith.constant 15 : i32
    %swap3A_498 = arith.index_cast %swap3A_497 : i32 to index
    %swap3A_499 = arith.constant 64 : index
    %swap3A_500 = tpu.vector_load %arg14[%swap3A_498, %swap3A_499] {strides = array<i32>} : memref<16x128xf32, #tpu.memory_space<vmem>>, vector<16xf32>,
    tpu.vector_store %arg14[%swap3A_498, %swap3A_499], %broadcast_in_dim3A_1 {strides = array<i32>} : memref<16x128xf32, #tpu.memory_space<vmem>>, vector<16xf32>,
    %swap3A_501 = arith.constant 15 : i32
    %swap3A_502 = arith.index_cast %swap3A_501 : i32 to index
    %swap3A_503 = arith.constant 80 : index
    %swap3A_504 = tpu.vector_load %arg14[%swap3A_502, %swap3A_503] {strides = array<i32>} : memref<16x128xf32, #tpu.memory_space<vmem>>, vector<16xf32>,
    tpu.vector_store %arg14[%swap3A_502, %swap3A_503], %broadcast_in_dim3A_1 {strides = array<i32>} : memref<16x128xf32, #tpu.memory_space<vmem>>, vector<16xf32>,
    %swap3A_505 = arith.constant 15 : i32
    %swap3A_506 = arith.index_cast %swap3A_505 : i32 to index
    %swap3A_507 = arith.constant 96 : index
    %swap3A_508 = tpu.vector_load %arg14[%swap3A_506, %swap3A_507] {strides = array<i32>} : memref<16x128xf32, #tpu.memory_space<vmem>>, vector<16xf32>,
    tpu.vector_store %arg14[%swap3A_506, %swap3A_507], %broadcast_in_dim3A_1 {strides = array<i32>} : memref<16x128xf32, #tpu.memory_space<vmem>>, vector<16xf32>,
    %swap3A_509 = arith.constant 15 : i32
    %swap3A_510 = arith.index_cast %swap3A_509 : i32 to index
    %swap3A_511 = arith.constant 112 : index
    %swap3A_512 = tpu.vector_load %arg14[%swap3A_510, %swap3A_511] {strides = array<i32>} : memref<16x128xf32, #tpu.memory_space<vmem>>, vector<16xf32>,
    tpu.vector_store %arg14[%swap3A_510, %swap3A_511], %broadcast_in_dim3A_1 {strides = array<i32>} : memref<16x128xf32, #tpu.memory_space<vmem>>, vector<16xf32>,
    %scan3A = arith.constant 0 : i32
    %scan3A_513 = arith.constant 40 : i32
    %scan3A_514 = arith.addi %scan3A, %scan3A_513 : i32
    %scan3A_515 = arith.constant 1 : i32
    scf.for %scan3A_579 = %scan3A to %scan3A_514 step %scan3A_515  : i32 {
      %mul3A_580 = arith.constant 640 : i32
      %mul3A_581 = arith.muli %arg1, %mul3A_580 : i32
      %mul3A_582 = arith.constant 16 : i32
      %mul3A_583 = arith.muli %scan3A_579, %mul3A_582 : i32
      %add3A_584 = arith.addi %mul3A_581, %mul3A_583 : i32
      "tpu.region"() ({
        %run_scoped3A = tpu.sem_alloc : memref<!tpu.dma_semaphore, #tpu.memory_space<semaphore_mem>>
        %dma_start3A_585 = arith.constant 0 : i32
        %dma_start3A_586 = tpu.memref_slice %arg15[%add3A_584, %dma_start3A_585] : memref<10240x128xf32, #tpu.memory_space<vmem_shared>> -> memref<16x128xf32, #tpu.memory_space<vmem_shared>>
        %dma_start3A_587 = arith.constant 0 : i32
        %dma_start3A_588 = tpu.memref_slice %arg15[%add3A_584, %dma_start3A_587] : memref<10240x128xf32, #tpu.memory_space<vmem_shared>> -> memref<16x128xf32, #tpu.memory_space<vmem_shared>>
        tpu.enqueue_dma source(%arg14 : memref<16x128xf32, #tpu.memory_space<vmem>>) target(%dma_start3A_588 : memref<16x128xf32, #tpu.memory_space<vmem_shared>>) target_semaphore(%run_scoped3A : memref<!tpu.dma_semaphore, #tpu.memory_space<semaphore_mem>>)
        %dma_wait3A_589 = arith.constant 0 : i32
        %dma_wait3A_590 = tpu.memref_slice %arg15[%add3A_584, %dma_wait3A_589] : memref<10240x128xf32, #tpu.memory_space<vmem_shared>> -> memref<16x128xf32, #tpu.memory_space<vmem_shared>>
        %dma_wait3A_591 = arith.constant 0 : i32
        %dma_wait3A_592 = tpu.memref_slice %arg15[%add3A_584, %dma_wait3A_591] : memref<10240x128xf32, #tpu.memory_space<vmem_shared>> -> memref<16x128xf32, #tpu.memory_space<vmem_shared>>
        tpu.wait_dma2 semaphore(%run_scoped3A : memref<!tpu.dma_semaphore, #tpu.memory_space<semaphore_mem>>) src(%arg14 : memref<16x128xf32, #tpu.memory_space<vmem>>) dst(%dma_wait3A_592 : memref<16x128xf32, #tpu.memory_space<vmem_shared>>)
        tpu.yield
      }) : () -> ()
    }
    %scan3A_516 = arith.constant 40 : i32
    %barrier3A = arith.constant 0 : index
    tpu.barrier barrier_id(%barrier3A)
    %iota3A = tpu.iota {dimensions = array<i32: 0>} : vector<16xi32>
    %mul3A_517 = arith.constant 39 : i32
    %mul3A_518 = arith.muli %add3A, %mul3A_517 : i32
    %add3A_519 = arith.constant 0 : i32
    %add3A_520 = arith.addi %mul3A_518, %add3A_519 : i32
    %mul3A_521 = arith.constant 128 : i32
    %mul3A_522 = arith.muli %add3A_520, %mul3A_521 : i32
    "tpu.region"() ({
      %run_scoped3A = tpu.sem_alloc : memref<!tpu.dma_semaphore, #tpu.memory_space<semaphore_mem>>
      %dma_start3A_579 = tpu.memref_slice %arg3[%mul3A_522] : memref<160000xi32, #tpu.memory_space<hbm>> -> memref<128xi32, #tpu.memory_space<hbm>>
      %dma_start3A_580 = tpu.memref_slice %arg3[%mul3A_522] : memref<160000xi32, #tpu.memory_space<hbm>> -> memref<128xi32, #tpu.memory_space<hbm>>
      tpu.enqueue_dma source(%dma_start3A_580 : memref<128xi32, #tpu.memory_space<hbm>>) target(%arg7 : memref<128xi32, #tpu.memory_space<vmem>>) target_semaphore(%run_scoped3A : memref<!tpu.dma_semaphore, #tpu.memory_space<semaphore_mem>>)
      %dma_wait3A_581 = tpu.memref_slice %arg3[%mul3A_522] : memref<160000xi32, #tpu.memory_space<hbm>> -> memref<128xi32, #tpu.memory_space<hbm>>
      %dma_wait3A_582 = tpu.memref_slice %arg3[%mul3A_522] : memref<160000xi32, #tpu.memory_space<hbm>> -> memref<128xi32, #tpu.memory_space<hbm>>
      tpu.wait_dma2 semaphore(%run_scoped3A : memref<!tpu.dma_semaphore, #tpu.memory_space<semaphore_mem>>) src(%dma_wait3A_582 : memref<128xi32, #tpu.memory_space<hbm>>) dst(%arg7 : memref<128xi32, #tpu.memory_space<vmem>>)
      tpu.yield
    }) : () -> ()
    %dma_start3A = arith.constant 0 : i32
    %dma_start3A_523 = arith.constant 0 : i32
    %dma_start3A_524 = tpu.memref_slice %arg2[%dma_start3A, %dma_start3A_523] : memref<10240x128xf32, #tpu.memory_space<hbm>> -> memref<10240x128xf32, #tpu.memory_space<hbm>>
    tpu.enqueue_indirect_dma source(%dma_start3A_524 : memref<10240x128xf32, #tpu.memory_space<hbm>>) target(%arg12 : memref<128x128xf32, #tpu.memory_space<vmem>>) offsets(%arg7 : memref<128xi32, #tpu.memory_space<vmem>>) semaphore(%arg16 : memref<!tpu.dma_semaphore, #tpu.memory_space<semaphore_mem>>)
    %scan3A_525 = arith.constant 0 : i32
    %scan3A_526 = arith.constant 19 : i32
    %scan3A_527 = arith.addi %scan3A_525, %scan3A_526 : i32
    %scan3A_528 = arith.constant 1 : i32
    scf.for %scan3A_579 = %scan3A_525 to %scan3A_527 step %scan3A_528  : i32 {
      %mul3A_580 = arith.constant 2 : i32
      %mul3A_581 = arith.muli %mul3A_580, %scan3A_579 : i32
      %mul3A_582 = arith.constant 39 : i32
      %mul3A_583 = arith.muli %add3A, %mul3A_582 : i32
      %add3A_584 = arith.addi %mul3A_583, %mul3A_581 : i32
      %mul3A_585 = arith.constant 128 : i32
      %mul3A_586 = arith.muli %add3A_584, %mul3A_585 : i32
      "tpu.region"() ({
        %run_scoped3A = tpu.sem_alloc : memref<!tpu.dma_semaphore, #tpu.memory_space<semaphore_mem>>
        %dma_start3A_652 = tpu.memref_slice %arg4[%mul3A_586] : memref<160000xi32, #tpu.memory_space<hbm>> -> memref<128xi32, #tpu.memory_space<hbm>>
        %dma_start3A_653 = tpu.memref_slice %arg4[%mul3A_586] : memref<160000xi32, #tpu.memory_space<hbm>> -> memref<128xi32, #tpu.memory_space<hbm>>
        tpu.enqueue_dma source(%dma_start3A_653 : memref<128xi32, #tpu.memory_space<hbm>>) target(%arg9 : memref<128xi32, #tpu.memory_space<vmem>>) target_semaphore(%run_scoped3A : memref<!tpu.dma_semaphore, #tpu.memory_space<semaphore_mem>>)
        %dma_wait3A_654 = tpu.memref_slice %arg4[%mul3A_586] : memref<160000xi32, #tpu.memory_space<hbm>> -> memref<128xi32, #tpu.memory_space<hbm>>
        %dma_wait3A_655 = tpu.memref_slice %arg4[%mul3A_586] : memref<160000xi32, #tpu.memory_space<hbm>> -> memref<128xi32, #tpu.memory_space<hbm>>
        tpu.wait_dma2 semaphore(%run_scoped3A : memref<!tpu.dma_semaphore, #tpu.memory_space<semaphore_mem>>) src(%dma_wait3A_655 : memref<128xi32, #tpu.memory_space<hbm>>) dst(%arg9 : memref<128xi32, #tpu.memory_space<vmem>>)
        tpu.yield
      }) : () -> ()
      %mul3A_587 = arith.constant 39 : i32
      %mul3A_588 = arith.muli %add3A, %mul3A_587 : i32
      %add3A_589 = arith.addi %mul3A_588, %mul3A_581 : i32
      %mul3A_590 = arith.constant 128 : i32
      %mul3A_591 = arith.muli %add3A_589, %mul3A_590 : i32
      "tpu.region"() ({
        %run_scoped3A = tpu.sem_alloc : memref<!tpu.dma_semaphore, #tpu.memory_space<semaphore_mem>>
        %dma_start3A_652 = arith.constant 0 : i32
        %dma_start3A_653 = tpu.memref_slice %arg5[%dma_start3A_652, %mul3A_591] : memref<72x160768xf32, #tpu.memory_space<hbm>> -> memref<72x128xf32, #tpu.memory_space<hbm>>
        %dma_start3A_654 = arith.constant 0 : i32
        %dma_start3A_655 = tpu.memref_slice %arg5[%dma_start3A_654, %mul3A_591] : memref<72x160768xf32, #tpu.memory_space<hbm>> -> memref<72x128xf32, #tpu.memory_space<hbm>>
        tpu.enqueue_dma source(%dma_start3A_655 : memref<72x128xf32, #tpu.memory_space<hbm>>) target(%arg11 : memref<72x128xf32, #tpu.memory_space<vmem>>) target_semaphore(%run_scoped3A : memref<!tpu.dma_semaphore, #tpu.memory_space<semaphore_mem>>)
        %dma_wait3A_656 = arith.constant 0 : i32
        %dma_wait3A_657 = tpu.memref_slice %arg5[%dma_wait3A_656, %mul3A_591] : memref<72x160768xf32, #tpu.memory_space<hbm>> -> memref<72x128xf32, #tpu.memory_space<hbm>>
        %dma_wait3A_658 = arith.constant 0 : i32
        %dma_wait3A_659 = tpu.memref_slice %arg5[%dma_wait3A_658, %mul3A_591] : memref<72x160768xf32, #tpu.memory_space<hbm>> -> memref<72x128xf32, #tpu.memory_space<hbm>>
        tpu.wait_dma2 semaphore(%run_scoped3A : memref<!tpu.dma_semaphore, #tpu.memory_space<semaphore_mem>>) src(%dma_wait3A_659 : memref<72x128xf32, #tpu.memory_space<hbm>>) dst(%arg11 : memref<72x128xf32, #tpu.memory_space<vmem>>)
        tpu.yield
      }) : () -> ()
      %dma_wait3A_592 = arith.constant 0 : i32
      %dma_wait3A_593 = arith.constant 0 : i32
      %dma_wait3A_594 = tpu.memref_slice %arg2[%dma_wait3A_592, %dma_wait3A_593] : memref<10240x128xf32, #tpu.memory_space<hbm>> -> memref<10240x128xf32, #tpu.memory_space<hbm>>
      tpu.wait_indirect_dma semaphore(%arg16 : memref<!tpu.dma_semaphore, #tpu.memory_space<semaphore_mem>>) src(%dma_wait3A_594 : memref<10240x128xf32, #tpu.memory_space<hbm>>) dst(%arg12 : memref<128x128xf32, #tpu.memory_space<vmem>>)
      %ge3A_595 = arith.constant 1 : i32
      %ge3A_596 = arith.cmpi sge, %mul3A_581, %ge3A_595 : i32
      %convert_element_type3A_597 = arith.extui %ge3A_596 : i1 to i32
      %cond3A_598 = arith.constant 0 : i32
      %cond3A_599 = arith.cmpi ne, %convert_element_type3A_597, %cond3A_598 : i32
      scf.if %cond3A_599 {
        %dma_wait3A_652 = arith.constant 0 : i32
        %dma_wait3A_653 = arith.constant 0 : i32
        %dma_wait3A_654 = tpu.memref_slice %arg15[%dma_wait3A_652, %dma_wait3A_653] : memref<10240x128xf32, #tpu.memory_space<vmem_shared>> -> memref<10240x128xf32, #tpu.memory_space<vmem_shared>>
        tpu.wait_indirect_dma semaphore(%arg19 : memref<!tpu.dma_semaphore, #tpu.memory_space<semaphore_mem>>) src(%arg13 : memref<128x128xf32, #tpu.memory_space<vmem>>) dst(%dma_wait3A_654 : memref<10240x128xf32, #tpu.memory_space<vmem_shared>>)
      } else {
      }
      %add3A_600 = arith.constant 1 : i32
      %add3A_601 = arith.addi %mul3A_581, %add3A_600 : i32
      %lt3A_602 = arith.constant 39 : i32
      %lt3A_603 = arith.cmpi slt, %add3A_601, %lt3A_602 : i32
      %convert_element_type3A_604 = arith.extui %lt3A_603 : i1 to i32
      %cond3A_605 = arith.constant 0 : i32
      %cond3A_606 = arith.cmpi ne, %convert_element_type3A_604, %cond3A_605 : i32
      scf.if %cond3A_606 {
        %add3A_652 = arith.constant 1 : i32
        %add3A_653 = arith.addi %mul3A_581, %add3A_652 : i32
        %mul3A_654 = arith.constant 39 : i32
        %mul3A_655 = arith.muli %add3A, %mul3A_654 : i32
        %add3A_656 = arith.addi %mul3A_655, %add3A_653 : i32
        %mul3A_657 = arith.constant 128 : i32
        %mul3A_658 = arith.muli %add3A_656, %mul3A_657 : i32
        "tpu.region"() ({
          %run_scoped3A = tpu.sem_alloc : memref<!tpu.dma_semaphore, #tpu.memory_space<semaphore_mem>>
          %dma_start3A_662 = tpu.memref_slice %arg3[%mul3A_658] : memref<160000xi32, #tpu.memory_space<hbm>> -> memref<128xi32, #tpu.memory_space<hbm>>
          %dma_start3A_663 = tpu.memref_slice %arg3[%mul3A_658] : memref<160000xi32, #tpu.memory_space<hbm>> -> memref<128xi32, #tpu.memory_space<hbm>>
          tpu.enqueue_dma source(%dma_start3A_663 : memref<128xi32, #tpu.memory_space<hbm>>) target(%arg8 : memref<128xi32, #tpu.memory_space<vmem>>) target_semaphore(%run_scoped3A : memref<!tpu.dma_semaphore, #tpu.memory_space<semaphore_mem>>)
          %dma_wait3A_664 = tpu.memref_slice %arg3[%mul3A_658] : memref<160000xi32, #tpu.memory_space<hbm>> -> memref<128xi32, #tpu.memory_space<hbm>>
          %dma_wait3A_665 = tpu.memref_slice %arg3[%mul3A_658] : memref<160000xi32, #tpu.memory_space<hbm>> -> memref<128xi32, #tpu.memory_space<hbm>>
          tpu.wait_dma2 semaphore(%run_scoped3A : memref<!tpu.dma_semaphore, #tpu.memory_space<semaphore_mem>>) src(%dma_wait3A_665 : memref<128xi32, #tpu.memory_space<hbm>>) dst(%arg8 : memref<128xi32, #tpu.memory_space<vmem>>)
          tpu.yield
        }) : () -> ()
        %dma_start3A_659 = arith.constant 0 : i32
        %dma_start3A_660 = arith.constant 0 : i32
        %dma_start3A_661 = tpu.memref_slice %arg2[%dma_start3A_659, %dma_start3A_660] : memref<10240x128xf32, #tpu.memory_space<hbm>> -> memref<10240x128xf32, #tpu.memory_space<hbm>>
        tpu.enqueue_indirect_dma source(%dma_start3A_661 : memref<10240x128xf32, #tpu.memory_space<hbm>>) target(%arg13 : memref<128x128xf32, #tpu.memory_space<vmem>>) offsets(%arg8 : memref<128xi32, #tpu.memory_space<vmem>>) semaphore(%arg17 : memref<!tpu.dma_semaphore, #tpu.memory_space<semaphore_mem>>)
      } else {
      }
      %scan3A_607 = arith.constant 0 : i32
      %scan3A_608 = arith.constant 128 : i32
      %scan3A_609 = arith.addi %scan3A_607, %scan3A_608 : i32
      %scan3A_610 = arith.constant 1 : i32
      scf.for %scan3A_652 = %scan3A_607 to %scan3A_609 step %scan3A_610  : i32 {
        %broadcast_in_dim3A_653 = vector.broadcast %scan3A_652 : i32 to vector<16xi32>
        %gather3A = tpu.vector_load_idx %arg11[%iota3A, %broadcast_in_dim3A_653] : memref<72x128xf32, #tpu.memory_space<vmem>>[vector<16xi32>, vector<16xi32>], vector<16xf32>,
        %add3A_654 = arith.constant 16 : i32
        %add3A_655 = vector.broadcast %add3A_654 : i32 to vector<16xi32>
        %add3A_656 = arith.addi %iota3A, %add3A_655 : vector<16xi32>
        %gather3A_657 = tpu.vector_load_idx %arg11[%add3A_656, %broadcast_in_dim3A_653] : memref<72x128xf32, #tpu.memory_space<vmem>>[vector<16xi32>, vector<16xi32>], vector<16xf32>,
        %add3A_658 = arith.constant 32 : i32
        %add3A_659 = vector.broadcast %add3A_658 : i32 to vector<16xi32>
        %add3A_660 = arith.addi %iota3A, %add3A_659 : vector<16xi32>
        %gather3A_661 = tpu.vector_load_idx %arg11[%add3A_660, %broadcast_in_dim3A_653] : memref<72x128xf32, #tpu.memory_space<vmem>>[vector<16xi32>, vector<16xi32>], vector<16xf32>,
        %add3A_662 = arith.constant 48 : i32
        %add3A_663 = vector.broadcast %add3A_662 : i32 to vector<16xi32>
        %add3A_664 = arith.addi %iota3A, %add3A_663 : vector<16xi32>
        %gather3A_665 = tpu.vector_load_idx %arg11[%add3A_664, %broadcast_in_dim3A_653] : memref<72x128xf32, #tpu.memory_space<vmem>>[vector<16xi32>, vector<16xi32>], vector<16xf32>,
        %add3A_666 = arith.constant 64 : i32
        %add3A_667 = vector.broadcast %add3A_666 : i32 to vector<16xi32>
        %add3A_668 = arith.addi %iota3A, %add3A_667 : vector<16xi32>
        %gather3A_669 = tpu.vector_load_idx %arg11[%add3A_668, %broadcast_in_dim3A_653] : memref<72x128xf32, #tpu.memory_space<vmem>>[vector<16xi32>, vector<16xi32>], vector<16xf32>,
        %get3A = arith.index_cast %scan3A_652 : i32 to index
        %get3A_670 = arith.constant 0 : index
        %get3A_671 = tpu.vector_load %arg12[%get3A, %get3A_670] {strides = array<i32>} : memref<128x128xf32, #tpu.memory_space<vmem>>, vector<16xf32>,
        %get3A_672 = arith.index_cast %scan3A_652 : i32 to index
        %get3A_673 = arith.constant 16 : index
        %get3A_674 = tpu.vector_load %arg12[%get3A_672, %get3A_673] {strides = array<i32>} : memref<128x128xf32, #tpu.memory_space<vmem>>, vector<16xf32>,
        %mul3A_675 = arith.mulf %get3A_671, %gather3A : vector<16xf32>
        %slice3A = vector.extract_strided_slice %gather3A_669 {offsets = [0], sizes = [1], strides = [1]} : vector<16xf32> to vector<1xf32>
        %squeeze3A = vector.extract %slice3A[0] : f32 from vector<1xf32>
        %mul3A_676 = vector.broadcast %squeeze3A : f32 to vector<16xf32>
        %mul3A_677 = arith.mulf %mul3A_676, %gather3A_661 : vector<16xf32>
        %add3A_678 = arith.addf %mul3A_675, %mul3A_677 : vector<16xf32>
        %swap3A_679 = arith.index_cast %scan3A_652 : i32 to index
        %swap3A_680 = arith.constant 0 : index
        %swap3A_681 = tpu.vector_load %arg12[%swap3A_679, %swap3A_680] {strides = array<i32>} : memref<128x128xf32, #tpu.memory_space<vmem>>, vector<16xf32>,
        tpu.vector_store %arg12[%swap3A_679, %swap3A_680], %add3A_678 {strides = array<i32>} : memref<128x128xf32, #tpu.memory_space<vmem>>, vector<16xf32>,
        %mul3A_682 = arith.mulf %get3A_674, %gather3A_657 : vector<16xf32>
        %slice3A_683 = vector.extract_strided_slice %gather3A_669 {offsets = [0], sizes = [1], strides = [1]} : vector<16xf32> to vector<1xf32>
        %squeeze3A_684 = vector.extract %slice3A_683[0] : f32 from vector<1xf32>
        %mul3A_685 = vector.broadcast %squeeze3A_684 : f32 to vector<16xf32>
        %mul3A_686 = arith.mulf %mul3A_685, %gather3A_665 : vector<16xf32>
        %add3A_687 = arith.addf %mul3A_682, %mul3A_686 : vector<16xf32>
        %swap3A_688 = arith.index_cast %scan3A_652 : i32 to index
        %swap3A_689 = arith.constant 16 : index
        %swap3A_690 = tpu.vector_load %arg12[%swap3A_688, %swap3A_689] {strides = array<i32>} : memref<128x128xf32, #tpu.memory_space<vmem>>, vector<16xf32>,
        tpu.vector_store %arg12[%swap3A_688, %swap3A_689], %add3A_687 {strides = array<i32>} : memref<128x128xf32, #tpu.memory_space<vmem>>, vector<16xf32>,
        %get3A_691 = arith.index_cast %scan3A_652 : i32 to index
        %get3A_692 = arith.constant 32 : index
        %get3A_693 = tpu.vector_load %arg12[%get3A_691, %get3A_692] {strides = array<i32>} : memref<128x128xf32, #tpu.memory_space<vmem>>, vector<16xf32>,
        %get3A_694 = arith.index_cast %scan3A_652 : i32 to index
        %get3A_695 = arith.constant 48 : index
        %get3A_696 = tpu.vector_load %arg12[%get3A_694, %get3A_695] {strides = array<i32>} : memref<128x128xf32, #tpu.memory_space<vmem>>, vector<16xf32>,
        %mul3A_697 = arith.mulf %get3A_693, %gather3A : vector<16xf32>
        %slice3A_698 = vector.extract_strided_slice %gather3A_669 {offsets = [1], sizes = [1], strides = [1]} : vector<16xf32> to vector<1xf32>
        %squeeze3A_699 = vector.extract %slice3A_698[0] : f32 from vector<1xf32>
        %mul3A_700 = vector.broadcast %squeeze3A_699 : f32 to vector<16xf32>
        %mul3A_701 = arith.mulf %mul3A_700, %gather3A_661 : vector<16xf32>
        %add3A_702 = arith.addf %mul3A_697, %mul3A_701 : vector<16xf32>
        %swap3A_703 = arith.index_cast %scan3A_652 : i32 to index
        %swap3A_704 = arith.constant 32 : index
        %swap3A_705 = tpu.vector_load %arg12[%swap3A_703, %swap3A_704] {strides = array<i32>} : memref<128x128xf32, #tpu.memory_space<vmem>>, vector<16xf32>,
        tpu.vector_store %arg12[%swap3A_703, %swap3A_704], %add3A_702 {strides = array<i32>} : memref<128x128xf32, #tpu.memory_space<vmem>>, vector<16xf32>,
        %mul3A_706 = arith.mulf %get3A_696, %gather3A_657 : vector<16xf32>
        %slice3A_707 = vector.extract_strided_slice %gather3A_669 {offsets = [1], sizes = [1], strides = [1]} : vector<16xf32> to vector<1xf32>
        %squeeze3A_708 = vector.extract %slice3A_707[0] : f32 from vector<1xf32>
        %mul3A_709 = vector.broadcast %squeeze3A_708 : f32 to vector<16xf32>
        %mul3A_710 = arith.mulf %mul3A_709, %gather3A_665 : vector<16xf32>
        %add3A_711 = arith.addf %mul3A_706, %mul3A_710 : vector<16xf32>
        %swap3A_712 = arith.index_cast %scan3A_652 : i32 to index
        %swap3A_713 = arith.constant 48 : index
        %swap3A_714 = tpu.vector_load %arg12[%swap3A_712, %swap3A_713] {strides = array<i32>} : memref<128x128xf32, #tpu.memory_space<vmem>>, vector<16xf32>,
        tpu.vector_store %arg12[%swap3A_712, %swap3A_713], %add3A_711 {strides = array<i32>} : memref<128x128xf32, #tpu.memory_space<vmem>>, vector<16xf32>,
        %get3A_715 = arith.index_cast %scan3A_652 : i32 to index
        %get3A_716 = arith.constant 64 : index
        %get3A_717 = tpu.vector_load %arg12[%get3A_715, %get3A_716] {strides = array<i32>} : memref<128x128xf32, #tpu.memory_space<vmem>>, vector<16xf32>,
        %get3A_718 = arith.index_cast %scan3A_652 : i32 to index
        %get3A_719 = arith.constant 80 : index
        %get3A_720 = tpu.vector_load %arg12[%get3A_718, %get3A_719] {strides = array<i32>} : memref<128x128xf32, #tpu.memory_space<vmem>>, vector<16xf32>,
        %mul3A_721 = arith.mulf %get3A_717, %gather3A : vector<16xf32>
        %slice3A_722 = vector.extract_strided_slice %gather3A_669 {offsets = [2], sizes = [1], strides = [1]} : vector<16xf32> to vector<1xf32>
        %squeeze3A_723 = vector.extract %slice3A_722[0] : f32 from vector<1xf32>
        %mul3A_724 = vector.broadcast %squeeze3A_723 : f32 to vector<16xf32>
        %mul3A_725 = arith.mulf %mul3A_724, %gather3A_661 : vector<16xf32>
        %add3A_726 = arith.addf %mul3A_721, %mul3A_725 : vector<16xf32>
        %swap3A_727 = arith.index_cast %scan3A_652 : i32 to index
        %swap3A_728 = arith.constant 64 : index
        %swap3A_729 = tpu.vector_load %arg12[%swap3A_727, %swap3A_728] {strides = array<i32>} : memref<128x128xf32, #tpu.memory_space<vmem>>, vector<16xf32>,
        tpu.vector_store %arg12[%swap3A_727, %swap3A_728], %add3A_726 {strides = array<i32>} : memref<128x128xf32, #tpu.memory_space<vmem>>, vector<16xf32>,
        %mul3A_730 = arith.mulf %get3A_720, %gather3A_657 : vector<16xf32>
        %slice3A_731 = vector.extract_strided_slice %gather3A_669 {offsets = [2], sizes = [1], strides = [1]} : vector<16xf32> to vector<1xf32>
        %squeeze3A_732 = vector.extract %slice3A_731[0] : f32 from vector<1xf32>
        %mul3A_733 = vector.broadcast %squeeze3A_732 : f32 to vector<16xf32>
        %mul3A_734 = arith.mulf %mul3A_733, %gather3A_665 : vector<16xf32>
        %add3A_735 = arith.addf %mul3A_730, %mul3A_734 : vector<16xf32>
        %swap3A_736 = arith.index_cast %scan3A_652 : i32 to index
        %swap3A_737 = arith.constant 80 : index
        %swap3A_738 = tpu.vector_load %arg12[%swap3A_736, %swap3A_737] {strides = array<i32>} : memref<128x128xf32, #tpu.memory_space<vmem>>, vector<16xf32>,
        tpu.vector_store %arg12[%swap3A_736, %swap3A_737], %add3A_735 {strides = array<i32>} : memref<128x128xf32, #tpu.memory_space<vmem>>, vector<16xf32>,
      }
      %scan3A_611 = arith.constant 128 : i32
      %dma_start3A_612 = arith.constant 0 : i32
      %dma_start3A_613 = arith.constant 0 : i32
      %dma_start3A_614 = tpu.memref_slice %arg15[%dma_start3A_612, %dma_start3A_613] : memref<10240x128xf32, #tpu.memory_space<vmem_shared>> -> memref<10240x128xf32, #tpu.memory_space<vmem_shared>>
      tpu.enqueue_indirect_dma source(%arg12 : memref<128x128xf32, #tpu.memory_space<vmem>>) target(%dma_start3A_614 : memref<10240x128xf32, #tpu.memory_space<vmem_shared>>) offsets(%arg9 : memref<128xi32, #tpu.memory_space<vmem>>) semaphore(%arg18 : memref<!tpu.dma_semaphore, #tpu.memory_space<semaphore_mem>>) {add = true}
      %mul3A_615 = arith.constant 2 : i32
      %mul3A_616 = arith.muli %mul3A_615, %scan3A_579 : i32
      %add3A_617 = arith.constant 1 : i32
      %add3A_618 = arith.addi %mul3A_616, %add3A_617 : i32
      %mul3A_619 = arith.constant 39 : i32
      %mul3A_620 = arith.muli %add3A, %mul3A_619 : i32
      %add3A_621 = arith.addi %mul3A_620, %add3A_618 : i32
      %mul3A_622 = arith.constant 128 : i32
      %mul3A_623 = arith.muli %add3A_621, %mul3A_622 : i32
      "tpu.region"() ({
        %run_scoped3A = tpu.sem_alloc : memref<!tpu.dma_semaphore, #tpu.memory_space<semaphore_mem>>
        %dma_start3A_652 = tpu.memref_slice %arg4[%mul3A_623] : memref<160000xi32, #tpu.memory_space<hbm>> -> memref<128xi32, #tpu.memory_space<hbm>>
        %dma_start3A_653 = tpu.memref_slice %arg4[%mul3A_623] : memref<160000xi32, #tpu.memory_space<hbm>> -> memref<128xi32, #tpu.memory_space<hbm>>
        tpu.enqueue_dma source(%dma_start3A_653 : memref<128xi32, #tpu.memory_space<hbm>>) target(%arg10 : memref<128xi32, #tpu.memory_space<vmem>>) target_semaphore(%run_scoped3A : memref<!tpu.dma_semaphore, #tpu.memory_space<semaphore_mem>>)
        %dma_wait3A_654 = tpu.memref_slice %arg4[%mul3A_623] : memref<160000xi32, #tpu.memory_space<hbm>> -> memref<128xi32, #tpu.memory_space<hbm>>
        %dma_wait3A_655 = tpu.memref_slice %arg4[%mul3A_623] : memref<160000xi32, #tpu.memory_space<hbm>> -> memref<128xi32, #tpu.memory_space<hbm>>
        tpu.wait_dma2 semaphore(%run_scoped3A : memref<!tpu.dma_semaphore, #tpu.memory_space<semaphore_mem>>) src(%dma_wait3A_655 : memref<128xi32, #tpu.memory_space<hbm>>) dst(%arg10 : memref<128xi32, #tpu.memory_space<vmem>>)
        tpu.yield
      }) : () -> ()
      %mul3A_624 = arith.constant 39 : i32
      %mul3A_625 = arith.muli %add3A, %mul3A_624 : i32
      %add3A_626 = arith.addi %mul3A_625, %add3A_618 : i32
      %mul3A_627 = arith.constant 128 : i32
      %mul3A_628 = arith.muli %add3A_626, %mul3A_627 : i32
      "tpu.region"() ({
        %run_scoped3A = tpu.sem_alloc : memref<!tpu.dma_semaphore, #tpu.memory_space<semaphore_mem>>
        %dma_start3A_652 = arith.constant 0 : i32
        %dma_start3A_653 = tpu.memref_slice %arg5[%dma_start3A_652, %mul3A_628] : memref<72x160768xf32, #tpu.memory_space<hbm>> -> memref<72x128xf32, #tpu.memory_space<hbm>>
        %dma_start3A_654 = arith.constant 0 : i32
        %dma_start3A_655 = tpu.memref_slice %arg5[%dma_start3A_654, %mul3A_628] : memref<72x160768xf32, #tpu.memory_space<hbm>> -> memref<72x128xf32, #tpu.memory_space<hbm>>
        tpu.enqueue_dma source(%dma_start3A_655 : memref<72x128xf32, #tpu.memory_space<hbm>>) target(%arg11 : memref<72x128xf32, #tpu.memory_space<vmem>>) target_semaphore(%run_scoped3A : memref<!tpu.dma_semaphore, #tpu.memory_space<semaphore_mem>>)
        %dma_wait3A_656 = arith.constant 0 : i32
        %dma_wait3A_657 = tpu.memref_slice %arg5[%dma_wait3A_656, %mul3A_628] : memref<72x160768xf32, #tpu.memory_space<hbm>> -> memref<72x128xf32, #tpu.memory_space<hbm>>
        %dma_wait3A_658 = arith.constant 0 : i32
        %dma_wait3A_659 = tpu.memref_slice %arg5[%dma_wait3A_658, %mul3A_628] : memref<72x160768xf32, #tpu.memory_space<hbm>> -> memref<72x128xf32, #tpu.memory_space<hbm>>
        tpu.wait_dma2 semaphore(%run_scoped3A : memref<!tpu.dma_semaphore, #tpu.memory_space<semaphore_mem>>) src(%dma_wait3A_659 : memref<72x128xf32, #tpu.memory_space<hbm>>) dst(%arg11 : memref<72x128xf32, #tpu.memory_space<vmem>>)
        tpu.yield
      }) : () -> ()
      %dma_wait3A_629 = arith.constant 0 : i32
      %dma_wait3A_630 = arith.constant 0 : i32
      %dma_wait3A_631 = tpu.memref_slice %arg2[%dma_wait3A_629, %dma_wait3A_630] : memref<10240x128xf32, #tpu.memory_space<hbm>> -> memref<10240x128xf32, #tpu.memory_space<hbm>>
      tpu.wait_indirect_dma semaphore(%arg17 : memref<!tpu.dma_semaphore, #tpu.memory_space<semaphore_mem>>) src(%dma_wait3A_631 : memref<10240x128xf32, #tpu.memory_space<hbm>>) dst(%arg13 : memref<128x128xf32, #tpu.memory_space<vmem>>)
      %ge3A_632 = arith.constant 1 : i32
      %ge3A_633 = arith.cmpi sge, %add3A_618, %ge3A_632 : i32
      %convert_element_type3A_634 = arith.extui %ge3A_633 : i1 to i32
      %cond3A_635 = arith.constant 0 : i32
      %cond3A_636 = arith.cmpi ne, %convert_element_type3A_634, %cond3A_635 : i32
      scf.if %cond3A_636 {
        %dma_wait3A_652 = arith.constant 0 : i32
        %dma_wait3A_653 = arith.constant 0 : i32
        %dma_wait3A_654 = tpu.memref_slice %arg15[%dma_wait3A_652, %dma_wait3A_653] : memref<10240x128xf32, #tpu.memory_space<vmem_shared>> -> memref<10240x128xf32, #tpu.memory_space<vmem_shared>>
        tpu.wait_indirect_dma semaphore(%arg18 : memref<!tpu.dma_semaphore, #tpu.memory_space<semaphore_mem>>) src(%arg12 : memref<128x128xf32, #tpu.memory_space<vmem>>) dst(%dma_wait3A_654 : memref<10240x128xf32, #tpu.memory_space<vmem_shared>>)
      } else {
      }
      %add3A_637 = arith.constant 1 : i32
      %add3A_638 = arith.addi %add3A_618, %add3A_637 : i32
      %lt3A_639 = arith.constant 39 : i32
      %lt3A_640 = arith.cmpi slt, %add3A_638, %lt3A_639 : i32
      %convert_element_type3A_641 = arith.extui %lt3A_640 : i1 to i32
      %cond3A_642 = arith.constant 0 : i32
      %cond3A_643 = arith.cmpi ne, %convert_element_type3A_641, %cond3A_642 : i32
      scf.if %cond3A_643 {
        %add3A_652 = arith.constant 1 : i32
        %add3A_653 = arith.addi %add3A_618, %add3A_652 : i32
        %mul3A_654 = arith.constant 39 : i32
        %mul3A_655 = arith.muli %add3A, %mul3A_654 : i32
        %add3A_656 = arith.addi %mul3A_655, %add3A_653 : i32
        %mul3A_657 = arith.constant 128 : i32
        %mul3A_658 = arith.muli %add3A_656, %mul3A_657 : i32
        "tpu.region"() ({
          %run_scoped3A = tpu.sem_alloc : memref<!tpu.dma_semaphore, #tpu.memory_space<semaphore_mem>>
          %dma_start3A_662 = tpu.memref_slice %arg3[%mul3A_658] : memref<160000xi32, #tpu.memory_space<hbm>> -> memref<128xi32, #tpu.memory_space<hbm>>
          %dma_start3A_663 = tpu.memref_slice %arg3[%mul3A_658] : memref<160000xi32, #tpu.memory_space<hbm>> -> memref<128xi32, #tpu.memory_space<hbm>>
          tpu.enqueue_dma source(%dma_start3A_663 : memref<128xi32, #tpu.memory_space<hbm>>) target(%arg7 : memref<128xi32, #tpu.memory_space<vmem>>) target_semaphore(%run_scoped3A : memref<!tpu.dma_semaphore, #tpu.memory_space<semaphore_mem>>)
          %dma_wait3A_664 = tpu.memref_slice %arg3[%mul3A_658] : memref<160000xi32, #tpu.memory_space<hbm>> -> memref<128xi32, #tpu.memory_space<hbm>>
          %dma_wait3A_665 = tpu.memref_slice %arg3[%mul3A_658] : memref<160000xi32, #tpu.memory_space<hbm>> -> memref<128xi32, #tpu.memory_space<hbm>>
          tpu.wait_dma2 semaphore(%run_scoped3A : memref<!tpu.dma_semaphore, #tpu.memory_space<semaphore_mem>>) src(%dma_wait3A_665 : memref<128xi32, #tpu.memory_space<hbm>>) dst(%arg7 : memref<128xi32, #tpu.memory_space<vmem>>)
          tpu.yield
        }) : () -> ()
        %dma_start3A_659 = arith.constant 0 : i32
        %dma_start3A_660 = arith.constant 0 : i32
        %dma_start3A_661 = tpu.memref_slice %arg2[%dma_start3A_659, %dma_start3A_660] : memref<10240x128xf32, #tpu.memory_space<hbm>> -> memref<10240x128xf32, #tpu.memory_space<hbm>>
        tpu.enqueue_indirect_dma source(%dma_start3A_661 : memref<10240x128xf32, #tpu.memory_space<hbm>>) target(%arg12 : memref<128x128xf32, #tpu.memory_space<vmem>>) offsets(%arg7 : memref<128xi32, #tpu.memory_space<vmem>>) semaphore(%arg16 : memref<!tpu.dma_semaphore, #tpu.memory_space<semaphore_mem>>)
      } else {
      }
      %scan3A_644 = arith.constant 0 : i32
      %scan3A_645 = arith.constant 128 : i32
      %scan3A_646 = arith.addi %scan3A_644, %scan3A_645 : i32
      %scan3A_647 = arith.constant 1 : i32
      scf.for %scan3A_652 = %scan3A_644 to %scan3A_646 step %scan3A_647  : i32 {
        %broadcast_in_dim3A_653 = vector.broadcast %scan3A_652 : i32 to vector<16xi32>
        %gather3A = tpu.vector_load_idx %arg11[%iota3A, %broadcast_in_dim3A_653] : memref<72x128xf32, #tpu.memory_space<vmem>>[vector<16xi32>, vector<16xi32>], vector<16xf32>,
        %add3A_654 = arith.constant 16 : i32
        %add3A_655 = vector.broadcast %add3A_654 : i32 to vector<16xi32>
        %add3A_656 = arith.addi %iota3A, %add3A_655 : vector<16xi32>
        %gather3A_657 = tpu.vector_load_idx %arg11[%add3A_656, %broadcast_in_dim3A_653] : memref<72x128xf32, #tpu.memory_space<vmem>>[vector<16xi32>, vector<16xi32>], vector<16xf32>,
        %add3A_658 = arith.constant 32 : i32
        %add3A_659 = vector.broadcast %add3A_658 : i32 to vector<16xi32>
        %add3A_660 = arith.addi %iota3A, %add3A_659 : vector<16xi32>
        %gather3A_661 = tpu.vector_load_idx %arg11[%add3A_660, %broadcast_in_dim3A_653] : memref<72x128xf32, #tpu.memory_space<vmem>>[vector<16xi32>, vector<16xi32>], vector<16xf32>,
        %add3A_662 = arith.constant 48 : i32
        %add3A_663 = vector.broadcast %add3A_662 : i32 to vector<16xi32>
        %add3A_664 = arith.addi %iota3A, %add3A_663 : vector<16xi32>
        %gather3A_665 = tpu.vector_load_idx %arg11[%add3A_664, %broadcast_in_dim3A_653] : memref<72x128xf32, #tpu.memory_space<vmem>>[vector<16xi32>, vector<16xi32>], vector<16xf32>,
        %add3A_666 = arith.constant 64 : i32
        %add3A_667 = vector.broadcast %add3A_666 : i32 to vector<16xi32>
        %add3A_668 = arith.addi %iota3A, %add3A_667 : vector<16xi32>
        %gather3A_669 = tpu.vector_load_idx %arg11[%add3A_668, %broadcast_in_dim3A_653] : memref<72x128xf32, #tpu.memory_space<vmem>>[vector<16xi32>, vector<16xi32>], vector<16xf32>,
        %get3A = arith.index_cast %scan3A_652 : i32 to index
        %get3A_670 = arith.constant 0 : index
        %get3A_671 = tpu.vector_load %arg13[%get3A, %get3A_670] {strides = array<i32>} : memref<128x128xf32, #tpu.memory_space<vmem>>, vector<16xf32>,
        %get3A_672 = arith.index_cast %scan3A_652 : i32 to index
        %get3A_673 = arith.constant 16 : index
        %get3A_674 = tpu.vector_load %arg13[%get3A_672, %get3A_673] {strides = array<i32>} : memref<128x128xf32, #tpu.memory_space<vmem>>, vector<16xf32>,
        %mul3A_675 = arith.mulf %get3A_671, %gather3A : vector<16xf32>
        %slice3A = vector.extract_strided_slice %gather3A_669 {offsets = [0], sizes = [1], strides = [1]} : vector<16xf32> to vector<1xf32>
        %squeeze3A = vector.extract %slice3A[0] : f32 from vector<1xf32>
        %mul3A_676 = vector.broadcast %squeeze3A : f32 to vector<16xf32>
        %mul3A_677 = arith.mulf %mul3A_676, %gather3A_661 : vector<16xf32>
        %add3A_678 = arith.addf %mul3A_675, %mul3A_677 : vector<16xf32>
        %swap3A_679 = arith.index_cast %scan3A_652 : i32 to index
        %swap3A_680 = arith.constant 0 : index
        %swap3A_681 = tpu.vector_load %arg13[%swap3A_679, %swap3A_680] {strides = array<i32>} : memref<128x128xf32, #tpu.memory_space<vmem>>, vector<16xf32>,
        tpu.vector_store %arg13[%swap3A_679, %swap3A_680], %add3A_678 {strides = array<i32>} : memref<128x128xf32, #tpu.memory_space<vmem>>, vector<16xf32>,
        %mul3A_682 = arith.mulf %get3A_674, %gather3A_657 : vector<16xf32>
        %slice3A_683 = vector.extract_strided_slice %gather3A_669 {offsets = [0], sizes = [1], strides = [1]} : vector<16xf32> to vector<1xf32>
        %squeeze3A_684 = vector.extract %slice3A_683[0] : f32 from vector<1xf32>
        %mul3A_685 = vector.broadcast %squeeze3A_684 : f32 to vector<16xf32>
        %mul3A_686 = arith.mulf %mul3A_685, %gather3A_665 : vector<16xf32>
        %add3A_687 = arith.addf %mul3A_682, %mul3A_686 : vector<16xf32>
        %swap3A_688 = arith.index_cast %scan3A_652 : i32 to index
        %swap3A_689 = arith.constant 16 : index
        %swap3A_690 = tpu.vector_load %arg13[%swap3A_688, %swap3A_689] {strides = array<i32>} : memref<128x128xf32, #tpu.memory_space<vmem>>, vector<16xf32>,
        tpu.vector_store %arg13[%swap3A_688, %swap3A_689], %add3A_687 {strides = array<i32>} : memref<128x128xf32, #tpu.memory_space<vmem>>, vector<16xf32>,
        %get3A_691 = arith.index_cast %scan3A_652 : i32 to index
        %get3A_692 = arith.constant 32 : index
        %get3A_693 = tpu.vector_load %arg13[%get3A_691, %get3A_692] {strides = array<i32>} : memref<128x128xf32, #tpu.memory_space<vmem>>, vector<16xf32>,
        %get3A_694 = arith.index_cast %scan3A_652 : i32 to index
        %get3A_695 = arith.constant 48 : index
        %get3A_696 = tpu.vector_load %arg13[%get3A_694, %get3A_695] {strides = array<i32>} : memref<128x128xf32, #tpu.memory_space<vmem>>, vector<16xf32>,
        %mul3A_697 = arith.mulf %get3A_693, %gather3A : vector<16xf32>
        %slice3A_698 = vector.extract_strided_slice %gather3A_669 {offsets = [1], sizes = [1], strides = [1]} : vector<16xf32> to vector<1xf32>
        %squeeze3A_699 = vector.extract %slice3A_698[0] : f32 from vector<1xf32>
        %mul3A_700 = vector.broadcast %squeeze3A_699 : f32 to vector<16xf32>
        %mul3A_701 = arith.mulf %mul3A_700, %gather3A_661 : vector<16xf32>
        %add3A_702 = arith.addf %mul3A_697, %mul3A_701 : vector<16xf32>
        %swap3A_703 = arith.index_cast %scan3A_652 : i32 to index
        %swap3A_704 = arith.constant 32 : index
        %swap3A_705 = tpu.vector_load %arg13[%swap3A_703, %swap3A_704] {strides = array<i32>} : memref<128x128xf32, #tpu.memory_space<vmem>>, vector<16xf32>,
        tpu.vector_store %arg13[%swap3A_703, %swap3A_704], %add3A_702 {strides = array<i32>} : memref<128x128xf32, #tpu.memory_space<vmem>>, vector<16xf32>,
        %mul3A_706 = arith.mulf %get3A_696, %gather3A_657 : vector<16xf32>
        %slice3A_707 = vector.extract_strided_slice %gather3A_669 {offsets = [1], sizes = [1], strides = [1]} : vector<16xf32> to vector<1xf32>
        %squeeze3A_708 = vector.extract %slice3A_707[0] : f32 from vector<1xf32>
        %mul3A_709 = vector.broadcast %squeeze3A_708 : f32 to vector<16xf32>
        %mul3A_710 = arith.mulf %mul3A_709, %gather3A_665 : vector<16xf32>
        %add3A_711 = arith.addf %mul3A_706, %mul3A_710 : vector<16xf32>
        %swap3A_712 = arith.index_cast %scan3A_652 : i32 to index
        %swap3A_713 = arith.constant 48 : index
        %swap3A_714 = tpu.vector_load %arg13[%swap3A_712, %swap3A_713] {strides = array<i32>} : memref<128x128xf32, #tpu.memory_space<vmem>>, vector<16xf32>,
        tpu.vector_store %arg13[%swap3A_712, %swap3A_713], %add3A_711 {strides = array<i32>} : memref<128x128xf32, #tpu.memory_space<vmem>>, vector<16xf32>,
        %get3A_715 = arith.index_cast %scan3A_652 : i32 to index
        %get3A_716 = arith.constant 64 : index
        %get3A_717 = tpu.vector_load %arg13[%get3A_715, %get3A_716] {strides = array<i32>} : memref<128x128xf32, #tpu.memory_space<vmem>>, vector<16xf32>,
        %get3A_718 = arith.index_cast %scan3A_652 : i32 to index
        %get3A_719 = arith.constant 80 : index
        %get3A_720 = tpu.vector_load %arg13[%get3A_718, %get3A_719] {strides = array<i32>} : memref<128x128xf32, #tpu.memory_space<vmem>>, vector<16xf32>,
        %mul3A_721 = arith.mulf %get3A_717, %gather3A : vector<16xf32>
        %slice3A_722 = vector.extract_strided_slice %gather3A_669 {offsets = [2], sizes = [1], strides = [1]} : vector<16xf32> to vector<1xf32>
        %squeeze3A_723 = vector.extract %slice3A_722[0] : f32 from vector<1xf32>
        %mul3A_724 = vector.broadcast %squeeze3A_723 : f32 to vector<16xf32>
        %mul3A_725 = arith.mulf %mul3A_724, %gather3A_661 : vector<16xf32>
        %add3A_726 = arith.addf %mul3A_721, %mul3A_725 : vector<16xf32>
        %swap3A_727 = arith.index_cast %scan3A_652 : i32 to index
        %swap3A_728 = arith.constant 64 : index
        %swap3A_729 = tpu.vector_load %arg13[%swap3A_727, %swap3A_728] {strides = array<i32>} : memref<128x128xf32, #tpu.memory_space<vmem>>, vector<16xf32>,
        tpu.vector_store %arg13[%swap3A_727, %swap3A_728], %add3A_726 {strides = array<i32>} : memref<128x128xf32, #tpu.memory_space<vmem>>, vector<16xf32>,
        %mul3A_730 = arith.mulf %get3A_720, %gather3A_657 : vector<16xf32>
        %slice3A_731 = vector.extract_strided_slice %gather3A_669 {offsets = [2], sizes = [1], strides = [1]} : vector<16xf32> to vector<1xf32>
        %squeeze3A_732 = vector.extract %slice3A_731[0] : f32 from vector<1xf32>
        %mul3A_733 = vector.broadcast %squeeze3A_732 : f32 to vector<16xf32>
        %mul3A_734 = arith.mulf %mul3A_733, %gather3A_665 : vector<16xf32>
        %add3A_735 = arith.addf %mul3A_730, %mul3A_734 : vector<16xf32>
        %swap3A_736 = arith.index_cast %scan3A_652 : i32 to index
        %swap3A_737 = arith.constant 80 : index
        %swap3A_738 = tpu.vector_load %arg13[%swap3A_736, %swap3A_737] {strides = array<i32>} : memref<128x128xf32, #tpu.memory_space<vmem>>, vector<16xf32>,
        tpu.vector_store %arg13[%swap3A_736, %swap3A_737], %add3A_735 {strides = array<i32>} : memref<128x128xf32, #tpu.memory_space<vmem>>, vector<16xf32>,
      }
      %scan3A_648 = arith.constant 128 : i32
      %dma_start3A_649 = arith.constant 0 : i32
      %dma_start3A_650 = arith.constant 0 : i32
      %dma_start3A_651 = tpu.memref_slice %arg15[%dma_start3A_649, %dma_start3A_650] : memref<10240x128xf32, #tpu.memory_space<vmem_shared>> -> memref<10240x128xf32, #tpu.memory_space<vmem_shared>>
      tpu.enqueue_indirect_dma source(%arg13 : memref<128x128xf32, #tpu.memory_space<vmem>>) target(%dma_start3A_651 : memref<10240x128xf32, #tpu.memory_space<vmem_shared>>) offsets(%arg10 : memref<128xi32, #tpu.memory_space<vmem>>) semaphore(%arg19 : memref<!tpu.dma_semaphore, #tpu.memory_space<semaphore_mem>>) {add = true}
    }
    %scan3A_529 = arith.constant 19 : i32
    %mul3A_530 = arith.constant 39 : i32
    %mul3A_531 = arith.muli %add3A, %mul3A_530 : i32
    %add3A_532 = arith.constant 38 : i32
    %add3A_533 = arith.addi %mul3A_531, %add3A_532 : i32
    %mul3A_534 = arith.constant 128 : i32
    %mul3A_535 = arith.muli %add3A_533, %mul3A_534 : i32
    "tpu.region"() ({
      %run_scoped3A = tpu.sem_alloc : memref<!tpu.dma_semaphore, #tpu.memory_space<semaphore_mem>>
      %dma_start3A_579 = tpu.memref_slice %arg4[%mul3A_535] : memref<160000xi32, #tpu.memory_space<hbm>> -> memref<128xi32, #tpu.memory_space<hbm>>
      %dma_start3A_580 = tpu.memref_slice %arg4[%mul3A_535] : memref<160000xi32, #tpu.memory_space<hbm>> -> memref<128xi32, #tpu.memory_space<hbm>>
      tpu.enqueue_dma source(%dma_start3A_580 : memref<128xi32, #tpu.memory_space<hbm>>) target(%arg9 : memref<128xi32, #tpu.memory_space<vmem>>) target_semaphore(%run_scoped3A : memref<!tpu.dma_semaphore, #tpu.memory_space<semaphore_mem>>)
      %dma_wait3A_581 = tpu.memref_slice %arg4[%mul3A_535] : memref<160000xi32, #tpu.memory_space<hbm>> -> memref<128xi32, #tpu.memory_space<hbm>>
      %dma_wait3A_582 = tpu.memref_slice %arg4[%mul3A_535] : memref<160000xi32, #tpu.memory_space<hbm>> -> memref<128xi32, #tpu.memory_space<hbm>>
      tpu.wait_dma2 semaphore(%run_scoped3A : memref<!tpu.dma_semaphore, #tpu.memory_space<semaphore_mem>>) src(%dma_wait3A_582 : memref<128xi32, #tpu.memory_space<hbm>>) dst(%arg9 : memref<128xi32, #tpu.memory_space<vmem>>)
      tpu.yield
    }) : () -> ()
    %mul3A_536 = arith.constant 39 : i32
    %mul3A_537 = arith.muli %add3A, %mul3A_536 : i32
    %add3A_538 = arith.constant 38 : i32
    %add3A_539 = arith.addi %mul3A_537, %add3A_538 : i32
    %mul3A_540 = arith.constant 128 : i32
    %mul3A_541 = arith.muli %add3A_539, %mul3A_540 : i32
    "tpu.region"() ({
      %run_scoped3A = tpu.sem_alloc : memref<!tpu.dma_semaphore, #tpu.memory_space<semaphore_mem>>
      %dma_start3A_579 = arith.constant 0 : i32
      %dma_start3A_580 = tpu.memref_slice %arg5[%dma_start3A_579, %mul3A_541] : memref<72x160768xf32, #tpu.memory_space<hbm>> -> memref<72x128xf32, #tpu.memory_space<hbm>>
      %dma_start3A_581 = arith.constant 0 : i32
      %dma_start3A_582 = tpu.memref_slice %arg5[%dma_start3A_581, %mul3A_541] : memref<72x160768xf32, #tpu.memory_space<hbm>> -> memref<72x128xf32, #tpu.memory_space<hbm>>
      tpu.enqueue_dma source(%dma_start3A_582 : memref<72x128xf32, #tpu.memory_space<hbm>>) target(%arg11 : memref<72x128xf32, #tpu.memory_space<vmem>>) target_semaphore(%run_scoped3A : memref<!tpu.dma_semaphore, #tpu.memory_space<semaphore_mem>>)
      %dma_wait3A_583 = arith.constant 0 : i32
      %dma_wait3A_584 = tpu.memref_slice %arg5[%dma_wait3A_583, %mul3A_541] : memref<72x160768xf32, #tpu.memory_space<hbm>> -> memref<72x128xf32, #tpu.memory_space<hbm>>
      %dma_wait3A_585 = arith.constant 0 : i32
      %dma_wait3A_586 = tpu.memref_slice %arg5[%dma_wait3A_585, %mul3A_541] : memref<72x160768xf32, #tpu.memory_space<hbm>> -> memref<72x128xf32, #tpu.memory_space<hbm>>
      tpu.wait_dma2 semaphore(%run_scoped3A : memref<!tpu.dma_semaphore, #tpu.memory_space<semaphore_mem>>) src(%dma_wait3A_586 : memref<72x128xf32, #tpu.memory_space<hbm>>) dst(%arg11 : memref<72x128xf32, #tpu.memory_space<vmem>>)
      tpu.yield
    }) : () -> ()
    %dma_wait3A = arith.constant 0 : i32
    %dma_wait3A_542 = arith.constant 0 : i32
    %dma_wait3A_543 = tpu.memref_slice %arg2[%dma_wait3A, %dma_wait3A_542] : memref<10240x128xf32, #tpu.memory_space<hbm>> -> memref<10240x128xf32, #tpu.memory_space<hbm>>
    tpu.wait_indirect_dma semaphore(%arg16 : memref<!tpu.dma_semaphore, #tpu.memory_space<semaphore_mem>>) src(%dma_wait3A_543 : memref<10240x128xf32, #tpu.memory_space<hbm>>) dst(%arg12 : memref<128x128xf32, #tpu.memory_space<vmem>>)
    %ge3A = arith.constant 38 : i32
    %ge3A_544 = arith.constant 1 : i32
    %ge3A_545 = arith.cmpi sge, %ge3A, %ge3A_544 : i32
    %convert_element_type3A = arith.extui %ge3A_545 : i1 to i32
    %cond3A = arith.constant 0 : i32
    %cond3A_546 = arith.cmpi ne, %convert_element_type3A, %cond3A : i32
    scf.if %cond3A_546 {
      %dma_wait3A_579 = arith.constant 0 : i32
      %dma_wait3A_580 = arith.constant 0 : i32
      %dma_wait3A_581 = tpu.memref_slice %arg15[%dma_wait3A_579, %dma_wait3A_580] : memref<10240x128xf32, #tpu.memory_space<vmem_shared>> -> memref<10240x128xf32, #tpu.memory_space<vmem_shared>>
      tpu.wait_indirect_dma semaphore(%arg19 : memref<!tpu.dma_semaphore, #tpu.memory_space<semaphore_mem>>) src(%arg13 : memref<128x128xf32, #tpu.memory_space<vmem>>) dst(%dma_wait3A_581 : memref<10240x128xf32, #tpu.memory_space<vmem_shared>>)
    } else {
    }
    %add3A_547 = arith.constant 38 : i32
    %add3A_548 = arith.constant 1 : i32
    %add3A_549 = arith.addi %add3A_547, %add3A_548 : i32
    %lt3A = arith.constant 39 : i32
    %lt3A_550 = arith.cmpi slt, %add3A_549, %lt3A : i32
    %convert_element_type3A_551 = arith.extui %lt3A_550 : i1 to i32
    %cond3A_552 = arith.constant 38 : i32
    %cond3A_553 = arith.constant 0 : i32
    %cond3A_554 = arith.cmpi ne, %convert_element_type3A_551, %cond3A_553 : i32
    scf.if %cond3A_554 {
      %add3A_579 = arith.constant 1 : i32
      %add3A_580 = arith.addi %cond3A_552, %add3A_579 : i32
      %mul3A_581 = arith.constant 39 : i32
      %mul3A_582 = arith.muli %add3A, %mul3A_581 : i32
      %add3A_583 = arith.addi %mul3A_582, %add3A_580 : i32
      %mul3A_584 = arith.constant 128 : i32
      %mul3A_585 = arith.muli %add3A_583, %mul3A_584 : i32
      "tpu.region"() ({
        %run_scoped3A = tpu.sem_alloc : memref<!tpu.dma_semaphore, #tpu.memory_space<semaphore_mem>>
        %dma_start3A_589 = tpu.memref_slice %arg3[%mul3A_585] : memref<160000xi32, #tpu.memory_space<hbm>> -> memref<128xi32, #tpu.memory_space<hbm>>
        %dma_start3A_590 = tpu.memref_slice %arg3[%mul3A_585] : memref<160000xi32, #tpu.memory_space<hbm>> -> memref<128xi32, #tpu.memory_space<hbm>>
        tpu.enqueue_dma source(%dma_start3A_590 : memref<128xi32, #tpu.memory_space<hbm>>) target(%arg8 : memref<128xi32, #tpu.memory_space<vmem>>) target_semaphore(%run_scoped3A : memref<!tpu.dma_semaphore, #tpu.memory_space<semaphore_mem>>)
        %dma_wait3A_591 = tpu.memref_slice %arg3[%mul3A_585] : memref<160000xi32, #tpu.memory_space<hbm>> -> memref<128xi32, #tpu.memory_space<hbm>>
        %dma_wait3A_592 = tpu.memref_slice %arg3[%mul3A_585] : memref<160000xi32, #tpu.memory_space<hbm>> -> memref<128xi32, #tpu.memory_space<hbm>>
        tpu.wait_dma2 semaphore(%run_scoped3A : memref<!tpu.dma_semaphore, #tpu.memory_space<semaphore_mem>>) src(%dma_wait3A_592 : memref<128xi32, #tpu.memory_space<hbm>>) dst(%arg8 : memref<128xi32, #tpu.memory_space<vmem>>)
        tpu.yield
      }) : () -> ()
      %dma_start3A_586 = arith.constant 0 : i32
      %dma_start3A_587 = arith.constant 0 : i32
      %dma_start3A_588 = tpu.memref_slice %arg2[%dma_start3A_586, %dma_start3A_587] : memref<10240x128xf32, #tpu.memory_space<hbm>> -> memref<10240x128xf32, #tpu.memory_space<hbm>>
      tpu.enqueue_indirect_dma source(%dma_start3A_588 : memref<10240x128xf32, #tpu.memory_space<hbm>>) target(%arg13 : memref<128x128xf32, #tpu.memory_space<vmem>>) offsets(%arg8 : memref<128xi32, #tpu.memory_space<vmem>>) semaphore(%arg17 : memref<!tpu.dma_semaphore, #tpu.memory_space<semaphore_mem>>)
    } else {
    }
    %scan3A_555 = arith.constant 0 : i32
    %scan3A_556 = arith.constant 128 : i32
    %scan3A_557 = arith.addi %scan3A_555, %scan3A_556 : i32
    %scan3A_558 = arith.constant 1 : i32
    scf.for %scan3A_579 = %scan3A_555 to %scan3A_557 step %scan3A_558  : i32 {
      %broadcast_in_dim3A_580 = vector.broadcast %scan3A_579 : i32 to vector<16xi32>
      %gather3A = tpu.vector_load_idx %arg11[%iota3A, %broadcast_in_dim3A_580] : memref<72x128xf32, #tpu.memory_space<vmem>>[vector<16xi32>, vector<16xi32>], vector<16xf32>,
      %add3A_581 = arith.constant 16 : i32
      %add3A_582 = vector.broadcast %add3A_581 : i32 to vector<16xi32>
      %add3A_583 = arith.addi %iota3A, %add3A_582 : vector<16xi32>
      %gather3A_584 = tpu.vector_load_idx %arg11[%add3A_583, %broadcast_in_dim3A_580] : memref<72x128xf32, #tpu.memory_space<vmem>>[vector<16xi32>, vector<16xi32>], vector<16xf32>,
      %add3A_585 = arith.constant 32 : i32
      %add3A_586 = vector.broadcast %add3A_585 : i32 to vector<16xi32>
      %add3A_587 = arith.addi %iota3A, %add3A_586 : vector<16xi32>
      %gather3A_588 = tpu.vector_load_idx %arg11[%add3A_587, %broadcast_in_dim3A_580] : memref<72x128xf32, #tpu.memory_space<vmem>>[vector<16xi32>, vector<16xi32>], vector<16xf32>,
      %add3A_589 = arith.constant 48 : i32
      %add3A_590 = vector.broadcast %add3A_589 : i32 to vector<16xi32>
      %add3A_591 = arith.addi %iota3A, %add3A_590 : vector<16xi32>
      %gather3A_592 = tpu.vector_load_idx %arg11[%add3A_591, %broadcast_in_dim3A_580] : memref<72x128xf32, #tpu.memory_space<vmem>>[vector<16xi32>, vector<16xi32>], vector<16xf32>,
      %add3A_593 = arith.constant 64 : i32
      %add3A_594 = vector.broadcast %add3A_593 : i32 to vector<16xi32>
      %add3A_595 = arith.addi %iota3A, %add3A_594 : vector<16xi32>
      %gather3A_596 = tpu.vector_load_idx %arg11[%add3A_595, %broadcast_in_dim3A_580] : memref<72x128xf32, #tpu.memory_space<vmem>>[vector<16xi32>, vector<16xi32>], vector<16xf32>,
      %get3A = arith.index_cast %scan3A_579 : i32 to index
      %get3A_597 = arith.constant 0 : index
      %get3A_598 = tpu.vector_load %arg12[%get3A, %get3A_597] {strides = array<i32>} : memref<128x128xf32, #tpu.memory_space<vmem>>, vector<16xf32>,
      %get3A_599 = arith.index_cast %scan3A_579 : i32 to index
      %get3A_600 = arith.constant 16 : index
      %get3A_601 = tpu.vector_load %arg12[%get3A_599, %get3A_600] {strides = array<i32>} : memref<128x128xf32, #tpu.memory_space<vmem>>, vector<16xf32>,
      %mul3A_602 = arith.mulf %get3A_598, %gather3A : vector<16xf32>
      %slice3A = vector.extract_strided_slice %gather3A_596 {offsets = [0], sizes = [1], strides = [1]} : vector<16xf32> to vector<1xf32>
      %squeeze3A = vector.extract %slice3A[0] : f32 from vector<1xf32>
      %mul3A_603 = vector.broadcast %squeeze3A : f32 to vector<16xf32>
      %mul3A_604 = arith.mulf %mul3A_603, %gather3A_588 : vector<16xf32>
      %add3A_605 = arith.addf %mul3A_602, %mul3A_604 : vector<16xf32>
      %swap3A_606 = arith.index_cast %scan3A_579 : i32 to index
      %swap3A_607 = arith.constant 0 : index
      %swap3A_608 = tpu.vector_load %arg12[%swap3A_606, %swap3A_607] {strides = array<i32>} : memref<128x128xf32, #tpu.memory_space<vmem>>, vector<16xf32>,
      tpu.vector_store %arg12[%swap3A_606, %swap3A_607], %add3A_605 {strides = array<i32>} : memref<128x128xf32, #tpu.memory_space<vmem>>, vector<16xf32>,
      %mul3A_609 = arith.mulf %get3A_601, %gather3A_584 : vector<16xf32>
      %slice3A_610 = vector.extract_strided_slice %gather3A_596 {offsets = [0], sizes = [1], strides = [1]} : vector<16xf32> to vector<1xf32>
      %squeeze3A_611 = vector.extract %slice3A_610[0] : f32 from vector<1xf32>
      %mul3A_612 = vector.broadcast %squeeze3A_611 : f32 to vector<16xf32>
      %mul3A_613 = arith.mulf %mul3A_612, %gather3A_592 : vector<16xf32>
      %add3A_614 = arith.addf %mul3A_609, %mul3A_613 : vector<16xf32>
      %swap3A_615 = arith.index_cast %scan3A_579 : i32 to index
      %swap3A_616 = arith.constant 16 : index
      %swap3A_617 = tpu.vector_load %arg12[%swap3A_615, %swap3A_616] {strides = array<i32>} : memref<128x128xf32, #tpu.memory_space<vmem>>, vector<16xf32>,
      tpu.vector_store %arg12[%swap3A_615, %swap3A_616], %add3A_614 {strides = array<i32>} : memref<128x128xf32, #tpu.memory_space<vmem>>, vector<16xf32>,
      %get3A_618 = arith.index_cast %scan3A_579 : i32 to index
      %get3A_619 = arith.constant 32 : index
      %get3A_620 = tpu.vector_load %arg12[%get3A_618, %get3A_619] {strides = array<i32>} : memref<128x128xf32, #tpu.memory_space<vmem>>, vector<16xf32>,
      %get3A_621 = arith.index_cast %scan3A_579 : i32 to index
      %get3A_622 = arith.constant 48 : index
      %get3A_623 = tpu.vector_load %arg12[%get3A_621, %get3A_622] {strides = array<i32>} : memref<128x128xf32, #tpu.memory_space<vmem>>, vector<16xf32>,
      %mul3A_624 = arith.mulf %get3A_620, %gather3A : vector<16xf32>
      %slice3A_625 = vector.extract_strided_slice %gather3A_596 {offsets = [1], sizes = [1], strides = [1]} : vector<16xf32> to vector<1xf32>
      %squeeze3A_626 = vector.extract %slice3A_625[0] : f32 from vector<1xf32>
      %mul3A_627 = vector.broadcast %squeeze3A_626 : f32 to vector<16xf32>
      %mul3A_628 = arith.mulf %mul3A_627, %gather3A_588 : vector<16xf32>
      %add3A_629 = arith.addf %mul3A_624, %mul3A_628 : vector<16xf32>
      %swap3A_630 = arith.index_cast %scan3A_579 : i32 to index
      %swap3A_631 = arith.constant 32 : index
      %swap3A_632 = tpu.vector_load %arg12[%swap3A_630, %swap3A_631] {strides = array<i32>} : memref<128x128xf32, #tpu.memory_space<vmem>>, vector<16xf32>,
      tpu.vector_store %arg12[%swap3A_630, %swap3A_631], %add3A_629 {strides = array<i32>} : memref<128x128xf32, #tpu.memory_space<vmem>>, vector<16xf32>,
      %mul3A_633 = arith.mulf %get3A_623, %gather3A_584 : vector<16xf32>
      %slice3A_634 = vector.extract_strided_slice %gather3A_596 {offsets = [1], sizes = [1], strides = [1]} : vector<16xf32> to vector<1xf32>
      %squeeze3A_635 = vector.extract %slice3A_634[0] : f32 from vector<1xf32>
      %mul3A_636 = vector.broadcast %squeeze3A_635 : f32 to vector<16xf32>
      %mul3A_637 = arith.mulf %mul3A_636, %gather3A_592 : vector<16xf32>
      %add3A_638 = arith.addf %mul3A_633, %mul3A_637 : vector<16xf32>
      %swap3A_639 = arith.index_cast %scan3A_579 : i32 to index
      %swap3A_640 = arith.constant 48 : index
      %swap3A_641 = tpu.vector_load %arg12[%swap3A_639, %swap3A_640] {strides = array<i32>} : memref<128x128xf32, #tpu.memory_space<vmem>>, vector<16xf32>,
      tpu.vector_store %arg12[%swap3A_639, %swap3A_640], %add3A_638 {strides = array<i32>} : memref<128x128xf32, #tpu.memory_space<vmem>>, vector<16xf32>,
      %get3A_642 = arith.index_cast %scan3A_579 : i32 to index
      %get3A_643 = arith.constant 64 : index
      %get3A_644 = tpu.vector_load %arg12[%get3A_642, %get3A_643] {strides = array<i32>} : memref<128x128xf32, #tpu.memory_space<vmem>>, vector<16xf32>,
      %get3A_645 = arith.index_cast %scan3A_579 : i32 to index
      %get3A_646 = arith.constant 80 : index
      %get3A_647 = tpu.vector_load %arg12[%get3A_645, %get3A_646] {strides = array<i32>} : memref<128x128xf32, #tpu.memory_space<vmem>>, vector<16xf32>,
      %mul3A_648 = arith.mulf %get3A_644, %gather3A : vector<16xf32>
      %slice3A_649 = vector.extract_strided_slice %gather3A_596 {offsets = [2], sizes = [1], strides = [1]} : vector<16xf32> to vector<1xf32>
      %squeeze3A_650 = vector.extract %slice3A_649[0] : f32 from vector<1xf32>
      %mul3A_651 = vector.broadcast %squeeze3A_650 : f32 to vector<16xf32>
      %mul3A_652 = arith.mulf %mul3A_651, %gather3A_588 : vector<16xf32>
      %add3A_653 = arith.addf %mul3A_648, %mul3A_652 : vector<16xf32>
      %swap3A_654 = arith.index_cast %scan3A_579 : i32 to index
      %swap3A_655 = arith.constant 64 : index
      %swap3A_656 = tpu.vector_load %arg12[%swap3A_654, %swap3A_655] {strides = array<i32>} : memref<128x128xf32, #tpu.memory_space<vmem>>, vector<16xf32>,
      tpu.vector_store %arg12[%swap3A_654, %swap3A_655], %add3A_653 {strides = array<i32>} : memref<128x128xf32, #tpu.memory_space<vmem>>, vector<16xf32>,
      %mul3A_657 = arith.mulf %get3A_647, %gather3A_584 : vector<16xf32>
      %slice3A_658 = vector.extract_strided_slice %gather3A_596 {offsets = [2], sizes = [1], strides = [1]} : vector<16xf32> to vector<1xf32>
      %squeeze3A_659 = vector.extract %slice3A_658[0] : f32 from vector<1xf32>
      %mul3A_660 = vector.broadcast %squeeze3A_659 : f32 to vector<16xf32>
      %mul3A_661 = arith.mulf %mul3A_660, %gather3A_592 : vector<16xf32>
      %add3A_662 = arith.addf %mul3A_657, %mul3A_661 : vector<16xf32>
      %swap3A_663 = arith.index_cast %scan3A_579 : i32 to index
      %swap3A_664 = arith.constant 80 : index
      %swap3A_665 = tpu.vector_load %arg12[%swap3A_663, %swap3A_664] {strides = array<i32>} : memref<128x128xf32, #tpu.memory_space<vmem>>, vector<16xf32>,
      tpu.vector_store %arg12[%swap3A_663, %swap3A_664], %add3A_662 {strides = array<i32>} : memref<128x128xf32, #tpu.memory_space<vmem>>, vector<16xf32>,
    }
    %scan3A_559 = arith.constant 128 : i32
    %dma_start3A_560 = arith.constant 0 : i32
    %dma_start3A_561 = arith.constant 0 : i32
    %dma_start3A_562 = tpu.memref_slice %arg15[%dma_start3A_560, %dma_start3A_561] : memref<10240x128xf32, #tpu.memory_space<vmem_shared>> -> memref<10240x128xf32, #tpu.memory_space<vmem_shared>>
    tpu.enqueue_indirect_dma source(%arg12 : memref<128x128xf32, #tpu.memory_space<vmem>>) target(%dma_start3A_562 : memref<10240x128xf32, #tpu.memory_space<vmem_shared>>) offsets(%arg9 : memref<128xi32, #tpu.memory_space<vmem>>) semaphore(%arg18 : memref<!tpu.dma_semaphore, #tpu.memory_space<semaphore_mem>>) {add = true}
    %dma_wait3A_563 = arith.constant 0 : i32
    %dma_wait3A_564 = arith.constant 0 : i32
    %dma_wait3A_565 = tpu.memref_slice %arg15[%dma_wait3A_563, %dma_wait3A_564] : memref<10240x128xf32, #tpu.memory_space<vmem_shared>> -> memref<10240x128xf32, #tpu.memory_space<vmem_shared>>
    tpu.wait_indirect_dma semaphore(%arg18 : memref<!tpu.dma_semaphore, #tpu.memory_space<semaphore_mem>>) src(%arg12 : memref<128x128xf32, #tpu.memory_space<vmem>>) dst(%dma_wait3A_565 : memref<10240x128xf32, #tpu.memory_space<vmem_shared>>)
    %lt3A_566 = arith.constant 2 : i32
    %lt3A_567 = arith.cmpi slt, %add3A, %lt3A_566 : i32
    %convert_element_type3A_568 = arith.extui %lt3A_567 : i1 to i32
    %cond3A_569 = arith.constant 0 : i32
    %cond3A_570 = arith.cmpi ne, %convert_element_type3A_568, %cond3A_569 : i32
    scf.if %cond3A_570 {
      %add3A_579 = arith.constant 1248 : i32
      %add3A_580 = arith.addi %add3A_579, %add3A : i32
      %mul3A_581 = arith.constant 128 : i32
      %mul3A_582 = arith.muli %add3A_580, %mul3A_581 : i32
      "tpu.region"() ({
        %run_scoped3A = tpu.sem_alloc : memref<!tpu.dma_semaphore, #tpu.memory_space<semaphore_mem>>
        %dma_start3A_594 = tpu.memref_slice %arg3[%mul3A_582] : memref<160000xi32, #tpu.memory_space<hbm>> -> memref<128xi32, #tpu.memory_space<hbm>>
        %dma_start3A_595 = tpu.memref_slice %arg3[%mul3A_582] : memref<160000xi32, #tpu.memory_space<hbm>> -> memref<128xi32, #tpu.memory_space<hbm>>
        tpu.enqueue_dma source(%dma_start3A_595 : memref<128xi32, #tpu.memory_space<hbm>>) target(%arg7 : memref<128xi32, #tpu.memory_space<vmem>>) target_semaphore(%run_scoped3A : memref<!tpu.dma_semaphore, #tpu.memory_space<semaphore_mem>>)
        %dma_wait3A_596 = tpu.memref_slice %arg3[%mul3A_582] : memref<160000xi32, #tpu.memory_space<hbm>> -> memref<128xi32, #tpu.memory_space<hbm>>
        %dma_wait3A_597 = tpu.memref_slice %arg3[%mul3A_582] : memref<160000xi32, #tpu.memory_space<hbm>> -> memref<128xi32, #tpu.memory_space<hbm>>
        tpu.wait_dma2 semaphore(%run_scoped3A : memref<!tpu.dma_semaphore, #tpu.memory_space<semaphore_mem>>) src(%dma_wait3A_597 : memref<128xi32, #tpu.memory_space<hbm>>) dst(%arg7 : memref<128xi32, #tpu.memory_space<vmem>>)
        tpu.yield
      }) : () -> ()
      "tpu.region"() ({
        %run_scoped3A = tpu.sem_alloc : memref<!tpu.dma_semaphore, #tpu.memory_space<semaphore_mem>>
        %dma_start3A_594 = tpu.memref_slice %arg4[%mul3A_582] : memref<160000xi32, #tpu.memory_space<hbm>> -> memref<128xi32, #tpu.memory_space<hbm>>
        %dma_start3A_595 = tpu.memref_slice %arg4[%mul3A_582] : memref<160000xi32, #tpu.memory_space<hbm>> -> memref<128xi32, #tpu.memory_space<hbm>>
        tpu.enqueue_dma source(%dma_start3A_595 : memref<128xi32, #tpu.memory_space<hbm>>) target(%arg9 : memref<128xi32, #tpu.memory_space<vmem>>) target_semaphore(%run_scoped3A : memref<!tpu.dma_semaphore, #tpu.memory_space<semaphore_mem>>)
        %dma_wait3A_596 = tpu.memref_slice %arg4[%mul3A_582] : memref<160000xi32, #tpu.memory_space<hbm>> -> memref<128xi32, #tpu.memory_space<hbm>>
        %dma_wait3A_597 = tpu.memref_slice %arg4[%mul3A_582] : memref<160000xi32, #tpu.memory_space<hbm>> -> memref<128xi32, #tpu.memory_space<hbm>>
        tpu.wait_dma2 semaphore(%run_scoped3A : memref<!tpu.dma_semaphore, #tpu.memory_space<semaphore_mem>>) src(%dma_wait3A_597 : memref<128xi32, #tpu.memory_space<hbm>>) dst(%arg9 : memref<128xi32, #tpu.memory_space<vmem>>)
        tpu.yield
      }) : () -> ()
      "tpu.region"() ({
        %run_scoped3A = tpu.sem_alloc : memref<!tpu.dma_semaphore, #tpu.memory_space<semaphore_mem>>
        %dma_start3A_594 = arith.constant 0 : i32
        %dma_start3A_595 = tpu.memref_slice %arg5[%dma_start3A_594, %mul3A_582] : memref<72x160768xf32, #tpu.memory_space<hbm>> -> memref<72x128xf32, #tpu.memory_space<hbm>>
        %dma_start3A_596 = arith.constant 0 : i32
        %dma_start3A_597 = tpu.memref_slice %arg5[%dma_start3A_596, %mul3A_582] : memref<72x160768xf32, #tpu.memory_space<hbm>> -> memref<72x128xf32, #tpu.memory_space<hbm>>
        tpu.enqueue_dma source(%dma_start3A_597 : memref<72x128xf32, #tpu.memory_space<hbm>>) target(%arg11 : memref<72x128xf32, #tpu.memory_space<vmem>>) target_semaphore(%run_scoped3A : memref<!tpu.dma_semaphore, #tpu.memory_space<semaphore_mem>>)
        %dma_wait3A_598 = arith.constant 0 : i32
        %dma_wait3A_599 = tpu.memref_slice %arg5[%dma_wait3A_598, %mul3A_582] : memref<72x160768xf32, #tpu.memory_space<hbm>> -> memref<72x128xf32, #tpu.memory_space<hbm>>
        %dma_wait3A_600 = arith.constant 0 : i32
        %dma_wait3A_601 = tpu.memref_slice %arg5[%dma_wait3A_600, %mul3A_582] : memref<72x160768xf32, #tpu.memory_space<hbm>> -> memref<72x128xf32, #tpu.memory_space<hbm>>
        tpu.wait_dma2 semaphore(%run_scoped3A : memref<!tpu.dma_semaphore, #tpu.memory_space<semaphore_mem>>) src(%dma_wait3A_601 : memref<72x128xf32, #tpu.memory_space<hbm>>) dst(%arg11 : memref<72x128xf32, #tpu.memory_space<vmem>>)
        tpu.yield
      }) : () -> ()
      %dma_start3A_583 = arith.constant 0 : i32
      %dma_start3A_584 = arith.constant 0 : i32
      %dma_start3A_585 = tpu.memref_slice %arg2[%dma_start3A_583, %dma_start3A_584] : memref<10240x128xf32, #tpu.memory_space<hbm>> -> memref<10240x128xf32, #tpu.memory_space<hbm>>
      tpu.enqueue_indirect_dma source(%dma_start3A_585 : memref<10240x128xf32, #tpu.memory_space<hbm>>) target(%arg12 : memref<128x128xf32, #tpu.memory_space<vmem>>) offsets(%arg7 : memref<128xi32, #tpu.memory_space<vmem>>) semaphore(%arg16 : memref<!tpu.dma_semaphore, #tpu.memory_space<semaphore_mem>>)
      %dma_wait3A_586 = arith.constant 0 : i32
      %dma_wait3A_587 = arith.constant 0 : i32
      %dma_wait3A_588 = tpu.memref_slice %arg2[%dma_wait3A_586, %dma_wait3A_587] : memref<10240x128xf32, #tpu.memory_space<hbm>> -> memref<10240x128xf32, #tpu.memory_space<hbm>>
      tpu.wait_indirect_dma semaphore(%arg16 : memref<!tpu.dma_semaphore, #tpu.memory_space<semaphore_mem>>) src(%dma_wait3A_588 : memref<10240x128xf32, #tpu.memory_space<hbm>>) dst(%arg12 : memref<128x128xf32, #tpu.memory_space<vmem>>)
      %scan3A_589 = arith.constant 0 : i32
      %scan3A_590 = arith.constant 128 : i32
      %scan3A_591 = arith.addi %scan3A_589, %scan3A_590 : i32
      %scan3A_592 = arith.constant 1 : i32
      scf.for %scan3A_594 = %scan3A_589 to %scan3A_591 step %scan3A_592  : i32 {
        %broadcast_in_dim3A_595 = vector.broadcast %scan3A_594 : i32 to vector<16xi32>
        %gather3A = tpu.vector_load_idx %arg11[%iota3A, %broadcast_in_dim3A_595] : memref<72x128xf32, #tpu.memory_space<vmem>>[vector<16xi32>, vector<16xi32>], vector<16xf32>,
        %add3A_596 = arith.constant 16 : i32
        %add3A_597 = vector.broadcast %add3A_596 : i32 to vector<16xi32>
        %add3A_598 = arith.addi %iota3A, %add3A_597 : vector<16xi32>
        %gather3A_599 = tpu.vector_load_idx %arg11[%add3A_598, %broadcast_in_dim3A_595] : memref<72x128xf32, #tpu.memory_space<vmem>>[vector<16xi32>, vector<16xi32>], vector<16xf32>,
        %add3A_600 = arith.constant 32 : i32
        %add3A_601 = vector.broadcast %add3A_600 : i32 to vector<16xi32>
        %add3A_602 = arith.addi %iota3A, %add3A_601 : vector<16xi32>
        %gather3A_603 = tpu.vector_load_idx %arg11[%add3A_602, %broadcast_in_dim3A_595] : memref<72x128xf32, #tpu.memory_space<vmem>>[vector<16xi32>, vector<16xi32>], vector<16xf32>,
        %add3A_604 = arith.constant 48 : i32
        %add3A_605 = vector.broadcast %add3A_604 : i32 to vector<16xi32>
        %add3A_606 = arith.addi %iota3A, %add3A_605 : vector<16xi32>
        %gather3A_607 = tpu.vector_load_idx %arg11[%add3A_606, %broadcast_in_dim3A_595] : memref<72x128xf32, #tpu.memory_space<vmem>>[vector<16xi32>, vector<16xi32>], vector<16xf32>,
        %add3A_608 = arith.constant 64 : i32
        %add3A_609 = vector.broadcast %add3A_608 : i32 to vector<16xi32>
        %add3A_610 = arith.addi %iota3A, %add3A_609 : vector<16xi32>
        %gather3A_611 = tpu.vector_load_idx %arg11[%add3A_610, %broadcast_in_dim3A_595] : memref<72x128xf32, #tpu.memory_space<vmem>>[vector<16xi32>, vector<16xi32>], vector<16xf32>,
        %get3A = arith.index_cast %scan3A_594 : i32 to index
        %get3A_612 = arith.constant 0 : index
        %get3A_613 = tpu.vector_load %arg12[%get3A, %get3A_612] {strides = array<i32>} : memref<128x128xf32, #tpu.memory_space<vmem>>, vector<16xf32>,
        %get3A_614 = arith.index_cast %scan3A_594 : i32 to index
        %get3A_615 = arith.constant 16 : index
        %get3A_616 = tpu.vector_load %arg12[%get3A_614, %get3A_615] {strides = array<i32>} : memref<128x128xf32, #tpu.memory_space<vmem>>, vector<16xf32>,
        %mul3A_617 = arith.mulf %get3A_613, %gather3A : vector<16xf32>
        %slice3A = vector.extract_strided_slice %gather3A_611 {offsets = [0], sizes = [1], strides = [1]} : vector<16xf32> to vector<1xf32>
        %squeeze3A = vector.extract %slice3A[0] : f32 from vector<1xf32>
        %mul3A_618 = vector.broadcast %squeeze3A : f32 to vector<16xf32>
        %mul3A_619 = arith.mulf %mul3A_618, %gather3A_603 : vector<16xf32>
        %add3A_620 = arith.addf %mul3A_617, %mul3A_619 : vector<16xf32>
        %swap3A_621 = arith.index_cast %scan3A_594 : i32 to index
        %swap3A_622 = arith.constant 0 : index
        %swap3A_623 = tpu.vector_load %arg12[%swap3A_621, %swap3A_622] {strides = array<i32>} : memref<128x128xf32, #tpu.memory_space<vmem>>, vector<16xf32>,
        tpu.vector_store %arg12[%swap3A_621, %swap3A_622], %add3A_620 {strides = array<i32>} : memref<128x128xf32, #tpu.memory_space<vmem>>, vector<16xf32>,
        %mul3A_624 = arith.mulf %get3A_616, %gather3A_599 : vector<16xf32>
        %slice3A_625 = vector.extract_strided_slice %gather3A_611 {offsets = [0], sizes = [1], strides = [1]} : vector<16xf32> to vector<1xf32>
        %squeeze3A_626 = vector.extract %slice3A_625[0] : f32 from vector<1xf32>
        %mul3A_627 = vector.broadcast %squeeze3A_626 : f32 to vector<16xf32>
        %mul3A_628 = arith.mulf %mul3A_627, %gather3A_607 : vector<16xf32>
        %add3A_629 = arith.addf %mul3A_624, %mul3A_628 : vector<16xf32>
        %swap3A_630 = arith.index_cast %scan3A_594 : i32 to index
        %swap3A_631 = arith.constant 16 : index
        %swap3A_632 = tpu.vector_load %arg12[%swap3A_630, %swap3A_631] {strides = array<i32>} : memref<128x128xf32, #tpu.memory_space<vmem>>, vector<16xf32>,
        tpu.vector_store %arg12[%swap3A_630, %swap3A_631], %add3A_629 {strides = array<i32>} : memref<128x128xf32, #tpu.memory_space<vmem>>, vector<16xf32>,
        %get3A_633 = arith.index_cast %scan3A_594 : i32 to index
        %get3A_634 = arith.constant 32 : index
        %get3A_635 = tpu.vector_load %arg12[%get3A_633, %get3A_634] {strides = array<i32>} : memref<128x128xf32, #tpu.memory_space<vmem>>, vector<16xf32>,
        %get3A_636 = arith.index_cast %scan3A_594 : i32 to index
        %get3A_637 = arith.constant 48 : index
        %get3A_638 = tpu.vector_load %arg12[%get3A_636, %get3A_637] {strides = array<i32>} : memref<128x128xf32, #tpu.memory_space<vmem>>, vector<16xf32>,
        %mul3A_639 = arith.mulf %get3A_635, %gather3A : vector<16xf32>
        %slice3A_640 = vector.extract_strided_slice %gather3A_611 {offsets = [1], sizes = [1], strides = [1]} : vector<16xf32> to vector<1xf32>
        %squeeze3A_641 = vector.extract %slice3A_640[0] : f32 from vector<1xf32>
        %mul3A_642 = vector.broadcast %squeeze3A_641 : f32 to vector<16xf32>
        %mul3A_643 = arith.mulf %mul3A_642, %gather3A_603 : vector<16xf32>
        %add3A_644 = arith.addf %mul3A_639, %mul3A_643 : vector<16xf32>
        %swap3A_645 = arith.index_cast %scan3A_594 : i32 to index
        %swap3A_646 = arith.constant 32 : index
        %swap3A_647 = tpu.vector_load %arg12[%swap3A_645, %swap3A_646] {strides = array<i32>} : memref<128x128xf32, #tpu.memory_space<vmem>>, vector<16xf32>,
        tpu.vector_store %arg12[%swap3A_645, %swap3A_646], %add3A_644 {strides = array<i32>} : memref<128x128xf32, #tpu.memory_space<vmem>>, vector<16xf32>,
        %mul3A_648 = arith.mulf %get3A_638, %gather3A_599 : vector<16xf32>
        %slice3A_649 = vector.extract_strided_slice %gather3A_611 {offsets = [1], sizes = [1], strides = [1]} : vector<16xf32> to vector<1xf32>
        %squeeze3A_650 = vector.extract %slice3A_649[0] : f32 from vector<1xf32>
        %mul3A_651 = vector.broadcast %squeeze3A_650 : f32 to vector<16xf32>
        %mul3A_652 = arith.mulf %mul3A_651, %gather3A_607 : vector<16xf32>
        %add3A_653 = arith.addf %mul3A_648, %mul3A_652 : vector<16xf32>
        %swap3A_654 = arith.index_cast %scan3A_594 : i32 to index
        %swap3A_655 = arith.constant 48 : index
        %swap3A_656 = tpu.vector_load %arg12[%swap3A_654, %swap3A_655] {strides = array<i32>} : memref<128x128xf32, #tpu.memory_space<vmem>>, vector<16xf32>,
        tpu.vector_store %arg12[%swap3A_654, %swap3A_655], %add3A_653 {strides = array<i32>} : memref<128x128xf32, #tpu.memory_space<vmem>>, vector<16xf32>,
        %get3A_657 = arith.index_cast %scan3A_594 : i32 to index
        %get3A_658 = arith.constant 64 : index
        %get3A_659 = tpu.vector_load %arg12[%get3A_657, %get3A_658] {strides = array<i32>} : memref<128x128xf32, #tpu.memory_space<vmem>>, vector<16xf32>,
        %get3A_660 = arith.index_cast %scan3A_594 : i32 to index
        %get3A_661 = arith.constant 80 : index
        %get3A_662 = tpu.vector_load %arg12[%get3A_660, %get3A_661] {strides = array<i32>} : memref<128x128xf32, #tpu.memory_space<vmem>>, vector<16xf32>,
        %mul3A_663 = arith.mulf %get3A_659, %gather3A : vector<16xf32>
        %slice3A_664 = vector.extract_strided_slice %gather3A_611 {offsets = [2], sizes = [1], strides = [1]} : vector<16xf32> to vector<1xf32>
        %squeeze3A_665 = vector.extract %slice3A_664[0] : f32 from vector<1xf32>
        %mul3A_666 = vector.broadcast %squeeze3A_665 : f32 to vector<16xf32>
        %mul3A_667 = arith.mulf %mul3A_666, %gather3A_603 : vector<16xf32>
        %add3A_668 = arith.addf %mul3A_663, %mul3A_667 : vector<16xf32>
        %swap3A_669 = arith.index_cast %scan3A_594 : i32 to index
        %swap3A_670 = arith.constant 64 : index
        %swap3A_671 = tpu.vector_load %arg12[%swap3A_669, %swap3A_670] {strides = array<i32>} : memref<128x128xf32, #tpu.memory_space<vmem>>, vector<16xf32>,
        tpu.vector_store %arg12[%swap3A_669, %swap3A_670], %add3A_668 {strides = array<i32>} : memref<128x128xf32, #tpu.memory_space<vmem>>, vector<16xf32>,
        %mul3A_672 = arith.mulf %get3A_662, %gather3A_599 : vector<16xf32>
        %slice3A_673 = vector.extract_strided_slice %gather3A_611 {offsets = [2], sizes = [1], strides = [1]} : vector<16xf32> to vector<1xf32>
        %squeeze3A_674 = vector.extract %slice3A_673[0] : f32 from vector<1xf32>
        %mul3A_675 = vector.broadcast %squeeze3A_674 : f32 to vector<16xf32>
        %mul3A_676 = arith.mulf %mul3A_675, %gather3A_607 : vector<16xf32>
        %add3A_677 = arith.addf %mul3A_672, %mul3A_676 : vector<16xf32>
        %swap3A_678 = arith.index_cast %scan3A_594 : i32 to index
        %swap3A_679 = arith.constant 80 : index
        %swap3A_680 = tpu.vector_load %arg12[%swap3A_678, %swap3A_679] {strides = array<i32>} : memref<128x128xf32, #tpu.memory_space<vmem>>, vector<16xf32>,
        tpu.vector_store %arg12[%swap3A_678, %swap3A_679], %add3A_677 {strides = array<i32>} : memref<128x128xf32, #tpu.memory_space<vmem>>, vector<16xf32>,
      }
      %scan3A_593 = arith.constant 128 : i32
      "tpu.region"() ({
        %run_scoped3A = tpu.sem_alloc : memref<!tpu.dma_semaphore, #tpu.memory_space<semaphore_mem>>
        %dma_start3A_594 = arith.constant 0 : i32
        %dma_start3A_595 = arith.constant 0 : i32
        %dma_start3A_596 = tpu.memref_slice %arg15[%dma_start3A_594, %dma_start3A_595] : memref<10240x128xf32, #tpu.memory_space<vmem_shared>> -> memref<10240x128xf32, #tpu.memory_space<vmem_shared>>
        tpu.enqueue_indirect_dma source(%arg12 : memref<128x128xf32, #tpu.memory_space<vmem>>) target(%dma_start3A_596 : memref<10240x128xf32, #tpu.memory_space<vmem_shared>>) offsets(%arg9 : memref<128xi32, #tpu.memory_space<vmem>>) semaphore(%run_scoped3A : memref<!tpu.dma_semaphore, #tpu.memory_space<semaphore_mem>>) {add = true}
        %dma_wait3A_597 = arith.constant 0 : i32
        %dma_wait3A_598 = arith.constant 0 : i32
        %dma_wait3A_599 = tpu.memref_slice %arg15[%dma_wait3A_597, %dma_wait3A_598] : memref<10240x128xf32, #tpu.memory_space<vmem_shared>> -> memref<10240x128xf32, #tpu.memory_space<vmem_shared>>
        tpu.wait_indirect_dma semaphore(%run_scoped3A : memref<!tpu.dma_semaphore, #tpu.memory_space<semaphore_mem>>) src(%arg12 : memref<128x128xf32, #tpu.memory_space<vmem>>) dst(%dma_wait3A_599 : memref<10240x128xf32, #tpu.memory_space<vmem_shared>>)
        tpu.yield
      }) : () -> ()
    } else {
    }
    %barrier3A_571 = arith.constant 0 : index
    tpu.barrier barrier_id(%barrier3A_571)
    %mul3A_572 = arith.constant 640 : i32
    %mul3A_573 = arith.muli %arg1, %mul3A_572 : i32
    %mul3A_574 = arith.constant 10240 : i32
    %mul3A_575 = arith.muli %arg0, %mul3A_574 : i32
    %mul3A_576 = arith.constant 640 : i32
    %mul3A_577 = arith.muli %arg1, %mul3A_576 : i32
    %add3A_578 = arith.addi %mul3A_575, %mul3A_577 : i32
    "tpu.region"() ({
      %run_scoped3A = tpu.sem_alloc : memref<!tpu.dma_semaphore, #tpu.memory_space<semaphore_mem>>
      %dma_start3A_579 = arith.constant 0 : i32
      %dma_start3A_580 = tpu.memref_slice %arg6[%add3A_578, %dma_start3A_579] : memref<20480x128xf32, #tpu.memory_space<hbm>> -> memref<640x128xf32, #tpu.memory_space<hbm>>
      %dma_start3A_581 = arith.constant 0 : i32
      %dma_start3A_582 = tpu.memref_slice %arg15[%mul3A_573, %dma_start3A_581] : memref<10240x128xf32, #tpu.memory_space<vmem_shared>> -> memref<640x128xf32, #tpu.memory_space<vmem_shared>>
      tpu.enqueue_dma source(%dma_start3A_582 : memref<640x128xf32, #tpu.memory_space<vmem_shared>>) target(%dma_start3A_580 : memref<640x128xf32, #tpu.memory_space<hbm>>) target_semaphore(%run_scoped3A : memref<!tpu.dma_semaphore, #tpu.memory_space<semaphore_mem>>)
      %dma_wait3A_583 = arith.constant 0 : i32
      %dma_wait3A_584 = tpu.memref_slice %arg6[%add3A_578, %dma_wait3A_583] : memref<20480x128xf32, #tpu.memory_space<hbm>> -> memref<640x128xf32, #tpu.memory_space<hbm>>
      %dma_wait3A_585 = arith.constant 0 : i32
      %dma_wait3A_586 = tpu.memref_slice %arg15[%mul3A_573, %dma_wait3A_585] : memref<10240x128xf32, #tpu.memory_space<vmem_shared>> -> memref<640x128xf32, #tpu.memory_space<vmem_shared>>
      tpu.wait_dma2 semaphore(%run_scoped3A : memref<!tpu.dma_semaphore, #tpu.memory_space<semaphore_mem>>) src(%dma_wait3A_586 : memref<640x128xf32, #tpu.memory_space<vmem_shared>>) dst(%dma_wait3A_584 : memref<640x128xf32, #tpu.memory_space<hbm>>)
      tpu.yield
    }) : () -> ()
    return
  }
}

module attributes {stable_mosaic.version = 14 : i64} {
  func.func @_ka_body(%arg0: i32, %arg1: memref<3x8x128xf32, #tpu.memory_space<vmem>>, %arg2: memref<1x8xf32, #tpu.memory_space<vmem>>, %arg3: memref<2x8x16xf32, #tpu.memory_space<vmem>>, %arg4: memref<2x16x64xf32, #tpu.memory_space<vmem>>, %arg5: memref<2x72x1024xf32, #tpu.memory_space<vmem>>) attributes {dimension_semantics = [#tpu.dimension_semantics<arbitrary>], iteration_bounds = array<i64: 157>, scalar_prefetch = 0 : i64, scratch_operands = 0 : i64, tpu.core_type = #tpu.core_type<tc>, window_params = [{transform_indices = @transform_0, window_bounds = array<i64: 3, 8, 128>}, {pipeline_mode = #tpu.pipeline_mode<synchronous>, transform_indices = @transform_1, window_bounds = array<i64: 1, 8>}, {pipeline_mode = #tpu.pipeline_mode<synchronous>, transform_indices = @transform_2, window_bounds = array<i64: 2, 8, 16>}, {pipeline_mode = #tpu.pipeline_mode<synchronous>, transform_indices = @transform_3, window_bounds = array<i64: 2, 16, 64>}, {transform_indices = @transform_4, window_bounds = array<i64: 2, 72, 1024>}]} {
    %get3A = arith.constant 0 : index
    %get3A_0 = arith.constant 0 : index
    %get3A_1 = arith.constant 0 : index
    %get3A_2 = vector.load %arg1[%get3A, %get3A_0, %get3A_1] : memref<3x8x128xf32, #tpu.memory_space<vmem>>, vector<3x8x128xf32>
    %slice3A = vector.extract_strided_slice %get3A_2 {offsets = [0, 0, 0], sizes = [1, 8, 128], strides = [1, 1, 1]} : vector<3x8x128xf32> to vector<1x8x128xf32>
    %squeeze3A = vector.shape_cast %slice3A : vector<1x8x128xf32> to vector<8x128xf32>
    %slice3A_3 = vector.extract_strided_slice %get3A_2 {offsets = [1, 0, 0], sizes = [1, 8, 128], strides = [1, 1, 1]} : vector<3x8x128xf32> to vector<1x8x128xf32>
    %squeeze3A_4 = vector.shape_cast %slice3A_3 : vector<1x8x128xf32> to vector<8x128xf32>
    %slice3A_5 = vector.extract_strided_slice %get3A_2 {offsets = [2, 0, 0], sizes = [1, 8, 128], strides = [1, 1, 1]} : vector<3x8x128xf32> to vector<1x8x128xf32>
    %squeeze3A_6 = vector.shape_cast %slice3A_5 : vector<1x8x128xf32> to vector<8x128xf32>
    %mul3A = arith.mulf %squeeze3A, %squeeze3A : vector<8x128xf32>
    %mul3A_7 = arith.mulf %squeeze3A_4, %squeeze3A_4 : vector<8x128xf32>
    %add3A = arith.addf %mul3A, %mul3A_7 : vector<8x128xf32>
    %mul3A_8 = arith.mulf %squeeze3A_6, %squeeze3A_6 : vector<8x128xf32>
    %add3A_9 = arith.addf %add3A, %mul3A_8 : vector<8x128xf32>
    %sqrt3A = math.sqrt %add3A_9 : vector<8x128xf32>
    %max3A = arith.constant 9.99999971E-10 : f32
    %max3A_10 = vector.broadcast %max3A : f32 to vector<8x128xf32>
    %max3A_11 = arith.maximumf %sqrt3A, %max3A_10 : vector<8x128xf32>
    %div3A = arith.constant 1.000000e+00 : f32
    %div3A_12 = vector.broadcast %div3A : f32 to vector<8x128xf32>
    %div3A_13 = arith.divf %div3A_12, %max3A_11 : vector<8x128xf32>
    %mul3A_14 = arith.constant 2.000000e-01 : f32
    %mul3A_15 = vector.broadcast %mul3A_14 : f32 to vector<8x128xf32>
    %mul3A_16 = arith.mulf %sqrt3A, %mul3A_15 : vector<8x128xf32>
    %jit3A = arith.constant 0.000000e+00 : f32
    %jit3A_17 = arith.constant 1.000000e+00 : f32
    %max3A_18 = vector.broadcast %jit3A : f32 to vector<8x128xf32>
    %max3A_19 = arith.maximumf %max3A_18, %mul3A_16 : vector<8x128xf32>
    %min3A = vector.broadcast %jit3A_17 : f32 to vector<8x128xf32>
    %min3A_20 = arith.minimumf %min3A, %max3A_19 : vector<8x128xf32>
    %mul3A_21 = arith.mulf %min3A_20, %min3A_20 : vector<8x128xf32>
    %mul3A_22 = arith.mulf %mul3A_21, %min3A_20 : vector<8x128xf32>
    %mul3A_23 = arith.mulf %mul3A_22, %mul3A_22 : vector<8x128xf32>
    %mul3A_24 = arith.mulf %mul3A_23, %min3A_20 : vector<8x128xf32>
    %mul3A_25 = arith.mulf %mul3A_24, %min3A_20 : vector<8x128xf32>
    %mul3A_26 = arith.constant 2.800000e+01 : f32
    %mul3A_27 = vector.broadcast %mul3A_26 : f32 to vector<8x128xf32>
    %mul3A_28 = arith.mulf %mul3A_27, %mul3A_23 : vector<8x128xf32>
    %sub3A = arith.constant 1.000000e+00 : f32
    %sub3A_29 = vector.broadcast %sub3A : f32 to vector<8x128xf32>
    %sub3A_30 = arith.subf %sub3A_29, %mul3A_28 : vector<8x128xf32>
    %mul3A_31 = arith.constant 4.800000e+01 : f32
    %mul3A_32 = vector.broadcast %mul3A_31 : f32 to vector<8x128xf32>
    %mul3A_33 = arith.mulf %mul3A_32, %mul3A_24 : vector<8x128xf32>
    %add3A_34 = arith.addf %sub3A_30, %mul3A_33 : vector<8x128xf32>
    %mul3A_35 = arith.constant 2.100000e+01 : f32
    %mul3A_36 = vector.broadcast %mul3A_35 : f32 to vector<8x128xf32>
    %mul3A_37 = arith.mulf %mul3A_36, %mul3A_25 : vector<8x128xf32>
    %sub3A_38 = arith.subf %add3A_34, %mul3A_37 : vector<8x128xf32>
    %sqrt3A_39 = arith.constant 4.000000e-01 : f32
    %sqrt3A_40 = math.sqrt %sqrt3A_39 : f32
    %mul3A_41 = vector.broadcast %sqrt3A_40 : f32 to vector<8x128xf32>
    %mul3A_42 = arith.mulf %mul3A_41, %div3A_13 : vector<8x128xf32>
    %mul3A_43 = arith.mulf %mul3A_42, %sub3A_38 : vector<8x128xf32>
    %get3A_44 = arith.constant 0 : index
    %get3A_45 = arith.constant 0 : index
    %get3A_46 = vector.load %arg2[%get3A_44, %get3A_45] : memref<1x8xf32, #tpu.memory_space<vmem>>, vector<1x1xf32>
    %get3A_47 = vector.extract %get3A_46[0, 0] : f32 from vector<1x1xf32>
    %mul3A_48 = vector.broadcast %get3A_47 : f32 to vector<8x128xf32>
    %mul3A_49 = arith.mulf %mul3A_48, %max3A_11 : vector<8x128xf32>
    %sin3A = math.sin %mul3A_49 : vector<8x128xf32>
    %mul3A_50 = arith.mulf %sin3A, %mul3A_43 : vector<8x128xf32>
    %get3A_51 = arith.constant 0 : index
    %get3A_52 = arith.constant 1 : index
    %get3A_53 = vector.load %arg2[%get3A_51, %get3A_52] : memref<1x8xf32, #tpu.memory_space<vmem>>, vector<1x1xf32>
    %get3A_54 = vector.extract %get3A_53[0, 0] : f32 from vector<1x1xf32>
    %mul3A_55 = vector.broadcast %get3A_54 : f32 to vector<8x128xf32>
    %mul3A_56 = arith.mulf %mul3A_55, %max3A_11 : vector<8x128xf32>
    %sin3A_57 = math.sin %mul3A_56 : vector<8x128xf32>
    %mul3A_58 = arith.mulf %sin3A_57, %mul3A_43 : vector<8x128xf32>
    %get3A_59 = arith.constant 0 : index
    %get3A_60 = arith.constant 2 : index
    %get3A_61 = vector.load %arg2[%get3A_59, %get3A_60] : memref<1x8xf32, #tpu.memory_space<vmem>>, vector<1x1xf32>
    %get3A_62 = vector.extract %get3A_61[0, 0] : f32 from vector<1x1xf32>
    %mul3A_63 = vector.broadcast %get3A_62 : f32 to vector<8x128xf32>
    %mul3A_64 = arith.mulf %mul3A_63, %max3A_11 : vector<8x128xf32>
    %sin3A_65 = math.sin %mul3A_64 : vector<8x128xf32>
    %mul3A_66 = arith.mulf %sin3A_65, %mul3A_43 : vector<8x128xf32>
    %get3A_67 = arith.constant 0 : index
    %get3A_68 = arith.constant 3 : index
    %get3A_69 = vector.load %arg2[%get3A_67, %get3A_68] : memref<1x8xf32, #tpu.memory_space<vmem>>, vector<1x1xf32>
    %get3A_70 = vector.extract %get3A_69[0, 0] : f32 from vector<1x1xf32>
    %mul3A_71 = vector.broadcast %get3A_70 : f32 to vector<8x128xf32>
    %mul3A_72 = arith.mulf %mul3A_71, %max3A_11 : vector<8x128xf32>
    %sin3A_73 = math.sin %mul3A_72 : vector<8x128xf32>
    %mul3A_74 = arith.mulf %sin3A_73, %mul3A_43 : vector<8x128xf32>
    %get3A_75 = arith.constant 0 : index
    %get3A_76 = arith.constant 4 : index
    %get3A_77 = vector.load %arg2[%get3A_75, %get3A_76] : memref<1x8xf32, #tpu.memory_space<vmem>>, vector<1x1xf32>
    %get3A_78 = vector.extract %get3A_77[0, 0] : f32 from vector<1x1xf32>
    %mul3A_79 = vector.broadcast %get3A_78 : f32 to vector<8x128xf32>
    %mul3A_80 = arith.mulf %mul3A_79, %max3A_11 : vector<8x128xf32>
    %sin3A_81 = math.sin %mul3A_80 : vector<8x128xf32>
    %mul3A_82 = arith.mulf %sin3A_81, %mul3A_43 : vector<8x128xf32>
    %get3A_83 = arith.constant 0 : index
    %get3A_84 = arith.constant 5 : index
    %get3A_85 = vector.load %arg2[%get3A_83, %get3A_84] : memref<1x8xf32, #tpu.memory_space<vmem>>, vector<1x1xf32>
    %get3A_86 = vector.extract %get3A_85[0, 0] : f32 from vector<1x1xf32>
    %mul3A_87 = vector.broadcast %get3A_86 : f32 to vector<8x128xf32>
    %mul3A_88 = arith.mulf %mul3A_87, %max3A_11 : vector<8x128xf32>
    %sin3A_89 = math.sin %mul3A_88 : vector<8x128xf32>
    %mul3A_90 = arith.mulf %sin3A_89, %mul3A_43 : vector<8x128xf32>
    %get3A_91 = arith.constant 0 : index
    %get3A_92 = arith.constant 6 : index
    %get3A_93 = vector.load %arg2[%get3A_91, %get3A_92] : memref<1x8xf32, #tpu.memory_space<vmem>>, vector<1x1xf32>
    %get3A_94 = vector.extract %get3A_93[0, 0] : f32 from vector<1x1xf32>
    %mul3A_95 = vector.broadcast %get3A_94 : f32 to vector<8x128xf32>
    %mul3A_96 = arith.mulf %mul3A_95, %max3A_11 : vector<8x128xf32>
    %sin3A_97 = math.sin %mul3A_96 : vector<8x128xf32>
    %mul3A_98 = arith.mulf %sin3A_97, %mul3A_43 : vector<8x128xf32>
    %get3A_99 = arith.constant 0 : index
    %get3A_100 = arith.constant 7 : index
    %get3A_101 = vector.load %arg2[%get3A_99, %get3A_100] : memref<1x8xf32, #tpu.memory_space<vmem>>, vector<1x1xf32>
    %get3A_102 = vector.extract %get3A_101[0, 0] : f32 from vector<1x1xf32>
    %mul3A_103 = vector.broadcast %get3A_102 : f32 to vector<8x128xf32>
    %mul3A_104 = arith.mulf %mul3A_103, %max3A_11 : vector<8x128xf32>
    %sin3A_105 = math.sin %mul3A_104 : vector<8x128xf32>
    %mul3A_106 = arith.mulf %sin3A_105, %mul3A_43 : vector<8x128xf32>
    %stack3A = vector.shape_cast %mul3A_50 : vector<8x128xf32> to vector<1x8x128xf32>
    %stack3A_107 = vector.shape_cast %mul3A_58 : vector<8x128xf32> to vector<1x8x128xf32>
    %stack3A_108 = vector.shape_cast %mul3A_66 : vector<8x128xf32> to vector<1x8x128xf32>
    %stack3A_109 = vector.shape_cast %mul3A_74 : vector<8x128xf32> to vector<1x8x128xf32>
    %stack3A_110 = vector.shape_cast %mul3A_82 : vector<8x128xf32> to vector<1x8x128xf32>
    %stack3A_111 = vector.shape_cast %mul3A_90 : vector<8x128xf32> to vector<1x8x128xf32>
    %stack3A_112 = vector.shape_cast %mul3A_98 : vector<8x128xf32> to vector<1x8x128xf32>
    %stack3A_113 = vector.shape_cast %mul3A_106 : vector<8x128xf32> to vector<1x8x128xf32>
    %stack3A_114 = tpu.concatenate %stack3A, %stack3A_107, %stack3A_108, %stack3A_109, %stack3A_110, %stack3A_111, %stack3A_112, %stack3A_113 in 0 : vector<1x8x128xf32>, vector<1x8x128xf32>, vector<1x8x128xf32>, vector<1x8x128xf32>, vector<1x8x128xf32>, vector<1x8x128xf32>, vector<1x8x128xf32>, vector<1x8x128xf32> -> vector<8x8x128xf32>
    %reshape3A = vector.shape_cast %stack3A_114 : vector<8x8x128xf32> to vector<8x1024xf32>
    %sqrt3A_115 = arith.constant 3.000000e+00 : f32
    %sqrt3A_116 = math.sqrt %sqrt3A_115 : f32
    %mul3A_117 = vector.broadcast %sqrt3A_116 : f32 to vector<8x128xf32>
    %mul3A_118 = arith.mulf %mul3A_117, %squeeze3A : vector<8x128xf32>
    %mul3A_119 = arith.mulf %mul3A_118, %div3A_13 : vector<8x128xf32>
    %mul3A_120 = vector.broadcast %sqrt3A_116 : f32 to vector<8x128xf32>
    %mul3A_121 = arith.mulf %mul3A_120, %squeeze3A_4 : vector<8x128xf32>
    %mul3A_122 = arith.mulf %mul3A_121, %div3A_13 : vector<8x128xf32>
    %mul3A_123 = vector.broadcast %sqrt3A_116 : f32 to vector<8x128xf32>
    %mul3A_124 = arith.mulf %mul3A_123, %squeeze3A_6 : vector<8x128xf32>
    %mul3A_125 = arith.mulf %mul3A_124, %div3A_13 : vector<8x128xf32>
    %stack3A_126 = vector.shape_cast %mul3A_119 : vector<8x128xf32> to vector<1x8x128xf32>
    %stack3A_127 = vector.shape_cast %mul3A_122 : vector<8x128xf32> to vector<1x8x128xf32>
    %stack3A_128 = vector.shape_cast %mul3A_125 : vector<8x128xf32> to vector<1x8x128xf32>
    %stack3A_129 = tpu.concatenate %stack3A_126, %stack3A_127, %stack3A_128 in 0 : vector<1x8x128xf32>, vector<1x8x128xf32>, vector<1x8x128xf32> -> vector<3x8x128xf32>
    %reshape3A_130 = vector.shape_cast %stack3A_129 : vector<3x8x128xf32> to vector<3x1024xf32>
    %broadcast_in_dim3A = arith.constant 0.000000e+00 : f32
    %broadcast_in_dim3A_131 = vector.broadcast %broadcast_in_dim3A : f32 to vector<5x1024xf32>
    %get3A_132 = arith.constant 0 : index
    %get3A_133 = arith.constant 0 : index
    %get3A_134 = arith.constant 0 : index
    %get3A_135 = vector.load %arg3[%get3A_132, %get3A_133, %get3A_134] : memref<2x8x16xf32, #tpu.memory_space<vmem>>, vector<1x8x16xf32>
    %get3A_136 = vector.shape_cast %get3A_135 : vector<1x8x16xf32> to vector<8x16xf32>
    %dot_general3A = arith.constant dense<0.000000e+00> : vector<16x1024xf32>
    %dot_general3A_137 = tpu.matmul %get3A_136, %reshape3A, %dot_general3A {dimension_numbers = #tpu.dot_dimension_numbers<[0], [0], [1], [1], [0, 1, 1, 1], [], []>, precision = #tpu.contract_precision<fp32>, transpose_lhs_hint = false} : vector<8x16xf32>, vector<8x1024xf32>, vector<16x1024xf32> -> vector<16x1024xf32>
    %logistic3A = arith.negf %dot_general3A_137 : vector<16x1024xf32>
    %logistic3A_138 = math.exp %logistic3A : vector<16x1024xf32>
    %logistic3A_139 = arith.constant 1.000000e+00 : f32
    %logistic3A_140 = vector.broadcast %logistic3A_139 : f32 to vector<16x1024xf32>
    %logistic3A_141 = arith.addf %logistic3A_140, %logistic3A_138 : vector<16x1024xf32>
    %logistic3A_142 = arith.divf %logistic3A_140, %logistic3A_141 : vector<16x1024xf32>
    %mul3A_143 = arith.mulf %dot_general3A_137, %logistic3A_142 : vector<16x1024xf32>
    %get3A_144 = arith.constant 0 : index
    %get3A_145 = arith.constant 0 : index
    %get3A_146 = arith.constant 0 : index
    %get3A_147 = vector.load %arg4[%get3A_144, %get3A_145, %get3A_146] : memref<2x16x64xf32, #tpu.memory_space<vmem>>, vector<1x16x64xf32>
    %get3A_148 = vector.shape_cast %get3A_147 : vector<1x16x64xf32> to vector<16x64xf32>
    %dot_general3A_149 = arith.constant dense<0.000000e+00> : vector<64x1024xf32>
    %dot_general3A_150 = tpu.matmul %get3A_148, %mul3A_143, %dot_general3A_149 {dimension_numbers = #tpu.dot_dimension_numbers<[0], [0], [1], [1], [0, 1, 1, 1], [], []>, precision = #tpu.contract_precision<fp32>, transpose_lhs_hint = false} : vector<16x64xf32>, vector<16x1024xf32>, vector<64x1024xf32> -> vector<64x1024xf32>
    %concatenate3A = tpu.concatenate %dot_general3A_150, %reshape3A_130, %broadcast_in_dim3A_131 in 0 : vector<64x1024xf32>, vector<3x1024xf32>, vector<5x1024xf32> -> vector<72x1024xf32>
    %swap3A = arith.constant 0 : index
    %swap3A_151 = arith.constant 0 : index
    %swap3A_152 = arith.constant 0 : index
    %swap3A_153 = vector.load %arg5[%swap3A, %swap3A_151, %swap3A_152] : memref<2x72x1024xf32, #tpu.memory_space<vmem>>, vector<1x72x1024xf32>
    %swap3A_154 = vector.shape_cast %swap3A_153 : vector<1x72x1024xf32> to vector<72x1024xf32>
    %swap3A_155 = vector.shape_cast %concatenate3A : vector<72x1024xf32> to vector<1x72x1024xf32>
    tpu.vector_store %arg5[%swap3A, %swap3A_151, %swap3A_152], %swap3A_155 {strides = array<i32>} : memref<2x72x1024xf32, #tpu.memory_space<vmem>>, vector<1x72x1024xf32>,
    %get3A_156 = arith.constant 1 : index
    %get3A_157 = arith.constant 0 : index
    %get3A_158 = arith.constant 0 : index
    %get3A_159 = vector.load %arg3[%get3A_156, %get3A_157, %get3A_158] : memref<2x8x16xf32, #tpu.memory_space<vmem>>, vector<1x8x16xf32>
    %get3A_160 = vector.shape_cast %get3A_159 : vector<1x8x16xf32> to vector<8x16xf32>
    %dot_general3A_161 = arith.constant dense<0.000000e+00> : vector<16x1024xf32>
    %dot_general3A_162 = tpu.matmul %get3A_160, %reshape3A, %dot_general3A_161 {dimension_numbers = #tpu.dot_dimension_numbers<[0], [0], [1], [1], [0, 1, 1, 1], [], []>, precision = #tpu.contract_precision<fp32>, transpose_lhs_hint = false} : vector<8x16xf32>, vector<8x1024xf32>, vector<16x1024xf32> -> vector<16x1024xf32>
    %logistic3A_163 = arith.negf %dot_general3A_162 : vector<16x1024xf32>
    %logistic3A_164 = math.exp %logistic3A_163 : vector<16x1024xf32>
    %logistic3A_165 = arith.constant 1.000000e+00 : f32
    %logistic3A_166 = vector.broadcast %logistic3A_165 : f32 to vector<16x1024xf32>
    %logistic3A_167 = arith.addf %logistic3A_166, %logistic3A_164 : vector<16x1024xf32>
    %logistic3A_168 = arith.divf %logistic3A_166, %logistic3A_167 : vector<16x1024xf32>
    %mul3A_169 = arith.mulf %dot_general3A_162, %logistic3A_168 : vector<16x1024xf32>
    %get3A_170 = arith.constant 1 : index
    %get3A_171 = arith.constant 0 : index
    %get3A_172 = arith.constant 0 : index
    %get3A_173 = vector.load %arg4[%get3A_170, %get3A_171, %get3A_172] : memref<2x16x64xf32, #tpu.memory_space<vmem>>, vector<1x16x64xf32>
    %get3A_174 = vector.shape_cast %get3A_173 : vector<1x16x64xf32> to vector<16x64xf32>
    %dot_general3A_175 = arith.constant dense<0.000000e+00> : vector<64x1024xf32>
    %dot_general3A_176 = tpu.matmul %get3A_174, %mul3A_169, %dot_general3A_175 {dimension_numbers = #tpu.dot_dimension_numbers<[0], [0], [1], [1], [0, 1, 1, 1], [], []>, precision = #tpu.contract_precision<fp32>, transpose_lhs_hint = false} : vector<16x64xf32>, vector<16x1024xf32>, vector<64x1024xf32> -> vector<64x1024xf32>
    %concatenate3A_177 = tpu.concatenate %dot_general3A_176, %reshape3A_130, %broadcast_in_dim3A_131 in 0 : vector<64x1024xf32>, vector<3x1024xf32>, vector<5x1024xf32> -> vector<72x1024xf32>
    %swap3A_178 = arith.constant 1 : index
    %swap3A_179 = arith.constant 0 : index
    %swap3A_180 = arith.constant 0 : index
    %swap3A_181 = vector.load %arg5[%swap3A_178, %swap3A_179, %swap3A_180] : memref<2x72x1024xf32, #tpu.memory_space<vmem>>, vector<1x72x1024xf32>
    %swap3A_182 = vector.shape_cast %swap3A_181 : vector<1x72x1024xf32> to vector<72x1024xf32>
    %swap3A_183 = vector.shape_cast %concatenate3A_177 : vector<72x1024xf32> to vector<1x72x1024xf32>
    tpu.vector_store %arg5[%swap3A_178, %swap3A_179, %swap3A_180], %swap3A_183 {strides = array<i32>} : memref<2x72x1024xf32, #tpu.memory_space<vmem>>, vector<1x72x1024xf32>,
    return
  }
  func.func @transform_0(%arg0: i32) -> (i32, i32, i32) {
    %c0_i32 = arith.constant 0 : i32
    %c0_i32_0 = arith.constant 0 : i32
    %c0_i32_1 = arith.constant 0 : i32
    return %c0_i32, %arg0, %c0_i32_0 : i32, i32, i32
  }
  func.func @transform_1(%arg0: i32) -> (i32, i32) {
    %c0_i32 = arith.constant 0 : i32
    %c0_i32_0 = arith.constant 0 : i32
    %c0_i32_1 = arith.constant 0 : i32
    return %c0_i32, %c0_i32_0 : i32, i32
  }
  func.func @transform_2(%arg0: i32) -> (i32, i32, i32) {
    %c0_i32 = arith.constant 0 : i32
    %c0_i32_0 = arith.constant 0 : i32
    %c0_i32_1 = arith.constant 0 : i32
    %c0_i32_2 = arith.constant 0 : i32
    return %c0_i32, %c0_i32_0, %c0_i32_1 : i32, i32, i32
  }
  func.func @transform_3(%arg0: i32) -> (i32, i32, i32) {
    %c0_i32 = arith.constant 0 : i32
    %c0_i32_0 = arith.constant 0 : i32
    %c0_i32_1 = arith.constant 0 : i32
    %c0_i32_2 = arith.constant 0 : i32
    return %c0_i32, %c0_i32_0, %c0_i32_1 : i32, i32, i32
  }
  func.func @transform_4(%arg0: i32) -> (i32, i32, i32) {
    %c0_i32 = arith.constant 0 : i32
    %c0_i32_0 = arith.constant 0 : i32
    %c0_i32_1 = arith.constant 0 : i32
    return %c0_i32, %c0_i32_0, %arg0 : i32, i32, i32
  }
}

module attributes {stable_mosaic.version = 14 : i64} {
  func.func @_kb_body(%arg0: i32, %arg1: memref<1024x3xf32, #tpu.memory_space<vmem>>, %arg2: memref<3x128xf32, #tpu.memory_space<vmem>>, %arg3: memref<1024x128xf32, #tpu.memory_space<vmem>>) attributes {dimension_semantics = [#tpu.dimension_semantics<arbitrary>], iteration_bounds = array<i64: 10>, scalar_prefetch = 0 : i64, scratch_operands = 0 : i64, tpu.core_type = #tpu.core_type<tc>, window_params = [{transform_indices = @transform_0, window_bounds = array<i64: 1024, 3>}, {pipeline_mode = #tpu.pipeline_mode<synchronous>, transform_indices = @transform_1, window_bounds = array<i64: 3, 128>}, {transform_indices = @transform_2, window_bounds = array<i64: 1024, 128>}]} {
    %get3A = arith.constant 0 : index
    %get3A_0 = arith.constant 0 : index
    %get3A_1 = vector.load %arg1[%get3A, %get3A_0] : memref<1024x3xf32, #tpu.memory_space<vmem>>, vector<1024x3xf32>
    %mul3A = arith.mulf %get3A_1, %get3A_1 : vector<1024x3xf32>
    %reduce_sum3A = arith.constant dense<0.000000e+00> : vector<1024xf32>
    %reduce_sum3A_2 = vector.multi_reduction <add>, %mul3A, %reduce_sum3A [1] : vector<1024x3xf32> to vector<1024xf32>
    %broadcast_in_dim3A = vector.shape_cast %reduce_sum3A_2 : vector<1024xf32> to vector<1024x1xf32>
    %sqrt3A = math.sqrt %broadcast_in_dim3A : vector<1024x1xf32>
    %sqrt3A_3 = arith.constant 3.000000e+00 : f32
    %sqrt3A_4 = math.sqrt %sqrt3A_3 : f32
    %max3A = arith.constant 9.99999971E-10 : f32
    %max3A_5 = vector.broadcast %max3A : f32 to vector<1024x1xf32>
    %max3A_6 = arith.maximumf %sqrt3A, %max3A_5 : vector<1024x1xf32>
    %div3A = vector.broadcast %sqrt3A_4 : f32 to vector<1024x1xf32>
    %div3A_7 = arith.divf %div3A, %max3A_6 : vector<1024x1xf32>
    %mul3A_8 = vector.broadcast %div3A_7 : vector<1024x1xf32> to vector<1024x3xf32>
    %mul3A_9 = arith.mulf %get3A_1, %mul3A_8 : vector<1024x3xf32>
    %get3A_10 = arith.constant 0 : index
    %get3A_11 = arith.constant 0 : index
    %get3A_12 = vector.load %arg2[%get3A_10, %get3A_11] : memref<3x128xf32, #tpu.memory_space<vmem>>, vector<3x128xf32>
    %dot_general3A = arith.constant dense<0.000000e+00> : vector<1024x128xf32>
    %dot_general3A_13 = tpu.matmul %mul3A_9, %get3A_12, %dot_general3A {dimension_numbers = #tpu.dot_dimension_numbers<[1], [0], [0], [1], [0, 0, 1, 1], [], []>, precision = #tpu.contract_precision<fp32>, transpose_lhs_hint = false} : vector<1024x3xf32>, vector<3x128xf32>, vector<1024x128xf32> -> vector<1024x128xf32>
    %swap3A = arith.constant 0 : index
    %swap3A_14 = arith.constant 0 : index
    %swap3A_15 = vector.load %arg3[%swap3A, %swap3A_14] : memref<1024x128xf32, #tpu.memory_space<vmem>>, vector<1024x128xf32>
    tpu.vector_store %arg3[%swap3A, %swap3A_14], %dot_general3A_13 {strides = array<i32>} : memref<1024x128xf32, #tpu.memory_space<vmem>>, vector<1024x128xf32>,
    return
  }
  func.func @transform_0(%arg0: i32) -> (i32, i32) {
    %c0_i32 = arith.constant 0 : i32
    %c0_i32_0 = arith.constant 0 : i32
    return %arg0, %c0_i32 : i32, i32
  }
  func.func @transform_1(%arg0: i32) -> (i32, i32) {
    %c0_i32 = arith.constant 0 : i32
    %c0_i32_0 = arith.constant 0 : i32
    %c0_i32_1 = arith.constant 0 : i32
    return %c0_i32, %c0_i32_0 : i32, i32
  }
  func.func @transform_2(%arg0: i32) -> (i32, i32) {
    %c0_i32 = arith.constant 0 : i32
    %c0_i32_0 = arith.constant 0 : i32
    return %arg0, %c0_i32 : i32, i32
  }
}

module attributes {stable_mosaic.version = 14 : i64} {
  func.func @_kc_body(%arg0: i32, %arg1: memref<1024x128xf32, #tpu.memory_space<vmem>>, %arg2: memref<2x1024x128xf32, #tpu.memory_space<vmem>>, %arg3: memref<32x32xf32, #tpu.memory_space<vmem>>, %arg4: memref<1024x128xf32, #tpu.memory_space<vmem>>) attributes {dimension_semantics = [#tpu.dimension_semantics<arbitrary>], iteration_bounds = array<i64: 10>, scalar_prefetch = 0 : i64, scratch_operands = 0 : i64, tpu.core_type = #tpu.core_type<tc>, window_params = [{transform_indices = @transform_0, window_bounds = array<i64: 1024, 128>}, {transform_indices = @transform_1, window_bounds = array<i64: 2, 1024, 128>}, {pipeline_mode = #tpu.pipeline_mode<synchronous>, transform_indices = @transform_2, window_bounds = array<i64: 32, 32>}, {transform_indices = @transform_3, window_bounds = array<i64: 1024, 128>}]} {
    %get3A = arith.constant 0 : index
    %get3A_0 = arith.constant 0 : index
    %get3A_1 = arith.constant 0 : index
    %get3A_2 = vector.load %arg2[%get3A, %get3A_0, %get3A_1] : memref<2x1024x128xf32, #tpu.memory_space<vmem>>, vector<2x1024x128xf32>
    %get3A_3 = arith.constant 0 : index
    %get3A_4 = arith.constant 0 : index
    %get3A_5 = vector.load %arg1[%get3A_3, %get3A_4] : memref<1024x128xf32, #tpu.memory_space<vmem>>, vector<1024x128xf32>
    %slice3A = vector.extract_strided_slice %get3A_2 {offsets = [0, 0, 0], sizes = [1, 1024, 128], strides = [1, 1, 1]} : vector<2x1024x128xf32> to vector<1x1024x128xf32>
    %squeeze3A = vector.shape_cast %slice3A : vector<1x1024x128xf32> to vector<1024x128xf32>
    %slice3A_6 = vector.extract_strided_slice %get3A_2 {offsets = [1, 0, 0], sizes = [1, 1024, 128], strides = [1, 1, 1]} : vector<2x1024x128xf32> to vector<1x1024x128xf32>
    %squeeze3A_7 = vector.shape_cast %slice3A_6 : vector<1x1024x128xf32> to vector<1024x128xf32>
    %add3A = arith.addf %squeeze3A, %squeeze3A_7 : vector<1024x128xf32>
    %mul3A = arith.constant 6.250000e-02 : f32
    %mul3A_8 = vector.broadcast %mul3A : f32 to vector<1024x128xf32>
    %mul3A_9 = arith.mulf %add3A, %mul3A_8 : vector<1024x128xf32>
    %add3A_10 = arith.addf %get3A_5, %mul3A_9 : vector<1024x128xf32>
    %get3A_11 = arith.constant 0 : index
    %get3A_12 = arith.constant 0 : index
    %get3A_13 = vector.load %arg3[%get3A_11, %get3A_12] : memref<32x32xf32, #tpu.memory_space<vmem>>, vector<32x32xf32>
    %slice3A_14 = vector.extract_strided_slice %add3A_10 {offsets = [0, 0], sizes = [1024, 32], strides = [1, 1]} : vector<1024x128xf32> to vector<1024x32xf32>
    %dot_general3A = arith.constant dense<0.000000e+00> : vector<1024x32xf32>
    %dot_general3A_15 = tpu.matmul %slice3A_14, %get3A_13, %dot_general3A {dimension_numbers = #tpu.dot_dimension_numbers<[1], [0], [0], [1], [0, 0, 1, 1], [], []>, precision = #tpu.contract_precision<fp32>, transpose_lhs_hint = false} : vector<1024x32xf32>, vector<32x32xf32>, vector<1024x32xf32> -> vector<1024x32xf32>
    %slice3A_16 = vector.extract_strided_slice %add3A_10 {offsets = [0, 32], sizes = [1024, 32], strides = [1, 1]} : vector<1024x128xf32> to vector<1024x32xf32>
    %dot_general3A_17 = arith.constant dense<0.000000e+00> : vector<1024x32xf32>
    %dot_general3A_18 = tpu.matmul %slice3A_16, %get3A_13, %dot_general3A_17 {dimension_numbers = #tpu.dot_dimension_numbers<[1], [0], [0], [1], [0, 0, 1, 1], [], []>, precision = #tpu.contract_precision<fp32>, transpose_lhs_hint = false} : vector<1024x32xf32>, vector<32x32xf32>, vector<1024x32xf32> -> vector<1024x32xf32>
    %slice3A_19 = vector.extract_strided_slice %add3A_10 {offsets = [0, 64], sizes = [1024, 32], strides = [1, 1]} : vector<1024x128xf32> to vector<1024x32xf32>
    %dot_general3A_20 = arith.constant dense<0.000000e+00> : vector<1024x32xf32>
    %dot_general3A_21 = tpu.matmul %slice3A_19, %get3A_13, %dot_general3A_20 {dimension_numbers = #tpu.dot_dimension_numbers<[1], [0], [0], [1], [0, 0, 1, 1], [], []>, precision = #tpu.contract_precision<fp32>, transpose_lhs_hint = false} : vector<1024x32xf32>, vector<32x32xf32>, vector<1024x32xf32> -> vector<1024x32xf32>
    %broadcast_in_dim3A = arith.constant 0.000000e+00 : f32
    %broadcast_in_dim3A_22 = vector.broadcast %broadcast_in_dim3A : f32 to vector<1024x32xf32>
    %concatenate3A = tpu.concatenate %dot_general3A_15, %dot_general3A_18, %dot_general3A_21, %broadcast_in_dim3A_22 in 1 : vector<1024x32xf32>, vector<1024x32xf32>, vector<1024x32xf32>, vector<1024x32xf32> -> vector<1024x128xf32>
    %swap3A = arith.constant 0 : index
    %swap3A_23 = arith.constant 0 : index
    %swap3A_24 = vector.load %arg4[%swap3A, %swap3A_23] : memref<1024x128xf32, #tpu.memory_space<vmem>>, vector<1024x128xf32>
    tpu.vector_store %arg4[%swap3A, %swap3A_23], %concatenate3A {strides = array<i32>} : memref<1024x128xf32, #tpu.memory_space<vmem>>, vector<1024x128xf32>,
    return
  }
  func.func @transform_0(%arg0: i32) -> (i32, i32) {
    %c0_i32 = arith.constant 0 : i32
    %c0_i32_0 = arith.constant 0 : i32
    return %arg0, %c0_i32 : i32, i32
  }
  func.func @transform_1(%arg0: i32) -> (i32, i32, i32) {
    %c0_i32 = arith.constant 0 : i32
    %c0_i32_0 = arith.constant 0 : i32
    %c0_i32_1 = arith.constant 0 : i32
    return %c0_i32, %arg0, %c0_i32_0 : i32, i32, i32
  }
  func.func @transform_2(%arg0: i32) -> (i32, i32) {
    %c0_i32 = arith.constant 0 : i32
    %c0_i32_0 = arith.constant 0 : i32
    %c0_i32_1 = arith.constant 0 : i32
    return %c0_i32, %c0_i32_0 : i32, i32
  }
  func.func @transform_3(%arg0: i32) -> (i32, i32) {
    %c0_i32 = arith.constant 0 : i32
    %c0_i32_0 = arith.constant 0 : i32
    return %arg0, %c0_i32 : i32, i32
  }
}

module attributes {stable_mosaic.version = 14 : i64} {
  func.func @_kd_body(%arg0: i32, %arg1: memref<1024x128xf32, #tpu.memory_space<vmem>>, %arg2: memref<2x1024x128xf32, #tpu.memory_space<vmem>>, %arg3: memref<32x32xf32, #tpu.memory_space<vmem>>, %arg4: memref<32x2xf32, #tpu.memory_space<vmem>>, %arg5: memref<1024x8xf32, #tpu.memory_space<vmem>>) attributes {dimension_semantics = [#tpu.dimension_semantics<arbitrary>], iteration_bounds = array<i64: 10>, scalar_prefetch = 0 : i64, scratch_operands = 0 : i64, tpu.core_type = #tpu.core_type<tc>, window_params = [{transform_indices = @transform_0, window_bounds = array<i64: 1024, 128>}, {transform_indices = @transform_1, window_bounds = array<i64: 2, 1024, 128>}, {pipeline_mode = #tpu.pipeline_mode<synchronous>, transform_indices = @transform_2, window_bounds = array<i64: 32, 32>}, {pipeline_mode = #tpu.pipeline_mode<synchronous>, transform_indices = @transform_3, window_bounds = array<i64: 32, 2>}, {transform_indices = @transform_4, window_bounds = array<i64: 1024, 8>}]} {
    %get3A = arith.constant 0 : index
    %get3A_0 = arith.constant 0 : index
    %get3A_1 = arith.constant 0 : index
    %get3A_2 = vector.load %arg2[%get3A, %get3A_0, %get3A_1] : memref<2x1024x128xf32, #tpu.memory_space<vmem>>, vector<2x1024x128xf32>
    %get3A_3 = arith.constant 0 : index
    %get3A_4 = arith.constant 0 : index
    %get3A_5 = vector.load %arg1[%get3A_3, %get3A_4] : memref<1024x128xf32, #tpu.memory_space<vmem>>, vector<1024x128xf32>
    %slice3A = vector.extract_strided_slice %get3A_2 {offsets = [0, 0, 0], sizes = [1, 1024, 128], strides = [1, 1, 1]} : vector<2x1024x128xf32> to vector<1x1024x128xf32>
    %squeeze3A = vector.shape_cast %slice3A : vector<1x1024x128xf32> to vector<1024x128xf32>
    %slice3A_6 = vector.extract_strided_slice %get3A_2 {offsets = [1, 0, 0], sizes = [1, 1024, 128], strides = [1, 1, 1]} : vector<2x1024x128xf32> to vector<1x1024x128xf32>
    %squeeze3A_7 = vector.shape_cast %slice3A_6 : vector<1x1024x128xf32> to vector<1024x128xf32>
    %add3A = arith.addf %squeeze3A, %squeeze3A_7 : vector<1024x128xf32>
    %mul3A = arith.constant 6.250000e-02 : f32
    %mul3A_8 = vector.broadcast %mul3A : f32 to vector<1024x128xf32>
    %mul3A_9 = arith.mulf %add3A, %mul3A_8 : vector<1024x128xf32>
    %add3A_10 = arith.addf %get3A_5, %mul3A_9 : vector<1024x128xf32>
    %get3A_11 = arith.constant 0 : index
    %get3A_12 = arith.constant 0 : index
    %get3A_13 = vector.load %arg3[%get3A_11, %get3A_12] : memref<32x32xf32, #tpu.memory_space<vmem>>, vector<32x32xf32>
    %get3A_14 = arith.constant 0 : index
    %get3A_15 = arith.constant 0 : index
    %get3A_16 = vector.load %arg4[%get3A_14, %get3A_15] : memref<32x2xf32, #tpu.memory_space<vmem>>, vector<32x2xf32>
    %slice3A_17 = vector.extract_strided_slice %add3A_10 {offsets = [0, 0], sizes = [1024, 32], strides = [1, 1]} : vector<1024x128xf32> to vector<1024x32xf32>
    %dot_general3A = arith.constant dense<0.000000e+00> : vector<1024x32xf32>
    %dot_general3A_18 = tpu.matmul %slice3A_17, %get3A_13, %dot_general3A {dimension_numbers = #tpu.dot_dimension_numbers<[1], [0], [0], [1], [0, 0, 1, 1], [], []>, precision = #tpu.contract_precision<fp32>, transpose_lhs_hint = false} : vector<1024x32xf32>, vector<32x32xf32>, vector<1024x32xf32> -> vector<1024x32xf32>
    %dot_general3A_19 = arith.constant dense<0.000000e+00> : vector<1024x2xf32>
    %dot_general3A_20 = tpu.matmul %dot_general3A_18, %get3A_16, %dot_general3A_19 {dimension_numbers = #tpu.dot_dimension_numbers<[1], [0], [0], [1], [0, 0, 1, 1], [], []>, precision = #tpu.contract_precision<fp32>, transpose_lhs_hint = false} : vector<1024x32xf32>, vector<32x2xf32>, vector<1024x2xf32> -> vector<1024x2xf32>
    %slice3A_21 = vector.extract_strided_slice %add3A_10 {offsets = [0, 32], sizes = [1024, 32], strides = [1, 1]} : vector<1024x128xf32> to vector<1024x32xf32>
    %dot_general3A_22 = arith.constant dense<0.000000e+00> : vector<1024x32xf32>
    %dot_general3A_23 = tpu.matmul %slice3A_21, %get3A_13, %dot_general3A_22 {dimension_numbers = #tpu.dot_dimension_numbers<[1], [0], [0], [1], [0, 0, 1, 1], [], []>, precision = #tpu.contract_precision<fp32>, transpose_lhs_hint = false} : vector<1024x32xf32>, vector<32x32xf32>, vector<1024x32xf32> -> vector<1024x32xf32>
    %dot_general3A_24 = arith.constant dense<0.000000e+00> : vector<1024x2xf32>
    %dot_general3A_25 = tpu.matmul %dot_general3A_23, %get3A_16, %dot_general3A_24 {dimension_numbers = #tpu.dot_dimension_numbers<[1], [0], [0], [1], [0, 0, 1, 1], [], []>, precision = #tpu.contract_precision<fp32>, transpose_lhs_hint = false} : vector<1024x32xf32>, vector<32x2xf32>, vector<1024x2xf32> -> vector<1024x2xf32>
    %slice3A_26 = vector.extract_strided_slice %add3A_10 {offsets = [0, 64], sizes = [1024, 32], strides = [1, 1]} : vector<1024x128xf32> to vector<1024x32xf32>
    %dot_general3A_27 = arith.constant dense<0.000000e+00> : vector<1024x32xf32>
    %dot_general3A_28 = tpu.matmul %slice3A_26, %get3A_13, %dot_general3A_27 {dimension_numbers = #tpu.dot_dimension_numbers<[1], [0], [0], [1], [0, 0, 1, 1], [], []>, precision = #tpu.contract_precision<fp32>, transpose_lhs_hint = false} : vector<1024x32xf32>, vector<32x32xf32>, vector<1024x32xf32> -> vector<1024x32xf32>
    %dot_general3A_29 = arith.constant dense<0.000000e+00> : vector<1024x2xf32>
    %dot_general3A_30 = tpu.matmul %dot_general3A_28, %get3A_16, %dot_general3A_29 {dimension_numbers = #tpu.dot_dimension_numbers<[1], [0], [0], [1], [0, 0, 1, 1], [], []>, precision = #tpu.contract_precision<fp32>, transpose_lhs_hint = false} : vector<1024x32xf32>, vector<32x2xf32>, vector<1024x2xf32> -> vector<1024x2xf32>
    %slice3A_31 = vector.extract_strided_slice %dot_general3A_20 {offsets = [0, 0], sizes = [1024, 1], strides = [1, 1]} : vector<1024x2xf32> to vector<1024x1xf32>
    %slice3A_32 = vector.extract_strided_slice %dot_general3A_25 {offsets = [0, 0], sizes = [1024, 1], strides = [1, 1]} : vector<1024x2xf32> to vector<1024x1xf32>
    %slice3A_33 = vector.extract_strided_slice %dot_general3A_30 {offsets = [0, 0], sizes = [1024, 1], strides = [1, 1]} : vector<1024x2xf32> to vector<1024x1xf32>
    %slice3A_34 = vector.extract_strided_slice %dot_general3A_20 {offsets = [0, 1], sizes = [1024, 1], strides = [1, 1]} : vector<1024x2xf32> to vector<1024x1xf32>
    %slice3A_35 = vector.extract_strided_slice %dot_general3A_25 {offsets = [0, 1], sizes = [1024, 1], strides = [1, 1]} : vector<1024x2xf32> to vector<1024x1xf32>
    %slice3A_36 = vector.extract_strided_slice %dot_general3A_30 {offsets = [0, 1], sizes = [1024, 1], strides = [1, 1]} : vector<1024x2xf32> to vector<1024x1xf32>
    %broadcast_in_dim3A = arith.constant 0.000000e+00 : f32
    %broadcast_in_dim3A_37 = vector.broadcast %broadcast_in_dim3A : f32 to vector<1024x2xf32>
    %concatenate3A = tpu.concatenate %slice3A_31, %slice3A_32, %slice3A_33, %slice3A_34, %slice3A_35, %slice3A_36, %broadcast_in_dim3A_37 in 1 : vector<1024x1xf32>, vector<1024x1xf32>, vector<1024x1xf32>, vector<1024x1xf32>, vector<1024x1xf32>, vector<1024x1xf32>, vector<1024x2xf32> -> vector<1024x8xf32>
    %swap3A = arith.constant 0 : index
    %swap3A_38 = arith.constant 0 : index
    %swap3A_39 = vector.load %arg5[%swap3A, %swap3A_38] : memref<1024x8xf32, #tpu.memory_space<vmem>>, vector<1024x8xf32>
    tpu.vector_store %arg5[%swap3A, %swap3A_38], %concatenate3A {strides = array<i32>} : memref<1024x8xf32, #tpu.memory_space<vmem>>, vector<1024x8xf32>,
    return
  }
  func.func @transform_0(%arg0: i32) -> (i32, i32) {
    %c0_i32 = arith.constant 0 : i32
    %c0_i32_0 = arith.constant 0 : i32
    return %arg0, %c0_i32 : i32, i32
  }
  func.func @transform_1(%arg0: i32) -> (i32, i32, i32) {
    %c0_i32 = arith.constant 0 : i32
    %c0_i32_0 = arith.constant 0 : i32
    %c0_i32_1 = arith.constant 0 : i32
    return %c0_i32, %arg0, %c0_i32_0 : i32, i32, i32
  }
  func.func @transform_2(%arg0: i32) -> (i32, i32) {
    %c0_i32 = arith.constant 0 : i32
    %c0_i32_0 = arith.constant 0 : i32
    %c0_i32_1 = arith.constant 0 : i32
    return %c0_i32, %c0_i32_0 : i32, i32
  }
  func.func @transform_3(%arg0: i32) -> (i32, i32) {
    %c0_i32 = arith.constant 0 : i32
    %c0_i32_0 = arith.constant 0 : i32
    %c0_i32_1 = arith.constant 0 : i32
    return %c0_i32, %c0_i32_0 : i32, i32
  }
  func.func @transform_4(%arg0: i32) -> (i32, i32) {
    %c0_i32 = arith.constant 0 : i32
    %c0_i32_0 = arith.constant 0 : i32
    return %arg0, %c0_i32 : i32, i32
  }
}

</mosaic_0001>

<sc_bundles>
// kernel: kernel.12.cloned.1.call-start
scs
__scs_entry_jumppad:
0x0: {  	(pc) =	sbr.rel $0x88, $3  }
0x1: {  	(tag) =	ssettag $0x0;
	lr =	simm.s32 $0x1  }
0x2: {  	[smem:$0x3F98] =	sst lr;
	_ =	strace $0xD0000000  }
0x3: {  	_ = 	snop  }
0x4: {  	_ = 	snop  }
0x5: {  	_ = 	snop  }
0x6: {  	_ = 	snop  }
0x7: {  	_ = 	snop  }
__scs_overlays_trampoline_lowered:
0x8: {  	[smem:$0x3FA7] =	sst s0  }
0x9: {  	[smem:$0x3FA8] =	sst s1  }
0xa: {  	[smem:$0x3FA9] =	sst s2  }
0xb: {  	[smem:$0x3FAA] =	sst s3  }
0xc: {  	[smem:$0x3FAB] =	sst s4  }
0xd: {  	[smem:$0x3FAC] =	sst s5  }
0xe: {  	[smem:$0x3FAD] =	sst s6  }
0xf: {  	[smem:$0x3FAE] =	sst s7  }
0x10: {  	[smem:$0x3FAF] =	sst s8  }
0x11: {  	[smem:$0x3FB0] =	sst s9;
	s0 =	simm.s32 @!p0 $0x0  }
0x12: {  	s1 =	sld [smem:$0x3F96];
	s0 =	simm.s32 @p0 $0x1  }
0x13: {  	[smem:$0x3FB1] =	sst s0;
	s0 =	simm.s32 @!p1 $0x0  }
0x14: {  	s2 =	sld [smem:$0x3F95];
	s0 =	simm.s32 @p1 $0x1  }
0x15: {  	[smem:$0x3FB2] =	sst s0;
	s0 =	simm.s32 @!p2 $0x0  }
0x16: {  	s3 =	sld [smem:$0x3FDB];
	s0 =	simm.s32 @p2 $0x1  }
0x17: {  	s4 =	simm.s32 $0x1BF5;
	[smem:$0x3FB4] =	sst s0  }
0x18: {  	s0 =	sld [smem:$0x3F97];
	_ =	swait.ge [sflag:s4], $0x0  }
0x19: {  	s7 =	sld [smem:$0x3F98]  }
0x1a: {  	s8 =	sadd.s32 $0xFFFFE003, lr  }
0x1b: {  	s9 =	sadd.s32 $0xFFFFFEF7, lr;
	s5 =	simm.s32 $0xFFFFFFFF;
	p2 =	slt.u32 s8, $0xFFFFF086  }
0x1c: {  	p1 =	slt.u32 s9, $0xF7A;
	s5 =	simm.s32 @!p2 $0x0  }
0x1d: {  	s5 =	simm.s32 @p1 $0x1;
	p0 =	seq.s32 s7, s2  }
0x1e: {  	s7 =	smul.u32 @!p0 $0xF7A, s2;
	p2 =	seq.s32 @!p0 s5, $0x0  }
0x1f: {  	s9 =	smul.u32 $0xF7A, s1;
	s8 =	simm.s32 @!p0 $0x1BF5;
	p2 =	por !p2, p0  }
0x20: {  	[sflag:s8] =	ssyncset.s32 @!p0 $0xFFFFF086;
	s6 =	sadd.s32 @!p0 s3, s7;
	s7 =	simm.s32 @!p0 $0x108  }
0x21: {  	s3 =	sadd.s32 s3, s9;
	s6 =	sadd.s32 @!p0 $0x88, s6;
	s7 =	simm.s32 @p2 $0x1082  }
0x22: {  	[simem:s7], [sflag:s8] =	dma.local @!p0 [hbm:s6], $0xF7A  }
0x23: {  	s9 =	sor.u32 $0xD0000000, s2;
	s6 =	simm.s32 $0x108;
	_ =	swait.ge @!p0 [sflag:s8], $0x0  }
0x24: {  	s3 =	sadd.s32 $0x88, s3;
	s6 =	simm.s32 @!p1 $0x1082;
	[sflag:s4] =	ssyncset.s32 $0xFFFFF086  }
0x25: {  	[simem:s6], [sflag:s4] =	dma.local [hbm:s3], $0xF7A  }
0x26: {  	[smem:$0x3F98] =	sst s1;
	(tag) =	ssettag s2;
	_ =	strace s9  }
0x27: {  	s1 =	sld [smem:$0x3FA8]  }
0x28: {  	s2 =	sld [smem:$0x3FA9]  }
0x29: {  	s4 =	sld [smem:$0x3FAB]  }
0x2a: {  	p0 =	seq.s32 s5, $0x0;
	s5 =	sld [smem:$0x3FAC]  }
0x2b: {  	s6 =	sld [smem:$0x3FAD]  }
0x2c: {  	s7 =	sld [smem:$0x3FAE]  }
0x2d: {  	s3 =	simm.s32 $0x108;
	s8 =	sld [smem:$0x3FAF]  }
0x2e: {  	s3 =	simm.s32 @!p0 $0x1082;
	s9 =	sld [smem:$0x3FB0]  }
0x2f: {  	lr =	sadd.s32 s0, s3;
	s0 =	sld [smem:$0x3FA7]  }
0x30: {  	s3 =	sld [smem:$0x3FAA]  }
0x31: {  	[smem:$0x3FB3] =	sst s10  }
0x32: {  	s10 =	sld [smem:$0x3FB1];
	_ =	sdelay $0x3  }
0x33: {  	p0 =	seq.s32 s10, $0x1;
	s10 =	sld [smem:$0x3FB3];
	_ =	sdelay $0x3  }
0x34: {  	[smem:$0x3FB3] =	sst s10  }
0x35: {  	s10 =	sld [smem:$0x3FB2];
	_ =	sdelay $0x3  }
0x36: {  	p1 =	seq.s32 s10, $0x1;
	s10 =	sld [smem:$0x3FB3];
	_ =	sdelay $0x3  }
0x37: {  	[smem:$0x3FB3] =	sst s10  }
0x38: {  	s10 =	sld [smem:$0x3FB4]  }
0x39: {  	_ = 	snop;
	(pc) =	sbr.ind lr, $3  }
0x3a: {  	_ = 	snop  }
0x3b: {  	_ = 	snop  }
0x3c: {  	p2 =	seq.s32 s10, $0x1;
	s10 =	sld [smem:$0x3FB3]  }
0x3d: {  	_ =	shalt  }
0x3e: {  	_ =	shalt  }
0x3f: {  	_ =	shalt  }
0x40: {  	_ =	shalt  }
0x41: {  	_ =	shalt  }
0x42: {  	_ =	shalt  }
0x43: {  	_ =	shalt  }
0x44: {  	_ =	shalt  }
0x45: {  	_ =	shalt  }
0x46: {  	_ =	shalt  }
0x47: {  	_ =	shalt  }
0x48: {  	_ =	shalt  }
0x49: {  	_ =	shalt  }
0x4a: {  	_ =	shalt  }
0x4b: {  	_ =	shalt  }
0x4c: {  	_ =	shalt  }
0x4d: {  	_ =	shalt  }
0x4e: {  	_ =	shalt  }
0x4f: {  	_ =	shalt  }
0x50: {  	_ =	shalt  }
0x51: {  	_ =	shalt  }
0x52: {  	_ =	shalt  }
0x53: {  	_ =	shalt  }
0x54: {  	_ =	shalt  }
0x55: {  	_ =	shalt  }
0x56: {  	_ =	shalt  }
0x57: {  	_ =	shalt  }
0x58: {  	_ =	shalt  }
0x59: {  	_ =	shalt  }
0x5a: {  	_ =	shalt  }
0x5b: {  	_ =	shalt  }
0x5c: {  	_ =	shalt  }
0x5d: {  	_ =	shalt  }
0x5e: {  	_ =	shalt  }
0x5f: {  	_ =	shalt  }
0x60: {  	_ =	shalt  }
0x61: {  	_ =	shalt  }
0x62: {  	_ =	shalt  }
0x63: {  	_ =	shalt  }
0x64: {  	_ =	shalt  }
0x65: {  	_ =	shalt  }
0x66: {  	_ =	shalt  }
0x67: {  	_ =	shalt  }
0x68: {  	_ =	shalt  }
0x69: {  	_ =	shalt  }
0x6a: {  	_ =	shalt  }
0x6b: {  	_ =	shalt  }
0x6c: {  	_ =	shalt  }
0x6d: {  	_ =	shalt  }
0x6e: {  	_ =	shalt  }
0x6f: {  	_ =	shalt  }
0x70: {  	_ =	shalt  }
0x71: {  	_ =	shalt  }
0x72: {  	_ =	shalt  }
0x73: {  	_ =	shalt  }
0x74: {  	_ =	shalt  }
0x75: {  	_ =	shalt  }
0x76: {  	_ =	shalt  }
0x77: {  	_ =	shalt  }
0x78: {  	_ =	shalt  }
0x79: {  	_ =	shalt  }
0x7a: {  	_ =	shalt  }
0x7b: {  	_ =	shalt  }
0x7c: {  	_ =	shalt  }
0x7d: {  	_ =	shalt  }
0x7e: {  	_ =	shalt  }
0x7f: {  	_ =	shalt  }
0x80: {  	_ =	shalt  }
0x81: {  	_ =	shalt  }
0x82: {  	_ =	shalt  }
0x83: {  	_ =	shalt  }
0x84: {  	_ =	shalt  }
0x85: {  	_ =	shalt  }
0x86: {  	_ =	shalt  }
0x87: {  	_ =	shalt  }
.Lfunc_end0:
.L_simem_size_0:
called_computation.1_lowered:
.L_overlay_start_0:
0x88: {  	s2 =	sld [smem:$0x3FD9]  }
0x89: {  	s3 =	sld [smem:$0x3FFE];
	_ =	sdelay $0x1  }
0x8a: {  	s1 =	srdreg.scid  }
0x8b: {  	s0 =	sand.u32 $0x1, s1  }
0x8c: {  	s16 =	sshll.u32 s0, $0xA;
	s2 =	sadd.s32 s3, s2  }
0x8d: {  	s2 =	sadd.s32 s2, s16  }
0x8e: {  	[smem:$0x3FBF] =	sst s2  }
0x8f: {  	_ = 	snop  }
0x90: {  	(tm) =	ssettm $0x1  }
0x91: {  	s17 =	sld [smem:$0x3FFB];
	_ =	sdelay $0x3  }
0x92: {  	_ =	strace s17  }
0x93: {  	s2 =	sld [smem:$0x3FFC];
	_ =	sdelay $0x3  }
0x94: {  	_ =	strace s2  }
0x95: {  	s2 =	sld [smem:$0x3FFD];
	_ =	sdelay $0x3  }
0x96: {  	_ =	strace s2  }
0x97: {  	_ =	strace $0x8FFFFFFF  }
0x98: {  	s18 =	sld [smem:$0x3FDB];
	_ =	sdelay $0x1  }
0x99: {  	s19 =	simm.s32 $_scs_section_size  }
0x9a: {  	s4 =	simm.s32 $_size__tile_overlayer_lowered;
	s5 =	simm.s32 $_tile_overlayer_lowered  }
0x9b: {  	s22 =	simm.s32 $0x1BFF;
	s21 =	sshll.u32 s5, $0x1;
	s2 =	sadd.s32 s19, s18  }
0x9c: {  	s6 =	simm.s32 $0x0;
	s20 =	sshll.u32 s4, $0x1;
	s4 =	sadd.s32 s21, s2  }
0x9d: {  	[timem:s6], [sflag:s22] =	dma.local [hbm:s4], s20  }
0x9e: {  	_ =	swait.ge [sflag:s22], s20  }
0x9f: {  	s3 =	ssub.s32 $0x0, s20;
	[sflag:s22] =	ssyncset.done $0x0  }
0xa0: {  	[sflag:s22] =	ssyncadd.s32 s3;
	_ =	sdelay $0x1  }
0xa1: {  	s23 =	simm.s32 $0x1B8B  }
0xa2: {  	_ =	swait.ge [sflag:s23], $0x1  }
0xa3: {  	[sflag:s23] =	ssyncset.done $0x0  }
0xa4: {  	s25 =	simm.s32 $0x1B8E;
	s24 =	sld [smem:$0x3FFE];
	[sflag:s23] =	ssyncadd.s32 $0xFFFFFFFF  }
0xa5: {  	s26 =	simm.s32 $execute0_lowered;
	[smem:$0x3FD2] =	sst s25  }
0xa6: {  	s4 =	sshll.u32 s26, $0x1;
	_ =	strace $0x80000049;
	[dreg:$0x1] =	wrdreg $0xFFFFFFFF  }
0xa7: {  	s28 =	simm.s32 $_size_execute0_lowered;
	s2 =	sadd.s32 s2, s4;
	[dreg:$0x0] =	wrdreg $0x0  }
0xa8: {  	s4 =	sshll.u32 s28, $0x1;
	[dreg:$0x2] =	wrdreg s2  }
0xa9: {  	[dreg:$0x3] =	wrdreg s4  }
0xaa: {  	[dreg:$0x4] =	wrdreg $0xC0  }
0xab: {  	_ =	task [dreg:s6], $0x5FFFF  }
0xac: {  	[dreg:$0x1] =	wrdreg $0xFFFFFFFF  }
0xad: {  	[dreg:$0x0] =	wrdreg $0x60  }
0xae: {  	[dreg:$0x2] =	wrdreg s24  }
0xaf: {  	[dreg:$0x3] =	wrdreg $0xAE000  }
0xb0: {  	[dreg:$0x4] =	wrdreg $0x9  }
0xb1: {  	_ =	task.clear_ibuf [dreg:s6], $0x5FFFF;
	_ =	strace $0x90000049  }
0xb2: {  	s29 =	simm.s32 $0x9;
	_ =	strace $0x8000004B  }
0xb3: {  	_ =	swait.ge [sflag:s29], $0x1  }
0xb4: {  	[sflag:s29] =	ssyncadd.s32 $0xFFFFFFFF  }
0xb5: {  	_ =	strace $0x9000004B  }
0xb6: {  	_ =	sfence  }
0xb7: {  	s30 =	sld [smem:$0x0];
	_ =	sdelay $0x2  }
0xb8: {  	s31 =	sshll.u32 s1, $0xD;
	s1 =	sshrl.u32 s1, $0x2  }
0xb9: {  	s3 =	sand.u32 $0x4000, s31;
	s1 =	sadd.s32 s1, s30  }
0xba: {  	s0 =	sor.u32 s3, s0;
	s1 =	sshll.u32 s1, $0x11  }
0xbb: {  	s0 =	sor.u32 s1, s0  }
0xbc: {  	s0 =	sadd.s32 $0x8F2B, s0  }
0xbd: {  	[sflag:s0] =	ssyncadd.remote.s32 $0x1  }
0xbe: {  	_ =	sfence.sel $0xFFFF  }
0xbf: {  	[dreg:$0x0] =	wrdreg $0xFFFFFFFF;
	(pc) =	sbr.abs _section_cstart, $3  }
0xc0: {  	[dreg:$0x1] =	wrdreg $0xFFFFFFFF  }
0xc1: {  	_ =	task.clear_ibuf [dreg:s6], $0x2FFFF;
	_ =	strace $0x9FFFFFFF  }
0xc2: {  	(tm) =	ssettm $0x7FFFFFFF  }
0xc3: {  	_ =	shalt  }
tec
execute0_lowered:
.L_overlay_start_1:
0x0: {  	(tag) =	ssettag $0x1  }
0x1: {  	s0 =	rddreg [dreg:$0x0]  }
0x2: {  	s1 =	rddreg [dreg:$0x1];
	s2 =	simm.s32 $0x0  }
0x3: {  	s3 =	srdreg.scid;
	s14 =	stileid.u32;
	s28 =	simm.s32 $0x1  }
0x4: {  	s29 =	simm.s32 $0x6600;
	s30 =	simm.s32 $0x180;
	s31 =	simm.s32 $0x2  }
0x5: {  	s16 =	simm.s32 $0x0;
	[smem:$0x7FF] =	sst s2;
	s4 =	sadd.s32 $0x1B400, s0  }
0x6: {  	s5 =	sadd.s32 $0x7800, s0;
	s3 =	sand.u32 $0x1, s3;
	s9 =	smul.u32 $0x2800, s14  }
0x7: {  	s6 =	sadd.s32 $0x2800, s0;
	s7 =	sadd.s32 $0x305C00, s0;
	s11 =	smul.u32 $0x50000, s14  }
0x8: {  	s22 =	sor.u32 $0x4E0, s14;
	_ =	strace $0x8000004A;
	s8 =	smul.u32 $0x28000, s3  }
0x9: {  	s10 =	sshll.u32 s3, $0x4;
	s3 =	ssub.s32 $0x2, s3;
	s23 =	sshll.u32 s22, $0x4  }
0xa: {  	s10 =	sor.u32 s14, s10;
	s18 =	sshrl.u32 s3, $0x1;
	s19 =	sshrl.u32 s11, $0x2  }
0xb: {  	s24 =	sadd.s32 s5, s23;
	s8 =	sadd.s32 s9, s8;
	s12 =	smul.u32 $0x1380, s10  }
0xc: {  	s3 =	ssub.s32 s3, s18;
	s13 =	smul.u32 $0x270, s10;
	s9 =	sadd.s32 s19, s1  }
0xd: {  	[dreg:$0x6] =	wrdreg s24;
	s19 =	simm.s32 $0xA600;
	s24 =	simm.s32 $0x400  }
0xe: {  	p0 =	sgt.u32 s10, $0x1;
	s0 =	sadd.s32 s8, s0;
	s8 =	smul.u32 $0x27, s10  }
0xf: {  	s26 =	smax.u32 s3, $0x1;
	s12 =	sadd.s32 $0x1300, s12;
	s20 =	sadd.s32 s5, s13  }
0x10: {  	s0 =	sadd.s32 $0x43400, s0;
	[dreg:$0xa] =	wrdreg s26;
	s26 =	simm.s32 $0x200  }
0x11: {  	[dreg:$0x3] =	wrdreg s20;
	s21 =	sshrl.u32 s12, $0x3;
	s11 =	sadd.s32 $0x2, s8  }
0x12: {  	s12 =	sadd.s32 s7, s12;
	[dreg:$0x9] =	wrdreg s0;
	s20 =	simm.s32 $0x5  }
.Ltmp0:
0x13: {  	v0 =	vlaneseq.u32;
	s0 =	simm.s32 $0x3;
	s13 =	sadd.s32 s6, s21;
	(pc) =	sbr.rel .LBB2_1-.Ltmp0, $4  }
0x14: {  	v0 =	vmul.u32 $0x80, v0;
	[dreg:$0x5] =	wrdreg s12;
	s12 =	sadd.s32 s6, s23;
	s21 =	simm.s32 $0x80  }
0x15: {  	s23 =	simm.s32 $0x100;
	[dreg:$0x4] =	wrdreg s13;
	s13 =	sshll.u32 s22, $0x7  }
0x16: {  	v1 =	vimm.f32 $0.0e+00;
	v2 =	vor.u32 $0x800, v0;
	[dreg:$0x7] =	wrdreg s12;
	s22 =	simm.s32 $0x2600;
	s25 =	sadd.s32 s7, s13  }
0x17: {  	v3 =	vor.u32 $0x1000, v0;
	v4 =	vor.u32 $0x1800, v0;
	v5 =	vor.u32 $0x2000, v0;
	s13 =	simm.s32 $0x0;
	[dreg:$0x8] =	wrdreg s25;
	s25 =	simm.s32 $0x13A000  }
.LBB2_15:
0x18: {  	s3 =	stileid.u32  }
0x19: {  	[bflag:$0x0] =	sbarrier.arrive $0xFFFF;
	s3 =	sshll.u32 s3, $0x6  }
0x1a: {  	s10 =	sshrl.u32 s9, $0x3;
	s12 =	rddreg [dreg:$0x9];
	s3 =	sor.u32 $0x1C05, s3  }
0x1b: {  	[hbm:s12], [sflag:s3] =	dma.local [spmem:s10], $0x2800  }
0x1c: {  	_ =	swait.ge [sflag:s20], $0x2800  }
0x1d: {  	s13 =	sadd.s32 $0x1, s13;
	s18 =	rddreg [dreg:$0xa]  }
0x1e: {  	p1 =	sne.s32 s13, s18  }
.Ltmp1:
0x1f: {  	_ = 	snop;
	(pc) =	sbr.rel @!p1 .LBB2_16-.Ltmp1, $3  }
0x20: {  	_ =	sdelay $0x1  }
0x21: {  	[sflag:s20] =	ssyncset.done $0x0  }
0x22: {  	[sflag:s20] =	ssyncadd.s32 $0xFFFFD800  }
.LBB2_1:
0x23: {  	[tilespmem:$0xA600] =	vst v1  }
0x24: {  	[tilespmem:$0xA610] =	vst v1  }
0x25: {  	[tilespmem:$0xA620] =	vst v1  }
0x26: {  	[tilespmem:$0xA630] =	vst v1  }
0x27: {  	[tilespmem:$0xA640] =	vst v1  }
0x28: {  	[tilespmem:$0xA650] =	vst v1  }
0x29: {  	[tilespmem:$0xA660] =	vst v1  }
0x2a: {  	[tilespmem:$0xA670] =	vst v1  }
0x2b: {  	[tilespmem:$0xA680] =	vst v1  }
0x2c: {  	[tilespmem:$0xA690] =	vst v1  }
0x2d: {  	[tilespmem:$0xA6A0] =	vst v1  }
0x2e: {  	[tilespmem:$0xA6B0] =	vst v1  }
0x2f: {  	[tilespmem:$0xA6C0] =	vst v1  }
0x30: {  	[tilespmem:$0xA6D0] =	vst v1  }
0x31: {  	[tilespmem:$0xA6E0] =	vst v1  }
0x32: {  	[tilespmem:$0xA6F0] =	vst v1  }
0x33: {  	[tilespmem:$0xA700] =	vst v1  }
0x34: {  	[tilespmem:$0xA710] =	vst v1  }
0x35: {  	[tilespmem:$0xA720] =	vst v1  }
0x36: {  	[tilespmem:$0xA730] =	vst v1  }
0x37: {  	[tilespmem:$0xA740] =	vst v1  }
0x38: {  	[tilespmem:$0xA750] =	vst v1  }
0x39: {  	[tilespmem:$0xA760] =	vst v1  }
0x3a: {  	[tilespmem:$0xA770] =	vst v1  }
0x3b: {  	[tilespmem:$0xA780] =	vst v1  }
0x3c: {  	[tilespmem:$0xA790] =	vst v1  }
0x3d: {  	[tilespmem:$0xA7A0] =	vst v1  }
0x3e: {  	[tilespmem:$0xA7B0] =	vst v1  }
0x3f: {  	[tilespmem:$0xA7C0] =	vst v1  }
0x40: {  	[tilespmem:$0xA7D0] =	vst v1  }
0x41: {  	[tilespmem:$0xA7E0] =	vst v1  }
0x42: {  	[tilespmem:$0xA7F0] =	vst v1  }
0x43: {  	[tilespmem:$0xA800] =	vst v1  }
0x44: {  	[tilespmem:$0xA810] =	vst v1  }
0x45: {  	[tilespmem:$0xA820] =	vst v1  }
0x46: {  	[tilespmem:$0xA830] =	vst v1  }
0x47: {  	[tilespmem:$0xA840] =	vst v1  }
0x48: {  	[tilespmem:$0xA850] =	vst v1  }
0x49: {  	[tilespmem:$0xA860] =	vst v1  }
0x4a: {  	[tilespmem:$0xA870] =	vst v1  }
0x4b: {  	[tilespmem:$0xA880] =	vst v1  }
0x4c: {  	[tilespmem:$0xA890] =	vst v1  }
0x4d: {  	[tilespmem:$0xA8A0] =	vst v1  }
0x4e: {  	[tilespmem:$0xA8B0] =	vst v1  }
0x4f: {  	[tilespmem:$0xA8C0] =	vst v1  }
0x50: {  	[tilespmem:$0xA8D0] =	vst v1  }
0x51: {  	[tilespmem:$0xA8E0] =	vst v1  }
0x52: {  	[tilespmem:$0xA8F0] =	vst v1  }
0x53: {  	[tilespmem:$0xA900] =	vst v1  }
0x54: {  	[tilespmem:$0xA910] =	vst v1  }
0x55: {  	[tilespmem:$0xA920] =	vst v1  }
0x56: {  	[tilespmem:$0xA930] =	vst v1  }
0x57: {  	[tilespmem:$0xA940] =	vst v1  }
0x58: {  	[tilespmem:$0xA950] =	vst v1  }
0x59: {  	[tilespmem:$0xA960] =	vst v1  }
0x5a: {  	[tilespmem:$0xA970] =	vst v1  }
0x5b: {  	[tilespmem:$0xA980] =	vst v1  }
0x5c: {  	[tilespmem:$0xA990] =	vst v1  }
0x5d: {  	[tilespmem:$0xA9A0] =	vst v1  }
0x5e: {  	[tilespmem:$0xA9B0] =	vst v1  }
0x5f: {  	[tilespmem:$0xA9C0] =	vst v1  }
0x60: {  	[tilespmem:$0xA9D0] =	vst v1  }
0x61: {  	[tilespmem:$0xA9E0] =	vst v1  }
0x62: {  	[tilespmem:$0xA9F0] =	vst v1  }
0x63: {  	[tilespmem:$0xAA00] =	vst v1  }
0x64: {  	[tilespmem:$0xAA10] =	vst v1  }
0x65: {  	[tilespmem:$0xAA20] =	vst v1  }
0x66: {  	[tilespmem:$0xAA30] =	vst v1  }
0x67: {  	[tilespmem:$0xAA40] =	vst v1  }
0x68: {  	[tilespmem:$0xAA50] =	vst v1  }
0x69: {  	[tilespmem:$0xAA60] =	vst v1  }
0x6a: {  	[tilespmem:$0xAA70] =	vst v1  }
0x6b: {  	[tilespmem:$0xAA80] =	vst v1  }
0x6c: {  	[tilespmem:$0xAA90] =	vst v1  }
0x6d: {  	[tilespmem:$0xAAA0] =	vst v1  }
0x6e: {  	[tilespmem:$0xAAB0] =	vst v1  }
0x6f: {  	[tilespmem:$0xAAC0] =	vst v1  }
0x70: {  	[tilespmem:$0xAAD0] =	vst v1  }
0x71: {  	[tilespmem:$0xAAE0] =	vst v1  }
0x72: {  	[tilespmem:$0xAAF0] =	vst v1  }
0x73: {  	[tilespmem:$0xAB00] =	vst v1  }
0x74: {  	[tilespmem:$0xAB10] =	vst v1  }
0x75: {  	[tilespmem:$0xAB20] =	vst v1  }
0x76: {  	[tilespmem:$0xAB30] =	vst v1  }
0x77: {  	[tilespmem:$0xAB40] =	vst v1  }
0x78: {  	[tilespmem:$0xAB50] =	vst v1  }
0x79: {  	[tilespmem:$0xAB60] =	vst v1  }
0x7a: {  	[tilespmem:$0xAB70] =	vst v1  }
0x7b: {  	[tilespmem:$0xAB80] =	vst v1  }
0x7c: {  	[tilespmem:$0xAB90] =	vst v1  }
0x7d: {  	[tilespmem:$0xABA0] =	vst v1  }
0x7e: {  	[tilespmem:$0xABB0] =	vst v1  }
0x7f: {  	[tilespmem:$0xABC0] =	vst v1  }
0x80: {  	[tilespmem:$0xABD0] =	vst v1  }
0x81: {  	[tilespmem:$0xABE0] =	vst v1  }
0x82: {  	[tilespmem:$0xABF0] =	vst v1  }
0x83: {  	[tilespmem:$0xAC00] =	vst v1  }
0x84: {  	[tilespmem:$0xAC10] =	vst v1  }
0x85: {  	[tilespmem:$0xAC20] =	vst v1  }
0x86: {  	[tilespmem:$0xAC30] =	vst v1  }
0x87: {  	[tilespmem:$0xAC40] =	vst v1  }
0x88: {  	[tilespmem:$0xAC50] =	vst v1  }
0x89: {  	[tilespmem:$0xAC60] =	vst v1  }
0x8a: {  	[tilespmem:$0xAC70] =	vst v1  }
0x8b: {  	[tilespmem:$0xAC80] =	vst v1  }
0x8c: {  	[tilespmem:$0xAC90] =	vst v1  }
0x8d: {  	[tilespmem:$0xACA0] =	vst v1  }
0x8e: {  	[tilespmem:$0xACB0] =	vst v1  }
0x8f: {  	[tilespmem:$0xACC0] =	vst v1  }
0x90: {  	[tilespmem:$0xACD0] =	vst v1  }
0x91: {  	[tilespmem:$0xACE0] =	vst v1  }
0x92: {  	[tilespmem:$0xACF0] =	vst v1  }
0x93: {  	[tilespmem:$0xAD00] =	vst v1  }
0x94: {  	[tilespmem:$0xAD10] =	vst v1  }
0x95: {  	[tilespmem:$0xAD20] =	vst v1  }
0x96: {  	[tilespmem:$0xAD30] =	vst v1  }
0x97: {  	[tilespmem:$0xAD40] =	vst v1  }
0x98: {  	[tilespmem:$0xAD50] =	vst v1  }
0x99: {  	[tilespmem:$0xAD60] =	vst v1  }
0x9a: {  	[tilespmem:$0xAD70] =	vst v1  }
0x9b: {  	[tilespmem:$0xAD80] =	vst v1  }
0x9c: {  	[tilespmem:$0xAD90] =	vst v1  }
0x9d: {  	[tilespmem:$0xADA0] =	vst v1  }
0x9e: {  	[tilespmem:$0xADB0] =	vst v1  }
0x9f: {  	[tilespmem:$0xADC0] =	vst v1  }
0xa0: {  	[tilespmem:$0xADD0] =	vst v1  }
0xa1: {  	[tilespmem:$0xADE0] =	vst v1  }
0xa2: {  	[dreg:$0xb] =	wrdreg s13;
	[tilespmem:$0xADF0] =	vst v1;
	s3 =	sadd.s32 $0x0, s9  }
0xa3: {  	[spmem:s3] =	stream.linear.scatter [tilespmem:s19], [sflag:$0x5], $0x800, $0x38;
	[tilespmem:$0x1EE00] =	vst v63  }
0xa4: {  	s3 =	simm.s32 $0x2000;
	_ =	swait.ge [sflag:s20], $0x800  }
.LBB2_2:
0xa5: {  	s10 =	sshra.s32 s3, $0x2;
	[sflag:s20] =	ssyncset.done $0x0;
	p1 =	sne.s32 s3, $0x4E000  }
.Ltmp2:
0xa6: {  	s10 =	sadd.s32 s10, s9;
	[sflag:s20] =	ssyncadd.s32 $0xFFFFF800;
	(pc) =	sbr.rel @p1 .LBB2_2-.Ltmp2, $3  }
0xa7: {  	[spmem:s10] =	stream.linear.scatter [tilespmem:s19], [sflag:$0x5], $0x800, $0x38;
	[tilespmem:$0x1EE00] =	vst v63  }
0xa8: {  	s3 =	sadd.s32 $0x2000, s3;
	_ =	sdelay $0x1  }
0xa9: {  	_ =	swait.ge [sflag:s20], $0x800  }
0xaa: {  	[sflag:s20] =	ssyncset.done $0x0  }
0xab: {  	[sflag:s20] =	ssyncadd.s32 $0xFFFFF800  }
0xac: {  	[bflag:$0x0] =	sbarrier.arrive $0xFFFF  }
0xad: {  	s3 =	rddreg [dreg:$0x3]  }
0xae: {  	[tilespmem:s16], [sflag:$0x5] =	stream.linear.gather [hbm4b:s3+s16], $0x80, $0x38;
	[tilespmem:$0x1EE00] =	vst v63  }
0xaf: {  	_ =	swait.ge [sflag:s20], $0x80  }
0xb0: {  	[sflag:s20] =	ssyncset.done $0x0  }
0xb1: {  	s3 =	simm.s32 $0x0;
	[sflag:s20] =	ssyncadd.s32 $0xFFFFFF80  }
0xb2: {  	[tilespmem:s22], [sflag:$0x1] =	stream.indirect.gather [hbm4b:s4+s21], $0x80, s16, s21, $0xb8;
	[tilespmem:$0x1EE00] =	vst v63  }
.LBB2_4:
0xb3: {  	s10 =	sshll.u32 s3, $0x1  }
0xb4: {  	s12 =	sadd.s32 s8, s10  }
0xb5: {  	s13 =	sshll.u32 s12, $0x4  }
0xb6: {  	s13 =	sadd.s32 s6, s13  }
0xb7: {  	[tilespmem:s23], [sflag:$0x5] =	stream.linear.gather [hbm4b:s13+s2], $0x80, $0x38;
	[tilespmem:$0x1EE00] =	vst v63  }
0xb8: {  	_ =	swait.ge [sflag:s20], $0x80  }
0xb9: {  	s12 =	sshll.u32 s12, $0x7;
	[sflag:s20] =	ssyncset.done $0x0  }
0xba: {  	s12 =	sadd.s32 s7, s12;
	[sflag:s20] =	ssyncadd.s32 $0xFFFFFF80  }
0xbb: {  	[tilespmem:s26], [sflag:$0x5] =	stream.strided.gather [hbm4b:s12+s24], $0x2400, s25, s24, $0x38;
	[tilespmem:$0x1EE00] =	vst v63  }
0xbc: {  	_ =	swait.ge [sflag:s20], $0x2400  }
0xbd: {  	[sflag:s20] =	ssyncset.done $0x0  }
0xbe: {  	p1 =	seq.s32 s3, $0x0;
	[sflag:s20] =	ssyncadd.s32 $0xFFFFDC00  }
0xbf: {  	s12 =	sor.u32 @!p1 $0x1, s10;
	_ =	swait.ge [sflag:s28], $0x4000  }
0xc0: {  	s12 =	simm.s32 @p1 $0x1;
	[sflag:s28] =	ssyncset.done $0x0  }
0xc1: {  	s14 =	simm.s32 @!p1 $0x4;
	s12 =	sadd.s32 s8, s12;
	[sflag:s28] =	ssyncadd.s32 $0xFFFFC000  }
0xc2: {  	s18 =	sshll.u32 s12, $0x4;
	_ =	swait.ge @!p1 [sflag:s14], $0x4000  }
0xc3: {  	s13 =	sand.u32 $0x1FFFFFF0, s18;
	[sflag:s14] =	ssyncset.done @!p1 $0x0  }
0xc4: {  	v6 =	vmov s16;
	s15 =	sadd.s32 s5, s13;
	[sflag:s14] =	ssyncadd.s32 @!p1 $0xFFFFC000  }
0xc5: {  	v6 =	vand.u32 $0x7F, v6;
	[tilespmem:s21], [sflag:$0x5] =	stream.linear.gather [hbm4b:s15+s16], $0x80, $0x38;
	[tilespmem:$0x1EE00] =	vst v63  }
0xc6: {  	v9 =	vbroadcast v6, $0x0;
	_ =	swait.ge [sflag:s20], $0x80  }
0xc7: {  	[sflag:s20] =	ssyncset.done $0x0  }
0xc8: {  	v13 =	vor.u32 v2, v9;
	s18 =	simm.s32 $0x2630;
	[sflag:s20] =	ssyncadd.s32 $0xFFFFFF80  }
0xc9: {  	[tilespmem:s29], [sflag:$0x2] =	stream.indirect.gather [hbm4b:s4+s21], $0x80, s21, s21, $0xb8;
	[tilespmem:$0x1EE00] =	vst v63  }
0xca: {  	v8 =	vor.u32 v5, v9;
	v10 =	vld [tilespmem:s18+$0x20]  }
0xcb: {  	s17 =	simm.s32 $0x1;
	v6 =	vor.u32 v0, v9;
	v7 =	vor.u32 v3, v9;
	v9 =	vor.u32 v4, v9;
	v11 =	vld [tilespmem:s18+$0xFFFFFFE0]  }
0xcc: {  	v14 =	vmov s17;
	v12 =	vld [tilespmem:s18+$0x0]  }
0xcd: {  	s17 =	simm.s32 $0x2630;
	v14 =	vand.u32 $0x7F, v14;
	s14 =	simm.s32 $0x2;
	v13 =	vld.idx.msk [tilespmem:v13+s26+$0x0], $0xffff  }
.LBB2_5:
0xce: {  	p1 =	sne.s32 s14, $0x7F  }
0xcf: {  	v14 =	vbroadcast v14, $0x0;
	v15 =	vld.idx.msk [tilespmem:v8+s26+$0x0], $0xffff;
	s18 =	sadd.s32 $0x80, s18;
	s15 =	smov.u32 s14;
	s14 =	sadd.s32 $0x1, s14  }
0xd0: {  	v16 =	vld.idx.msk [tilespmem:v9+s26+$0x0], $0xffff  }
0xd1: {  	v8 =	vor.u32 v5, v14;
	v17 =	vld.idx.msk [tilespmem:v6+s26+$0x0], $0xffff;
	v6 =	vor.u32 v0, v14  }
0xd2: {  	v9 =	vor.u32 v4, v14;
	v18 =	vld.idx.msk [tilespmem:v7+s26+$0x0], $0xffff;
	v7 =	vor.u32 v3, v14;
	_ =	sdelay $0x1  }
0xd3: {  	v11 =	vmul.f32 v11, v13;
	v10 =	vmul.f32 v10, v13;
	v19 =	vld [tilespmem:s17+$0xFFFFFFF0]  }
0xd4: {  	v21 =	vbroadcast v15, $0x0;
	v22 =	vbroadcast v15, $0x2;
	v20 =	vld [tilespmem:s17+$0xFFFFFFD0]  }
0xd5: {  	v12 =	vmul.f32 v12, v13;
	v15 =	vbroadcast v15, $0x1;
	v13 =	vld [tilespmem:s17+$0x10]  }
0xd6: {  	v23 =	vmul.f32 v21, v16;
	v24 =	vmul.f32 v22, v16  }
0xd7: {  	v25 =	vmul.f32 v15, v18;
	v15 =	vmul.f32 v15, v16  }
0xd8: {  	v11 =	vadd.f32 v11, v23;
	v10 =	vadd.f32 v10, v24;
	v16 =	vmul.f32 v19, v17  }
0xd9: {  	v12 =	vadd.f32 v12, v15;
	v19 =	vmul.f32 v20, v17;
	v20 =	vmul.f32 v21, v18  }
0xda: {  	v15 =	vadd.f32 v16, v25;
	v13 =	vmul.f32 v13, v17;
	v16 =	vmul.f32 v22, v18;
	[tilespmem:s17+$0x20] =	vst v10  }
0xdb: {  	v17 =	vor.u32 v2, v14;
	v14 =	vadd.f32 v20, v19;
	[tilespmem:s17+$0x0] =	vst v12  }
.Ltmp3:
0xdc: {  	v10 =	vld [tilespmem:s18+$0x20];
	[tilespmem:s17+$0xFFFFFFE0] =	vst v11;
	v12 =	vadd.f32 v13, v16;
	(pc) =	sbr.rel @p1 .LBB2_5-.Ltmp3, $4  }
0xdd: {  	[tilespmem:s17+$0xFFFFFFF0] =	vst v15  }
0xde: {  	v11 =	vld [tilespmem:s18+$0xFFFFFFE0];
	[tilespmem:s17+$0x10] =	vst v12  }
0xdf: {  	v13 =	vmov s15;
	v12 =	vld [tilespmem:s18+$0x0];
	[tilespmem:s17+$0xFFFFFFD0] =	vst v14;
	s17 =	smov.u32 s18  }
0xe0: {  	v14 =	vand.u32 $0x7F, v13;
	v13 =	vld.idx.msk [tilespmem:v17+s26+$0x0], $0xffff  }
0xe1: {  	_ =	sdelay $0x3  }
0xe2: {  	v8 =	vld.idx.msk [tilespmem:v8+s26+$0x0], $0xffff  }
0xe3: {  	v9 =	vld.idx.msk [tilespmem:v9+s26+$0x0], $0xffff  }
0xe4: {  	v6 =	vld.idx.msk [tilespmem:v6+s26+$0x0], $0xffff  }
0xe5: {  	v7 =	vld.idx.msk [tilespmem:v7+s26+$0x0], $0xffff  }
0xe6: {  	v15 =	vld [tilespmem:s17+$0xFFFFFFF0];
	v10 =	vmul.f32 v10, v13  }
0xe7: {  	v12 =	vmul.f32 v12, v13;
	v16 =	vbroadcast v8, $0x2  }
0xe8: {  	v18 =	vld [tilespmem:s17+$0x10];
	v17 =	vbroadcast v8, $0x1;
	v8 =	vbroadcast v8, $0x0  }
0xe9: {  	v11 =	vmul.f32 v11, v13;
	v13 =	vld [tilespmem:s17+$0xFFFFFFD0];
	v19 =	vmul.f32 v16, v9  }
0xea: {  	v20 =	vmul.f32 v17, v9;
	v9 =	vmul.f32 v8, v9  }
0xeb: {  	v15 =	vmul.f32 v15, v6;
	v17 =	vmul.f32 v17, v7;
	v10 =	vadd.f32 v10, v19  }
0xec: {  	v14 =	vbroadcast v14, $0x0;
	v12 =	vadd.f32 v12, v20;
	v9 =	vadd.f32 v11, v9  }
0xed: {  	v11 =	vmul.f32 v18, v6;
	[tilespmem:s17+$0x20] =	vst v10;
	v10 =	vadd.f32 v15, v17;
	v15 =	vmul.f32 v16, v7  }
0xee: {  	v6 =	vmul.f32 v13, v6;
	[tilespmem:s17+$0x0] =	vst v12;
	v12 =	vor.u32 v5, v14;
	v7 =	vmul.f32 v8, v7  }
0xef: {  	s14 =	sadd.s32 $0x80, s18;
	[tilespmem:s17+$0xFFFFFFE0] =	vst v9;
	v9 =	vor.u32 v2, v14;
	v8 =	vadd.f32 v11, v15  }
0xf0: {  	v58 =	vld [tilespmem:s14+$0x20];
	[tilespmem:s17+$0xFFFFFFF0] =	vst v10;
	v11 =	vor.u32 v4, v14;
	v6 =	vadd.f32 v7, v6  }
0xf1: {  	v13 =	vor.u32 v3, v14;
	v10 =	vld [tilespmem:s14+$0xFFFFFFE0];
	[tilespmem:s17+$0x10] =	vst v8  }
0xf2: {  	v8 =	vld [tilespmem:s14+$0x0];
	[tilespmem:s17+$0xFFFFFFD0] =	vst v6  }
0xf3: {  	v7 =	vor.u32 v0, v14;
	v6 =	vld.idx.msk [tilespmem:v12+s26+$0x0], $0xffff  }
0xf4: {  	v9 =	vld.idx.msk [tilespmem:v9+s26+$0x0], $0xffff  }
0xf5: {  	v11 =	vld.idx.msk [tilespmem:v11+s26+$0x0], $0xffff  }
0xf6: {  	v12 =	vld.idx.msk [tilespmem:v13+s26+$0x0], $0xffff  }
0xf7: {  	v13 =	vld [tilespmem:s14+$0xFFFFFFF0]  }
0xf8: {  	v7 =	vld.idx.msk [tilespmem:v7+s26+$0x0], $0xffff;
	v14 =	vbroadcast v6, $0x2  }
0xf9: {  	v60 =	vld [tilespmem:s14+$0x10];
	v15 =	vmul.f32 v58, v9;
	v59 =	vbroadcast v6, $0x1  }
0xfa: {  	v61 =	vld [tilespmem:s14+$0xFFFFFFD0];
	v6 =	vbroadcast v6, $0x0;
	v62 =	vmul.f32 v14, v11  }
0xfb: {  	v8 =	vmul.f32 v8, v9;
	v63 =	vmul.f32 v59, v11  }
0xfc: {  	v9 =	vmul.f32 v10, v9;
	v10 =	vmul.f32 v6, v11;
	v11 =	vadd.f32 v15, v62  }
0xfd: {  	v13 =	vmul.f32 v13, v7;
	v15 =	vmul.f32 v59, v12;
	v8 =	vadd.f32 v8, v63  }
0xfe: {  	v14 =	vmul.f32 v14, v12;
	v9 =	vadd.f32 v9, v10;
	v10 =	vmul.f32 v60, v7;
	[tilespmem:s14+$0x20] =	vst v11  }
0xff: {  	v6 =	vmul.f32 v6, v12;
	v7 =	vmul.f32 v61, v7;
	v11 =	vadd.f32 v13, v15;
	[tilespmem:s14+$0x0] =	vst v8  }
0x100: {  	[tilespmem:s14+$0xFFFFFFE0] =	vst v9;
	v8 =	vadd.f32 v10, v14  }
0x101: {  	v6 =	vadd.f32 v6, v7;
	[tilespmem:s14+$0xFFFFFFF0] =	vst v11  }
0x102: {  	[tilespmem:s14+$0x10] =	vst v8  }
0x103: {  	[tilespmem:s14+$0xFFFFFFD0] =	vst v6  }
0x104: {  	[spmem:s1] =	stream.indirect.scatter.add.f32 [tilespmem:s22], [sflag:$0x3], $0x80, s23, s21, $0xb8;
	[tilespmem:$0x1EE00] =	vst v63  }
0x105: {  	s13 =	sadd.s32 s6, s13;
	s17 =	simm.s32 $0x0  }
0x106: {  	[tilespmem:s30], [sflag:$0x5] =	stream.linear.gather [hbm4b:s13+s17], $0x80, $0x38;
	[tilespmem:$0x1EE00] =	vst v63  }
0x107: {  	s12 =	sshll.u32 s12, $0x7;
	_ =	swait.ge [sflag:s20], $0x80  }
0x108: {  	s12 =	sand.u32 $0x1FFFFF80, s12;
	[sflag:s20] =	ssyncset.done $0x0  }
0x109: {  	s12 =	sadd.s32 s7, s12;
	[sflag:s20] =	ssyncadd.s32 $0xFFFFFF80  }
0x10a: {  	[tilespmem:s26], [sflag:$0x5] =	stream.strided.gather [hbm4b:s12+s24], $0x2400, s25, s24, $0x38;
	[tilespmem:$0x1EE00] =	vst v63  }
0x10b: {  	_ =	swait.ge [sflag:s20], $0x2400  }
0x10c: {  	[sflag:s20] =	ssyncset.done $0x0  }
0x10d: {  	[sflag:s20] =	ssyncadd.s32 $0xFFFFDC00  }
0x10e: {  	_ =	swait.ge [sflag:s31], $0x4000  }
0x10f: {  	[sflag:s31] =	ssyncset.done $0x0  }
0x110: {  	s10 =	sadd.s32 s11, s10;
	[sflag:s31] =	ssyncadd.s32 $0xFFFFC000  }
0x111: {  	s10 =	sshll.u32 s10, $0x4;
	_ =	swait.ge [sflag:s0], $0x4000  }
0x112: {  	s10 =	sand.u32 $0x1FFFFFF0, s10;
	[sflag:s0] =	ssyncset.done $0x0  }
0x113: {  	s10 =	sadd.s32 s5, s10;
	v6 =	vmov s17;
	[sflag:s0] =	ssyncadd.s32 $0xFFFFC000  }
0x114: {  	v6 =	vand.u32 $0x7F, v6;
	[tilespmem:s17], [sflag:$0x5] =	stream.linear.gather [hbm4b:s10+s17], $0x80, $0x38;
	[tilespmem:$0x1EE00] =	vst v63  }
0x115: {  	v9 =	vbroadcast v6, $0x0;
	_ =	swait.ge [sflag:s20], $0x80  }
0x116: {  	[sflag:s20] =	ssyncset.done $0x0  }
0x117: {  	v13 =	vor.u32 v2, v9;
	s12 =	simm.s32 $0x6630;
	[sflag:s20] =	ssyncadd.s32 $0xFFFFFF80  }
0x118: {  	[tilespmem:s22], [sflag:$0x1] =	stream.indirect.gather [hbm4b:s4+s21], $0x80, s17, s21, $0xb8;
	[tilespmem:$0x1EE00] =	vst v63  }
0x119: {  	v8 =	vor.u32 v5, v9;
	v10 =	vld [tilespmem:s12+$0x20]  }
0x11a: {  	s18 =	simm.s32 $0x1;
	v6 =	vor.u32 v0, v9;
	v7 =	vor.u32 v3, v9;
	v9 =	vor.u32 v4, v9;
	v11 =	vld [tilespmem:s12+$0xFFFFFFE0]  }
0x11b: {  	v14 =	vmov s18;
	v12 =	vld [tilespmem:s12+$0x0]  }
0x11c: {  	v14 =	vand.u32 $0x7F, v14;
	s13 =	simm.s32 $0x2;
	s10 =	simm.s32 $0x6630;
	v13 =	vld.idx.msk [tilespmem:v13+s26+$0x0], $0xffff  }
.LBB2_7:
0x11d: {  	p1 =	sne.s32 s13, $0x7F  }
0x11e: {  	v14 =	vbroadcast v14, $0x0;
	v15 =	vld.idx.msk [tilespmem:v8+s26+$0x0], $0xffff;
	s12 =	sadd.s32 $0x80, s12;
	s14 =	smov.u32 s13;
	s13 =	sadd.s32 $0x1, s13  }
0x11f: {  	v16 =	vld.idx.msk [tilespmem:v9+s26+$0x0], $0xffff  }
0x120: {  	v8 =	vor.u32 v5, v14;
	v17 =	vld.idx.msk [tilespmem:v6+s26+$0x0], $0xffff;
	v6 =	vor.u32 v0, v14  }
0x121: {  	v9 =	vor.u32 v4, v14;
	v18 =	vld.idx.msk [tilespmem:v7+s26+$0x0], $0xffff;
	v7 =	vor.u32 v3, v14;
	_ =	sdelay $0x1  }
0x122: {  	v11 =	vmul.f32 v11, v13;
	v10 =	vmul.f32 v10, v13;
	v19 =	vld [tilespmem:s10+$0xFFFFFFF0]  }
0x123: {  	v21 =	vbroadcast v15, $0x0;
	v22 =	vbroadcast v15, $0x2;
	v20 =	vld [tilespmem:s10+$0xFFFFFFD0]  }
0x124: {  	v12 =	vmul.f32 v12, v13;
	v15 =	vbroadcast v15, $0x1;
	v13 =	vld [tilespmem:s10+$0x10]  }
0x125: {  	v23 =	vmul.f32 v21, v16;
	v24 =	vmul.f32 v22, v16  }
0x126: {  	v25 =	vmul.f32 v15, v18;
	v15 =	vmul.f32 v15, v16  }
0x127: {  	v11 =	vadd.f32 v11, v23;
	v10 =	vadd.f32 v10, v24;
	v16 =	vmul.f32 v19, v17  }
0x128: {  	v12 =	vadd.f32 v12, v15;
	v19 =	vmul.f32 v20, v17;
	v20 =	vmul.f32 v21, v18  }
0x129: {  	v15 =	vadd.f32 v16, v25;
	v13 =	vmul.f32 v13, v17;
	v16 =	vmul.f32 v22, v18;
	[tilespmem:s10+$0x20] =	vst v10  }
0x12a: {  	v17 =	vor.u32 v2, v14;
	v14 =	vadd.f32 v20, v19;
	[tilespmem:s10+$0x0] =	vst v12  }
.Ltmp4:
0x12b: {  	v10 =	vld [tilespmem:s12+$0x20];
	[tilespmem:s10+$0xFFFFFFE0] =	vst v11;
	v12 =	vadd.f32 v13, v16;
	(pc) =	sbr.rel @p1 .LBB2_7-.Ltmp4, $4  }
0x12c: {  	[tilespmem:s10+$0xFFFFFFF0] =	vst v15  }
0x12d: {  	v11 =	vld [tilespmem:s12+$0xFFFFFFE0];
	[tilespmem:s10+$0x10] =	vst v12  }
0x12e: {  	v13 =	vmov s14;
	v12 =	vld [tilespmem:s12+$0x0];
	[tilespmem:s10+$0xFFFFFFD0] =	vst v14;
	s10 =	smov.u32 s12  }
0x12f: {  	v14 =	vand.u32 $0x7F, v13;
	v13 =	vld.idx.msk [tilespmem:v17+s26+$0x0], $0xffff  }
0x130: {  	_ =	sdelay $0x3  }
0x131: {  	v8 =	vld.idx.msk [tilespmem:v8+s26+$0x0], $0xffff;
	_ =	sdelay $0x1  }
0x132: {  	v9 =	vld.idx.msk [tilespmem:v9+s26+$0x0], $0xffff  }
0x133: {  	v6 =	vld.idx.msk [tilespmem:v6+s26+$0x0], $0xffff  }
0x134: {  	v7 =	vld.idx.msk [tilespmem:v7+s26+$0x0], $0xffff  }
0x135: {  	v15 =	vld [tilespmem:s10+$0xFFFFFFF0];
	v14 =	vbroadcast v14, $0x0;
	v16 =	vbroadcast v8, $0x2  }
0x136: {  	v18 =	vld [tilespmem:s10+$0x10];
	v10 =	vmul.f32 v10, v13;
	v17 =	vbroadcast v8, $0x1  }
0x137: {  	v39 =	vld [tilespmem:s10+$0xFFFFFFD0];
	v8 =	vbroadcast v8, $0x0;
	v19 =	vmul.f32 v16, v9  }
0x138: {  	v43 =	vor.u32 v5, v14;
	v12 =	vmul.f32 v12, v13;
	v20 =	vmul.f32 v17, v9  }
0x139: {  	v11 =	vmul.f32 v11, v13;
	v9 =	vmul.f32 v8, v9;
	v10 =	vadd.f32 v10, v19  }
0x13a: {  	v15 =	vmul.f32 v15, v6;
	v17 =	vmul.f32 v17, v7;
	v12 =	vadd.f32 v12, v20  }
0x13b: {  	v41 =	vmul.f32 v18, v6;
	v42 =	vmul.f32 v16, v7;
	v9 =	vadd.f32 v11, v9;
	[tilespmem:s10+$0x20] =	vst v10  }
0x13c: {  	v6 =	vmul.f32 v39, v6;
	v7 =	vmul.f32 v8, v7;
	v40 =	vadd.f32 v15, v17;
	[tilespmem:s10+$0x0] =	vst v12  }
0x13d: {  	s12 =	sadd.s32 $0x80, s12;
	v46 =	vor.u32 v2, v14;
	v45 =	vadd.f32 v41, v42;
	[tilespmem:s10+$0xFFFFFFE0] =	vst v9  }
0x13e: {  	v47 =	vor.u32 v4, v14;
	v6 =	vadd.f32 v7, v6;
	v44 =	vld [tilespmem:s12+$0x20];
	[tilespmem:s10+$0xFFFFFFF0] =	vst v40  }
0x13f: {  	v7 =	vor.u32 v0, v14;
	v10 =	vld [tilespmem:s12+$0xFFFFFFE0];
	[tilespmem:s10+$0x10] =	vst v45  }
0x140: {  	v48 =	vor.u32 v3, v14;
	v8 =	vld [tilespmem:s12+$0x0];
	[tilespmem:s10+$0xFFFFFFD0] =	vst v6  }
0x141: {  	v6 =	vld.idx.msk [tilespmem:v43+s26+$0x0], $0xffff  }
0x142: {  	v9 =	vld.idx.msk [tilespmem:v46+s26+$0x0], $0xffff  }
0x143: {  	v11 =	vld.idx.msk [tilespmem:v47+s26+$0x0], $0xffff  }
0x144: {  	v7 =	vld.idx.msk [tilespmem:v7+s26+$0x0], $0xffff  }
0x145: {  	v49 =	vld.idx.msk [tilespmem:v48+s26+$0x0], $0xffff  }
0x146: {  	v50 =	vld [tilespmem:s12+$0xFFFFFFF0];
	v51 =	vbroadcast v6, $0x2  }
0x147: {  	v54 =	vld [tilespmem:s12+$0x10];
	v52 =	vmul.f32 v44, v9;
	v53 =	vbroadcast v6, $0x1  }
0x148: {  	v55 =	vld [tilespmem:s12+$0xFFFFFFD0];
	v6 =	vbroadcast v6, $0x0;
	v56 =	vmul.f32 v51, v11  }
0x149: {  	v8 =	vmul.f32 v8, v9;
	v57 =	vmul.f32 v53, v11  }
0x14a: {  	v9 =	vmul.f32 v10, v9;
	v58 =	vmul.f32 v6, v11;
	v59 =	vadd.f32 v52, v56  }
0x14b: {  	v13 =	vmul.f32 v50, v7;
	v60 =	vmul.f32 v53, v49;
	v8 =	vadd.f32 v8, v57  }
0x14c: {  	s3 =	sadd.s32 $0x1, s3;
	v61 =	vmul.f32 v54, v7;
	v14 =	vmul.f32 v51, v49;
	v9 =	vadd.f32 v9, v58;
	[tilespmem:s12+$0x20] =	vst v59  }
0x14d: {  	p1 =	sne.s32 s3, $0x13;
	v7 =	vmul.f32 v55, v7;
	v6 =	vmul.f32 v6, v49;
	v62 =	vadd.f32 v13, v60;
	[tilespmem:s12+$0x0] =	vst v8  }
.Ltmp5:
0x14e: {  	v63 =	vadd.f32 v61, v14;
	[tilespmem:s12+$0xFFFFFFE0] =	vst v9;
	(pc) =	sbr.rel @p1 .LBB2_4-.Ltmp5, $4  }
0x14f: {  	v6 =	vadd.f32 v6, v7;
	[tilespmem:s12+$0xFFFFFFF0] =	vst v62  }
0x150: {  	[tilespmem:s12+$0x10] =	vst v63  }
0x151: {  	[tilespmem:s12+$0xFFFFFFD0] =	vst v6  }
0x152: {  	[spmem:s1] =	stream.indirect.scatter.add.f32 [tilespmem:s29], [sflag:$0x4], $0x80, s30, s21, $0xb8;
	[tilespmem:$0x1EE00] =	vst v63  }
0x153: {  	s3 =	simm.s32 $0x0;
	s10 =	rddreg [dreg:$0x4]  }
0x154: {  	[tilespmem:s23], [sflag:$0x5] =	stream.linear.gather [hbm4b:s10+s3], $0x80, $0x38;
	[tilespmem:$0x1EE00] =	vst v63  }
0x155: {  	_ =	swait.ge [sflag:s20], $0x80  }
0x156: {  	[sflag:s20] =	ssyncset.done $0x0  }
0x157: {  	s15 =	rddreg [dreg:$0x5];
	[sflag:s20] =	ssyncadd.s32 $0xFFFFFF80  }
0x158: {  	[tilespmem:s26], [sflag:$0x5] =	stream.strided.gather [hbm4b:s15+s24], $0x2400, s25, s24, $0x38;
	[tilespmem:$0x1EE00] =	vst v63  }
0x159: {  	_ =	swait.ge [sflag:s20], $0x2400  }
0x15a: {  	[sflag:s20] =	ssyncset.done $0x0  }
0x15b: {  	[sflag:s20] =	ssyncadd.s32 $0xFFFFDC00  }
0x15c: {  	v6 =	vmov s3;
	_ =	swait.ge [sflag:s28], $0x4000  }
0x15d: {  	v6 =	vand.u32 $0x7F, v6;
	[sflag:s28] =	ssyncset.done $0x0  }
0x15e: {  	s17 =	simm.s32 $0x4;
	v9 =	vbroadcast v6, $0x0;
	[sflag:s28] =	ssyncadd.s32 $0xFFFFC000  }
0x15f: {  	_ =	swait.ge [sflag:s17], $0x4000  }
0x160: {  	v13 =	vor.u32 v2, v9;
	[sflag:s17] =	ssyncset.done $0x0  }
0x161: {  	s10 =	simm.s32 $0x2630;
	[sflag:s17] =	ssyncadd.s32 $0xFFFFC000  }
0x162: {  	v8 =	vor.u32 v5, v9;
	v10 =	vld [tilespmem:s10+$0x20]  }
0x163: {  	s18 =	simm.s32 $0x1;
	v6 =	vor.u32 v0, v9;
	v7 =	vor.u32 v3, v9;
	v9 =	vor.u32 v4, v9;
	v11 =	vld [tilespmem:s10+$0xFFFFFFE0]  }
0x164: {  	v14 =	vmov s18;
	v12 =	vld [tilespmem:s10+$0x0]  }
0x165: {  	s12 =	simm.s32 $0x2;
	s3 =	simm.s32 $0x2630;
	v14 =	vand.u32 $0x7F, v14;
	v13 =	vld.idx.msk [tilespmem:v13+s26+$0x0], $0xffff  }
.LBB2_10:
0x166: {  	p1 =	sne.s32 s12, $0x7F  }
0x167: {  	v14 =	vbroadcast v14, $0x0;
	v15 =	vld.idx.msk [tilespmem:v8+s26+$0x0], $0xffff;
	s10 =	sadd.s32 $0x80, s10;
	s13 =	smov.u32 s12;
	s12 =	sadd.s32 $0x1, s12  }
0x168: {  	v16 =	vld.idx.msk [tilespmem:v9+s26+$0x0], $0xffff  }
0x169: {  	v8 =	vor.u32 v5, v14;
	v17 =	vld.idx.msk [tilespmem:v6+s26+$0x0], $0xffff;
	v6 =	vor.u32 v0, v14  }
0x16a: {  	v9 =	vor.u32 v4, v14;
	v18 =	vld.idx.msk [tilespmem:v7+s26+$0x0], $0xffff;
	v7 =	vor.u32 v3, v14;
	_ =	sdelay $0x1  }
0x16b: {  	v11 =	vmul.f32 v11, v13;
	v10 =	vmul.f32 v10, v13;
	v19 =	vld [tilespmem:s3+$0xFFFFFFF0]  }
0x16c: {  	v21 =	vbroadcast v15, $0x0;
	v22 =	vbroadcast v15, $0x2;
	v20 =	vld [tilespmem:s3+$0xFFFFFFD0]  }
0x16d: {  	v12 =	vmul.f32 v12, v13;
	v15 =	vbroadcast v15, $0x1;
	v13 =	vld [tilespmem:s3+$0x10]  }
0x16e: {  	v23 =	vmul.f32 v21, v16;
	v24 =	vmul.f32 v22, v16  }
0x16f: {  	v25 =	vmul.f32 v15, v18;
	v15 =	vmul.f32 v15, v16  }
0x170: {  	v11 =	vadd.f32 v11, v23;
	v10 =	vadd.f32 v10, v24;
	v16 =	vmul.f32 v19, v17  }
0x171: {  	v12 =	vadd.f32 v12, v15;
	v19 =	vmul.f32 v20, v17;
	v20 =	vmul.f32 v21, v18  }
0x172: {  	v15 =	vadd.f32 v16, v25;
	v13 =	vmul.f32 v13, v17;
	v16 =	vmul.f32 v22, v18;
	[tilespmem:s3+$0x20] =	vst v10  }
0x173: {  	v17 =	vor.u32 v2, v14;
	v14 =	vadd.f32 v20, v19;
	[tilespmem:s3+$0x0] =	vst v12  }
.Ltmp6:
0x174: {  	v10 =	vld [tilespmem:s10+$0x20];
	[tilespmem:s3+$0xFFFFFFE0] =	vst v11;
	v12 =	vadd.f32 v13, v16;
	(pc) =	sbr.rel @p1 .LBB2_10-.Ltmp6, $4  }
0x175: {  	[tilespmem:s3+$0xFFFFFFF0] =	vst v15  }
0x176: {  	v11 =	vld [tilespmem:s10+$0xFFFFFFE0];
	[tilespmem:s3+$0x10] =	vst v12  }
0x177: {  	v13 =	vmov s13;
	v12 =	vld [tilespmem:s10+$0x0];
	[tilespmem:s3+$0xFFFFFFD0] =	vst v14;
	s3 =	smov.u32 s10  }
0x178: {  	v14 =	vand.u32 $0x7F, v13;
	v13 =	vld.idx.msk [tilespmem:v17+s26+$0x0], $0xffff  }
0x179: {  	_ =	sdelay $0x3  }
0x17a: {  	v8 =	vld.idx.msk [tilespmem:v8+s26+$0x0], $0xffff;
	_ =	sdelay $0x1  }
0x17b: {  	v9 =	vld.idx.msk [tilespmem:v9+s26+$0x0], $0xffff  }
0x17c: {  	v6 =	vld.idx.msk [tilespmem:v6+s26+$0x0], $0xffff  }
0x17d: {  	v7 =	vld.idx.msk [tilespmem:v7+s26+$0x0], $0xffff  }
0x17e: {  	v15 =	vld [tilespmem:s3+$0xFFFFFFF0];
	v14 =	vbroadcast v14, $0x0;
	v16 =	vbroadcast v8, $0x2  }
0x17f: {  	v18 =	vld [tilespmem:s3+$0x10];
	v10 =	vmul.f32 v10, v13;
	v17 =	vbroadcast v8, $0x1  }
0x180: {  	v39 =	vld [tilespmem:s3+$0xFFFFFFD0];
	v8 =	vbroadcast v8, $0x0;
	v19 =	vmul.f32 v16, v9  }
0x181: {  	v43 =	vor.u32 v5, v14;
	v12 =	vmul.f32 v12, v13;
	v20 =	vmul.f32 v17, v9  }
0x182: {  	v11 =	vmul.f32 v11, v13;
	v9 =	vmul.f32 v8, v9;
	v10 =	vadd.f32 v10, v19  }
0x183: {  	v15 =	vmul.f32 v15, v6;
	v17 =	vmul.f32 v17, v7;
	v12 =	vadd.f32 v12, v20  }
0x184: {  	v41 =	vmul.f32 v18, v6;
	v42 =	vmul.f32 v16, v7;
	v9 =	vadd.f32 v11, v9;
	[tilespmem:s3+$0x20] =	vst v10  }
0x185: {  	v6 =	vmul.f32 v39, v6;
	v7 =	vmul.f32 v8, v7;
	v40 =	vadd.f32 v15, v17;
	[tilespmem:s3+$0x0] =	vst v12  }
0x186: {  	s10 =	sadd.s32 $0x80, s10;
	v46 =	vor.u32 v2, v14;
	v45 =	vadd.f32 v41, v42;
	[tilespmem:s3+$0xFFFFFFE0] =	vst v9  }
0x187: {  	v47 =	vor.u32 v4, v14;
	v6 =	vadd.f32 v7, v6;
	v44 =	vld [tilespmem:s10+$0x20];
	[tilespmem:s3+$0xFFFFFFF0] =	vst v40  }
0x188: {  	v7 =	vor.u32 v0, v14;
	v10 =	vld [tilespmem:s10+$0xFFFFFFE0];
	[tilespmem:s3+$0x10] =	vst v45  }
0x189: {  	v48 =	vor.u32 v3, v14;
	v8 =	vld [tilespmem:s10+$0x0];
	[tilespmem:s3+$0xFFFFFFD0] =	vst v6  }
0x18a: {  	v6 =	vld.idx.msk [tilespmem:v43+s26+$0x0], $0xffff  }
0x18b: {  	v9 =	vld.idx.msk [tilespmem:v46+s26+$0x0], $0xffff  }
0x18c: {  	v11 =	vld.idx.msk [tilespmem:v47+s26+$0x0], $0xffff  }
0x18d: {  	v7 =	vld.idx.msk [tilespmem:v7+s26+$0x0], $0xffff  }
0x18e: {  	v49 =	vld.idx.msk [tilespmem:v48+s26+$0x0], $0xffff  }
0x18f: {  	v50 =	vld [tilespmem:s10+$0xFFFFFFF0];
	v51 =	vbroadcast v6, $0x2  }
0x190: {  	v54 =	vld [tilespmem:s10+$0x10];
	v52 =	vmul.f32 v44, v9;
	v53 =	vbroadcast v6, $0x1  }
0x191: {  	v55 =	vld [tilespmem:s10+$0xFFFFFFD0];
	v6 =	vbroadcast v6, $0x0;
	v56 =	vmul.f32 v51, v11  }
0x192: {  	v8 =	vmul.f32 v8, v9;
	v57 =	vmul.f32 v53, v11  }
0x193: {  	v9 =	vmul.f32 v10, v9;
	v58 =	vmul.f32 v6, v11;
	v59 =	vadd.f32 v52, v56  }
0x194: {  	v13 =	vmul.f32 v50, v7;
	v60 =	vmul.f32 v53, v49;
	v8 =	vadd.f32 v8, v57  }
0x195: {  	v61 =	vmul.f32 v54, v7;
	v14 =	vmul.f32 v51, v49;
	v9 =	vadd.f32 v9, v58;
	[tilespmem:s10+$0x20] =	vst v59  }
0x196: {  	v7 =	vmul.f32 v55, v7;
	v6 =	vmul.f32 v6, v49;
	v62 =	vadd.f32 v13, v60;
	[tilespmem:s10+$0x0] =	vst v8  }
0x197: {  	v63 =	vadd.f32 v61, v14;
	[tilespmem:s10+$0xFFFFFFE0] =	vst v9  }
0x198: {  	v6 =	vadd.f32 v6, v7;
	[tilespmem:s10+$0xFFFFFFF0] =	vst v62  }
0x199: {  	[tilespmem:s10+$0x10] =	vst v63  }
.Ltmp7:
0x19a: {  	[tilespmem:s10+$0xFFFFFFD0] =	vst v6;
	(pc) =	sbr.rel @p0 .LBB2_15-.Ltmp7, $4  }
0x19b: {  	[spmem:s1] =	stream.indirect.scatter.add.f32 [tilespmem:s22], [sflag:$0x3], $0x80, s23, s21, $0xb8;
	[tilespmem:$0x1EE00] =	vst v63  }
0x19c: {  	_ =	swait.ge [sflag:s0], $0x4000  }
0x19d: {  	[sflag:s0] =	ssyncset.done $0x0  }
0x19e: {  	s13 =	rddreg [dreg:$0xb];
	[sflag:s0] =	ssyncadd.s32 $0xFFFFC000  }
0x19f: {  	s3 =	simm.s32 $0x0;
	s10 =	rddreg [dreg:$0x6]  }
0x1a0: {  	[tilespmem:s3], [sflag:$0x5] =	stream.linear.gather [hbm4b:s10+s3], $0x80, $0x38;
	[tilespmem:$0x1EE00] =	vst v63  }
0x1a1: {  	_ =	swait.ge [sflag:s20], $0x80  }
0x1a2: {  	[sflag:s20] =	ssyncset.done $0x0  }
0x1a3: {  	s15 =	rddreg [dreg:$0x7];
	[sflag:s20] =	ssyncadd.s32 $0xFFFFFF80  }
0x1a4: {  	[tilespmem:s23], [sflag:$0x5] =	stream.linear.gather [hbm4b:s15+s3], $0x80, $0x38;
	[tilespmem:$0x1EE00] =	vst v63  }
0x1a5: {  	_ =	swait.ge [sflag:s20], $0x80  }
0x1a6: {  	[sflag:s20] =	ssyncset.done $0x0  }
0x1a7: {  	s17 =	rddreg [dreg:$0x8];
	[sflag:s20] =	ssyncadd.s32 $0xFFFFFF80  }
0x1a8: {  	[tilespmem:s26], [sflag:$0x5] =	stream.strided.gather [hbm4b:s17+s24], $0x2400, s25, s24, $0x38;
	[tilespmem:$0x1EE00] =	vst v63  }
0x1a9: {  	_ =	swait.ge [sflag:s20], $0x2400  }
0x1aa: {  	v6 =	vmov s3;
	[sflag:s20] =	ssyncset.done $0x0  }
0x1ab: {  	v6 =	vand.u32 $0x7F, v6;
	[sflag:s20] =	ssyncadd.s32 $0xFFFFDC00  }
0x1ac: {  	v9 =	vbroadcast v6, $0x0;
	[tilespmem:s22], [sflag:$0x1] =	stream.indirect.gather [hbm4b:s4+s21], $0x80, s3, s21, $0xb8;
	[tilespmem:$0x1EE00] =	vst v63  }
0x1ad: {  	_ =	swait.ge [sflag:s28], $0x4000  }
0x1ae: {  	v13 =	vor.u32 v2, v9;
	[sflag:s28] =	ssyncset.done $0x0  }
0x1af: {  	s10 =	simm.s32 $0x2630;
	[sflag:s28] =	ssyncadd.s32 $0xFFFFC000  }
0x1b0: {  	v8 =	vor.u32 v5, v9;
	v10 =	vld [tilespmem:s10+$0x20]  }
0x1b1: {  	s18 =	simm.s32 $0x1;
	v6 =	vor.u32 v0, v9;
	v7 =	vor.u32 v3, v9;
	v9 =	vor.u32 v4, v9;
	v11 =	vld [tilespmem:s10+$0xFFFFFFE0]  }
0x1b2: {  	v14 =	vmov s18;
	v12 =	vld [tilespmem:s10+$0x0]  }
0x1b3: {  	s12 =	simm.s32 $0x2;
	v14 =	vand.u32 $0x7F, v14;
	s3 =	simm.s32 $0x2630;
	v13 =	vld.idx.msk [tilespmem:v13+s26+$0x0], $0xffff  }
.LBB2_13:
0x1b4: {  	p1 =	sne.s32 s12, $0x7F  }
0x1b5: {  	v14 =	vbroadcast v14, $0x0;
	v15 =	vld.idx.msk [tilespmem:v8+s26+$0x0], $0xffff;
	s10 =	sadd.s32 $0x80, s10;
	s13 =	smov.u32 s12;
	s12 =	sadd.s32 $0x1, s12  }
0x1b6: {  	v16 =	vld.idx.msk [tilespmem:v9+s26+$0x0], $0xffff  }
0x1b7: {  	v8 =	vor.u32 v5, v14;
	v17 =	vld.idx.msk [tilespmem:v6+s26+$0x0], $0xffff;
	v6 =	vor.u32 v0, v14  }
0x1b8: {  	v9 =	vor.u32 v4, v14;
	v18 =	vld.idx.msk [tilespmem:v7+s26+$0x0], $0xffff;
	v7 =	vor.u32 v3, v14;
	_ =	sdelay $0x1  }
0x1b9: {  	v11 =	vmul.f32 v11, v13;
	v10 =	vmul.f32 v10, v13;
	v19 =	vld [tilespmem:s3+$0xFFFFFFF0]  }
0x1ba: {  	v21 =	vbroadcast v15, $0x0;
	v22 =	vbroadcast v15, $0x2;
	v20 =	vld [tilespmem:s3+$0xFFFFFFD0]  }
0x1bb: {  	v12 =	vmul.f32 v12, v13;
	v15 =	vbroadcast v15, $0x1;
	v13 =	vld [tilespmem:s3+$0x10]  }
0x1bc: {  	v23 =	vmul.f32 v21, v16;
	v24 =	vmul.f32 v22, v16  }
0x1bd: {  	v25 =	vmul.f32 v15, v18;
	v15 =	vmul.f32 v15, v16  }
0x1be: {  	v11 =	vadd.f32 v11, v23;
	v10 =	vadd.f32 v10, v24;
	v16 =	vmul.f32 v19, v17  }
0x1bf: {  	v12 =	vadd.f32 v12, v15;
	v19 =	vmul.f32 v20, v17;
	v20 =	vmul.f32 v21, v18  }
0x1c0: {  	v15 =	vadd.f32 v16, v25;
	v13 =	vmul.f32 v13, v17;
	v16 =	vmul.f32 v22, v18;
	[tilespmem:s3+$0x20] =	vst v10  }
0x1c1: {  	v17 =	vor.u32 v2, v14;
	v14 =	vadd.f32 v20, v19;
	[tilespmem:s3+$0x0] =	vst v12  }
.Ltmp8:
0x1c2: {  	v10 =	vld [tilespmem:s10+$0x20];
	[tilespmem:s3+$0xFFFFFFE0] =	vst v11;
	v12 =	vadd.f32 v13, v16;
	(pc) =	sbr.rel @p1 .LBB2_13-.Ltmp8, $4  }
0x1c3: {  	[tilespmem:s3+$0xFFFFFFF0] =	vst v15  }
0x1c4: {  	v11 =	vld [tilespmem:s10+$0xFFFFFFE0];
	[tilespmem:s3+$0x10] =	vst v12  }
0x1c5: {  	v13 =	vmov s13;
	v12 =	vld [tilespmem:s10+$0x0];
	[tilespmem:s3+$0xFFFFFFD0] =	vst v14;
	s3 =	smov.u32 s10  }
0x1c6: {  	v14 =	vand.u32 $0x7F, v13;
	v13 =	vld.idx.msk [tilespmem:v17+s26+$0x0], $0xffff  }
0x1c7: {  	_ =	sdelay $0x3  }
0x1c8: {  	v8 =	vld.idx.msk [tilespmem:v8+s26+$0x0], $0xffff;
	_ =	sdelay $0x1  }
0x1c9: {  	v9 =	vld.idx.msk [tilespmem:v9+s26+$0x0], $0xffff  }
0x1ca: {  	v6 =	vld.idx.msk [tilespmem:v6+s26+$0x0], $0xffff  }
0x1cb: {  	v7 =	vld.idx.msk [tilespmem:v7+s26+$0x0], $0xffff  }
0x1cc: {  	v15 =	vld [tilespmem:s3+$0xFFFFFFF0];
	v14 =	vbroadcast v14, $0x0;
	v16 =	vbroadcast v8, $0x2  }
0x1cd: {  	v18 =	vld [tilespmem:s3+$0x10];
	v10 =	vmul.f32 v10, v13;
	v17 =	vbroadcast v8, $0x1  }
0x1ce: {  	v39 =	vld [tilespmem:s3+$0xFFFFFFD0];
	v8 =	vbroadcast v8, $0x0;
	v19 =	vmul.f32 v16, v9  }
0x1cf: {  	v43 =	vor.u32 v5, v14;
	v12 =	vmul.f32 v12, v13;
	v20 =	vmul.f32 v17, v9  }
0x1d0: {  	v11 =	vmul.f32 v11, v13;
	v9 =	vmul.f32 v8, v9;
	v10 =	vadd.f32 v10, v19  }
0x1d1: {  	v15 =	vmul.f32 v15, v6;
	v17 =	vmul.f32 v17, v7;
	v12 =	vadd.f32 v12, v20  }
0x1d2: {  	v41 =	vmul.f32 v18, v6;
	v42 =	vmul.f32 v16, v7;
	v9 =	vadd.f32 v11, v9;
	[tilespmem:s3+$0x20] =	vst v10  }
0x1d3: {  	v6 =	vmul.f32 v39, v6;
	v7 =	vmul.f32 v8, v7;
	v40 =	vadd.f32 v15, v17;
	[tilespmem:s3+$0x0] =	vst v12  }
0x1d4: {  	s10 =	sadd.s32 $0x80, s10;
	v46 =	vor.u32 v2, v14;
	v45 =	vadd.f32 v41, v42;
	[tilespmem:s3+$0xFFFFFFE0] =	vst v9  }
0x1d5: {  	v47 =	vor.u32 v4, v14;
	v6 =	vadd.f32 v7, v6;
	v44 =	vld [tilespmem:s10+$0x20];
	[tilespmem:s3+$0xFFFFFFF0] =	vst v40  }
0x1d6: {  	v7 =	vor.u32 v0, v14;
	v10 =	vld [tilespmem:s10+$0xFFFFFFE0];
	[tilespmem:s3+$0x10] =	vst v45  }
0x1d7: {  	v48 =	vor.u32 v3, v14;
	v8 =	vld [tilespmem:s10+$0x0];
	[tilespmem:s3+$0xFFFFFFD0] =	vst v6  }
0x1d8: {  	v6 =	vld.idx.msk [tilespmem:v43+s26+$0x0], $0xffff  }
0x1d9: {  	v9 =	vld.idx.msk [tilespmem:v46+s26+$0x0], $0xffff  }
0x1da: {  	v11 =	vld.idx.msk [tilespmem:v47+s26+$0x0], $0xffff  }
0x1db: {  	v7 =	vld.idx.msk [tilespmem:v7+s26+$0x0], $0xffff  }
0x1dc: {  	v49 =	vld.idx.msk [tilespmem:v48+s26+$0x0], $0xffff  }
0x1dd: {  	v50 =	vld [tilespmem:s10+$0xFFFFFFF0];
	v51 =	vbroadcast v6, $0x2  }
0x1de: {  	v54 =	vld [tilespmem:s10+$0x10];
	v52 =	vmul.f32 v44, v9;
	v53 =	vbroadcast v6, $0x1  }
0x1df: {  	v55 =	vld [tilespmem:s10+$0xFFFFFFD0];
	v6 =	vbroadcast v6, $0x0;
	v56 =	vmul.f32 v51, v11  }
0x1e0: {  	v8 =	vmul.f32 v8, v9;
	v57 =	vmul.f32 v53, v11  }
0x1e1: {  	v9 =	vmul.f32 v10, v9;
	v58 =	vmul.f32 v6, v11;
	v59 =	vadd.f32 v52, v56  }
0x1e2: {  	v13 =	vmul.f32 v50, v7;
	v60 =	vmul.f32 v53, v49;
	v8 =	vadd.f32 v8, v57  }
0x1e3: {  	v61 =	vmul.f32 v54, v7;
	v14 =	vmul.f32 v51, v49;
	v9 =	vadd.f32 v9, v58;
	[tilespmem:s10+$0x20] =	vst v59  }
0x1e4: {  	v7 =	vmul.f32 v55, v7;
	v6 =	vmul.f32 v6, v49;
	v62 =	vadd.f32 v13, v60;
	[tilespmem:s10+$0x0] =	vst v8  }
0x1e5: {  	v63 =	vadd.f32 v61, v14;
	[tilespmem:s10+$0xFFFFFFE0] =	vst v9  }
0x1e6: {  	v6 =	vadd.f32 v6, v7;
	[tilespmem:s10+$0xFFFFFFF0] =	vst v62  }
0x1e7: {  	[tilespmem:s10+$0x10] =	vst v63  }
.Ltmp9:
0x1e8: {  	[tilespmem:s10+$0xFFFFFFD0] =	vst v6;
	(pc) =	sbr.rel .LBB2_15-.Ltmp9, $4  }
0x1e9: {  	[spmem:s1] =	stream.indirect.scatter.add.f32 [tilespmem:s22], [sflag:$0x5], $0x80, s23, s21, $0xb8;
	[tilespmem:$0x1EE00] =	vst v63  }
0x1ea: {  	_ =	swait.ge [sflag:s20], $0x4000  }
0x1eb: {  	[sflag:s20] =	ssyncset.done $0x0  }
0x1ec: {  	s13 =	rddreg [dreg:$0xb];
	[sflag:s20] =	ssyncadd.s32 $0xFFFFC000  }
.LBB2_16:
0x1ed: {  	_ =	sfence.sel $0x180000  }
0x1ee: {  	[bflag:$0x0] =	sbarrier.arrive $0xFFFF  }
0x1ef: {  	_ =	strace $0x9000004A  }
0x1f0: {  	s0 =	stileid.u32;
	[bflag:$0x2] =	sbarrier.arrive $0xFFFF  }
0x1f1: {  	p0 =	sne.s32 s0, $0x0;
	s0 =	rddreg [dreg:$0x2]  }
0x1f2: {  	s0 =	sadd.s32 @!p0 $0x100000, s0  }
0x1f3: {  	[sflag:s0] =	ssyncadd.tile.s32 @!p0 $0x1;
	_ =	shalt  }
.Lfunc_end2:
_tile_overlayer_lowered:
.L_overlay_start_2:
0x1f4: {  	(tag) =	ssettag $0x2  }
0x1f5: {  	s0 =	rddreg [dreg:$0x0];
	s2 =	stileid.u32  }
0x1f6: {  	s1 =	rddreg [dreg:$0x1];
	p0 =	sne.s32 s2, $0x0  }
0x1f7: {  	s3 =	rddreg [dreg:$0x2];
	[bflag:$0x3] =	sbarrier.arrive $0xFFFF;
	s2 =	simm.s32 @!p0 $0x1C05  }
0x1f8: {  	[timem:s3], [sflag:s2] =	dma.local @!p0 [hbm:s0], s1  }
0x1f9: {  	s0 =	simm.s32 @!p0 $0x5  }
0x1fa: {  	_ =	swait.ge @!p0 [sflag:s0], s1  }
0x1fb: {  	s1 =	ssub.s32 @!p0 $0x0, s1;
	[sflag:s0] =	ssyncset.done @!p0 $0x0  }
0x1fc: {  	[sflag:s0] =	ssyncadd.s32 @!p0 s1  }
0x1fd: {  	[bflag:$0x3] =	sbarrier.arrive $0xFFFF  }
0x1fe: {  	_ =	shalt  }

// kernel: kernel.15.cloned.1.call-start
scs
__scs_entry_jumppad:
0x0: {  	(pc) =	sbr.rel $0x88, $3  }
0x1: {  	(tag) =	ssettag $0x0;
	lr =	simm.s32 $0x1  }
0x2: {  	[smem:$0x3F98] =	sst lr;
	_ =	strace $0xD0000000  }
0x3: {  	_ = 	snop  }
0x4: {  	_ = 	snop  }
0x5: {  	_ = 	snop  }
0x6: {  	_ = 	snop  }
0x7: {  	_ = 	snop  }
__scs_overlays_trampoline_lowered:
0x8: {  	[smem:$0x3FA7] =	sst s0  }
0x9: {  	[smem:$0x3FA8] =	sst s1  }
0xa: {  	[smem:$0x3FA9] =	sst s2  }
0xb: {  	[smem:$0x3FAA] =	sst s3  }
0xc: {  	[smem:$0x3FAB] =	sst s4  }
0xd: {  	[smem:$0x3FAC] =	sst s5  }
0xe: {  	[smem:$0x3FAD] =	sst s6  }
0xf: {  	[smem:$0x3FAE] =	sst s7  }
0x10: {  	[smem:$0x3FAF] =	sst s8  }
0x11: {  	[smem:$0x3FB0] =	sst s9;
	s0 =	simm.s32 @!p0 $0x0  }
0x12: {  	s1 =	sld [smem:$0x3F96];
	s0 =	simm.s32 @p0 $0x1  }
0x13: {  	[smem:$0x3FB1] =	sst s0;
	s0 =	simm.s32 @!p1 $0x0  }
0x14: {  	s2 =	sld [smem:$0x3F95];
	s0 =	simm.s32 @p1 $0x1  }
0x15: {  	[smem:$0x3FB2] =	sst s0;
	s0 =	simm.s32 @!p2 $0x0  }
0x16: {  	s3 =	sld [smem:$0x3FDB];
	s0 =	simm.s32 @p2 $0x1  }
0x17: {  	s4 =	simm.s32 $0x1BF5;
	[smem:$0x3FB4] =	sst s0  }
0x18: {  	s0 =	sld [smem:$0x3F97];
	_ =	swait.ge [sflag:s4], $0x0  }
0x19: {  	s7 =	sld [smem:$0x3F98]  }
0x1a: {  	s8 =	sadd.s32 $0xFFFFE003, lr  }
0x1b: {  	s9 =	sadd.s32 $0xFFFFFEF7, lr;
	s5 =	simm.s32 $0xFFFFFFFF;
	p2 =	slt.u32 s8, $0xFFFFF086  }
0x1c: {  	p1 =	slt.u32 s9, $0xF7A;
	s5 =	simm.s32 @!p2 $0x0  }
0x1d: {  	s5 =	simm.s32 @p1 $0x1;
	p0 =	seq.s32 s7, s2  }
0x1e: {  	s7 =	smul.u32 @!p0 $0xF7A, s2;
	p2 =	seq.s32 @!p0 s5, $0x0  }
0x1f: {  	s9 =	smul.u32 $0xF7A, s1;
	s8 =	simm.s32 @!p0 $0x1BF5;
	p2 =	por !p2, p0  }
0x20: {  	[sflag:s8] =	ssyncset.s32 @!p0 $0xFFFFF086;
	s6 =	sadd.s32 @!p0 s3, s7;
	s7 =	simm.s32 @!p0 $0x108  }
0x21: {  	s3 =	sadd.s32 s3, s9;
	s6 =	sadd.s32 @!p0 $0x88, s6;
	s7 =	simm.s32 @p2 $0x1082  }
0x22: {  	[simem:s7], [sflag:s8] =	dma.local @!p0 [hbm:s6], $0xF7A  }
0x23: {  	s9 =	sor.u32 $0xD0000000, s2;
	s6 =	simm.s32 $0x108;
	_ =	swait.ge @!p0 [sflag:s8], $0x0  }
0x24: {  	s3 =	sadd.s32 $0x88, s3;
	s6 =	simm.s32 @!p1 $0x1082;
	[sflag:s4] =	ssyncset.s32 $0xFFFFF086  }
0x25: {  	[simem:s6], [sflag:s4] =	dma.local [hbm:s3], $0xF7A  }
0x26: {  	[smem:$0x3F98] =	sst s1;
	(tag) =	ssettag s2;
	_ =	strace s9  }
0x27: {  	s1 =	sld [smem:$0x3FA8]  }
0x28: {  	s2 =	sld [smem:$0x3FA9]  }
0x29: {  	s4 =	sld [smem:$0x3FAB]  }
0x2a: {  	p0 =	seq.s32 s5, $0x0;
	s5 =	sld [smem:$0x3FAC]  }
0x2b: {  	s6 =	sld [smem:$0x3FAD]  }
0x2c: {  	s7 =	sld [smem:$0x3FAE]  }
0x2d: {  	s3 =	simm.s32 $0x108;
	s8 =	sld [smem:$0x3FAF]  }
0x2e: {  	s3 =	simm.s32 @!p0 $0x1082;
	s9 =	sld [smem:$0x3FB0]  }
0x2f: {  	lr =	sadd.s32 s0, s3;
	s0 =	sld [smem:$0x3FA7]  }
0x30: {  	s3 =	sld [smem:$0x3FAA]  }
0x31: {  	[smem:$0x3FB3] =	sst s10  }
0x32: {  	s10 =	sld [smem:$0x3FB1];
	_ =	sdelay $0x3  }
0x33: {  	p0 =	seq.s32 s10, $0x1;
	s10 =	sld [smem:$0x3FB3];
	_ =	sdelay $0x3  }
0x34: {  	[smem:$0x3FB3] =	sst s10  }
0x35: {  	s10 =	sld [smem:$0x3FB2];
	_ =	sdelay $0x3  }
0x36: {  	p1 =	seq.s32 s10, $0x1;
	s10 =	sld [smem:$0x3FB3];
	_ =	sdelay $0x3  }
0x37: {  	[smem:$0x3FB3] =	sst s10  }
0x38: {  	s10 =	sld [smem:$0x3FB4]  }
0x39: {  	_ = 	snop;
	(pc) =	sbr.ind lr, $3  }
0x3a: {  	_ = 	snop  }
0x3b: {  	_ = 	snop  }
0x3c: {  	p2 =	seq.s32 s10, $0x1;
	s10 =	sld [smem:$0x3FB3]  }
0x3d: {  	_ =	shalt  }
0x3e: {  	_ =	shalt  }
0x3f: {  	_ =	shalt  }
0x40: {  	_ =	shalt  }
0x41: {  	_ =	shalt  }
0x42: {  	_ =	shalt  }
0x43: {  	_ =	shalt  }
0x44: {  	_ =	shalt  }
0x45: {  	_ =	shalt  }
0x46: {  	_ =	shalt  }
0x47: {  	_ =	shalt  }
0x48: {  	_ =	shalt  }
0x49: {  	_ =	shalt  }
0x4a: {  	_ =	shalt  }
0x4b: {  	_ =	shalt  }
0x4c: {  	_ =	shalt  }
0x4d: {  	_ =	shalt  }
0x4e: {  	_ =	shalt  }
0x4f: {  	_ =	shalt  }
0x50: {  	_ =	shalt  }
0x51: {  	_ =	shalt  }
0x52: {  	_ =	shalt  }
0x53: {  	_ =	shalt  }
0x54: {  	_ =	shalt  }
0x55: {  	_ =	shalt  }
0x56: {  	_ =	shalt  }
0x57: {  	_ =	shalt  }
0x58: {  	_ =	shalt  }
0x59: {  	_ =	shalt  }
0x5a: {  	_ =	shalt  }
0x5b: {  	_ =	shalt  }
0x5c: {  	_ =	shalt  }
0x5d: {  	_ =	shalt  }
0x5e: {  	_ =	shalt  }
0x5f: {  	_ =	shalt  }
0x60: {  	_ =	shalt  }
0x61: {  	_ =	shalt  }
0x62: {  	_ =	shalt  }
0x63: {  	_ =	shalt  }
0x64: {  	_ =	shalt  }
0x65: {  	_ =	shalt  }
0x66: {  	_ =	shalt  }
0x67: {  	_ =	shalt  }
0x68: {  	_ =	shalt  }
0x69: {  	_ =	shalt  }
0x6a: {  	_ =	shalt  }
0x6b: {  	_ =	shalt  }
0x6c: {  	_ =	shalt  }
0x6d: {  	_ =	shalt  }
0x6e: {  	_ =	shalt  }
0x6f: {  	_ =	shalt  }
0x70: {  	_ =	shalt  }
0x71: {  	_ =	shalt  }
0x72: {  	_ =	shalt  }
0x73: {  	_ =	shalt  }
0x74: {  	_ =	shalt  }
0x75: {  	_ =	shalt  }
0x76: {  	_ =	shalt  }
0x77: {  	_ =	shalt  }
0x78: {  	_ =	shalt  }
0x79: {  	_ =	shalt  }
0x7a: {  	_ =	shalt  }
0x7b: {  	_ =	shalt  }
0x7c: {  	_ =	shalt  }
0x7d: {  	_ =	shalt  }
0x7e: {  	_ =	shalt  }
0x7f: {  	_ =	shalt  }
0x80: {  	_ =	shalt  }
0x81: {  	_ =	shalt  }
0x82: {  	_ =	shalt  }
0x83: {  	_ =	shalt  }
0x84: {  	_ =	shalt  }
0x85: {  	_ =	shalt  }
0x86: {  	_ =	shalt  }
0x87: {  	_ =	shalt  }
.Lfunc_end0:
.L_simem_size_0:
called_computation.2_lowered:
.L_overlay_start_0:
0x88: {  	s2 =	sld [smem:$0x3FD9]  }
0x89: {  	s3 =	sld [smem:$0x3FFE];
	_ =	sdelay $0x1  }
0x8a: {  	s1 =	srdreg.scid  }
0x8b: {  	s0 =	sand.u32 $0x1, s1  }
0x8c: {  	s16 =	sshll.u32 s0, $0xA;
	s2 =	sadd.s32 s3, s2  }
0x8d: {  	s2 =	sadd.s32 s2, s16  }
0x8e: {  	[smem:$0x3FBF] =	sst s2  }
0x8f: {  	_ = 	snop  }
0x90: {  	(tm) =	ssettm $0x1  }
0x91: {  	s17 =	sld [smem:$0x3FFB];
	_ =	sdelay $0x3  }
0x92: {  	_ =	strace s17  }
0x93: {  	s2 =	sld [smem:$0x3FFC];
	_ =	sdelay $0x3  }
0x94: {  	_ =	strace s2  }
0x95: {  	s2 =	sld [smem:$0x3FFD];
	_ =	sdelay $0x3  }
0x96: {  	_ =	strace s2  }
0x97: {  	_ =	strace $0x8FFFFFFF  }
0x98: {  	s18 =	sld [smem:$0x3FDB];
	_ =	sdelay $0x1  }
0x99: {  	s19 =	simm.s32 $_scs_section_size  }
0x9a: {  	s4 =	simm.s32 $_size__tile_overlayer_lowered;
	s5 =	simm.s32 $_tile_overlayer_lowered  }
0x9b: {  	s22 =	simm.s32 $0x1BFF;
	s21 =	sshll.u32 s5, $0x1;
	s2 =	sadd.s32 s19, s18  }
0x9c: {  	s6 =	simm.s32 $0x0;
	s20 =	sshll.u32 s4, $0x1;
	s4 =	sadd.s32 s21, s2  }
0x9d: {  	[timem:s6], [sflag:s22] =	dma.local [hbm:s4], s20  }
0x9e: {  	_ =	swait.ge [sflag:s22], s20  }
0x9f: {  	s3 =	ssub.s32 $0x0, s20;
	[sflag:s22] =	ssyncset.done $0x0  }
0xa0: {  	[sflag:s22] =	ssyncadd.s32 s3;
	_ =	sdelay $0x1  }
0xa1: {  	s23 =	simm.s32 $0x1B8B  }
0xa2: {  	_ =	swait.ge [sflag:s23], $0x1  }
0xa3: {  	[sflag:s23] =	ssyncset.done $0x0  }
0xa4: {  	s25 =	simm.s32 $0x1B8E;
	s24 =	sld [smem:$0x3FFE];
	[sflag:s23] =	ssyncadd.s32 $0xFFFFFFFF  }
0xa5: {  	s26 =	simm.s32 $execute0_lowered;
	[smem:$0x3FD2] =	sst s25  }
0xa6: {  	s4 =	sshll.u32 s26, $0x1;
	_ =	strace $0x8000004C;
	[dreg:$0x1] =	wrdreg $0xFFFFFFFF  }
0xa7: {  	s28 =	simm.s32 $_size_execute0_lowered;
	s2 =	sadd.s32 s2, s4;
	[dreg:$0x0] =	wrdreg $0x0  }
0xa8: {  	s4 =	sshll.u32 s28, $0x1;
	[dreg:$0x2] =	wrdreg s2  }
0xa9: {  	[dreg:$0x3] =	wrdreg s4  }
0xaa: {  	[dreg:$0x4] =	wrdreg $0xC0  }
0xab: {  	_ =	task [dreg:s6], $0x5FFFF  }
0xac: {  	[dreg:$0x1] =	wrdreg $0xFFFFFFFF  }
0xad: {  	[dreg:$0x0] =	wrdreg $0x60  }
0xae: {  	[dreg:$0x2] =	wrdreg s24  }
0xaf: {  	[dreg:$0x3] =	wrdreg $0xAE000  }
0xb0: {  	[dreg:$0x4] =	wrdreg $0x9  }
0xb1: {  	_ =	task.clear_ibuf [dreg:s6], $0x5FFFF;
	_ =	strace $0x9000004C  }
0xb2: {  	s29 =	simm.s32 $0x9;
	_ =	strace $0x8000004E  }
0xb3: {  	_ =	swait.ge [sflag:s29], $0x1  }
0xb4: {  	[sflag:s29] =	ssyncadd.s32 $0xFFFFFFFF  }
0xb5: {  	_ =	strace $0x9000004E  }
0xb6: {  	_ =	sfence  }
0xb7: {  	s30 =	sld [smem:$0x0];
	_ =	sdelay $0x2  }
0xb8: {  	s31 =	sshll.u32 s1, $0xD;
	s1 =	sshrl.u32 s1, $0x2  }
0xb9: {  	s3 =	sand.u32 $0x4000, s31;
	s1 =	sadd.s32 s1, s30  }
0xba: {  	s0 =	sor.u32 s3, s0;
	s1 =	sshll.u32 s1, $0x11  }
0xbb: {  	s0 =	sor.u32 s1, s0  }
0xbc: {  	s0 =	sadd.s32 $0x8F2B, s0  }
0xbd: {  	[sflag:s0] =	ssyncadd.remote.s32 $0x1  }
0xbe: {  	_ =	sfence.sel $0xFFFF  }
0xbf: {  	[dreg:$0x0] =	wrdreg $0xFFFFFFFF;
	(pc) =	sbr.abs _section_cstart, $3  }
0xc0: {  	[dreg:$0x1] =	wrdreg $0xFFFFFFFF  }
0xc1: {  	_ =	task.clear_ibuf [dreg:s6], $0x2FFFF;
	_ =	strace $0x9FFFFFFF  }
0xc2: {  	(tm) =	ssettm $0x7FFFFFFF  }
0xc3: {  	_ =	shalt  }
tec
execute0_lowered:
.L_overlay_start_1:
0x0: {  	(tag) =	ssettag $0x1  }
0x1: {  	s0 =	rddreg [dreg:$0x0]  }
0x2: {  	s1 =	rddreg [dreg:$0x1];
	s2 =	simm.s32 $0x0  }
0x3: {  	s3 =	srdreg.scid;
	s14 =	stileid.u32;
	s28 =	simm.s32 $0x1  }
0x4: {  	s29 =	simm.s32 $0x6600;
	s30 =	simm.s32 $0x180;
	s31 =	simm.s32 $0x2  }
0x5: {  	s16 =	simm.s32 $0x0;
	[smem:$0x7FF] =	sst s2;
	s4 =	sadd.s32 $0xC800, s0  }
0x6: {  	s5 =	sadd.s32 $0x7800, s0;
	s3 =	sand.u32 $0x1, s3;
	s9 =	smul.u32 $0x2800, s14  }
0x7: {  	s6 =	sadd.s32 $0x2800, s0;
	s7 =	sadd.s32 $0x467000, s0;
	s11 =	smul.u32 $0x50000, s14  }
0x8: {  	s22 =	sor.u32 $0x4E0, s14;
	_ =	strace $0x8000004D;
	s8 =	smul.u32 $0x28000, s3  }
0x9: {  	s10 =	sshll.u32 s3, $0x4;
	s3 =	ssub.s32 $0x2, s3;
	s23 =	sshll.u32 s22, $0x4  }
0xa: {  	s10 =	sor.u32 s14, s10;
	s18 =	sshrl.u32 s3, $0x1;
	s19 =	sshrl.u32 s11, $0x2  }
0xb: {  	s24 =	sadd.s32 s5, s23;
	s8 =	sadd.s32 s9, s8;
	s12 =	smul.u32 $0x1380, s10  }
0xc: {  	s3 =	ssub.s32 s3, s18;
	s13 =	smul.u32 $0x270, s10;
	s9 =	sadd.s32 s19, s1  }
0xd: {  	[dreg:$0x6] =	wrdreg s24;
	s19 =	simm.s32 $0xA600;
	s24 =	simm.s32 $0x400  }
0xe: {  	p0 =	sgt.u32 s10, $0x1;
	s0 =	sadd.s32 s8, s0;
	s8 =	smul.u32 $0x27, s10  }
0xf: {  	s26 =	smax.u32 s3, $0x1;
	s12 =	sadd.s32 $0x1300, s12;
	s20 =	sadd.s32 s5, s13  }
0x10: {  	s0 =	sadd.s32 $0x34800, s0;
	[dreg:$0xa] =	wrdreg s26;
	s26 =	simm.s32 $0x200  }
0x11: {  	[dreg:$0x3] =	wrdreg s20;
	s21 =	sshrl.u32 s12, $0x3;
	s11 =	sadd.s32 $0x2, s8  }
0x12: {  	s12 =	sadd.s32 s7, s12;
	[dreg:$0x9] =	wrdreg s0;
	s20 =	simm.s32 $0x5  }
.Ltmp0:
0x13: {  	v0 =	vlaneseq.u32;
	s0 =	simm.s32 $0x3;
	s13 =	sadd.s32 s6, s21;
	(pc) =	sbr.rel .LBB2_1-.Ltmp0, $4  }
0x14: {  	v0 =	vmul.u32 $0x80, v0;
	[dreg:$0x5] =	wrdreg s12;
	s12 =	sadd.s32 s6, s23;
	s21 =	simm.s32 $0x80  }
0x15: {  	s23 =	simm.s32 $0x100;
	[dreg:$0x4] =	wrdreg s13;
	s13 =	sshll.u32 s22, $0x7  }
0x16: {  	v1 =	vimm.f32 $0.0e+00;
	v2 =	vor.u32 $0x800, v0;
	[dreg:$0x7] =	wrdreg s12;
	s22 =	simm.s32 $0x2600;
	s25 =	sadd.s32 s7, s13  }
0x17: {  	v3 =	vor.u32 $0x1000, v0;
	v4 =	vor.u32 $0x1800, v0;
	v5 =	vor.u32 $0x2000, v0;
	s13 =	simm.s32 $0x0;
	[dreg:$0x8] =	wrdreg s25;
	s25 =	simm.s32 $0x13A000  }
.LBB2_15:
0x18: {  	s3 =	stileid.u32  }
0x19: {  	[bflag:$0x0] =	sbarrier.arrive $0xFFFF;
	s3 =	sshll.u32 s3, $0x6  }
0x1a: {  	s10 =	sshrl.u32 s9, $0x3;
	s12 =	rddreg [dreg:$0x9];
	s3 =	sor.u32 $0x1C05, s3  }
0x1b: {  	[hbm:s12], [sflag:s3] =	dma.local [spmem:s10], $0x2800  }
0x1c: {  	_ =	swait.ge [sflag:s20], $0x2800  }
0x1d: {  	s13 =	sadd.s32 $0x1, s13;
	s18 =	rddreg [dreg:$0xa]  }
0x1e: {  	p1 =	sne.s32 s13, s18  }
.Ltmp1:
0x1f: {  	_ = 	snop;
	(pc) =	sbr.rel @!p1 .LBB2_16-.Ltmp1, $3  }
0x20: {  	_ =	sdelay $0x1  }
0x21: {  	[sflag:s20] =	ssyncset.done $0x0  }
0x22: {  	[sflag:s20] =	ssyncadd.s32 $0xFFFFD800  }
.LBB2_1:
0x23: {  	[tilespmem:$0xA600] =	vst v1  }
0x24: {  	[tilespmem:$0xA610] =	vst v1  }
0x25: {  	[tilespmem:$0xA620] =	vst v1  }
0x26: {  	[tilespmem:$0xA630] =	vst v1  }
0x27: {  	[tilespmem:$0xA640] =	vst v1  }
0x28: {  	[tilespmem:$0xA650] =	vst v1  }
0x29: {  	[tilespmem:$0xA660] =	vst v1  }
0x2a: {  	[tilespmem:$0xA670] =	vst v1  }
0x2b: {  	[tilespmem:$0xA680] =	vst v1  }
0x2c: {  	[tilespmem:$0xA690] =	vst v1  }
0x2d: {  	[tilespmem:$0xA6A0] =	vst v1  }
0x2e: {  	[tilespmem:$0xA6B0] =	vst v1  }
0x2f: {  	[tilespmem:$0xA6C0] =	vst v1  }
0x30: {  	[tilespmem:$0xA6D0] =	vst v1  }
0x31: {  	[tilespmem:$0xA6E0] =	vst v1  }
0x32: {  	[tilespmem:$0xA6F0] =	vst v1  }
0x33: {  	[tilespmem:$0xA700] =	vst v1  }
0x34: {  	[tilespmem:$0xA710] =	vst v1  }
0x35: {  	[tilespmem:$0xA720] =	vst v1  }
0x36: {  	[tilespmem:$0xA730] =	vst v1  }
0x37: {  	[tilespmem:$0xA740] =	vst v1  }
0x38: {  	[tilespmem:$0xA750] =	vst v1  }
0x39: {  	[tilespmem:$0xA760] =	vst v1  }
0x3a: {  	[tilespmem:$0xA770] =	vst v1  }
0x3b: {  	[tilespmem:$0xA780] =	vst v1  }
0x3c: {  	[tilespmem:$0xA790] =	vst v1  }
0x3d: {  	[tilespmem:$0xA7A0] =	vst v1  }
0x3e: {  	[tilespmem:$0xA7B0] =	vst v1  }
0x3f: {  	[tilespmem:$0xA7C0] =	vst v1  }
0x40: {  	[tilespmem:$0xA7D0] =	vst v1  }
0x41: {  	[tilespmem:$0xA7E0] =	vst v1  }
0x42: {  	[tilespmem:$0xA7F0] =	vst v1  }
0x43: {  	[tilespmem:$0xA800] =	vst v1  }
0x44: {  	[tilespmem:$0xA810] =	vst v1  }
0x45: {  	[tilespmem:$0xA820] =	vst v1  }
0x46: {  	[tilespmem:$0xA830] =	vst v1  }
0x47: {  	[tilespmem:$0xA840] =	vst v1  }
0x48: {  	[tilespmem:$0xA850] =	vst v1  }
0x49: {  	[tilespmem:$0xA860] =	vst v1  }
0x4a: {  	[tilespmem:$0xA870] =	vst v1  }
0x4b: {  	[tilespmem:$0xA880] =	vst v1  }
0x4c: {  	[tilespmem:$0xA890] =	vst v1  }
0x4d: {  	[tilespmem:$0xA8A0] =	vst v1  }
0x4e: {  	[tilespmem:$0xA8B0] =	vst v1  }
0x4f: {  	[tilespmem:$0xA8C0] =	vst v1  }
0x50: {  	[tilespmem:$0xA8D0] =	vst v1  }
0x51: {  	[tilespmem:$0xA8E0] =	vst v1  }
0x52: {  	[tilespmem:$0xA8F0] =	vst v1  }
0x53: {  	[tilespmem:$0xA900] =	vst v1  }
0x54: {  	[tilespmem:$0xA910] =	vst v1  }
0x55: {  	[tilespmem:$0xA920] =	vst v1  }
0x56: {  	[tilespmem:$0xA930] =	vst v1  }
0x57: {  	[tilespmem:$0xA940] =	vst v1  }
0x58: {  	[tilespmem:$0xA950] =	vst v1  }
0x59: {  	[tilespmem:$0xA960] =	vst v1  }
0x5a: {  	[tilespmem:$0xA970] =	vst v1  }
0x5b: {  	[tilespmem:$0xA980] =	vst v1  }
0x5c: {  	[tilespmem:$0xA990] =	vst v1  }
0x5d: {  	[tilespmem:$0xA9A0] =	vst v1  }
0x5e: {  	[tilespmem:$0xA9B0] =	vst v1  }
0x5f: {  	[tilespmem:$0xA9C0] =	vst v1  }
0x60: {  	[tilespmem:$0xA9D0] =	vst v1  }
0x61: {  	[tilespmem:$0xA9E0] =	vst v1  }
0x62: {  	[tilespmem:$0xA9F0] =	vst v1  }
0x63: {  	[tilespmem:$0xAA00] =	vst v1  }
0x64: {  	[tilespmem:$0xAA10] =	vst v1  }
0x65: {  	[tilespmem:$0xAA20] =	vst v1  }
0x66: {  	[tilespmem:$0xAA30] =	vst v1  }
0x67: {  	[tilespmem:$0xAA40] =	vst v1  }
0x68: {  	[tilespmem:$0xAA50] =	vst v1  }
0x69: {  	[tilespmem:$0xAA60] =	vst v1  }
0x6a: {  	[tilespmem:$0xAA70] =	vst v1  }
0x6b: {  	[tilespmem:$0xAA80] =	vst v1  }
0x6c: {  	[tilespmem:$0xAA90] =	vst v1  }
0x6d: {  	[tilespmem:$0xAAA0] =	vst v1  }
0x6e: {  	[tilespmem:$0xAAB0] =	vst v1  }
0x6f: {  	[tilespmem:$0xAAC0] =	vst v1  }
0x70: {  	[tilespmem:$0xAAD0] =	vst v1  }
0x71: {  	[tilespmem:$0xAAE0] =	vst v1  }
0x72: {  	[tilespmem:$0xAAF0] =	vst v1  }
0x73: {  	[tilespmem:$0xAB00] =	vst v1  }
0x74: {  	[tilespmem:$0xAB10] =	vst v1  }
0x75: {  	[tilespmem:$0xAB20] =	vst v1  }
0x76: {  	[tilespmem:$0xAB30] =	vst v1  }
0x77: {  	[tilespmem:$0xAB40] =	vst v1  }
0x78: {  	[tilespmem:$0xAB50] =	vst v1  }
0x79: {  	[tilespmem:$0xAB60] =	vst v1  }
0x7a: {  	[tilespmem:$0xAB70] =	vst v1  }
0x7b: {  	[tilespmem:$0xAB80] =	vst v1  }
0x7c: {  	[tilespmem:$0xAB90] =	vst v1  }
0x7d: {  	[tilespmem:$0xABA0] =	vst v1  }
0x7e: {  	[tilespmem:$0xABB0] =	vst v1  }
0x7f: {  	[tilespmem:$0xABC0] =	vst v1  }
0x80: {  	[tilespmem:$0xABD0] =	vst v1  }
0x81: {  	[tilespmem:$0xABE0] =	vst v1  }
0x82: {  	[tilespmem:$0xABF0] =	vst v1  }
0x83: {  	[tilespmem:$0xAC00] =	vst v1  }
0x84: {  	[tilespmem:$0xAC10] =	vst v1  }
0x85: {  	[tilespmem:$0xAC20] =	vst v1  }
0x86: {  	[tilespmem:$0xAC30] =	vst v1  }
0x87: {  	[tilespmem:$0xAC40] =	vst v1  }
0x88: {  	[tilespmem:$0xAC50] =	vst v1  }
0x89: {  	[tilespmem:$0xAC60] =	vst v1  }
0x8a: {  	[tilespmem:$0xAC70] =	vst v1  }
0x8b: {  	[tilespmem:$0xAC80] =	vst v1  }
0x8c: {  	[tilespmem:$0xAC90] =	vst v1  }
0x8d: {  	[tilespmem:$0xACA0] =	vst v1  }
0x8e: {  	[tilespmem:$0xACB0] =	vst v1  }
0x8f: {  	[tilespmem:$0xACC0] =	vst v1  }
0x90: {  	[tilespmem:$0xACD0] =	vst v1  }
0x91: {  	[tilespmem:$0xACE0] =	vst v1  }
0x92: {  	[tilespmem:$0xACF0] =	vst v1  }
0x93: {  	[tilespmem:$0xAD00] =	vst v1  }
0x94: {  	[tilespmem:$0xAD10] =	vst v1  }
0x95: {  	[tilespmem:$0xAD20] =	vst v1  }
0x96: {  	[tilespmem:$0xAD30] =	vst v1  }
0x97: {  	[tilespmem:$0xAD40] =	vst v1  }
0x98: {  	[tilespmem:$0xAD50] =	vst v1  }
0x99: {  	[tilespmem:$0xAD60] =	vst v1  }
0x9a: {  	[tilespmem:$0xAD70] =	vst v1  }
0x9b: {  	[tilespmem:$0xAD80] =	vst v1  }
0x9c: {  	[tilespmem:$0xAD90] =	vst v1  }
0x9d: {  	[tilespmem:$0xADA0] =	vst v1  }
0x9e: {  	[tilespmem:$0xADB0] =	vst v1  }
0x9f: {  	[tilespmem:$0xADC0] =	vst v1  }
0xa0: {  	[tilespmem:$0xADD0] =	vst v1  }
0xa1: {  	[tilespmem:$0xADE0] =	vst v1  }
0xa2: {  	[dreg:$0xb] =	wrdreg s13;
	[tilespmem:$0xADF0] =	vst v1;
	s3 =	sadd.s32 $0x0, s9  }
0xa3: {  	[spmem:s3] =	stream.linear.scatter [tilespmem:s19], [sflag:$0x5], $0x800, $0x38;
	[tilespmem:$0x1EE00] =	vst v63  }
0xa4: {  	s3 =	simm.s32 $0x2000;
	_ =	swait.ge [sflag:s20], $0x800  }
.LBB2_2:
0xa5: {  	s10 =	sshra.s32 s3, $0x2;
	[sflag:s20] =	ssyncset.done $0x0;
	p1 =	sne.s32 s3, $0x4E000  }
.Ltmp2:
0xa6: {  	s10 =	sadd.s32 s10, s9;
	[sflag:s20] =	ssyncadd.s32 $0xFFFFF800;
	(pc) =	sbr.rel @p1 .LBB2_2-.Ltmp2, $3  }
0xa7: {  	[spmem:s10] =	stream.linear.scatter [tilespmem:s19], [sflag:$0x5], $0x800, $0x38;
	[tilespmem:$0x1EE00] =	vst v63  }
0xa8: {  	s3 =	sadd.s32 $0x2000, s3;
	_ =	sdelay $0x1  }
0xa9: {  	_ =	swait.ge [sflag:s20], $0x800  }
0xaa: {  	[sflag:s20] =	ssyncset.done $0x0  }
0xab: {  	[sflag:s20] =	ssyncadd.s32 $0xFFFFF800  }
0xac: {  	[bflag:$0x0] =	sbarrier.arrive $0xFFFF  }
0xad: {  	s3 =	rddreg [dreg:$0x3]  }
0xae: {  	[tilespmem:s16], [sflag:$0x5] =	stream.linear.gather [hbm4b:s3+s16], $0x80, $0x38;
	[tilespmem:$0x1EE00] =	vst v63  }
0xaf: {  	_ =	swait.ge [sflag:s20], $0x80  }
0xb0: {  	[sflag:s20] =	ssyncset.done $0x0  }
0xb1: {  	s3 =	simm.s32 $0x0;
	[sflag:s20] =	ssyncadd.s32 $0xFFFFFF80  }
0xb2: {  	[tilespmem:s22], [sflag:$0x1] =	stream.indirect.gather [hbm4b:s4+s21], $0x80, s16, s21, $0xb8;
	[tilespmem:$0x1EE00] =	vst v63  }
.LBB2_4:
0xb3: {  	s10 =	sshll.u32 s3, $0x1  }
0xb4: {  	s12 =	sadd.s32 s8, s10  }
0xb5: {  	s13 =	sshll.u32 s12, $0x4  }
0xb6: {  	s13 =	sadd.s32 s6, s13  }
0xb7: {  	[tilespmem:s23], [sflag:$0x5] =	stream.linear.gather [hbm4b:s13+s2], $0x80, $0x38;
	[tilespmem:$0x1EE00] =	vst v63  }
0xb8: {  	_ =	swait.ge [sflag:s20], $0x80  }
0xb9: {  	s12 =	sshll.u32 s12, $0x7;
	[sflag:s20] =	ssyncset.done $0x0  }
0xba: {  	s12 =	sadd.s32 s7, s12;
	[sflag:s20] =	ssyncadd.s32 $0xFFFFFF80  }
0xbb: {  	[tilespmem:s26], [sflag:$0x5] =	stream.strided.gather [hbm4b:s12+s24], $0x2400, s25, s24, $0x38;
	[tilespmem:$0x1EE00] =	vst v63  }
0xbc: {  	_ =	swait.ge [sflag:s20], $0x2400  }
0xbd: {  	[sflag:s20] =	ssyncset.done $0x0  }
0xbe: {  	p1 =	seq.s32 s3, $0x0;
	[sflag:s20] =	ssyncadd.s32 $0xFFFFDC00  }
0xbf: {  	s12 =	sor.u32 @!p1 $0x1, s10;
	_ =	swait.ge [sflag:s28], $0x4000  }
0xc0: {  	s12 =	simm.s32 @p1 $0x1;
	[sflag:s28] =	ssyncset.done $0x0  }
0xc1: {  	s14 =	simm.s32 @!p1 $0x4;
	s12 =	sadd.s32 s8, s12;
	[sflag:s28] =	ssyncadd.s32 $0xFFFFC000  }
0xc2: {  	s18 =	sshll.u32 s12, $0x4;
	_ =	swait.ge @!p1 [sflag:s14], $0x4000  }
0xc3: {  	s13 =	sand.u32 $0x1FFFFFF0, s18;
	[sflag:s14] =	ssyncset.done @!p1 $0x0  }
0xc4: {  	v6 =	vmov s16;
	s15 =	sadd.s32 s5, s13;
	[sflag:s14] =	ssyncadd.s32 @!p1 $0xFFFFC000  }
0xc5: {  	v6 =	vand.u32 $0x7F, v6;
	[tilespmem:s21], [sflag:$0x5] =	stream.linear.gather [hbm4b:s15+s16], $0x80, $0x38;
	[tilespmem:$0x1EE00] =	vst v63  }
0xc6: {  	v9 =	vbroadcast v6, $0x0;
	_ =	swait.ge [sflag:s20], $0x80  }
0xc7: {  	[sflag:s20] =	ssyncset.done $0x0  }
0xc8: {  	v13 =	vor.u32 v2, v9;
	s18 =	simm.s32 $0x2630;
	[sflag:s20] =	ssyncadd.s32 $0xFFFFFF80  }
0xc9: {  	[tilespmem:s29], [sflag:$0x2] =	stream.indirect.gather [hbm4b:s4+s21], $0x80, s21, s21, $0xb8;
	[tilespmem:$0x1EE00] =	vst v63  }
0xca: {  	v8 =	vor.u32 v5, v9;
	v10 =	vld [tilespmem:s18+$0x20]  }
0xcb: {  	s17 =	simm.s32 $0x1;
	v6 =	vor.u32 v0, v9;
	v7 =	vor.u32 v3, v9;
	v9 =	vor.u32 v4, v9;
	v11 =	vld [tilespmem:s18+$0xFFFFFFE0]  }
0xcc: {  	v14 =	vmov s17;
	v12 =	vld [tilespmem:s18+$0x0]  }
0xcd: {  	s17 =	simm.s32 $0x2630;
	v14 =	vand.u32 $0x7F, v14;
	s14 =	simm.s32 $0x2;
	v13 =	vld.idx.msk [tilespmem:v13+s26+$0x0], $0xffff  }
.LBB2_5:
0xce: {  	p1 =	sne.s32 s14, $0x7F  }
0xcf: {  	v14 =	vbroadcast v14, $0x0;
	v15 =	vld.idx.msk [tilespmem:v8+s26+$0x0], $0xffff;
	s18 =	sadd.s32 $0x80, s18;
	s15 =	smov.u32 s14;
	s14 =	sadd.s32 $0x1, s14  }
0xd0: {  	v16 =	vld.idx.msk [tilespmem:v9+s26+$0x0], $0xffff  }
0xd1: {  	v8 =	vor.u32 v5, v14;
	v17 =	vld.idx.msk [tilespmem:v6+s26+$0x0], $0xffff;
	v6 =	vor.u32 v0, v14  }
0xd2: {  	v9 =	vor.u32 v4, v14;
	v18 =	vld.idx.msk [tilespmem:v7+s26+$0x0], $0xffff;
	v7 =	vor.u32 v3, v14;
	_ =	sdelay $0x1  }
0xd3: {  	v11 =	vmul.f32 v11, v13;
	v10 =	vmul.f32 v10, v13;
	v19 =	vld [tilespmem:s17+$0xFFFFFFF0]  }
0xd4: {  	v21 =	vbroadcast v15, $0x0;
	v22 =	vbroadcast v15, $0x2;
	v20 =	vld [tilespmem:s17+$0xFFFFFFD0]  }
0xd5: {  	v12 =	vmul.f32 v12, v13;
	v15 =	vbroadcast v15, $0x1;
	v13 =	vld [tilespmem:s17+$0x10]  }
0xd6: {  	v23 =	vmul.f32 v21, v16;
	v24 =	vmul.f32 v22, v16  }
0xd7: {  	v25 =	vmul.f32 v15, v18;
	v15 =	vmul.f32 v15, v16  }
0xd8: {  	v11 =	vadd.f32 v11, v23;
	v10 =	vadd.f32 v10, v24;
	v16 =	vmul.f32 v19, v17  }
0xd9: {  	v12 =	vadd.f32 v12, v15;
	v19 =	vmul.f32 v20, v17;
	v20 =	vmul.f32 v21, v18  }
0xda: {  	v15 =	vadd.f32 v16, v25;
	v13 =	vmul.f32 v13, v17;
	v16 =	vmul.f32 v22, v18;
	[tilespmem:s17+$0x20] =	vst v10  }
0xdb: {  	v17 =	vor.u32 v2, v14;
	v14 =	vadd.f32 v20, v19;
	[tilespmem:s17+$0x0] =	vst v12  }
.Ltmp3:
0xdc: {  	v10 =	vld [tilespmem:s18+$0x20];
	[tilespmem:s17+$0xFFFFFFE0] =	vst v11;
	v12 =	vadd.f32 v13, v16;
	(pc) =	sbr.rel @p1 .LBB2_5-.Ltmp3, $4  }
0xdd: {  	[tilespmem:s17+$0xFFFFFFF0] =	vst v15  }
0xde: {  	v11 =	vld [tilespmem:s18+$0xFFFFFFE0];
	[tilespmem:s17+$0x10] =	vst v12  }
0xdf: {  	v13 =	vmov s15;
	v12 =	vld [tilespmem:s18+$0x0];
	[tilespmem:s17+$0xFFFFFFD0] =	vst v14;
	s17 =	smov.u32 s18  }
0xe0: {  	v14 =	vand.u32 $0x7F, v13;
	v13 =	vld.idx.msk [tilespmem:v17+s26+$0x0], $0xffff  }
0xe1: {  	_ =	sdelay $0x3  }
0xe2: {  	v8 =	vld.idx.msk [tilespmem:v8+s26+$0x0], $0xffff  }
0xe3: {  	v9 =	vld.idx.msk [tilespmem:v9+s26+$0x0], $0xffff  }
0xe4: {  	v6 =	vld.idx.msk [tilespmem:v6+s26+$0x0], $0xffff  }
0xe5: {  	v7 =	vld.idx.msk [tilespmem:v7+s26+$0x0], $0xffff  }
0xe6: {  	v15 =	vld [tilespmem:s17+$0xFFFFFFF0];
	v10 =	vmul.f32 v10, v13  }
0xe7: {  	v12 =	vmul.f32 v12, v13;
	v16 =	vbroadcast v8, $0x2  }
0xe8: {  	v18 =	vld [tilespmem:s17+$0x10];
	v17 =	vbroadcast v8, $0x1;
	v8 =	vbroadcast v8, $0x0  }
0xe9: {  	v11 =	vmul.f32 v11, v13;
	v13 =	vld [tilespmem:s17+$0xFFFFFFD0];
	v19 =	vmul.f32 v16, v9  }
0xea: {  	v20 =	vmul.f32 v17, v9;
	v9 =	vmul.f32 v8, v9  }
0xeb: {  	v15 =	vmul.f32 v15, v6;
	v17 =	vmul.f32 v17, v7;
	v10 =	vadd.f32 v10, v19  }
0xec: {  	v14 =	vbroadcast v14, $0x0;
	v12 =	vadd.f32 v12, v20;
	v9 =	vadd.f32 v11, v9  }
0xed: {  	v11 =	vmul.f32 v18, v6;
	[tilespmem:s17+$0x20] =	vst v10;
	v10 =	vadd.f32 v15, v17;
	v15 =	vmul.f32 v16, v7  }
0xee: {  	v6 =	vmul.f32 v13, v6;
	[tilespmem:s17+$0x0] =	vst v12;
	v12 =	vor.u32 v5, v14;
	v7 =	vmul.f32 v8, v7  }
0xef: {  	s14 =	sadd.s32 $0x80, s18;
	[tilespmem:s17+$0xFFFFFFE0] =	vst v9;
	v9 =	vor.u32 v2, v14;
	v8 =	vadd.f32 v11, v15  }
0xf0: {  	v58 =	vld [tilespmem:s14+$0x20];
	[tilespmem:s17+$0xFFFFFFF0] =	vst v10;
	v11 =	vor.u32 v4, v14;
	v6 =	vadd.f32 v7, v6  }
0xf1: {  	v13 =	vor.u32 v3, v14;
	v10 =	vld [tilespmem:s14+$0xFFFFFFE0];
	[tilespmem:s17+$0x10] =	vst v8  }
0xf2: {  	v8 =	vld [tilespmem:s14+$0x0];
	[tilespmem:s17+$0xFFFFFFD0] =	vst v6  }
0xf3: {  	v7 =	vor.u32 v0, v14;
	v6 =	vld.idx.msk [tilespmem:v12+s26+$0x0], $0xffff  }
0xf4: {  	v9 =	vld.idx.msk [tilespmem:v9+s26+$0x0], $0xffff  }
0xf5: {  	v11 =	vld.idx.msk [tilespmem:v11+s26+$0x0], $0xffff  }
0xf6: {  	v12 =	vld.idx.msk [tilespmem:v13+s26+$0x0], $0xffff  }
0xf7: {  	v13 =	vld [tilespmem:s14+$0xFFFFFFF0]  }
0xf8: {  	v7 =	vld.idx.msk [tilespmem:v7+s26+$0x0], $0xffff;
	v14 =	vbroadcast v6, $0x2  }
0xf9: {  	v60 =	vld [tilespmem:s14+$0x10];
	v15 =	vmul.f32 v58, v9;
	v59 =	vbroadcast v6, $0x1  }
0xfa: {  	v61 =	vld [tilespmem:s14+$0xFFFFFFD0];
	v6 =	vbroadcast v6, $0x0;
	v62 =	vmul.f32 v14, v11  }
0xfb: {  	v8 =	vmul.f32 v8, v9;
	v63 =	vmul.f32 v59, v11  }
0xfc: {  	v9 =	vmul.f32 v10, v9;
	v10 =	vmul.f32 v6, v11;
	v11 =	vadd.f32 v15, v62  }
0xfd: {  	v13 =	vmul.f32 v13, v7;
	v15 =	vmul.f32 v59, v12;
	v8 =	vadd.f32 v8, v63  }
0xfe: {  	v14 =	vmul.f32 v14, v12;
	v9 =	vadd.f32 v9, v10;
	v10 =	vmul.f32 v60, v7;
	[tilespmem:s14+$0x20] =	vst v11  }
0xff: {  	v6 =	vmul.f32 v6, v12;
	v7 =	vmul.f32 v61, v7;
	v11 =	vadd.f32 v13, v15;
	[tilespmem:s14+$0x0] =	vst v8  }
0x100: {  	[tilespmem:s14+$0xFFFFFFE0] =	vst v9;
	v8 =	vadd.f32 v10, v14  }
0x101: {  	v6 =	vadd.f32 v6, v7;
	[tilespmem:s14+$0xFFFFFFF0] =	vst v11  }
0x102: {  	[tilespmem:s14+$0x10] =	vst v8  }
0x103: {  	[tilespmem:s14+$0xFFFFFFD0] =	vst v6  }
0x104: {  	[spmem:s1] =	stream.indirect.scatter.add.f32 [tilespmem:s22], [sflag:$0x3], $0x80, s23, s21, $0xb8;
	[tilespmem:$0x1EE00] =	vst v63  }
0x105: {  	s13 =	sadd.s32 s6, s13;
	s17 =	simm.s32 $0x0  }
0x106: {  	[tilespmem:s30], [sflag:$0x5] =	stream.linear.gather [hbm4b:s13+s17], $0x80, $0x38;
	[tilespmem:$0x1EE00] =	vst v63  }
0x107: {  	s12 =	sshll.u32 s12, $0x7;
	_ =	swait.ge [sflag:s20], $0x80  }
0x108: {  	s12 =	sand.u32 $0x1FFFFF80, s12;
	[sflag:s20] =	ssyncset.done $0x0  }
0x109: {  	s12 =	sadd.s32 s7, s12;
	[sflag:s20] =	ssyncadd.s32 $0xFFFFFF80  }
0x10a: {  	[tilespmem:s26], [sflag:$0x5] =	stream.strided.gather [hbm4b:s12+s24], $0x2400, s25, s24, $0x38;
	[tilespmem:$0x1EE00] =	vst v63  }
0x10b: {  	_ =	swait.ge [sflag:s20], $0x2400  }
0x10c: {  	[sflag:s20] =	ssyncset.done $0x0  }
0x10d: {  	[sflag:s20] =	ssyncadd.s32 $0xFFFFDC00  }
0x10e: {  	_ =	swait.ge [sflag:s31], $0x4000  }
0x10f: {  	[sflag:s31] =	ssyncset.done $0x0  }
0x110: {  	s10 =	sadd.s32 s11, s10;
	[sflag:s31] =	ssyncadd.s32 $0xFFFFC000  }
0x111: {  	s10 =	sshll.u32 s10, $0x4;
	_ =	swait.ge [sflag:s0], $0x4000  }
0x112: {  	s10 =	sand.u32 $0x1FFFFFF0, s10;
	[sflag:s0] =	ssyncset.done $0x0  }
0x113: {  	s10 =	sadd.s32 s5, s10;
	v6 =	vmov s17;
	[sflag:s0] =	ssyncadd.s32 $0xFFFFC000  }
0x114: {  	v6 =	vand.u32 $0x7F, v6;
	[tilespmem:s17], [sflag:$0x5] =	stream.linear.gather [hbm4b:s10+s17], $0x80, $0x38;
	[tilespmem:$0x1EE00] =	vst v63  }
0x115: {  	v9 =	vbroadcast v6, $0x0;
	_ =	swait.ge [sflag:s20], $0x80  }
0x116: {  	[sflag:s20] =	ssyncset.done $0x0  }
0x117: {  	v13 =	vor.u32 v2, v9;
	s12 =	simm.s32 $0x6630;
	[sflag:s20] =	ssyncadd.s32 $0xFFFFFF80  }
0x118: {  	[tilespmem:s22], [sflag:$0x1] =	stream.indirect.gather [hbm4b:s4+s21], $0x80, s17, s21, $0xb8;
	[tilespmem:$0x1EE00] =	vst v63  }
0x119: {  	v8 =	vor.u32 v5, v9;
	v10 =	vld [tilespmem:s12+$0x20]  }
0x11a: {  	s18 =	simm.s32 $0x1;
	v6 =	vor.u32 v0, v9;
	v7 =	vor.u32 v3, v9;
	v9 =	vor.u32 v4, v9;
	v11 =	vld [tilespmem:s12+$0xFFFFFFE0]  }
0x11b: {  	v14 =	vmov s18;
	v12 =	vld [tilespmem:s12+$0x0]  }
0x11c: {  	v14 =	vand.u32 $0x7F, v14;
	s13 =	simm.s32 $0x2;
	s10 =	simm.s32 $0x6630;
	v13 =	vld.idx.msk [tilespmem:v13+s26+$0x0], $0xffff  }
.LBB2_7:
0x11d: {  	p1 =	sne.s32 s13, $0x7F  }
0x11e: {  	v14 =	vbroadcast v14, $0x0;
	v15 =	vld.idx.msk [tilespmem:v8+s26+$0x0], $0xffff;
	s12 =	sadd.s32 $0x80, s12;
	s14 =	smov.u32 s13;
	s13 =	sadd.s32 $0x1, s13  }
0x11f: {  	v16 =	vld.idx.msk [tilespmem:v9+s26+$0x0], $0xffff  }
0x120: {  	v8 =	vor.u32 v5, v14;
	v17 =	vld.idx.msk [tilespmem:v6+s26+$0x0], $0xffff;
	v6 =	vor.u32 v0, v14  }
0x121: {  	v9 =	vor.u32 v4, v14;
	v18 =	vld.idx.msk [tilespmem:v7+s26+$0x0], $0xffff;
	v7 =	vor.u32 v3, v14;
	_ =	sdelay $0x1  }
0x122: {  	v11 =	vmul.f32 v11, v13;
	v10 =	vmul.f32 v10, v13;
	v19 =	vld [tilespmem:s10+$0xFFFFFFF0]  }
0x123: {  	v21 =	vbroadcast v15, $0x0;
	v22 =	vbroadcast v15, $0x2;
	v20 =	vld [tilespmem:s10+$0xFFFFFFD0]  }
0x124: {  	v12 =	vmul.f32 v12, v13;
	v15 =	vbroadcast v15, $0x1;
	v13 =	vld [tilespmem:s10+$0x10]  }
0x125: {  	v23 =	vmul.f32 v21, v16;
	v24 =	vmul.f32 v22, v16  }
0x126: {  	v25 =	vmul.f32 v15, v18;
	v15 =	vmul.f32 v15, v16  }
0x127: {  	v11 =	vadd.f32 v11, v23;
	v10 =	vadd.f32 v10, v24;
	v16 =	vmul.f32 v19, v17  }
0x128: {  	v12 =	vadd.f32 v12, v15;
	v19 =	vmul.f32 v20, v17;
	v20 =	vmul.f32 v21, v18  }
0x129: {  	v15 =	vadd.f32 v16, v25;
	v13 =	vmul.f32 v13, v17;
	v16 =	vmul.f32 v22, v18;
	[tilespmem:s10+$0x20] =	vst v10  }
0x12a: {  	v17 =	vor.u32 v2, v14;
	v14 =	vadd.f32 v20, v19;
	[tilespmem:s10+$0x0] =	vst v12  }
.Ltmp4:
0x12b: {  	v10 =	vld [tilespmem:s12+$0x20];
	[tilespmem:s10+$0xFFFFFFE0] =	vst v11;
	v12 =	vadd.f32 v13, v16;
	(pc) =	sbr.rel @p1 .LBB2_7-.Ltmp4, $4  }
0x12c: {  	[tilespmem:s10+$0xFFFFFFF0] =	vst v15  }
0x12d: {  	v11 =	vld [tilespmem:s12+$0xFFFFFFE0];
	[tilespmem:s10+$0x10] =	vst v12  }
0x12e: {  	v13 =	vmov s14;
	v12 =	vld [tilespmem:s12+$0x0];
	[tilespmem:s10+$0xFFFFFFD0] =	vst v14;
	s10 =	smov.u32 s12  }
0x12f: {  	v14 =	vand.u32 $0x7F, v13;
	v13 =	vld.idx.msk [tilespmem:v17+s26+$0x0], $0xffff  }
0x130: {  	_ =	sdelay $0x3  }
0x131: {  	v8 =	vld.idx.msk [tilespmem:v8+s26+$0x0], $0xffff;
	_ =	sdelay $0x1  }
0x132: {  	v9 =	vld.idx.msk [tilespmem:v9+s26+$0x0], $0xffff  }
0x133: {  	v6 =	vld.idx.msk [tilespmem:v6+s26+$0x0], $0xffff  }
0x134: {  	v7 =	vld.idx.msk [tilespmem:v7+s26+$0x0], $0xffff  }
0x135: {  	v15 =	vld [tilespmem:s10+$0xFFFFFFF0];
	v14 =	vbroadcast v14, $0x0;
	v16 =	vbroadcast v8, $0x2  }
0x136: {  	v18 =	vld [tilespmem:s10+$0x10];
	v10 =	vmul.f32 v10, v13;
	v17 =	vbroadcast v8, $0x1  }
0x137: {  	v39 =	vld [tilespmem:s10+$0xFFFFFFD0];
	v8 =	vbroadcast v8, $0x0;
	v19 =	vmul.f32 v16, v9  }
0x138: {  	v43 =	vor.u32 v5, v14;
	v12 =	vmul.f32 v12, v13;
	v20 =	vmul.f32 v17, v9  }
0x139: {  	v11 =	vmul.f32 v11, v13;
	v9 =	vmul.f32 v8, v9;
	v10 =	vadd.f32 v10, v19  }
0x13a: {  	v15 =	vmul.f32 v15, v6;
	v17 =	vmul.f32 v17, v7;
	v12 =	vadd.f32 v12, v20  }
0x13b: {  	v41 =	vmul.f32 v18, v6;
	v42 =	vmul.f32 v16, v7;
	v9 =	vadd.f32 v11, v9;
	[tilespmem:s10+$0x20] =	vst v10  }
0x13c: {  	v6 =	vmul.f32 v39, v6;
	v7 =	vmul.f32 v8, v7;
	v40 =	vadd.f32 v15, v17;
	[tilespmem:s10+$0x0] =	vst v12  }
0x13d: {  	s12 =	sadd.s32 $0x80, s12;
	v46 =	vor.u32 v2, v14;
	v45 =	vadd.f32 v41, v42;
	[tilespmem:s10+$0xFFFFFFE0] =	vst v9  }
0x13e: {  	v47 =	vor.u32 v4, v14;
	v6 =	vadd.f32 v7, v6;
	v44 =	vld [tilespmem:s12+$0x20];
	[tilespmem:s10+$0xFFFFFFF0] =	vst v40  }
0x13f: {  	v7 =	vor.u32 v0, v14;
	v10 =	vld [tilespmem:s12+$0xFFFFFFE0];
	[tilespmem:s10+$0x10] =	vst v45  }
0x140: {  	v48 =	vor.u32 v3, v14;
	v8 =	vld [tilespmem:s12+$0x0];
	[tilespmem:s10+$0xFFFFFFD0] =	vst v6  }
0x141: {  	v6 =	vld.idx.msk [tilespmem:v43+s26+$0x0], $0xffff  }
0x142: {  	v9 =	vld.idx.msk [tilespmem:v46+s26+$0x0], $0xffff  }
0x143: {  	v11 =	vld.idx.msk [tilespmem:v47+s26+$0x0], $0xffff  }
0x144: {  	v7 =	vld.idx.msk [tilespmem:v7+s26+$0x0], $0xffff  }
0x145: {  	v49 =	vld.idx.msk [tilespmem:v48+s26+$0x0], $0xffff  }
0x146: {  	v50 =	vld [tilespmem:s12+$0xFFFFFFF0];
	v51 =	vbroadcast v6, $0x2  }
0x147: {  	v54 =	vld [tilespmem:s12+$0x10];
	v52 =	vmul.f32 v44, v9;
	v53 =	vbroadcast v6, $0x1  }
0x148: {  	v55 =	vld [tilespmem:s12+$0xFFFFFFD0];
	v6 =	vbroadcast v6, $0x0;
	v56 =	vmul.f32 v51, v11  }
0x149: {  	v8 =	vmul.f32 v8, v9;
	v57 =	vmul.f32 v53, v11  }
0x14a: {  	v9 =	vmul.f32 v10, v9;
	v58 =	vmul.f32 v6, v11;
	v59 =	vadd.f32 v52, v56  }
0x14b: {  	v13 =	vmul.f32 v50, v7;
	v60 =	vmul.f32 v53, v49;
	v8 =	vadd.f32 v8, v57  }
0x14c: {  	s3 =	sadd.s32 $0x1, s3;
	v61 =	vmul.f32 v54, v7;
	v14 =	vmul.f32 v51, v49;
	v9 =	vadd.f32 v9, v58;
	[tilespmem:s12+$0x20] =	vst v59  }
0x14d: {  	p1 =	sne.s32 s3, $0x13;
	v7 =	vmul.f32 v55, v7;
	v6 =	vmul.f32 v6, v49;
	v62 =	vadd.f32 v13, v60;
	[tilespmem:s12+$0x0] =	vst v8  }
.Ltmp5:
0x14e: {  	v63 =	vadd.f32 v61, v14;
	[tilespmem:s12+$0xFFFFFFE0] =	vst v9;
	(pc) =	sbr.rel @p1 .LBB2_4-.Ltmp5, $4  }
0x14f: {  	v6 =	vadd.f32 v6, v7;
	[tilespmem:s12+$0xFFFFFFF0] =	vst v62  }
0x150: {  	[tilespmem:s12+$0x10] =	vst v63  }
0x151: {  	[tilespmem:s12+$0xFFFFFFD0] =	vst v6  }
0x152: {  	[spmem:s1] =	stream.indirect.scatter.add.f32 [tilespmem:s29], [sflag:$0x4], $0x80, s30, s21, $0xb8;
	[tilespmem:$0x1EE00] =	vst v63  }
0x153: {  	s3 =	simm.s32 $0x0;
	s10 =	rddreg [dreg:$0x4]  }
0x154: {  	[tilespmem:s23], [sflag:$0x5] =	stream.linear.gather [hbm4b:s10+s3], $0x80, $0x38;
	[tilespmem:$0x1EE00] =	vst v63  }
0x155: {  	_ =	swait.ge [sflag:s20], $0x80  }
0x156: {  	[sflag:s20] =	ssyncset.done $0x0  }
0x157: {  	s15 =	rddreg [dreg:$0x5];
	[sflag:s20] =	ssyncadd.s32 $0xFFFFFF80  }
0x158: {  	[tilespmem:s26], [sflag:$0x5] =	stream.strided.gather [hbm4b:s15+s24], $0x2400, s25, s24, $0x38;
	[tilespmem:$0x1EE00] =	vst v63  }
0x159: {  	_ =	swait.ge [sflag:s20], $0x2400  }
0x15a: {  	[sflag:s20] =	ssyncset.done $0x0  }
0x15b: {  	[sflag:s20] =	ssyncadd.s32 $0xFFFFDC00  }
0x15c: {  	v6 =	vmov s3;
	_ =	swait.ge [sflag:s28], $0x4000  }
0x15d: {  	v6 =	vand.u32 $0x7F, v6;
	[sflag:s28] =	ssyncset.done $0x0  }
0x15e: {  	s17 =	simm.s32 $0x4;
	v9 =	vbroadcast v6, $0x0;
	[sflag:s28] =	ssyncadd.s32 $0xFFFFC000  }
0x15f: {  	_ =	swait.ge [sflag:s17], $0x4000  }
0x160: {  	v13 =	vor.u32 v2, v9;
	[sflag:s17] =	ssyncset.done $0x0  }
0x161: {  	s10 =	simm.s32 $0x2630;
	[sflag:s17] =	ssyncadd.s32 $0xFFFFC000  }
0x162: {  	v8 =	vor.u32 v5, v9;
	v10 =	vld [tilespmem:s10+$0x20]  }
0x163: {  	s18 =	simm.s32 $0x1;
	v6 =	vor.u32 v0, v9;
	v7 =	vor.u32 v3, v9;
	v9 =	vor.u32 v4, v9;
	v11 =	vld [tilespmem:s10+$0xFFFFFFE0]  }
0x164: {  	v14 =	vmov s18;
	v12 =	vld [tilespmem:s10+$0x0]  }
0x165: {  	s12 =	simm.s32 $0x2;
	s3 =	simm.s32 $0x2630;
	v14 =	vand.u32 $0x7F, v14;
	v13 =	vld.idx.msk [tilespmem:v13+s26+$0x0], $0xffff  }
.LBB2_10:
0x166: {  	p1 =	sne.s32 s12, $0x7F  }
0x167: {  	v14 =	vbroadcast v14, $0x0;
	v15 =	vld.idx.msk [tilespmem:v8+s26+$0x0], $0xffff;
	s10 =	sadd.s32 $0x80, s10;
	s13 =	smov.u32 s12;
	s12 =	sadd.s32 $0x1, s12  }
0x168: {  	v16 =	vld.idx.msk [tilespmem:v9+s26+$0x0], $0xffff  }
0x169: {  	v8 =	vor.u32 v5, v14;
	v17 =	vld.idx.msk [tilespmem:v6+s26+$0x0], $0xffff;
	v6 =	vor.u32 v0, v14  }
0x16a: {  	v9 =	vor.u32 v4, v14;
	v18 =	vld.idx.msk [tilespmem:v7+s26+$0x0], $0xffff;
	v7 =	vor.u32 v3, v14;
	_ =	sdelay $0x1  }
0x16b: {  	v11 =	vmul.f32 v11, v13;
	v10 =	vmul.f32 v10, v13;
	v19 =	vld [tilespmem:s3+$0xFFFFFFF0]  }
0x16c: {  	v21 =	vbroadcast v15, $0x0;
	v22 =	vbroadcast v15, $0x2;
	v20 =	vld [tilespmem:s3+$0xFFFFFFD0]  }
0x16d: {  	v12 =	vmul.f32 v12, v13;
	v15 =	vbroadcast v15, $0x1;
	v13 =	vld [tilespmem:s3+$0x10]  }
0x16e: {  	v23 =	vmul.f32 v21, v16;
	v24 =	vmul.f32 v22, v16  }
0x16f: {  	v25 =	vmul.f32 v15, v18;
	v15 =	vmul.f32 v15, v16  }
0x170: {  	v11 =	vadd.f32 v11, v23;
	v10 =	vadd.f32 v10, v24;
	v16 =	vmul.f32 v19, v17  }
0x171: {  	v12 =	vadd.f32 v12, v15;
	v19 =	vmul.f32 v20, v17;
	v20 =	vmul.f32 v21, v18  }
0x172: {  	v15 =	vadd.f32 v16, v25;
	v13 =	vmul.f32 v13, v17;
	v16 =	vmul.f32 v22, v18;
	[tilespmem:s3+$0x20] =	vst v10  }
0x173: {  	v17 =	vor.u32 v2, v14;
	v14 =	vadd.f32 v20, v19;
	[tilespmem:s3+$0x0] =	vst v12  }
.Ltmp6:
0x174: {  	v10 =	vld [tilespmem:s10+$0x20];
	[tilespmem:s3+$0xFFFFFFE0] =	vst v11;
	v12 =	vadd.f32 v13, v16;
	(pc) =	sbr.rel @p1 .LBB2_10-.Ltmp6, $4  }
0x175: {  	[tilespmem:s3+$0xFFFFFFF0] =	vst v15  }
0x176: {  	v11 =	vld [tilespmem:s10+$0xFFFFFFE0];
	[tilespmem:s3+$0x10] =	vst v12  }
0x177: {  	v13 =	vmov s13;
	v12 =	vld [tilespmem:s10+$0x0];
	[tilespmem:s3+$0xFFFFFFD0] =	vst v14;
	s3 =	smov.u32 s10  }
0x178: {  	v14 =	vand.u32 $0x7F, v13;
	v13 =	vld.idx.msk [tilespmem:v17+s26+$0x0], $0xffff  }
0x179: {  	_ =	sdelay $0x3  }
0x17a: {  	v8 =	vld.idx.msk [tilespmem:v8+s26+$0x0], $0xffff;
	_ =	sdelay $0x1  }
0x17b: {  	v9 =	vld.idx.msk [tilespmem:v9+s26+$0x0], $0xffff  }
0x17c: {  	v6 =	vld.idx.msk [tilespmem:v6+s26+$0x0], $0xffff  }
0x17d: {  	v7 =	vld.idx.msk [tilespmem:v7+s26+$0x0], $0xffff  }
0x17e: {  	v15 =	vld [tilespmem:s3+$0xFFFFFFF0];
	v14 =	vbroadcast v14, $0x0;
	v16 =	vbroadcast v8, $0x2  }
0x17f: {  	v18 =	vld [tilespmem:s3+$0x10];
	v10 =	vmul.f32 v10, v13;
	v17 =	vbroadcast v8, $0x1  }
0x180: {  	v39 =	vld [tilespmem:s3+$0xFFFFFFD0];
	v8 =	vbroadcast v8, $0x0;
	v19 =	vmul.f32 v16, v9  }
0x181: {  	v43 =	vor.u32 v5, v14;
	v12 =	vmul.f32 v12, v13;
	v20 =	vmul.f32 v17, v9  }
0x182: {  	v11 =	vmul.f32 v11, v13;
	v9 =	vmul.f32 v8, v9;
	v10 =	vadd.f32 v10, v19  }
0x183: {  	v15 =	vmul.f32 v15, v6;
	v17 =	vmul.f32 v17, v7;
	v12 =	vadd.f32 v12, v20  }
0x184: {  	v41 =	vmul.f32 v18, v6;
	v42 =	vmul.f32 v16, v7;
	v9 =	vadd.f32 v11, v9;
	[tilespmem:s3+$0x20] =	vst v10  }
0x185: {  	v6 =	vmul.f32 v39, v6;
	v7 =	vmul.f32 v8, v7;
	v40 =	vadd.f32 v15, v17;
	[tilespmem:s3+$0x0] =	vst v12  }
0x186: {  	s10 =	sadd.s32 $0x80, s10;
	v46 =	vor.u32 v2, v14;
	v45 =	vadd.f32 v41, v42;
	[tilespmem:s3+$0xFFFFFFE0] =	vst v9  }
0x187: {  	v47 =	vor.u32 v4, v14;
	v6 =	vadd.f32 v7, v6;
	v44 =	vld [tilespmem:s10+$0x20];
	[tilespmem:s3+$0xFFFFFFF0] =	vst v40  }
0x188: {  	v7 =	vor.u32 v0, v14;
	v10 =	vld [tilespmem:s10+$0xFFFFFFE0];
	[tilespmem:s3+$0x10] =	vst v45  }
0x189: {  	v48 =	vor.u32 v3, v14;
	v8 =	vld [tilespmem:s10+$0x0];
	[tilespmem:s3+$0xFFFFFFD0] =	vst v6  }
0x18a: {  	v6 =	vld.idx.msk [tilespmem:v43+s26+$0x0], $0xffff  }
0x18b: {  	v9 =	vld.idx.msk [tilespmem:v46+s26+$0x0], $0xffff  }
0x18c: {  	v11 =	vld.idx.msk [tilespmem:v47+s26+$0x0], $0xffff  }
0x18d: {  	v7 =	vld.idx.msk [tilespmem:v7+s26+$0x0], $0xffff  }
0x18e: {  	v49 =	vld.idx.msk [tilespmem:v48+s26+$0x0], $0xffff  }
0x18f: {  	v50 =	vld [tilespmem:s10+$0xFFFFFFF0];
	v51 =	vbroadcast v6, $0x2  }
0x190: {  	v54 =	vld [tilespmem:s10+$0x10];
	v52 =	vmul.f32 v44, v9;
	v53 =	vbroadcast v6, $0x1  }
0x191: {  	v55 =	vld [tilespmem:s10+$0xFFFFFFD0];
	v6 =	vbroadcast v6, $0x0;
	v56 =	vmul.f32 v51, v11  }
0x192: {  	v8 =	vmul.f32 v8, v9;
	v57 =	vmul.f32 v53, v11  }
0x193: {  	v9 =	vmul.f32 v10, v9;
	v58 =	vmul.f32 v6, v11;
	v59 =	vadd.f32 v52, v56  }
0x194: {  	v13 =	vmul.f32 v50, v7;
	v60 =	vmul.f32 v53, v49;
	v8 =	vadd.f32 v8, v57  }
0x195: {  	v61 =	vmul.f32 v54, v7;
	v14 =	vmul.f32 v51, v49;
	v9 =	vadd.f32 v9, v58;
	[tilespmem:s10+$0x20] =	vst v59  }
0x196: {  	v7 =	vmul.f32 v55, v7;
	v6 =	vmul.f32 v6, v49;
	v62 =	vadd.f32 v13, v60;
	[tilespmem:s10+$0x0] =	vst v8  }
0x197: {  	v63 =	vadd.f32 v61, v14;
	[tilespmem:s10+$0xFFFFFFE0] =	vst v9  }
0x198: {  	v6 =	vadd.f32 v6, v7;
	[tilespmem:s10+$0xFFFFFFF0] =	vst v62  }
0x199: {  	[tilespmem:s10+$0x10] =	vst v63  }
.Ltmp7:
0x19a: {  	[tilespmem:s10+$0xFFFFFFD0] =	vst v6;
	(pc) =	sbr.rel @p0 .LBB2_15-.Ltmp7, $4  }
0x19b: {  	[spmem:s1] =	stream.indirect.scatter.add.f32 [tilespmem:s22], [sflag:$0x3], $0x80, s23, s21, $0xb8;
	[tilespmem:$0x1EE00] =	vst v63  }
0x19c: {  	_ =	swait.ge [sflag:s0], $0x4000  }
0x19d: {  	[sflag:s0] =	ssyncset.done $0x0  }
0x19e: {  	s13 =	rddreg [dreg:$0xb];
	[sflag:s0] =	ssyncadd.s32 $0xFFFFC000  }
0x19f: {  	s3 =	simm.s32 $0x0;
	s10 =	rddreg [dreg:$0x6]  }
0x1a0: {  	[tilespmem:s3], [sflag:$0x5] =	stream.linear.gather [hbm4b:s10+s3], $0x80, $0x38;
	[tilespmem:$0x1EE00] =	vst v63  }
0x1a1: {  	_ =	swait.ge [sflag:s20], $0x80  }
0x1a2: {  	[sflag:s20] =	ssyncset.done $0x0  }
0x1a3: {  	s15 =	rddreg [dreg:$0x7];
	[sflag:s20] =	ssyncadd.s32 $0xFFFFFF80  }
0x1a4: {  	[tilespmem:s23], [sflag:$0x5] =	stream.linear.gather [hbm4b:s15+s3], $0x80, $0x38;
	[tilespmem:$0x1EE00] =	vst v63  }
0x1a5: {  	_ =	swait.ge [sflag:s20], $0x80  }
0x1a6: {  	[sflag:s20] =	ssyncset.done $0x0  }
0x1a7: {  	s17 =	rddreg [dreg:$0x8];
	[sflag:s20] =	ssyncadd.s32 $0xFFFFFF80  }
0x1a8: {  	[tilespmem:s26], [sflag:$0x5] =	stream.strided.gather [hbm4b:s17+s24], $0x2400, s25, s24, $0x38;
	[tilespmem:$0x1EE00] =	vst v63  }
0x1a9: {  	_ =	swait.ge [sflag:s20], $0x2400  }
0x1aa: {  	v6 =	vmov s3;
	[sflag:s20] =	ssyncset.done $0x0  }
0x1ab: {  	v6 =	vand.u32 $0x7F, v6;
	[sflag:s20] =	ssyncadd.s32 $0xFFFFDC00  }
0x1ac: {  	v9 =	vbroadcast v6, $0x0;
	[tilespmem:s22], [sflag:$0x1] =	stream.indirect.gather [hbm4b:s4+s21], $0x80, s3, s21, $0xb8;
	[tilespmem:$0x1EE00] =	vst v63  }
0x1ad: {  	_ =	swait.ge [sflag:s28], $0x4000  }
0x1ae: {  	v13 =	vor.u32 v2, v9;
	[sflag:s28] =	ssyncset.done $0x0  }
0x1af: {  	s10 =	simm.s32 $0x2630;
	[sflag:s28] =	ssyncadd.s32 $0xFFFFC000  }
0x1b0: {  	v8 =	vor.u32 v5, v9;
	v10 =	vld [tilespmem:s10+$0x20]  }
0x1b1: {  	s18 =	simm.s32 $0x1;
	v6 =	vor.u32 v0, v9;
	v7 =	vor.u32 v3, v9;
	v9 =	vor.u32 v4, v9;
	v11 =	vld [tilespmem:s10+$0xFFFFFFE0]  }
0x1b2: {  	v14 =	vmov s18;
	v12 =	vld [tilespmem:s10+$0x0]  }
0x1b3: {  	s12 =	simm.s32 $0x2;
	v14 =	vand.u32 $0x7F, v14;
	s3 =	simm.s32 $0x2630;
	v13 =	vld.idx.msk [tilespmem:v13+s26+$0x0], $0xffff  }
.LBB2_13:
0x1b4: {  	p1 =	sne.s32 s12, $0x7F  }
0x1b5: {  	v14 =	vbroadcast v14, $0x0;
	v15 =	vld.idx.msk [tilespmem:v8+s26+$0x0], $0xffff;
	s10 =	sadd.s32 $0x80, s10;
	s13 =	smov.u32 s12;
	s12 =	sadd.s32 $0x1, s12  }
0x1b6: {  	v16 =	vld.idx.msk [tilespmem:v9+s26+$0x0], $0xffff  }
0x1b7: {  	v8 =	vor.u32 v5, v14;
	v17 =	vld.idx.msk [tilespmem:v6+s26+$0x0], $0xffff;
	v6 =	vor.u32 v0, v14  }
0x1b8: {  	v9 =	vor.u32 v4, v14;
	v18 =	vld.idx.msk [tilespmem:v7+s26+$0x0], $0xffff;
	v7 =	vor.u32 v3, v14;
	_ =	sdelay $0x1  }
0x1b9: {  	v11 =	vmul.f32 v11, v13;
	v10 =	vmul.f32 v10, v13;
	v19 =	vld [tilespmem:s3+$0xFFFFFFF0]  }
0x1ba: {  	v21 =	vbroadcast v15, $0x0;
	v22 =	vbroadcast v15, $0x2;
	v20 =	vld [tilespmem:s3+$0xFFFFFFD0]  }
0x1bb: {  	v12 =	vmul.f32 v12, v13;
	v15 =	vbroadcast v15, $0x1;
	v13 =	vld [tilespmem:s3+$0x10]  }
0x1bc: {  	v23 =	vmul.f32 v21, v16;
	v24 =	vmul.f32 v22, v16  }
0x1bd: {  	v25 =	vmul.f32 v15, v18;
	v15 =	vmul.f32 v15, v16  }
0x1be: {  	v11 =	vadd.f32 v11, v23;
	v10 =	vadd.f32 v10, v24;
	v16 =	vmul.f32 v19, v17  }
0x1bf: {  	v12 =	vadd.f32 v12, v15;
	v19 =	vmul.f32 v20, v17;
	v20 =	vmul.f32 v21, v18  }
0x1c0: {  	v15 =	vadd.f32 v16, v25;
	v13 =	vmul.f32 v13, v17;
	v16 =	vmul.f32 v22, v18;
	[tilespmem:s3+$0x20] =	vst v10  }
0x1c1: {  	v17 =	vor.u32 v2, v14;
	v14 =	vadd.f32 v20, v19;
	[tilespmem:s3+$0x0] =	vst v12  }
.Ltmp8:
0x1c2: {  	v10 =	vld [tilespmem:s10+$0x20];
	[tilespmem:s3+$0xFFFFFFE0] =	vst v11;
	v12 =	vadd.f32 v13, v16;
	(pc) =	sbr.rel @p1 .LBB2_13-.Ltmp8, $4  }
0x1c3: {  	[tilespmem:s3+$0xFFFFFFF0] =	vst v15  }
0x1c4: {  	v11 =	vld [tilespmem:s10+$0xFFFFFFE0];
	[tilespmem:s3+$0x10] =	vst v12  }
0x1c5: {  	v13 =	vmov s13;
	v12 =	vld [tilespmem:s10+$0x0];
	[tilespmem:s3+$0xFFFFFFD0] =	vst v14;
	s3 =	smov.u32 s10  }
0x1c6: {  	v14 =	vand.u32 $0x7F, v13;
	v13 =	vld.idx.msk [tilespmem:v17+s26+$0x0], $0xffff  }
0x1c7: {  	_ =	sdelay $0x3  }
0x1c8: {  	v8 =	vld.idx.msk [tilespmem:v8+s26+$0x0], $0xffff;
	_ =	sdelay $0x1  }
0x1c9: {  	v9 =	vld.idx.msk [tilespmem:v9+s26+$0x0], $0xffff  }
0x1ca: {  	v6 =	vld.idx.msk [tilespmem:v6+s26+$0x0], $0xffff  }
0x1cb: {  	v7 =	vld.idx.msk [tilespmem:v7+s26+$0x0], $0xffff  }
0x1cc: {  	v15 =	vld [tilespmem:s3+$0xFFFFFFF0];
	v14 =	vbroadcast v14, $0x0;
	v16 =	vbroadcast v8, $0x2  }
0x1cd: {  	v18 =	vld [tilespmem:s3+$0x10];
	v10 =	vmul.f32 v10, v13;
	v17 =	vbroadcast v8, $0x1  }
0x1ce: {  	v39 =	vld [tilespmem:s3+$0xFFFFFFD0];
	v8 =	vbroadcast v8, $0x0;
	v19 =	vmul.f32 v16, v9  }
0x1cf: {  	v43 =	vor.u32 v5, v14;
	v12 =	vmul.f32 v12, v13;
	v20 =	vmul.f32 v17, v9  }
0x1d0: {  	v11 =	vmul.f32 v11, v13;
	v9 =	vmul.f32 v8, v9;
	v10 =	vadd.f32 v10, v19  }
0x1d1: {  	v15 =	vmul.f32 v15, v6;
	v17 =	vmul.f32 v17, v7;
	v12 =	vadd.f32 v12, v20  }
0x1d2: {  	v41 =	vmul.f32 v18, v6;
	v42 =	vmul.f32 v16, v7;
	v9 =	vadd.f32 v11, v9;
	[tilespmem:s3+$0x20] =	vst v10  }
0x1d3: {  	v6 =	vmul.f32 v39, v6;
	v7 =	vmul.f32 v8, v7;
	v40 =	vadd.f32 v15, v17;
	[tilespmem:s3+$0x0] =	vst v12  }
0x1d4: {  	s10 =	sadd.s32 $0x80, s10;
	v46 =	vor.u32 v2, v14;
	v45 =	vadd.f32 v41, v42;
	[tilespmem:s3+$0xFFFFFFE0] =	vst v9  }
0x1d5: {  	v47 =	vor.u32 v4, v14;
	v6 =	vadd.f32 v7, v6;
	v44 =	vld [tilespmem:s10+$0x20];
	[tilespmem:s3+$0xFFFFFFF0] =	vst v40  }
0x1d6: {  	v7 =	vor.u32 v0, v14;
	v10 =	vld [tilespmem:s10+$0xFFFFFFE0];
	[tilespmem:s3+$0x10] =	vst v45  }
0x1d7: {  	v48 =	vor.u32 v3, v14;
	v8 =	vld [tilespmem:s10+$0x0];
	[tilespmem:s3+$0xFFFFFFD0] =	vst v6  }
0x1d8: {  	v6 =	vld.idx.msk [tilespmem:v43+s26+$0x0], $0xffff  }
0x1d9: {  	v9 =	vld.idx.msk [tilespmem:v46+s26+$0x0], $0xffff  }
0x1da: {  	v11 =	vld.idx.msk [tilespmem:v47+s26+$0x0], $0xffff  }
0x1db: {  	v7 =	vld.idx.msk [tilespmem:v7+s26+$0x0], $0xffff  }
0x1dc: {  	v49 =	vld.idx.msk [tilespmem:v48+s26+$0x0], $0xffff  }
0x1dd: {  	v50 =	vld [tilespmem:s10+$0xFFFFFFF0];
	v51 =	vbroadcast v6, $0x2  }
0x1de: {  	v54 =	vld [tilespmem:s10+$0x10];
	v52 =	vmul.f32 v44, v9;
	v53 =	vbroadcast v6, $0x1  }
0x1df: {  	v55 =	vld [tilespmem:s10+$0xFFFFFFD0];
	v6 =	vbroadcast v6, $0x0;
	v56 =	vmul.f32 v51, v11  }
0x1e0: {  	v8 =	vmul.f32 v8, v9;
	v57 =	vmul.f32 v53, v11  }
0x1e1: {  	v9 =	vmul.f32 v10, v9;
	v58 =	vmul.f32 v6, v11;
	v59 =	vadd.f32 v52, v56  }
0x1e2: {  	v13 =	vmul.f32 v50, v7;
	v60 =	vmul.f32 v53, v49;
	v8 =	vadd.f32 v8, v57  }
0x1e3: {  	v61 =	vmul.f32 v54, v7;
	v14 =	vmul.f32 v51, v49;
	v9 =	vadd.f32 v9, v58;
	[tilespmem:s10+$0x20] =	vst v59  }
0x1e4: {  	v7 =	vmul.f32 v55, v7;
	v6 =	vmul.f32 v6, v49;
	v62 =	vadd.f32 v13, v60;
	[tilespmem:s10+$0x0] =	vst v8  }
0x1e5: {  	v63 =	vadd.f32 v61, v14;
	[tilespmem:s10+$0xFFFFFFE0] =	vst v9  }
0x1e6: {  	v6 =	vadd.f32 v6, v7;
	[tilespmem:s10+$0xFFFFFFF0] =	vst v62  }
0x1e7: {  	[tilespmem:s10+$0x10] =	vst v63  }
.Ltmp9:
0x1e8: {  	[tilespmem:s10+$0xFFFFFFD0] =	vst v6;
	(pc) =	sbr.rel .LBB2_15-.Ltmp9, $4  }
0x1e9: {  	[spmem:s1] =	stream.indirect.scatter.add.f32 [tilespmem:s22], [sflag:$0x5], $0x80, s23, s21, $0xb8;
	[tilespmem:$0x1EE00] =	vst v63  }
0x1ea: {  	_ =	swait.ge [sflag:s20], $0x4000  }
0x1eb: {  	[sflag:s20] =	ssyncset.done $0x0  }
0x1ec: {  	s13 =	rddreg [dreg:$0xb];
	[sflag:s20] =	ssyncadd.s32 $0xFFFFC000  }
.LBB2_16:
0x1ed: {  	_ =	sfence.sel $0x180000  }
0x1ee: {  	[bflag:$0x0] =	sbarrier.arrive $0xFFFF  }
0x1ef: {  	_ =	strace $0x9000004D  }
0x1f0: {  	s0 =	stileid.u32;
	[bflag:$0x2] =	sbarrier.arrive $0xFFFF  }
0x1f1: {  	p0 =	sne.s32 s0, $0x0;
	s0 =	rddreg [dreg:$0x2]  }
0x1f2: {  	s0 =	sadd.s32 @!p0 $0x100000, s0  }
0x1f3: {  	[sflag:s0] =	ssyncadd.tile.s32 @!p0 $0x1;
	_ =	shalt  }
.Lfunc_end2:
_tile_overlayer_lowered:
.L_overlay_start_2:
0x1f4: {  	(tag) =	ssettag $0x2  }
0x1f5: {  	s0 =	rddreg [dreg:$0x0];
	s2 =	stileid.u32  }
0x1f6: {  	s1 =	rddreg [dreg:$0x1];
	p0 =	sne.s32 s2, $0x0  }
0x1f7: {  	s3 =	rddreg [dreg:$0x2];
	[bflag:$0x3] =	sbarrier.arrive $0xFFFF;
	s2 =	simm.s32 @!p0 $0x1C05  }
0x1f8: {  	[timem:s3], [sflag:s2] =	dma.local @!p0 [hbm:s0], s1  }
0x1f9: {  	s0 =	simm.s32 @!p0 $0x5  }
0x1fa: {  	_ =	swait.ge @!p0 [sflag:s0], s1  }
0x1fb: {  	s1 =	ssub.s32 @!p0 $0x0, s1;
	[sflag:s0] =	ssyncset.done @!p0 $0x0  }
0x1fc: {  	[sflag:s0] =	ssyncadd.s32 @!p0 s1  }
0x1fd: {  	[bflag:$0x3] =	sbarrier.arrive $0xFFFF  }
0x1fe: {  	_ =	shalt  }

// kernel: kernel.9.cloned.1.call-start
scs
__scs_entry_jumppad:
0x0: {  	(pc) =	sbr.rel $0x88, $3  }
0x1: {  	(tag) =	ssettag $0x0;
	lr =	simm.s32 $0x1  }
0x2: {  	[smem:$0x3F98] =	sst lr;
	_ =	strace $0xD0000000  }
0x3: {  	_ = 	snop  }
0x4: {  	_ = 	snop  }
0x5: {  	_ = 	snop  }
0x6: {  	_ = 	snop  }
0x7: {  	_ = 	snop  }
__scs_overlays_trampoline_lowered:
0x8: {  	[smem:$0x3FA7] =	sst s0  }
0x9: {  	[smem:$0x3FA8] =	sst s1  }
0xa: {  	[smem:$0x3FA9] =	sst s2  }
0xb: {  	[smem:$0x3FAA] =	sst s3  }
0xc: {  	[smem:$0x3FAB] =	sst s4  }
0xd: {  	[smem:$0x3FAC] =	sst s5  }
0xe: {  	[smem:$0x3FAD] =	sst s6  }
0xf: {  	[smem:$0x3FAE] =	sst s7  }
0x10: {  	[smem:$0x3FAF] =	sst s8  }
0x11: {  	[smem:$0x3FB0] =	sst s9;
	s0 =	simm.s32 @!p0 $0x0  }
0x12: {  	s1 =	sld [smem:$0x3F96];
	s0 =	simm.s32 @p0 $0x1  }
0x13: {  	[smem:$0x3FB1] =	sst s0;
	s0 =	simm.s32 @!p1 $0x0  }
0x14: {  	s2 =	sld [smem:$0x3F95];
	s0 =	simm.s32 @p1 $0x1  }
0x15: {  	[smem:$0x3FB2] =	sst s0;
	s0 =	simm.s32 @!p2 $0x0  }
0x16: {  	s3 =	sld [smem:$0x3FDB];
	s0 =	simm.s32 @p2 $0x1  }
0x17: {  	s4 =	simm.s32 $0x1BF5;
	[smem:$0x3FB4] =	sst s0  }
0x18: {  	s0 =	sld [smem:$0x3F97];
	_ =	swait.ge [sflag:s4], $0x0  }
0x19: {  	s7 =	sld [smem:$0x3F98]  }
0x1a: {  	s8 =	sadd.s32 $0xFFFFE003, lr  }
0x1b: {  	s9 =	sadd.s32 $0xFFFFFEF7, lr;
	s5 =	simm.s32 $0xFFFFFFFF;
	p2 =	slt.u32 s8, $0xFFFFF086  }
0x1c: {  	p1 =	slt.u32 s9, $0xF7A;
	s5 =	simm.s32 @!p2 $0x0  }
0x1d: {  	s5 =	simm.s32 @p1 $0x1;
	p0 =	seq.s32 s7, s2  }
0x1e: {  	s7 =	smul.u32 @!p0 $0xF7A, s2;
	p2 =	seq.s32 @!p0 s5, $0x0  }
0x1f: {  	s9 =	smul.u32 $0xF7A, s1;
	s8 =	simm.s32 @!p0 $0x1BF5;
	p2 =	por !p2, p0  }
0x20: {  	[sflag:s8] =	ssyncset.s32 @!p0 $0xFFFFF086;
	s6 =	sadd.s32 @!p0 s3, s7;
	s7 =	simm.s32 @!p0 $0x108  }
0x21: {  	s3 =	sadd.s32 s3, s9;
	s6 =	sadd.s32 @!p0 $0x88, s6;
	s7 =	simm.s32 @p2 $0x1082  }
0x22: {  	[simem:s7], [sflag:s8] =	dma.local @!p0 [hbm:s6], $0xF7A  }
0x23: {  	s9 =	sor.u32 $0xD0000000, s2;
	s6 =	simm.s32 $0x108;
	_ =	swait.ge @!p0 [sflag:s8], $0x0  }
0x24: {  	s3 =	sadd.s32 $0x88, s3;
	s6 =	simm.s32 @!p1 $0x1082;
	[sflag:s4] =	ssyncset.s32 $0xFFFFF086  }
0x25: {  	[simem:s6], [sflag:s4] =	dma.local [hbm:s3], $0xF7A  }
0x26: {  	[smem:$0x3F98] =	sst s1;
	(tag) =	ssettag s2;
	_ =	strace s9  }
0x27: {  	s1 =	sld [smem:$0x3FA8]  }
0x28: {  	s2 =	sld [smem:$0x3FA9]  }
0x29: {  	s4 =	sld [smem:$0x3FAB]  }
0x2a: {  	p0 =	seq.s32 s5, $0x0;
	s5 =	sld [smem:$0x3FAC]  }
0x2b: {  	s6 =	sld [smem:$0x3FAD]  }
0x2c: {  	s7 =	sld [smem:$0x3FAE]  }
0x2d: {  	s3 =	simm.s32 $0x108;
	s8 =	sld [smem:$0x3FAF]  }
0x2e: {  	s3 =	simm.s32 @!p0 $0x1082;
	s9 =	sld [smem:$0x3FB0]  }
0x2f: {  	lr =	sadd.s32 s0, s3;
	s0 =	sld [smem:$0x3FA7]  }
0x30: {  	s3 =	sld [smem:$0x3FAA]  }
0x31: {  	[smem:$0x3FB3] =	sst s10  }
0x32: {  	s10 =	sld [smem:$0x3FB1];
	_ =	sdelay $0x3  }
0x33: {  	p0 =	seq.s32 s10, $0x1;
	s10 =	sld [smem:$0x3FB3];
	_ =	sdelay $0x3  }
0x34: {  	[smem:$0x3FB3] =	sst s10  }
0x35: {  	s10 =	sld [smem:$0x3FB2];
	_ =	sdelay $0x3  }
0x36: {  	p1 =	seq.s32 s10, $0x1;
	s10 =	sld [smem:$0x3FB3];
	_ =	sdelay $0x3  }
0x37: {  	[smem:$0x3FB3] =	sst s10  }
0x38: {  	s10 =	sld [smem:$0x3FB4]  }
0x39: {  	_ = 	snop;
	(pc) =	sbr.ind lr, $3  }
0x3a: {  	_ = 	snop  }
0x3b: {  	_ = 	snop  }
0x3c: {  	p2 =	seq.s32 s10, $0x1;
	s10 =	sld [smem:$0x3FB3]  }
0x3d: {  	_ =	shalt  }
0x3e: {  	_ =	shalt  }
0x3f: {  	_ =	shalt  }
0x40: {  	_ =	shalt  }
0x41: {  	_ =	shalt  }
0x42: {  	_ =	shalt  }
0x43: {  	_ =	shalt  }
0x44: {  	_ =	shalt  }
0x45: {  	_ =	shalt  }
0x46: {  	_ =	shalt  }
0x47: {  	_ =	shalt  }
0x48: {  	_ =	shalt  }
0x49: {  	_ =	shalt  }
0x4a: {  	_ =	shalt  }
0x4b: {  	_ =	shalt  }
0x4c: {  	_ =	shalt  }
0x4d: {  	_ =	shalt  }
0x4e: {  	_ =	shalt  }
0x4f: {  	_ =	shalt  }
0x50: {  	_ =	shalt  }
0x51: {  	_ =	shalt  }
0x52: {  	_ =	shalt  }
0x53: {  	_ =	shalt  }
0x54: {  	_ =	shalt  }
0x55: {  	_ =	shalt  }
0x56: {  	_ =	shalt  }
0x57: {  	_ =	shalt  }
0x58: {  	_ =	shalt  }
0x59: {  	_ =	shalt  }
0x5a: {  	_ =	shalt  }
0x5b: {  	_ =	shalt  }
0x5c: {  	_ =	shalt  }
0x5d: {  	_ =	shalt  }
0x5e: {  	_ =	shalt  }
0x5f: {  	_ =	shalt  }
0x60: {  	_ =	shalt  }
0x61: {  	_ =	shalt  }
0x62: {  	_ =	shalt  }
0x63: {  	_ =	shalt  }
0x64: {  	_ =	shalt  }
0x65: {  	_ =	shalt  }
0x66: {  	_ =	shalt  }
0x67: {  	_ =	shalt  }
0x68: {  	_ =	shalt  }
0x69: {  	_ =	shalt  }
0x6a: {  	_ =	shalt  }
0x6b: {  	_ =	shalt  }
0x6c: {  	_ =	shalt  }
0x6d: {  	_ =	shalt  }
0x6e: {  	_ =	shalt  }
0x6f: {  	_ =	shalt  }
0x70: {  	_ =	shalt  }
0x71: {  	_ =	shalt  }
0x72: {  	_ =	shalt  }
0x73: {  	_ =	shalt  }
0x74: {  	_ =	shalt  }
0x75: {  	_ =	shalt  }
0x76: {  	_ =	shalt  }
0x77: {  	_ =	shalt  }
0x78: {  	_ =	shalt  }
0x79: {  	_ =	shalt  }
0x7a: {  	_ =	shalt  }
0x7b: {  	_ =	shalt  }
0x7c: {  	_ =	shalt  }
0x7d: {  	_ =	shalt  }
0x7e: {  	_ =	shalt  }
0x7f: {  	_ =	shalt  }
0x80: {  	_ =	shalt  }
0x81: {  	_ =	shalt  }
0x82: {  	_ =	shalt  }
0x83: {  	_ =	shalt  }
0x84: {  	_ =	shalt  }
0x85: {  	_ =	shalt  }
0x86: {  	_ =	shalt  }
0x87: {  	_ =	shalt  }
.Lfunc_end0:
.L_simem_size_0:
called_computation_lowered:
.L_overlay_start_0:
0x88: {  	s2 =	sld [smem:$0x3FD9]  }
0x89: {  	s3 =	sld [smem:$0x3FFE];
	_ =	sdelay $0x1  }
0x8a: {  	s1 =	srdreg.scid  }
0x8b: {  	s0 =	sand.u32 $0x1, s1  }
0x8c: {  	s17 =	sshll.u32 s0, $0xA;
	s2 =	sadd.s32 s3, s2  }
0x8d: {  	s2 =	sadd.s32 s2, s17  }
0x8e: {  	[smem:$0x3FBF] =	sst s2  }
0x8f: {  	_ = 	snop  }
0x90: {  	s2 =	sld [smem:$0x3FD0];
	(tm) =	ssettm $0x1  }
0x91: {  	s18 =	sld [smem:$0x3FFB];
	_ =	sdelay $0x3  }
0x92: {  	_ =	strace s18  }
0x93: {  	s3 =	sld [smem:$0x3FFC];
	_ =	sdelay $0x3  }
0x94: {  	_ =	strace s3  }
0x95: {  	s3 =	sld [smem:$0x3FFD];
	_ =	sdelay $0x3  }
0x96: {  	_ =	strace s3  }
0x97: {  	_ =	strace $0x8FFFFFFF  }
0x98: {  	s19 =	sld [smem:$0x3FDB];
	_ =	sdelay $0x1  }
0x99: {  	s4 =	simm.s32 $_scs_section_size  }
0x9a: {  	s5 =	simm.s32 $_size__tile_overlayer_lowered;
	s6 =	simm.s32 $_tile_overlayer_lowered  }
0x9b: {  	s22 =	simm.s32 $0x1BFF;
	s21 =	sshll.u32 s6, $0x1;
	s3 =	sadd.s32 s4, s19  }
0x9c: {  	s7 =	simm.s32 $0x0;
	s20 =	sshll.u32 s5, $0x1;
	s5 =	sadd.s32 s21, s3  }
0x9d: {  	[timem:s7], [sflag:s22] =	dma.local [hbm:s5], s20  }
0x9e: {  	_ =	swait.ge [sflag:s22], s20  }
0x9f: {  	s4 =	ssub.s32 $0x0, s20;
	[sflag:s22] =	ssyncset.done $0x0  }
0xa0: {  	[sflag:s22] =	ssyncadd.s32 s4;
	_ =	sdelay $0x1  }
0xa1: {  	s23 =	simm.s32 $0x1B8B  }
0xa2: {  	_ =	swait.ge [sflag:s23], $0x1  }
0xa3: {  	[sflag:s23] =	ssyncset.done $0x0  }
0xa4: {  	s25 =	simm.s32 $0x1B8E;
	s24 =	sld [smem:$0x3FFE];
	[sflag:s23] =	ssyncadd.s32 $0xFFFFFFFF  }
0xa5: {  	s26 =	simm.s32 $execute0_lowered;
	[smem:$0x3FD2] =	sst s25  }
0xa6: {  	s5 =	sshll.u32 s26, $0x1;
	_ =	strace $0x80000046;
	[dreg:$0x1] =	wrdreg $0xFFFFFFFF  }
0xa7: {  	s28 =	simm.s32 $_size_execute0_lowered;
	s3 =	sadd.s32 s3, s5;
	[dreg:$0x0] =	wrdreg $0x0  }
0xa8: {  	s5 =	sshll.u32 s28, $0x1;
	[dreg:$0x2] =	wrdreg s3  }
0xa9: {  	[dreg:$0x3] =	wrdreg s5  }
0xaa: {  	[dreg:$0x4] =	wrdreg $0xC0  }
0xab: {  	_ =	task [dreg:s7], $0x5FFFF  }
0xac: {  	[dreg:$0x1] =	wrdreg $0xFFFFFFFF  }
0xad: {  	[dreg:$0x0] =	wrdreg $0x60  }
0xae: {  	[dreg:$0x2] =	wrdreg s2  }
0xaf: {  	[dreg:$0x3] =	wrdreg s24  }
0xb0: {  	[dreg:$0x4] =	wrdreg $0x9  }
0xb1: {  	_ =	task.clear_ibuf [dreg:s7], $0x5FFFF;
	_ =	strace $0x90000046  }
0xb2: {  	s29 =	simm.s32 $0x9;
	_ =	strace $0x80000048  }
0xb3: {  	_ =	swait.ge [sflag:s29], $0x1  }
0xb4: {  	[sflag:s29] =	ssyncadd.s32 $0xFFFFFFFF  }
0xb5: {  	_ =	strace $0x90000048  }
0xb6: {  	_ =	sfence  }
0xb7: {  	s30 =	sld [smem:$0x0];
	_ =	sdelay $0x2  }
0xb8: {  	s31 =	sshll.u32 s1, $0xD;
	s1 =	sshrl.u32 s1, $0x2  }
0xb9: {  	s3 =	sand.u32 $0x4000, s31;
	s1 =	sadd.s32 s1, s30  }
0xba: {  	s0 =	sor.u32 s3, s0;
	s1 =	sshll.u32 s1, $0x11  }
0xbb: {  	s0 =	sor.u32 s1, s0  }
0xbc: {  	s0 =	sadd.s32 $0x8F2B, s0  }
0xbd: {  	[sflag:s0] =	ssyncadd.remote.s32 $0x1  }
0xbe: {  	_ =	sfence.sel $0xFFFF  }
0xbf: {  	[dreg:$0x0] =	wrdreg $0xFFFFFFFF;
	(pc) =	sbr.abs _section_cstart, $3  }
0xc0: {  	[dreg:$0x1] =	wrdreg $0xFFFFFFFF  }
0xc1: {  	_ =	task.clear_ibuf [dreg:s7], $0x2FFFF;
	_ =	strace $0x9FFFFFFF  }
0xc2: {  	(tm) =	ssettm $0x7FFFFFFF  }
0xc3: {  	_ =	shalt  }
tec
execute0_lowered:
.L_overlay_start_1:
0x0: {  	(tag) =	ssettag $0x1  }
0x1: {  	s2 =	rddreg [dreg:$0x0]  }
0x2: {  	s0 =	srdreg.scid;
	s5 =	rddreg [dreg:$0x1]  }
0x3: {  	s3 =	simm.s32 $0x0;
	s10 =	simm.s32 $0x1;
	s4 =	sand.u32 $0x1, s0  }
0x4: {  	s11 =	simm.s32 $0x7580;
	s0 =	stileid.u32;
	s1 =	sshll.u32 s4, $0x4  }
0x5: {  	s12 =	simm.s32 $0x8980;
	s13 =	simm.s32 $0x9D80;
	s1 =	sor.u32 s0, s1  }
0x6: {  	s14 =	simm.s32 $0xB180;
	s15 =	simm.s32 $0xC580;
	s6 =	smul.u32 $0x1388, s1  }
0x7: {  	s16 =	simm.s32 $0x0;
	[smem:$0x7FF] =	sst s3;
	s4 =	ssub.s32 $0x2, s4  }
0x8: {  	s31 =	sshrl.u32 s4, $0x1;
	s1 =	rddreg [dreg:$0x2];
	s6 =	sshrl.u32 s6, $0x3  }
0x9: {  	_ =	strace $0x80000047;
	s9 =	ssub.s32 s4, s31;
	s8 =	sadd.s32 s6, s5  }
0xa: {  	s9 =	smax.u32 s9, $0x1;
	s4 =	sadd.s32 $0x7800, s8;
	s5 =	sadd.s32 $0x2800, s8  }
0xb: {  	s6 =	sadd.s32 $0xC800, s8;
	s7 =	sadd.s32 $0x11680, s8;
	s8 =	sadd.s32 $0x16500, s8  }
.LBB2_1:
0xc: {  	[tilespmem:s3], [sflag:$0x1] =	stream.linear.gather [hbm4b:s2+s3], $0x7580, $0x38;
	[tilespmem:$0xD980] =	vst v63  }
0xd: {  	_ =	swait.ge [sflag:s10], $0x7580  }
0xe: {  	[sflag:s10] =	ssyncset.done $0x0  }
0xf: {  	[sflag:s10] =	ssyncadd.s32 $0xFFFF8A80  }
0x10: {  	[tilespmem:s11], [sflag:$0x1] =	stream.linear.gather [hbm4b:s4+s3], $0x1388, $0x38;
	[tilespmem:$0xD980] =	vst v63  }
0x11: {  	_ =	swait.ge [sflag:s10], $0x1388  }
0x12: {  	[sflag:s10] =	ssyncset.done $0x0  }
0x13: {  	[sflag:s10] =	ssyncadd.s32 $0xFFFFEC78  }
0x14: {  	[tilespmem:s12], [sflag:$0x1] =	stream.linear.gather [hbm4b:s5+s3], $0x1388, $0x38;
	[tilespmem:$0xD980] =	vst v63  }
0x15: {  	_ =	swait.ge [sflag:s10], $0x1388  }
0x16: {  	[sflag:s10] =	ssyncset.done $0x0  }
0x17: {  	s18 =	simm.s32 $0x0;
	[sflag:s10] =	ssyncadd.s32 $0xFFFFEC78  }
0x18: {  	v1 =	vld [tilespmem:s18+$0x7580];
	_ =	sdelay $0x3  }
0x19: {  	v0 =	vld [tilespmem:s18+$0x8980]  }
0x1a: {  	v1 =	vmul.u32 $0x3, v1;
	_ =	sdelay $0x1  }
0x1b: {  	v4 =	vadd.s32 $0x2, v1;
	_ =	sdelay $0x1  }
0x1c: {  	v3 =	vmul.u32 $0x3, v0  }
0x1d: {  	s17 =	simm.s32 $0x10  }
0x1e: {  	v2 =	vld [tilespmem:s17+$0x8980];
	v8 =	vadd.s32 $0x1, v1  }
0x1f: {  	v5 =	vld.idx.msk [tilespmem:v4+s3+$0x0], $0xffff;
	v4 =	vadd.s32 $0x2, v3  }
0x20: {  	v7 =	vld.idx.msk [tilespmem:v1+s3+$0x0], $0xffff;
	v1 =	vadd.s32 $0x1, v3  }
0x21: {  	v0 =	vld [tilespmem:s17+$0x7580]  }
0x22: {  	v6 =	vld.idx.msk [tilespmem:v3+s3+$0x0], $0xffff  }
0x23: {  	s19 =	simm.s32 $0x80;
	v3 =	vld.idx.msk [tilespmem:v8+s3+$0x0], $0xffff  }
.LBB2_2:
0x24: {  	p0 =	sne.s32 s19, $0x4DC0;
	v8 =	vld.idx.msk [tilespmem:v4+s3+$0x0], $0xffff;
	s20 =	smov.u32 s19;
	s19 =	sadd.s32 $0x40, s19  }
0x25: {  	v9 =	vld.idx.msk [tilespmem:v1+s3+$0x0], $0xffff  }
0x26: {  	v10 =	vmul.u32 $0x3, v2  }
0x27: {  	v2 =	vsub.f32 v6, v7  }
0x28: {  	v1 =	vadd.s32 $0x1, v10;
	v4 =	vadd.s32 $0x2, v10  }
0x29: {  	v7 =	vmul.u32 $0x3, v0;
	[tilespmem:s18+$0x9D80] =	vst v2  }
0x2a: {  	v0 =	vsub.f32 v8, v5  }
0x2b: {  	s20 =	sshra.s32 s20, $0x2;
	v8 =	vadd.s32 $0x1, v7;
	v5 =	vadd.s32 $0x2, v7;
	v3 =	vsub.f32 v9, v3  }
0x2c: {  	v2 =	vld [tilespmem:s20+$0x8980];
	[tilespmem:s18+$0xC580] =	vst v0  }
.Ltmp0:
0x2d: {  	v0 =	vld [tilespmem:s20+$0x7580];
	[tilespmem:s18+$0xB180] =	vst v3;
	s18 =	smov.u32 s17;
	s17 =	smov.u32 s20;
	(pc) =	sbr.rel @p0 .LBB2_2-.Ltmp0, $4  }
0x2e: {  	v6 =	vld.idx.msk [tilespmem:v10+s3+$0x0], $0xffff  }
0x2f: {  	v7 =	vld.idx.msk [tilespmem:v7+s3+$0x0], $0xffff  }
0x30: {  	v5 =	vld.idx.msk [tilespmem:v5+s3+$0x0], $0xffff  }
0x31: {  	v3 =	vld.idx.msk [tilespmem:v8+s3+$0x0], $0xffff  }
0x32: {  	_ =	sdelay $0x3  }
0x33: {  	v4 =	vld.idx.msk [tilespmem:v4+s3+$0x0], $0xffff  }
0x34: {  	v1 =	vld.idx.msk [tilespmem:v1+s3+$0x0], $0xffff;
	_ =	sdelay $0x1  }
0x35: {  	v2 =	vmul.u32 $0x3, v2  }
0x36: {  	v0 =	vmul.u32 $0x3, v0;
	v6 =	vsub.f32 v6, v7  }
0x37: {  	v4 =	vsub.f32 v4, v5  }
0x38: {  	v51 =	vadd.s32 $0x2, v0;
	[tilespmem:s18+$0x9D80] =	vst v6;
	v1 =	vsub.f32 v1, v3  }
0x39: {  	v52 =	vadd.s32 $0x1, v0;
	[tilespmem:s18+$0xC580] =	vst v4  }
0x3a: {  	v53 =	vadd.s32 $0x2, v2;
	[tilespmem:s18+$0xB180] =	vst v1  }
0x3b: {  	v54 =	vadd.s32 $0x1, v2;
	v2 =	vld.idx.msk [tilespmem:v2+s3+$0x0], $0xffff  }
0x3c: {  	v0 =	vld.idx.msk [tilespmem:v0+s3+$0x0], $0xffff  }
0x3d: {  	v5 =	vld.idx.msk [tilespmem:v51+s3+$0x0], $0xffff  }
0x3e: {  	v3 =	vld.idx.msk [tilespmem:v52+s3+$0x0], $0xffff  }
0x3f: {  	v4 =	vld.idx.msk [tilespmem:v53+s3+$0x0], $0xffff  }
0x40: {  	v1 =	vld.idx.msk [tilespmem:v54+s3+$0x0], $0xffff;
	_ =	sdelay $0x2  }
0x41: {  	v0 =	vsub.f32 v2, v0  }
0x42: {  	v55 =	vsub.f32 v4, v5  }
0x43: {  	v56 =	vsub.f32 v1, v3;
	[tilespmem:s17+$0x9D80] =	vst v0  }
0x44: {  	[tilespmem:s17+$0xC580] =	vst v55  }
0x45: {  	[tilespmem:s17+$0xB180] =	vst v56  }
0x46: {  	v0 =	vld [tilespmem:$0x88F8]  }
0x47: {  	v57 =	vld [tilespmem:$0x9CF8];
	_ =	sdelay $0x3  }
0x48: {  	v0 =	vmul.u32 $0x3, v0  }
0x49: {  	v1 =	vmul.u32 $0x3, v57;
	_ =	sdelay $0x1  }
0x4a: {  	v58 =	vadd.s32 $0x1, v0  }
0x4b: {  	v59 =	vadd.s32 $0x2, v0  }
0x4c: {  	v60 =	vadd.s32 $0x1, v1  }
0x4d: {  	v61 =	vadd.s32 $0x2, v1;
	v0 =	vld.idx.msk [tilespmem:v0+s3+$0x0], $0xffff  }
0x4e: {  	v1 =	vld.idx.msk [tilespmem:v1+s3+$0x0], $0xffff  }
0x4f: {  	v2 =	vld.idx.msk [tilespmem:v58+s3+$0x0], $0xffff  }
0x50: {  	v3 =	vld.idx.msk [tilespmem:v59+s3+$0x0], $0xffff  }
0x51: {  	v4 =	vld.idx.msk [tilespmem:v60+s3+$0x0], $0xffff  }
0x52: {  	v5 =	vld.idx.msk [tilespmem:v61+s3+$0x0], $0xffff;
	_ =	sdelay $0x2  }
0x53: {  	v0 =	vsub.f32 v1, v0  }
0x54: {  	v62 =	vsub.f32 v4, v2  }
0x55: {  	v63 =	vsub.f32 v5, v3;
	[tilespmem:$0xB0F8] =	vst v0  }
0x56: {  	[tilespmem:$0xC4F8] =	vst v62  }
0x57: {  	[tilespmem:$0xD8F8] =	vst v63  }
0x58: {  	[hbm4b:s6+s3] =	stream.linear.scatter [tilespmem:s13], [sflag:$0x1], $0x1388, $0x38;
	[tilespmem:$0xD980] =	vst v63  }
0x59: {  	_ =	swait.ge [sflag:s10], $0x1388  }
0x5a: {  	[sflag:s10] =	ssyncset.done $0x0  }
0x5b: {  	[sflag:s10] =	ssyncadd.s32 $0xFFFFEC78  }
0x5c: {  	[hbm4b:s7+s3] =	stream.linear.scatter [tilespmem:s14], [sflag:$0x1], $0x1388, $0x38;
	[tilespmem:$0xD980] =	vst v63  }
0x5d: {  	s16 =	sadd.s32 $0x1, s16;
	_ =	swait.ge [sflag:s10], $0x1388  }
0x5e: {  	p0 =	sne.s32 s16, s9;
	[sflag:s10] =	ssyncset.done $0x0  }
.Ltmp1:
0x5f: {  	[sflag:s10] =	ssyncadd.s32 $0xFFFFEC78;
	(pc) =	sbr.rel @p0 .LBB2_1-.Ltmp1, $4  }
0x60: {  	[hbm4b:s8+s3] =	stream.linear.scatter [tilespmem:s15], [sflag:$0x1], $0x1388, $0x38;
	[tilespmem:$0xD980] =	vst v63  }
0x61: {  	_ =	swait.ge [sflag:s10], $0x1388  }
0x62: {  	[sflag:s10] =	ssyncset.done $0x0  }
0x63: {  	[sflag:s10] =	ssyncadd.s32 $0xFFFFEC78  }
0x64: {  	_ =	sfence.sel $0x180000  }
0x65: {  	[bflag:$0x0] =	sbarrier.arrive $0xFFFF  }
0x66: {  	p0 =	sne.s32 s0, $0x0;
	_ =	strace $0x90000047  }
0x67: {  	s0 =	sadd.s32 @!p0 $0x100000, s1;
	[bflag:$0x2] =	sbarrier.arrive $0xFFFF  }
0x68: {  	[sflag:s0] =	ssyncadd.tile.s32 @!p0 $0x1;
	_ =	shalt  }
.Lfunc_end2:
_tile_overlayer_lowered:
.L_overlay_start_2:
0x69: {  	(tag) =	ssettag $0x2  }
0x6a: {  	s0 =	rddreg [dreg:$0x0];
	s2 =	stileid.u32  }
0x6b: {  	s1 =	rddreg [dreg:$0x1];
	p0 =	sne.s32 s2, $0x0  }
0x6c: {  	s3 =	rddreg [dreg:$0x2];
	[bflag:$0x3] =	sbarrier.arrive $0xFFFF;
	s2 =	simm.s32 @!p0 $0x1C01  }
0x6d: {  	[timem:s3], [sflag:s2] =	dma.local @!p0 [hbm:s0], s1  }
0x6e: {  	s0 =	simm.s32 @!p0 $0x1  }
0x6f: {  	_ =	swait.ge @!p0 [sflag:s0], s1  }
0x70: {  	s1 =	ssub.s32 @!p0 $0x0, s1;
	[sflag:s0] =	ssyncset.done @!p0 $0x0  }
0x71: {  	[sflag:s0] =	ssyncadd.s32 @!p0 s1  }
0x72: {  	[bflag:$0x3] =	sbarrier.arrive $0xFFFF  }
0x73: {  	_ =	shalt  }

</sc_bundles>
